<compile_context>
chip_gen: v7x
topology: tpu7x:2x2x1
jax: 0.10.2.dev20260603
libtpu: 0.0.44.dev20260713+nightly
codegen_flags: <defaults>
</compile_context>

<pallas_src>
import jax
import jax.numpy as jnp
from jax import lax
from jax.experimental import pallas as pl
from jax.experimental.pallas import tpu as pltpu
from jax.experimental.pallas import tpu_sc as plsc

N = 10000
D = 256
U = 256

NC = 2
NS = 16
NW = NC * NS
L = 16
NR = 64
NPW = 160
CH = 64
NEG_SLOPE = 0.01


def _tc_body(ns_ref, w_ref, a_ref, h_ref, pq_ref):
    h = jnp.dot(ns_ref[...], w_ref[...], preferred_element_type=jnp.float32)
    h_ref[...] = h
    pq_ref[...] = jnp.dot(h, a_ref[...], preferred_element_type=jnp.float32)


def _tc_transform(ns, w, apad):
    blk = 1000
    return pl.pallas_call(
        _tc_body,
        grid=(N // blk,),
        in_specs=[
            pl.BlockSpec((blk, D), lambda i: (i, 0)),
            pl.BlockSpec((D, U), lambda i: (0, 0)),
            pl.BlockSpec((U, 128), lambda i: (0, 0)),
        ],
        out_specs=[
            pl.BlockSpec((blk, U), lambda i: (i, 0)),
            pl.BlockSpec((blk, 128), lambda i: (i, 0)),
        ],
        out_shape=[
            jax.ShapeDtypeStruct((N, U), jnp.float32),
            jax.ShapeDtypeStruct((N, 128), jnp.float32),
        ],
    )(ns, w, apad)


def _sc_body(h_hbm, pa_hbm, qa_hbm, src_hbm, dst_hbm, ew_hbm, bnd_hbm,
             out_hbm,
             bnd_v, pa_v, qa_v,
             src_a, dst_a, ew_a, idxl_a, s_a, rows_a,
             src_b, dst_b, ew_b, idxl_b, s_b, rows_b,
             acc_v, accs_v, sem_a, sem_b):
    cid = lax.axis_index("c")
    sid = lax.axis_index("s")
    w = cid * NS + sid
    f32 = jnp.float32
    z = jnp.zeros((L,), f32)

    pltpu.sync_copy(bnd_hbm, bnd_v)
    pltpu.sync_copy(qa_hbm, qa_v)

    def _load_edges(off, src_v, dst_v, ew_v):
        pltpu.sync_copy(src_hbm.at[pl.ds(off, CH)], src_v)
        pltpu.sync_copy(dst_hbm.at[pl.ds(off, CH)], dst_v)
        pltpu.sync_copy(ew_hbm.at[pl.ds(off, CH)], ew_v)

    for p in range(2):
        ri = w * 2 + p
        nstart = ri * NPW

        def _zacc(r, _):
            for j in range(U // L):
                acc_v[r, pl.ds(j * L, L)] = z
            accs_v[r, :] = z
            return 0
        lax.fori_loop(0, NPW, _zacc, 0)

        pltpu.sync_copy(pa_hbm.at[pl.ds(nstart, NPW)], pa_v)

        rv0 = jnp.full((L,), ri, jnp.int32)
        lo = plsc.load_gather(bnd_v, [rv0])[0]
        hi = plsc.load_gather(bnd_v, [rv0 + 1])[0]
        base = (lo // 8) * 8
        nch = jnp.maximum((hi - base + CH - 1) // CH, 0)

        def _scores(off, src_v, dst_v, ew_v, s_v, idxl_v):
            for g in range(CH // L):
                sl = pl.ds(g * L, L)
                srcg = src_v[sl]
                ewg = ew_v[sl]
                eidx = off + g * L + lax.iota(jnp.int32, L)
                inr = (eidx >= lo) & (eidx < hi)
                li = jnp.clip(srcg - nstart, 0, NPW - 1)
                pag = plsc.load_gather(pa_v, [li])
                qag = plsc.load_gather(qa_v, [dst_v[sl]])
                x = ewg * (pag + qag)
                x = jnp.where(x >= 0.0, x, NEG_SLOPE * x)
                sc = jnp.exp(jnp.clip(x, -2.0, 2.0))
                sc = jnp.where(inr, sc, 0.0)
                s_v[sl] = sc
                idxl_v[sl] = li

        def _accum(s_v, idxl_v, rows_v):
            def _row(r, _):
                rv = jnp.full((L,), r, jnp.int32)
                li = plsc.load_gather(idxl_v, [rv])[0]
                svec = plsc.load_gather(s_v, [rv])
                plsc.addupdate(accs_v.at[li, :], svec)
                for j in range(U // L):
                    cs = pl.ds(j * L, L)
                    plsc.addupdate(acc_v.at[li, cs], rows_v[r, cs] * svec)
                return 0
            lax.fori_loop(0, CH, _row, 0)

        nit = (nch + 1) // 2

        def _piter(k2, _):
            off_a = pl.multiple_of(base + (2 * k2) * CH, 8)
            off_b = pl.multiple_of(off_a + CH, 8)
            _load_edges(off_a, src_a, dst_a, ew_a)
            cp_a = pltpu.async_copy(h_hbm.at[dst_a], rows_a, sem_a)
            _scores(off_a, src_a, dst_a, ew_a, s_a, idxl_a)
            _load_edges(off_b, src_b, dst_b, ew_b)
            cp_b = pltpu.async_copy(h_hbm.at[dst_b], rows_b, sem_b)
            cp_a.wait()
            _accum(s_a, idxl_a, rows_a)
            _scores(off_b, src_b, dst_b, ew_b, s_b, idxl_b)
            cp_b.wait()
            _accum(s_b, idxl_b, rows_b)
            return 0
        lax.fori_loop(0, nit, _piter, 0)

        def _norm(r, _):
            ivec = 1.0 / jnp.maximum(accs_v[r, :], 1e-30)
            for j in range(U // L):
                cs = pl.ds(j * L, L)
                acc_v[r, cs] = acc_v[r, cs] * ivec
            return 0
        lax.fori_loop(0, NPW, _norm, 0)

        nblocks = jnp.clip((N - nstart) // 16, 0, NPW // 16)

        def _out(bk, _):
            pltpu.sync_copy(acc_v.at[pl.ds(bk * 16, 16)],
                            out_hbm.at[pl.ds(nstart + bk * 16, 16)])
            return 0
        lax.fori_loop(0, nblocks, _out, 0)


def _sc_aggregate(h, pa, qa, src, dst, ew, bnd):
    f32 = jnp.float32
    mesh = plsc.VectorSubcoreMesh(
        core_axis_name="c", subcore_axis_name="s",
        num_cores=NC, num_subcores=NS)
    kfn = pl.kernel(
        _sc_body,
        out_type=jax.ShapeDtypeStruct((N, U), f32),
        mesh=mesh,
        compiler_params=pltpu.CompilerParams(needs_layout_passes=False),
        scratch_types=[
            pltpu.VMEM((80,), jnp.int32),
            pltpu.VMEM((NPW,), f32),
            pltpu.VMEM((NR * NPW,), f32),
            pltpu.VMEM((CH,), jnp.int32),
            pltpu.VMEM((CH,), jnp.int32),
            pltpu.VMEM((CH,), f32),
            pltpu.VMEM((CH,), jnp.int32),
            pltpu.VMEM((CH,), f32),
            pltpu.VMEM((CH, U), f32),
            pltpu.VMEM((CH,), jnp.int32),
            pltpu.VMEM((CH,), jnp.int32),
            pltpu.VMEM((CH,), f32),
            pltpu.VMEM((CH,), jnp.int32),
            pltpu.VMEM((CH,), f32),
            pltpu.VMEM((CH, U), f32),
            pltpu.VMEM((NPW, U), f32),
            pltpu.VMEM((NPW, L), f32),
            pltpu.SemaphoreType.DMA,
            pltpu.SemaphoreType.DMA,
        ],
    )
    return kfn(h, pa, qa, src, dst, ew, bnd)


def kernel(node_states, edges, edge_weights, kernel, kernel_attention):
    ns = node_states[0]
    e = edges[0]
    ew = edge_weights[0]
    n_edges = e.shape[0]

    att = kernel_attention[:, 0]
    apad = (jnp.zeros((U, 128), jnp.float32)
            .at[:, 0].set(att[:U]).at[:, 1].set(att[U:]))
    h, pq = _tc_transform(ns, kernel, apad)

    pa = jnp.zeros((NR * NPW,), jnp.float32).at[:N].set(pq[:, 0])
    qa = jnp.zeros((NR * NPW,), jnp.float32).at[:N].set(pq[:, 1])
    src = e[:, 0]
    dst = e[:, 1]
    srcp = jnp.pad(src, (0, 4 * CH))
    dstp = jnp.pad(dst, (0, 4 * CH))
    ewp = jnp.pad(ew, (0, 4 * CH))
    starts = jnp.arange(1, NR, dtype=jnp.int32) * NPW
    sp = jnp.searchsorted(src, starts).astype(jnp.int32)
    bnd = jnp.zeros((80,), jnp.int32).at[1:NR].set(sp).at[NR].set(n_edges)
    return _sc_aggregate(h, pa, qa, srcp, dstp, ewp, bnd)

# --- scband reference (transcript-rebuilt; emitter-appended) ---
"""Pipeline reference for scband-graph-attention-81965155877400 (READ-ONLY COPY).

The authoritative reference and input builder live on the scoring server;
editing this copy changes nothing except your own understanding.
"""

import jax, jax.numpy as jnp
import numpy as np

N = 10000
E = 160000
D = 256
U = 256


def setup_inputs(seed: int = 0) -> dict:
    key = jax.random.key(seed)
    k1, k2, k3, k4, k5, k6 = jax.random.split(key, 6)
    node_states = jax.random.normal(k1, (1, N, D), dtype=jnp.float32)
    # IMPORTANT: the original module uses tf.repeat(sum, bincount(src)), which is
    # only aligned with the per-edge scores when edges are sorted by src node.
    src = jnp.sort(jax.random.randint(k2, (E,), 0, N, dtype=jnp.int32))
    dst = jax.random.randint(k3, (E,), 0, N, dtype=jnp.int32)
    edges = jnp.stack([src, dst], axis=1)[None, :, :]  # [1, E, 2]
    edge_weights = jax.random.uniform(k4, (1, E), dtype=jnp.float32)
    # learned parameters (glorot-uniform style)
    lim_k = float(np.sqrt(6.0 / (D + U)))
    kernel = jax.random.uniform(k5, (D, U), dtype=jnp.float32, minval=-lim_k, maxval=lim_k)
    lim_a = float(np.sqrt(6.0 / (2 * U + 1)))
    kernel_attention = jax.random.uniform(k6, (2 * U, 1), dtype=jnp.float32, minval=-lim_a, maxval=lim_a)
    return {
        "node_states": node_states,
        "edges": edges,
        "edge_weights": edge_weights,
        "kernel": kernel,
        "kernel_attention": kernel_attention,
    }


def reference(node_states, edges, edge_weights, kernel, kernel_attention):
    ns = node_states[0]          # [N, D]
    e = edges[0]                 # [E, 2] (src=col 0, dst=col 1), src sorted
    ew = edge_weights[0]         # [E]
    n_nodes = ns.shape[0]
    n_edges = e.shape[0]

    node_states_transformed = ns @ kernel                     # [N, U]
    node_states_expanded = node_states_transformed[e]         # [E, 2, U]
    node_states_expanded = node_states_expanded.reshape(n_edges, -1)  # [E, 2U]
    node_states_expanded = node_states_expanded * ew[:, None]

    attention_scores = jax.nn.leaky_relu(node_states_expanded @ kernel_attention)  # [E, 1]
    attention_scores = jnp.squeeze(attention_scores, -1)
    attention_scores = jnp.exp(jnp.clip(attention_scores, -2.0, 2.0))

    seg = e[:, 0]
    attention_scores_sum = jax.ops.segment_sum(attention_scores, seg, num_segments=n_nodes)
    counts = jnp.bincount(seg, length=n_nodes)
    attention_scores_sum_rep = jnp.repeat(attention_scores_sum, counts, total_repeat_length=n_edges)
    attention_scores_norm = attention_scores / attention_scores_sum_rep

    node_states_neighbors = node_states_transformed[e[:, 1]]  # [E, U]
    out = jax.ops.segment_sum(node_states_neighbors * attention_scores_norm[:, None], seg, num_segments=n_nodes)
    return out

if __name__ == "__main__":
    import jax
    _d = setup_inputs()
    print(jax.jit(kernel)(*tuple(_d.values())))

</pallas_src>

<mosaic_0001>
#map = affine_map<(d0, d1) -> (0, 0)>
#map1 = affine_map<(d0, d1) -> (0)>
module attributes {stable_mosaic.version = 14 : i64} {
  func.func @_sc_body(%arg0: i32, %arg1: i32, %arg2: memref<10000x256xf32, #tpu.memory_space<hbm>>, %arg3: memref<10240xf32, #tpu.memory_space<hbm>>, %arg4: memref<10240xf32, #tpu.memory_space<hbm>>, %arg5: memref<160256xi32, #tpu.memory_space<hbm>>, %arg6: memref<160256xi32, #tpu.memory_space<hbm>>, %arg7: memref<160256xf32, #tpu.memory_space<hbm>>, %arg8: memref<80xi32, #tpu.memory_space<hbm>>, %arg9: memref<10000x256xf32, #tpu.memory_space<hbm>>, %arg10: memref<80xi32, #tpu.memory_space<vmem>>, %arg11: memref<160xf32, #tpu.memory_space<vmem>>, %arg12: memref<10240xf32, #tpu.memory_space<vmem>>, %arg13: memref<64xi32, #tpu.memory_space<vmem>>, %arg14: memref<64xi32, #tpu.memory_space<vmem>>, %arg15: memref<64xf32, #tpu.memory_space<vmem>>, %arg16: memref<64xi32, #tpu.memory_space<vmem>>, %arg17: memref<64xf32, #tpu.memory_space<vmem>>, %arg18: memref<64x256xf32, #tpu.memory_space<vmem>>, %arg19: memref<64xi32, #tpu.memory_space<vmem>>, %arg20: memref<64xi32, #tpu.memory_space<vmem>>, %arg21: memref<64xf32, #tpu.memory_space<vmem>>, %arg22: memref<64xi32, #tpu.memory_space<vmem>>, %arg23: memref<64xf32, #tpu.memory_space<vmem>>, %arg24: memref<64x256xf32, #tpu.memory_space<vmem>>, %arg25: memref<160x256xf32, #tpu.memory_space<vmem>>, %arg26: memref<160x16xf32, #tpu.memory_space<vmem>>, %arg27: memref<!tpu.dma_semaphore, #tpu.memory_space<semaphore_mem>>, %arg28: memref<!tpu.dma_semaphore, #tpu.memory_space<semaphore_mem>>) attributes {dimension_semantics = [#tpu.dimension_semantics<core_parallel>, #tpu.dimension_semantics<subcore_parallel>], iteration_bounds = array<i64: 2, 16>, scalar_prefetch = 0 : i64, scratch_operands = 19 : i64, tpu.core_type = #tpu.core_type<sc_vector_subcore>, window_params = [{transform_indices = #map}, {transform_indices = #map1}, {transform_indices = #map1}, {transform_indices = #map1}, {transform_indices = #map1}, {transform_indices = #map1}, {transform_indices = #map1}, {transform_indices = #map}]} {
    %mul3A = arith.constant 16 : i32
    %mul3A_0 = arith.muli %arg0, %mul3A : i32
    %add3A = arith.addi %mul3A_0, %arg1 : i32
    %broadcast_in_dim3A = arith.constant 0.000000e+00 : f32
    %broadcast_in_dim3A_1 = vector.broadcast %broadcast_in_dim3A : f32 to vector<16xf32>
    "tpu.region"() ({
      %run_scoped3A = tpu.sem_alloc : memref<!tpu.dma_semaphore, #tpu.memory_space<semaphore_mem>>
      tpu.enqueue_dma source(%arg8 : memref<80xi32, #tpu.memory_space<hbm>>) target(%arg10 : memref<80xi32, #tpu.memory_space<vmem>>) target_semaphore(%run_scoped3A : memref<!tpu.dma_semaphore, #tpu.memory_space<semaphore_mem>>)
      tpu.wait_dma2 semaphore(%run_scoped3A : memref<!tpu.dma_semaphore, #tpu.memory_space<semaphore_mem>>) src(%arg8 : memref<80xi32, #tpu.memory_space<hbm>>) dst(%arg10 : memref<80xi32, #tpu.memory_space<vmem>>)
      tpu.yield
    }) : () -> ()
    "tpu.region"() ({
      %run_scoped3A = tpu.sem_alloc : memref<!tpu.dma_semaphore, #tpu.memory_space<semaphore_mem>>
      tpu.enqueue_dma source(%arg4 : memref<10240xf32, #tpu.memory_space<hbm>>) target(%arg12 : memref<10240xf32, #tpu.memory_space<vmem>>) target_semaphore(%run_scoped3A : memref<!tpu.dma_semaphore, #tpu.memory_space<semaphore_mem>>)
      tpu.wait_dma2 semaphore(%run_scoped3A : memref<!tpu.dma_semaphore, #tpu.memory_space<semaphore_mem>>) src(%arg4 : memref<10240xf32, #tpu.memory_space<hbm>>) dst(%arg12 : memref<10240xf32, #tpu.memory_space<vmem>>)
      tpu.yield
    }) : () -> ()
    %mul3A_2 = arith.constant 2 : i32
    %mul3A_3 = arith.muli %add3A, %mul3A_2 : i32
    %add3A_4 = arith.constant 0 : i32
    %add3A_5 = arith.addi %mul3A_3, %add3A_4 : i32
    %mul3A_6 = arith.constant 160 : i32
    %mul3A_7 = arith.muli %add3A_5, %mul3A_6 : i32
    %scan3A = arith.constant 0 : i32
    %scan3A_8 = arith.constant 0 : i32
    %scan3A_9 = arith.constant 160 : i32
    %scan3A_10 = arith.addi %scan3A_8, %scan3A_9 : i32
    %scan3A_11 = arith.constant 1 : i32
    %scan3A_12 = scf.for %scan3A_321 = %scan3A_8 to %scan3A_10 step %scan3A_11 iter_args(%scan3A_322 = %scan3A) -> (i32)  : i32 {
      %swap3A = arith.index_cast %scan3A_321 : i32 to index
      %swap3A_323 = arith.constant 0 : index
      %swap3A_324 = tpu.vector_load %arg25[%swap3A, %swap3A_323] {strides = array<i32>} : memref<160x256xf32, #tpu.memory_space<vmem>>, vector<16xf32>,
      tpu.vector_store %arg25[%swap3A, %swap3A_323], %broadcast_in_dim3A_1 {strides = array<i32>} : memref<160x256xf32, #tpu.memory_space<vmem>>, vector<16xf32>,
      %swap3A_325 = arith.index_cast %scan3A_321 : i32 to index
      %swap3A_326 = arith.constant 16 : index
      %swap3A_327 = tpu.vector_load %arg25[%swap3A_325, %swap3A_326] {strides = array<i32>} : memref<160x256xf32, #tpu.memory_space<vmem>>, vector<16xf32>,
      tpu.vector_store %arg25[%swap3A_325, %swap3A_326], %broadcast_in_dim3A_1 {strides = array<i32>} : memref<160x256xf32, #tpu.memory_space<vmem>>, vector<16xf32>,
      %swap3A_328 = arith.index_cast %scan3A_321 : i32 to index
      %swap3A_329 = arith.constant 32 : index
      %swap3A_330 = tpu.vector_load %arg25[%swap3A_328, %swap3A_329] {strides = array<i32>} : memref<160x256xf32, #tpu.memory_space<vmem>>, vector<16xf32>,
      tpu.vector_store %arg25[%swap3A_328, %swap3A_329], %broadcast_in_dim3A_1 {strides = array<i32>} : memref<160x256xf32, #tpu.memory_space<vmem>>, vector<16xf32>,
      %swap3A_331 = arith.index_cast %scan3A_321 : i32 to index
      %swap3A_332 = arith.constant 48 : index
      %swap3A_333 = tpu.vector_load %arg25[%swap3A_331, %swap3A_332] {strides = array<i32>} : memref<160x256xf32, #tpu.memory_space<vmem>>, vector<16xf32>,
      tpu.vector_store %arg25[%swap3A_331, %swap3A_332], %broadcast_in_dim3A_1 {strides = array<i32>} : memref<160x256xf32, #tpu.memory_space<vmem>>, vector<16xf32>,
      %swap3A_334 = arith.index_cast %scan3A_321 : i32 to index
      %swap3A_335 = arith.constant 64 : index
      %swap3A_336 = tpu.vector_load %arg25[%swap3A_334, %swap3A_335] {strides = array<i32>} : memref<160x256xf32, #tpu.memory_space<vmem>>, vector<16xf32>,
      tpu.vector_store %arg25[%swap3A_334, %swap3A_335], %broadcast_in_dim3A_1 {strides = array<i32>} : memref<160x256xf32, #tpu.memory_space<vmem>>, vector<16xf32>,
      %swap3A_337 = arith.index_cast %scan3A_321 : i32 to index
      %swap3A_338 = arith.constant 80 : index
      %swap3A_339 = tpu.vector_load %arg25[%swap3A_337, %swap3A_338] {strides = array<i32>} : memref<160x256xf32, #tpu.memory_space<vmem>>, vector<16xf32>,
      tpu.vector_store %arg25[%swap3A_337, %swap3A_338], %broadcast_in_dim3A_1 {strides = array<i32>} : memref<160x256xf32, #tpu.memory_space<vmem>>, vector<16xf32>,
      %swap3A_340 = arith.index_cast %scan3A_321 : i32 to index
      %swap3A_341 = arith.constant 96 : index
      %swap3A_342 = tpu.vector_load %arg25[%swap3A_340, %swap3A_341] {strides = array<i32>} : memref<160x256xf32, #tpu.memory_space<vmem>>, vector<16xf32>,
      tpu.vector_store %arg25[%swap3A_340, %swap3A_341], %broadcast_in_dim3A_1 {strides = array<i32>} : memref<160x256xf32, #tpu.memory_space<vmem>>, vector<16xf32>,
      %swap3A_343 = arith.index_cast %scan3A_321 : i32 to index
      %swap3A_344 = arith.constant 112 : index
      %swap3A_345 = tpu.vector_load %arg25[%swap3A_343, %swap3A_344] {strides = array<i32>} : memref<160x256xf32, #tpu.memory_space<vmem>>, vector<16xf32>,
      tpu.vector_store %arg25[%swap3A_343, %swap3A_344], %broadcast_in_dim3A_1 {strides = array<i32>} : memref<160x256xf32, #tpu.memory_space<vmem>>, vector<16xf32>,
      %swap3A_346 = arith.index_cast %scan3A_321 : i32 to index
      %swap3A_347 = arith.constant 128 : index
      %swap3A_348 = tpu.vector_load %arg25[%swap3A_346, %swap3A_347] {strides = array<i32>} : memref<160x256xf32, #tpu.memory_space<vmem>>, vector<16xf32>,
      tpu.vector_store %arg25[%swap3A_346, %swap3A_347], %broadcast_in_dim3A_1 {strides = array<i32>} : memref<160x256xf32, #tpu.memory_space<vmem>>, vector<16xf32>,
      %swap3A_349 = arith.index_cast %scan3A_321 : i32 to index
      %swap3A_350 = arith.constant 144 : index
      %swap3A_351 = tpu.vector_load %arg25[%swap3A_349, %swap3A_350] {strides = array<i32>} : memref<160x256xf32, #tpu.memory_space<vmem>>, vector<16xf32>,
      tpu.vector_store %arg25[%swap3A_349, %swap3A_350], %broadcast_in_dim3A_1 {strides = array<i32>} : memref<160x256xf32, #tpu.memory_space<vmem>>, vector<16xf32>,
      %swap3A_352 = arith.index_cast %scan3A_321 : i32 to index
      %swap3A_353 = arith.constant 160 : index
      %swap3A_354 = tpu.vector_load %arg25[%swap3A_352, %swap3A_353] {strides = array<i32>} : memref<160x256xf32, #tpu.memory_space<vmem>>, vector<16xf32>,
      tpu.vector_store %arg25[%swap3A_352, %swap3A_353], %broadcast_in_dim3A_1 {strides = array<i32>} : memref<160x256xf32, #tpu.memory_space<vmem>>, vector<16xf32>,
      %swap3A_355 = arith.index_cast %scan3A_321 : i32 to index
      %swap3A_356 = arith.constant 176 : index
      %swap3A_357 = tpu.vector_load %arg25[%swap3A_355, %swap3A_356] {strides = array<i32>} : memref<160x256xf32, #tpu.memory_space<vmem>>, vector<16xf32>,
      tpu.vector_store %arg25[%swap3A_355, %swap3A_356], %broadcast_in_dim3A_1 {strides = array<i32>} : memref<160x256xf32, #tpu.memory_space<vmem>>, vector<16xf32>,
      %swap3A_358 = arith.index_cast %scan3A_321 : i32 to index
      %swap3A_359 = arith.constant 192 : index
      %swap3A_360 = tpu.vector_load %arg25[%swap3A_358, %swap3A_359] {strides = array<i32>} : memref<160x256xf32, #tpu.memory_space<vmem>>, vector<16xf32>,
      tpu.vector_store %arg25[%swap3A_358, %swap3A_359], %broadcast_in_dim3A_1 {strides = array<i32>} : memref<160x256xf32, #tpu.memory_space<vmem>>, vector<16xf32>,
      %swap3A_361 = arith.index_cast %scan3A_321 : i32 to index
      %swap3A_362 = arith.constant 208 : index
      %swap3A_363 = tpu.vector_load %arg25[%swap3A_361, %swap3A_362] {strides = array<i32>} : memref<160x256xf32, #tpu.memory_space<vmem>>, vector<16xf32>,
      tpu.vector_store %arg25[%swap3A_361, %swap3A_362], %broadcast_in_dim3A_1 {strides = array<i32>} : memref<160x256xf32, #tpu.memory_space<vmem>>, vector<16xf32>,
      %swap3A_364 = arith.index_cast %scan3A_321 : i32 to index
      %swap3A_365 = arith.constant 224 : index
      %swap3A_366 = tpu.vector_load %arg25[%swap3A_364, %swap3A_365] {strides = array<i32>} : memref<160x256xf32, #tpu.memory_space<vmem>>, vector<16xf32>,
      tpu.vector_store %arg25[%swap3A_364, %swap3A_365], %broadcast_in_dim3A_1 {strides = array<i32>} : memref<160x256xf32, #tpu.memory_space<vmem>>, vector<16xf32>,
      %swap3A_367 = arith.index_cast %scan3A_321 : i32 to index
      %swap3A_368 = arith.constant 240 : index
      %swap3A_369 = tpu.vector_load %arg25[%swap3A_367, %swap3A_368] {strides = array<i32>} : memref<160x256xf32, #tpu.memory_space<vmem>>, vector<16xf32>,
      tpu.vector_store %arg25[%swap3A_367, %swap3A_368], %broadcast_in_dim3A_1 {strides = array<i32>} : memref<160x256xf32, #tpu.memory_space<vmem>>, vector<16xf32>,
      %swap3A_370 = arith.index_cast %scan3A_321 : i32 to index
      %swap3A_371 = arith.constant 0 : index
      %swap3A_372 = tpu.vector_load %arg26[%swap3A_370, %swap3A_371] {strides = array<i32>} : memref<160x16xf32, #tpu.memory_space<vmem>>, vector<16xf32>,
      tpu.vector_store %arg26[%swap3A_370, %swap3A_371], %broadcast_in_dim3A_1 {strides = array<i32>} : memref<160x16xf32, #tpu.memory_space<vmem>>, vector<16xf32>,
      %scan3A_373 = arith.constant 0 : i32
      scf.yield %scan3A_373 : i32
    }
    %scan3A_13 = arith.constant 160 : i32
    "tpu.region"() ({
      %run_scoped3A = tpu.sem_alloc : memref<!tpu.dma_semaphore, #tpu.memory_space<semaphore_mem>>
      %dma_start3A = tpu.memref_slice %arg3[%mul3A_7] : memref<10240xf32, #tpu.memory_space<hbm>> -> memref<160xf32, #tpu.memory_space<hbm>>
      %dma_start3A_321 = tpu.memref_slice %arg3[%mul3A_7] : memref<10240xf32, #tpu.memory_space<hbm>> -> memref<160xf32, #tpu.memory_space<hbm>>
      tpu.enqueue_dma source(%dma_start3A_321 : memref<160xf32, #tpu.memory_space<hbm>>) target(%arg11 : memref<160xf32, #tpu.memory_space<vmem>>) target_semaphore(%run_scoped3A : memref<!tpu.dma_semaphore, #tpu.memory_space<semaphore_mem>>)
      %dma_wait3A = tpu.memref_slice %arg3[%mul3A_7] : memref<10240xf32, #tpu.memory_space<hbm>> -> memref<160xf32, #tpu.memory_space<hbm>>
      %dma_wait3A_322 = tpu.memref_slice %arg3[%mul3A_7] : memref<10240xf32, #tpu.memory_space<hbm>> -> memref<160xf32, #tpu.memory_space<hbm>>
      tpu.wait_dma2 semaphore(%run_scoped3A : memref<!tpu.dma_semaphore, #tpu.memory_space<semaphore_mem>>) src(%dma_wait3A_322 : memref<160xf32, #tpu.memory_space<hbm>>) dst(%arg11 : memref<160xf32, #tpu.memory_space<vmem>>)
      tpu.yield
    }) : () -> ()
    %broadcast_in_dim3A_14 = vector.broadcast %add3A_5 : i32 to vector<16xi32>
    %gather3A = tpu.vector_load_idx %arg10[%broadcast_in_dim3A_14] : memref<80xi32, #tpu.memory_space<vmem>>[vector<16xi32>], vector<16xi32>,
    %slice3A = vector.extract_strided_slice %gather3A {offsets = [0], sizes = [1], strides = [1]} : vector<16xi32> to vector<1xi32>
    %squeeze3A = vector.extract %slice3A[0] : i32 from vector<1xi32>
    %add3A_15 = arith.constant 1 : i32
    %add3A_16 = vector.broadcast %add3A_15 : i32 to vector<16xi32>
    %add3A_17 = arith.addi %broadcast_in_dim3A_14, %add3A_16 : vector<16xi32>
    %gather3A_18 = tpu.vector_load_idx %arg10[%add3A_17] : memref<80xi32, #tpu.memory_space<vmem>>[vector<16xi32>], vector<16xi32>,
    %slice3A_19 = vector.extract_strided_slice %gather3A_18 {offsets = [0], sizes = [1], strides = [1]} : vector<16xi32> to vector<1xi32>
    %squeeze3A_20 = vector.extract %slice3A_19[0] : i32 from vector<1xi32>
    %jit3A = arith.constant 8 : i32
    %div3A = arith.divsi %squeeze3A, %jit3A : i32
    %sign3A = arith.constant 0 : i32
    %sign3A_21 = arith.cmpi sgt, %squeeze3A, %sign3A : i32
    %sign3A_22 = arith.extui %sign3A_21 : i1 to i32
    %sign3A_23 = arith.constant 0 : i32
    %sign3A_24 = arith.cmpi slt, %squeeze3A, %sign3A_23 : i32
    %sign3A_25 = arith.extui %sign3A_24 : i1 to i32
    %sign3A_26 = arith.subi %sign3A_22, %sign3A_25 : i32
    %sign3A_27 = arith.constant 0 : i32
    %sign3A_28 = arith.cmpi sgt, %jit3A, %sign3A_27 : i32
    %sign3A_29 = arith.extui %sign3A_28 : i1 to i32
    %sign3A_30 = arith.constant 0 : i32
    %sign3A_31 = arith.cmpi slt, %jit3A, %sign3A_30 : i32
    %sign3A_32 = arith.extui %sign3A_31 : i1 to i32
    %sign3A_33 = arith.subi %sign3A_29, %sign3A_32 : i32
    %ne3A = arith.cmpi ne, %sign3A_26, %sign3A_33 : i32
    %rem3A = arith.remsi %squeeze3A, %jit3A : i32
    %ne3A_34 = arith.constant 0 : i32
    %ne3A_35 = arith.cmpi ne, %rem3A, %ne3A_34 : i32
    %and3A = arith.andi %ne3A, %ne3A_35 : i1
    %sub3A = arith.constant 1 : i32
    %sub3A_36 = arith.subi %div3A, %sub3A : i32
    %select_n3A = arith.select %and3A, %sub3A_36, %div3A : i32
    %mul3A_37 = arith.constant 8 : i32
    %mul3A_38 = arith.muli %select_n3A, %mul3A_37 : i32
    %sub3A_39 = arith.subi %squeeze3A_20, %mul3A_38 : i32
    %add3A_40 = arith.constant 64 : i32
    %add3A_41 = arith.addi %sub3A_39, %add3A_40 : i32
    %sub3A_42 = arith.constant 1 : i32
    %sub3A_43 = arith.subi %add3A_41, %sub3A_42 : i32
    %jit3A_44 = arith.constant 64 : i32
    %div3A_45 = arith.divsi %sub3A_43, %jit3A_44 : i32
    %sign3A_46 = arith.constant 0 : i32
    %sign3A_47 = arith.cmpi sgt, %sub3A_43, %sign3A_46 : i32
    %sign3A_48 = arith.extui %sign3A_47 : i1 to i32
    %sign3A_49 = arith.constant 0 : i32
    %sign3A_50 = arith.cmpi slt, %sub3A_43, %sign3A_49 : i32
    %sign3A_51 = arith.extui %sign3A_50 : i1 to i32
    %sign3A_52 = arith.subi %sign3A_48, %sign3A_51 : i32
    %sign3A_53 = arith.constant 0 : i32
    %sign3A_54 = arith.cmpi sgt, %jit3A_44, %sign3A_53 : i32
    %sign3A_55 = arith.extui %sign3A_54 : i1 to i32
    %sign3A_56 = arith.constant 0 : i32
    %sign3A_57 = arith.cmpi slt, %jit3A_44, %sign3A_56 : i32
    %sign3A_58 = arith.extui %sign3A_57 : i1 to i32
    %sign3A_59 = arith.subi %sign3A_55, %sign3A_58 : i32
    %ne3A_60 = arith.cmpi ne, %sign3A_52, %sign3A_59 : i32
    %rem3A_61 = arith.remsi %sub3A_43, %jit3A_44 : i32
    %ne3A_62 = arith.constant 0 : i32
    %ne3A_63 = arith.cmpi ne, %rem3A_61, %ne3A_62 : i32
    %and3A_64 = arith.andi %ne3A_60, %ne3A_63 : i1
    %sub3A_65 = arith.constant 1 : i32
    %sub3A_66 = arith.subi %div3A_45, %sub3A_65 : i32
    %select_n3A_67 = arith.select %and3A_64, %sub3A_66, %div3A_45 : i32
    %max3A = arith.constant 0 : i32
    %max3A_68 = arith.maxsi %select_n3A_67, %max3A : i32
    %add3A_69 = arith.constant 1 : i32
    %add3A_70 = arith.addi %max3A_68, %add3A_69 : i32
    %jit3A_71 = arith.constant 2 : i32
    %div3A_72 = arith.divsi %add3A_70, %jit3A_71 : i32
    %sign3A_73 = arith.constant 0 : i32
    %sign3A_74 = arith.cmpi sgt, %add3A_70, %sign3A_73 : i32
    %sign3A_75 = arith.extui %sign3A_74 : i1 to i32
    %sign3A_76 = arith.constant 0 : i32
    %sign3A_77 = arith.cmpi slt, %add3A_70, %sign3A_76 : i32
    %sign3A_78 = arith.extui %sign3A_77 : i1 to i32
    %sign3A_79 = arith.subi %sign3A_75, %sign3A_78 : i32
    %sign3A_80 = arith.constant 0 : i32
    %sign3A_81 = arith.cmpi sgt, %jit3A_71, %sign3A_80 : i32
    %sign3A_82 = arith.extui %sign3A_81 : i1 to i32
    %sign3A_83 = arith.constant 0 : i32
    %sign3A_84 = arith.cmpi slt, %jit3A_71, %sign3A_83 : i32
    %sign3A_85 = arith.extui %sign3A_84 : i1 to i32
    %sign3A_86 = arith.subi %sign3A_82, %sign3A_85 : i32
    %ne3A_87 = arith.cmpi ne, %sign3A_79, %sign3A_86 : i32
    %rem3A_88 = arith.remsi %add3A_70, %jit3A_71 : i32
    %ne3A_89 = arith.constant 0 : i32
    %ne3A_90 = arith.cmpi ne, %rem3A_88, %ne3A_89 : i32
    %and3A_91 = arith.andi %ne3A_87, %ne3A_90 : i1
    %sub3A_92 = arith.constant 1 : i32
    %sub3A_93 = arith.subi %div3A_72, %sub3A_92 : i32
    %select_n3A_94 = arith.select %and3A_91, %sub3A_93, %div3A_72 : i32
    %while3A = arith.constant 0 : i32
    %while3A_95 = arith.constant 0 : i32
    %while3A_96 = arith.subi %select_n3A_94, %while3A : i32
    %while3A_97 = arith.addi %while3A, %while3A_96 : i32
    %while3A_98 = arith.constant 1 : i32
    %while3A_99 = arith.divsi %while3A_96, %while3A_98 : i32
    %while3A_100 = arith.muli %while3A_99, %while3A_98 : i32
    %while3A_101 = arith.addi %while3A, %while3A_100 : i32
    %while3A_102 = arith.constant 1 : i32
    %while3A_103 = scf.for %while3A_321 = %while3A to %while3A_101 step %while3A_102 iter_args(%while3A_322 = %while3A_95) -> (i32)  : i32 {
      %mul3A_323 = arith.constant 2 : i32
      %mul3A_324 = arith.muli %mul3A_323, %while3A_321 : i32
      %mul3A_325 = arith.constant 64 : i32
      %mul3A_326 = arith.muli %mul3A_324, %mul3A_325 : i32
      %add3A_327 = arith.addi %mul3A_38, %mul3A_326 : i32
      %multiple_of3A = tpu.assume_multiple %add3A_327, 8 : i32
      %add3A_328 = arith.constant 64 : i32
      %add3A_329 = arith.addi %multiple_of3A, %add3A_328 : i32
      %multiple_of3A_330 = tpu.assume_multiple %add3A_329, 8 : i32
      "tpu.region"() ({
        %run_scoped3A = tpu.sem_alloc : memref<!tpu.dma_semaphore, #tpu.memory_space<semaphore_mem>>
        %dma_start3A_742 = tpu.memref_slice %arg5[%multiple_of3A] : memref<160256xi32, #tpu.memory_space<hbm>> -> memref<64xi32, #tpu.memory_space<hbm>>
        %dma_start3A_743 = tpu.memref_slice %arg5[%multiple_of3A] : memref<160256xi32, #tpu.memory_space<hbm>> -> memref<64xi32, #tpu.memory_space<hbm>>
        tpu.enqueue_dma source(%dma_start3A_743 : memref<64xi32, #tpu.memory_space<hbm>>) target(%arg13 : memref<64xi32, #tpu.memory_space<vmem>>) target_semaphore(%run_scoped3A : memref<!tpu.dma_semaphore, #tpu.memory_space<semaphore_mem>>)
        %dma_wait3A_744 = tpu.memref_slice %arg5[%multiple_of3A] : memref<160256xi32, #tpu.memory_space<hbm>> -> memref<64xi32, #tpu.memory_space<hbm>>
        %dma_wait3A_745 = tpu.memref_slice %arg5[%multiple_of3A] : memref<160256xi32, #tpu.memory_space<hbm>> -> memref<64xi32, #tpu.memory_space<hbm>>
        tpu.wait_dma2 semaphore(%run_scoped3A : memref<!tpu.dma_semaphore, #tpu.memory_space<semaphore_mem>>) src(%dma_wait3A_745 : memref<64xi32, #tpu.memory_space<hbm>>) dst(%arg13 : memref<64xi32, #tpu.memory_space<vmem>>)
        tpu.yield
      }) : () -> ()
      "tpu.region"() ({
        %run_scoped3A = tpu.sem_alloc : memref<!tpu.dma_semaphore, #tpu.memory_space<semaphore_mem>>
        %dma_start3A_742 = tpu.memref_slice %arg6[%multiple_of3A] : memref<160256xi32, #tpu.memory_space<hbm>> -> memref<64xi32, #tpu.memory_space<hbm>>
        %dma_start3A_743 = tpu.memref_slice %arg6[%multiple_of3A] : memref<160256xi32, #tpu.memory_space<hbm>> -> memref<64xi32, #tpu.memory_space<hbm>>
        tpu.enqueue_dma source(%dma_start3A_743 : memref<64xi32, #tpu.memory_space<hbm>>) target(%arg14 : memref<64xi32, #tpu.memory_space<vmem>>) target_semaphore(%run_scoped3A : memref<!tpu.dma_semaphore, #tpu.memory_space<semaphore_mem>>)
        %dma_wait3A_744 = tpu.memref_slice %arg6[%multiple_of3A] : memref<160256xi32, #tpu.memory_space<hbm>> -> memref<64xi32, #tpu.memory_space<hbm>>
        %dma_wait3A_745 = tpu.memref_slice %arg6[%multiple_of3A] : memref<160256xi32, #tpu.memory_space<hbm>> -> memref<64xi32, #tpu.memory_space<hbm>>
        tpu.wait_dma2 semaphore(%run_scoped3A : memref<!tpu.dma_semaphore, #tpu.memory_space<semaphore_mem>>) src(%dma_wait3A_745 : memref<64xi32, #tpu.memory_space<hbm>>) dst(%arg14 : memref<64xi32, #tpu.memory_space<vmem>>)
        tpu.yield
      }) : () -> ()
      "tpu.region"() ({
        %run_scoped3A = tpu.sem_alloc : memref<!tpu.dma_semaphore, #tpu.memory_space<semaphore_mem>>
        %dma_start3A_742 = tpu.memref_slice %arg7[%multiple_of3A] : memref<160256xf32, #tpu.memory_space<hbm>> -> memref<64xf32, #tpu.memory_space<hbm>>
        %dma_start3A_743 = tpu.memref_slice %arg7[%multiple_of3A] : memref<160256xf32, #tpu.memory_space<hbm>> -> memref<64xf32, #tpu.memory_space<hbm>>
        tpu.enqueue_dma source(%dma_start3A_743 : memref<64xf32, #tpu.memory_space<hbm>>) target(%arg15 : memref<64xf32, #tpu.memory_space<vmem>>) target_semaphore(%run_scoped3A : memref<!tpu.dma_semaphore, #tpu.memory_space<semaphore_mem>>)
        %dma_wait3A_744 = tpu.memref_slice %arg7[%multiple_of3A] : memref<160256xf32, #tpu.memory_space<hbm>> -> memref<64xf32, #tpu.memory_space<hbm>>
        %dma_wait3A_745 = tpu.memref_slice %arg7[%multiple_of3A] : memref<160256xf32, #tpu.memory_space<hbm>> -> memref<64xf32, #tpu.memory_space<hbm>>
        tpu.wait_dma2 semaphore(%run_scoped3A : memref<!tpu.dma_semaphore, #tpu.memory_space<semaphore_mem>>) src(%dma_wait3A_745 : memref<64xf32, #tpu.memory_space<hbm>>) dst(%arg15 : memref<64xf32, #tpu.memory_space<vmem>>)
        tpu.yield
      }) : () -> ()
      %dma_start3A = arith.constant 0 : i32
      %dma_start3A_331 = arith.constant 0 : i32
      %dma_start3A_332 = tpu.memref_slice %arg2[%dma_start3A, %dma_start3A_331] : memref<10000x256xf32, #tpu.memory_space<hbm>> -> memref<10000x256xf32, #tpu.memory_space<hbm>>
      tpu.enqueue_indirect_dma source(%dma_start3A_332 : memref<10000x256xf32, #tpu.memory_space<hbm>>) target(%arg18 : memref<64x256xf32, #tpu.memory_space<vmem>>) offsets(%arg14 : memref<64xi32, #tpu.memory_space<vmem>>) semaphore(%arg27 : memref<!tpu.dma_semaphore, #tpu.memory_space<semaphore_mem>>)
      %get3A = arith.constant 0 : index
      %get3A_333 = tpu.vector_load %arg13[%get3A] {strides = array<i32>} : memref<64xi32, #tpu.memory_space<vmem>>, vector<16xi32>,
      %get3A_334 = arith.constant 0 : index
      %get3A_335 = tpu.vector_load %arg15[%get3A_334] {strides = array<i32>} : memref<64xf32, #tpu.memory_space<vmem>>, vector<16xf32>,
      %add3A_336 = arith.constant 0 : i32
      %add3A_337 = arith.addi %multiple_of3A, %add3A_336 : i32
      %iota3A = tpu.iota {dimensions = array<i32: 0>} : vector<16xi32>
      %add3A_338 = vector.broadcast %add3A_337 : i32 to vector<16xi32>
      %add3A_339 = arith.addi %add3A_338, %iota3A : vector<16xi32>
      %ge3A = vector.broadcast %squeeze3A : i32 to vector<16xi32>
      %ge3A_340 = arith.cmpi sge, %add3A_339, %ge3A : vector<16xi32>
      %lt3A = vector.broadcast %squeeze3A_20 : i32 to vector<16xi32>
      %lt3A_341 = arith.cmpi slt, %add3A_339, %lt3A : vector<16xi32>
      %and3A_342 = arith.andi %ge3A_340, %lt3A_341 : vector<16xi1>
      %sub3A_343 = vector.broadcast %mul3A_7 : i32 to vector<16xi32>
      %sub3A_344 = arith.subi %get3A_333, %sub3A_343 : vector<16xi32>
      %jit3A_345 = arith.constant 0 : i32
      %jit3A_346 = arith.constant 159 : i32
      %max3A_347 = vector.broadcast %jit3A_345 : i32 to vector<16xi32>
      %max3A_348 = arith.maxsi %max3A_347, %sub3A_344 : vector<16xi32>
      %min3A_349 = vector.broadcast %jit3A_346 : i32 to vector<16xi32>
      %min3A_350 = arith.minsi %min3A_349, %max3A_348 : vector<16xi32>
      %gather3A_351 = tpu.vector_load_idx %arg11[%min3A_350] : memref<160xf32, #tpu.memory_space<vmem>>[vector<16xi32>], vector<16xf32>,
      %get3A_352 = arith.constant 0 : index
      %get3A_353 = tpu.vector_load %arg14[%get3A_352] {strides = array<i32>} : memref<64xi32, #tpu.memory_space<vmem>>, vector<16xi32>,
      %gather3A_354 = tpu.vector_load_idx %arg12[%get3A_353] : memref<10240xf32, #tpu.memory_space<vmem>>[vector<16xi32>], vector<16xf32>,
      %add3A_355 = arith.addf %gather3A_351, %gather3A_354 : vector<16xf32>
      %mul3A_356 = arith.mulf %get3A_335, %add3A_355 : vector<16xf32>
      %ge3A_357 = arith.constant 0.000000e+00 : f32
      %ge3A_358 = vector.broadcast %ge3A_357 : f32 to vector<16xf32>
      %ge3A_359 = arith.cmpf oge, %mul3A_356, %ge3A_358 : vector<16xf32>
      %mul3A_360 = arith.constant 0.00999999977 : f32
      %mul3A_361 = vector.broadcast %mul3A_360 : f32 to vector<16xf32>
      %mul3A_362 = arith.mulf %mul3A_361, %mul3A_356 : vector<16xf32>
      %select_n3A_363 = arith.select %ge3A_359, %mul3A_356, %mul3A_362 : vector<16xi1>, vector<16xf32>
      %jit3A_364 = arith.constant -2.000000e+00 : f32
      %jit3A_365 = arith.constant 2.000000e+00 : f32
      %max3A_366 = vector.broadcast %jit3A_364 : f32 to vector<16xf32>
      %max3A_367 = arith.maximumf %max3A_366, %select_n3A_363 : vector<16xf32>
      %min3A_368 = vector.broadcast %jit3A_365 : f32 to vector<16xf32>
      %min3A_369 = arith.minimumf %min3A_368, %max3A_367 : vector<16xf32>
      %exp3A = math.exp %min3A_369 : vector<16xf32>
      %jit3A_370 = arith.constant 0.000000e+00 : f32
      %broadcast_in_dim3A_371 = vector.broadcast %jit3A_370 : f32 to vector<16xf32>
      %select_n3A_372 = arith.select %and3A_342, %exp3A, %broadcast_in_dim3A_371 : vector<16xi1>, vector<16xf32>
      %swap3A = arith.constant 0 : index
      %swap3A_373 = tpu.vector_load %arg17[%swap3A] {strides = array<i32>} : memref<64xf32, #tpu.memory_space<vmem>>, vector<16xf32>,
      tpu.vector_store %arg17[%swap3A], %select_n3A_372 {strides = array<i32>} : memref<64xf32, #tpu.memory_space<vmem>>, vector<16xf32>,
      %swap3A_374 = arith.constant 0 : index
      %swap3A_375 = tpu.vector_load %arg16[%swap3A_374] {strides = array<i32>} : memref<64xi32, #tpu.memory_space<vmem>>, vector<16xi32>,
      tpu.vector_store %arg16[%swap3A_374], %min3A_350 {strides = array<i32>} : memref<64xi32, #tpu.memory_space<vmem>>, vector<16xi32>,
      %get3A_376 = arith.constant 16 : index
      %get3A_377 = tpu.vector_load %arg13[%get3A_376] {strides = array<i32>} : memref<64xi32, #tpu.memory_space<vmem>>, vector<16xi32>,
      %get3A_378 = arith.constant 16 : index
      %get3A_379 = tpu.vector_load %arg15[%get3A_378] {strides = array<i32>} : memref<64xf32, #tpu.memory_space<vmem>>, vector<16xf32>,
      %add3A_380 = arith.constant 16 : i32
      %add3A_381 = arith.addi %multiple_of3A, %add3A_380 : i32
      %iota3A_382 = tpu.iota {dimensions = array<i32: 0>} : vector<16xi32>
      %add3A_383 = vector.broadcast %add3A_381 : i32 to vector<16xi32>
      %add3A_384 = arith.addi %add3A_383, %iota3A_382 : vector<16xi32>
      %ge3A_385 = vector.broadcast %squeeze3A : i32 to vector<16xi32>
      %ge3A_386 = arith.cmpi sge, %add3A_384, %ge3A_385 : vector<16xi32>
      %lt3A_387 = vector.broadcast %squeeze3A_20 : i32 to vector<16xi32>
      %lt3A_388 = arith.cmpi slt, %add3A_384, %lt3A_387 : vector<16xi32>
      %and3A_389 = arith.andi %ge3A_386, %lt3A_388 : vector<16xi1>
      %sub3A_390 = vector.broadcast %mul3A_7 : i32 to vector<16xi32>
      %sub3A_391 = arith.subi %get3A_377, %sub3A_390 : vector<16xi32>
      %jit3A_392 = arith.constant 0 : i32
      %jit3A_393 = arith.constant 159 : i32
      %max3A_394 = vector.broadcast %jit3A_392 : i32 to vector<16xi32>
      %max3A_395 = arith.maxsi %max3A_394, %sub3A_391 : vector<16xi32>
      %min3A_396 = vector.broadcast %jit3A_393 : i32 to vector<16xi32>
      %min3A_397 = arith.minsi %min3A_396, %max3A_395 : vector<16xi32>
      %gather3A_398 = tpu.vector_load_idx %arg11[%min3A_397] : memref<160xf32, #tpu.memory_space<vmem>>[vector<16xi32>], vector<16xf32>,
      %get3A_399 = arith.constant 16 : index
      %get3A_400 = tpu.vector_load %arg14[%get3A_399] {strides = array<i32>} : memref<64xi32, #tpu.memory_space<vmem>>, vector<16xi32>,
      %gather3A_401 = tpu.vector_load_idx %arg12[%get3A_400] : memref<10240xf32, #tpu.memory_space<vmem>>[vector<16xi32>], vector<16xf32>,
      %add3A_402 = arith.addf %gather3A_398, %gather3A_401 : vector<16xf32>
      %mul3A_403 = arith.mulf %get3A_379, %add3A_402 : vector<16xf32>
      %ge3A_404 = arith.constant 0.000000e+00 : f32
      %ge3A_405 = vector.broadcast %ge3A_404 : f32 to vector<16xf32>
      %ge3A_406 = arith.cmpf oge, %mul3A_403, %ge3A_405 : vector<16xf32>
      %mul3A_407 = arith.constant 0.00999999977 : f32
      %mul3A_408 = vector.broadcast %mul3A_407 : f32 to vector<16xf32>
      %mul3A_409 = arith.mulf %mul3A_408, %mul3A_403 : vector<16xf32>
      %select_n3A_410 = arith.select %ge3A_406, %mul3A_403, %mul3A_409 : vector<16xi1>, vector<16xf32>
      %jit3A_411 = arith.constant -2.000000e+00 : f32
      %jit3A_412 = arith.constant 2.000000e+00 : f32
      %max3A_413 = vector.broadcast %jit3A_411 : f32 to vector<16xf32>
      %max3A_414 = arith.maximumf %max3A_413, %select_n3A_410 : vector<16xf32>
      %min3A_415 = vector.broadcast %jit3A_412 : f32 to vector<16xf32>
      %min3A_416 = arith.minimumf %min3A_415, %max3A_414 : vector<16xf32>
      %exp3A_417 = math.exp %min3A_416 : vector<16xf32>
      %jit3A_418 = arith.constant 0.000000e+00 : f32
      %broadcast_in_dim3A_419 = vector.broadcast %jit3A_418 : f32 to vector<16xf32>
      %select_n3A_420 = arith.select %and3A_389, %exp3A_417, %broadcast_in_dim3A_419 : vector<16xi1>, vector<16xf32>
      %swap3A_421 = arith.constant 16 : index
      %swap3A_422 = tpu.vector_load %arg17[%swap3A_421] {strides = array<i32>} : memref<64xf32, #tpu.memory_space<vmem>>, vector<16xf32>,
      tpu.vector_store %arg17[%swap3A_421], %select_n3A_420 {strides = array<i32>} : memref<64xf32, #tpu.memory_space<vmem>>, vector<16xf32>,
      %swap3A_423 = arith.constant 16 : index
      %swap3A_424 = tpu.vector_load %arg16[%swap3A_423] {strides = array<i32>} : memref<64xi32, #tpu.memory_space<vmem>>, vector<16xi32>,
      tpu.vector_store %arg16[%swap3A_423], %min3A_397 {strides = array<i32>} : memref<64xi32, #tpu.memory_space<vmem>>, vector<16xi32>,
      %get3A_425 = arith.constant 32 : index
      %get3A_426 = tpu.vector_load %arg13[%get3A_425] {strides = array<i32>} : memref<64xi32, #tpu.memory_space<vmem>>, vector<16xi32>,
      %get3A_427 = arith.constant 32 : index
      %get3A_428 = tpu.vector_load %arg15[%get3A_427] {strides = array<i32>} : memref<64xf32, #tpu.memory_space<vmem>>, vector<16xf32>,
      %add3A_429 = arith.constant 32 : i32
      %add3A_430 = arith.addi %multiple_of3A, %add3A_429 : i32
      %iota3A_431 = tpu.iota {dimensions = array<i32: 0>} : vector<16xi32>
      %add3A_432 = vector.broadcast %add3A_430 : i32 to vector<16xi32>
      %add3A_433 = arith.addi %add3A_432, %iota3A_431 : vector<16xi32>
      %ge3A_434 = vector.broadcast %squeeze3A : i32 to vector<16xi32>
      %ge3A_435 = arith.cmpi sge, %add3A_433, %ge3A_434 : vector<16xi32>
      %lt3A_436 = vector.broadcast %squeeze3A_20 : i32 to vector<16xi32>
      %lt3A_437 = arith.cmpi slt, %add3A_433, %lt3A_436 : vector<16xi32>
      %and3A_438 = arith.andi %ge3A_435, %lt3A_437 : vector<16xi1>
      %sub3A_439 = vector.broadcast %mul3A_7 : i32 to vector<16xi32>
      %sub3A_440 = arith.subi %get3A_426, %sub3A_439 : vector<16xi32>
      %jit3A_441 = arith.constant 0 : i32
      %jit3A_442 = arith.constant 159 : i32
      %max3A_443 = vector.broadcast %jit3A_441 : i32 to vector<16xi32>
      %max3A_444 = arith.maxsi %max3A_443, %sub3A_440 : vector<16xi32>
      %min3A_445 = vector.broadcast %jit3A_442 : i32 to vector<16xi32>
      %min3A_446 = arith.minsi %min3A_445, %max3A_444 : vector<16xi32>
      %gather3A_447 = tpu.vector_load_idx %arg11[%min3A_446] : memref<160xf32, #tpu.memory_space<vmem>>[vector<16xi32>], vector<16xf32>,
      %get3A_448 = arith.constant 32 : index
      %get3A_449 = tpu.vector_load %arg14[%get3A_448] {strides = array<i32>} : memref<64xi32, #tpu.memory_space<vmem>>, vector<16xi32>,
      %gather3A_450 = tpu.vector_load_idx %arg12[%get3A_449] : memref<10240xf32, #tpu.memory_space<vmem>>[vector<16xi32>], vector<16xf32>,
      %add3A_451 = arith.addf %gather3A_447, %gather3A_450 : vector<16xf32>
      %mul3A_452 = arith.mulf %get3A_428, %add3A_451 : vector<16xf32>
      %ge3A_453 = arith.constant 0.000000e+00 : f32
      %ge3A_454 = vector.broadcast %ge3A_453 : f32 to vector<16xf32>
      %ge3A_455 = arith.cmpf oge, %mul3A_452, %ge3A_454 : vector<16xf32>
      %mul3A_456 = arith.constant 0.00999999977 : f32
      %mul3A_457 = vector.broadcast %mul3A_456 : f32 to vector<16xf32>
      %mul3A_458 = arith.mulf %mul3A_457, %mul3A_452 : vector<16xf32>
      %select_n3A_459 = arith.select %ge3A_455, %mul3A_452, %mul3A_458 : vector<16xi1>, vector<16xf32>
      %jit3A_460 = arith.constant -2.000000e+00 : f32
      %jit3A_461 = arith.constant 2.000000e+00 : f32
      %max3A_462 = vector.broadcast %jit3A_460 : f32 to vector<16xf32>
      %max3A_463 = arith.maximumf %max3A_462, %select_n3A_459 : vector<16xf32>
      %min3A_464 = vector.broadcast %jit3A_461 : f32 to vector<16xf32>
      %min3A_465 = arith.minimumf %min3A_464, %max3A_463 : vector<16xf32>
      %exp3A_466 = math.exp %min3A_465 : vector<16xf32>
      %jit3A_467 = arith.constant 0.000000e+00 : f32
      %broadcast_in_dim3A_468 = vector.broadcast %jit3A_467 : f32 to vector<16xf32>
      %select_n3A_469 = arith.select %and3A_438, %exp3A_466, %broadcast_in_dim3A_468 : vector<16xi1>, vector<16xf32>
      %swap3A_470 = arith.constant 32 : index
      %swap3A_471 = tpu.vector_load %arg17[%swap3A_470] {strides = array<i32>} : memref<64xf32, #tpu.memory_space<vmem>>, vector<16xf32>,
      tpu.vector_store %arg17[%swap3A_470], %select_n3A_469 {strides = array<i32>} : memref<64xf32, #tpu.memory_space<vmem>>, vector<16xf32>,
      %swap3A_472 = arith.constant 32 : index
      %swap3A_473 = tpu.vector_load %arg16[%swap3A_472] {strides = array<i32>} : memref<64xi32, #tpu.memory_space<vmem>>, vector<16xi32>,
      tpu.vector_store %arg16[%swap3A_472], %min3A_446 {strides = array<i32>} : memref<64xi32, #tpu.memory_space<vmem>>, vector<16xi32>,
      %get3A_474 = arith.constant 48 : index
      %get3A_475 = tpu.vector_load %arg13[%get3A_474] {strides = array<i32>} : memref<64xi32, #tpu.memory_space<vmem>>, vector<16xi32>,
      %get3A_476 = arith.constant 48 : index
      %get3A_477 = tpu.vector_load %arg15[%get3A_476] {strides = array<i32>} : memref<64xf32, #tpu.memory_space<vmem>>, vector<16xf32>,
      %add3A_478 = arith.constant 48 : i32
      %add3A_479 = arith.addi %multiple_of3A, %add3A_478 : i32
      %iota3A_480 = tpu.iota {dimensions = array<i32: 0>} : vector<16xi32>
      %add3A_481 = vector.broadcast %add3A_479 : i32 to vector<16xi32>
      %add3A_482 = arith.addi %add3A_481, %iota3A_480 : vector<16xi32>
      %ge3A_483 = vector.broadcast %squeeze3A : i32 to vector<16xi32>
      %ge3A_484 = arith.cmpi sge, %add3A_482, %ge3A_483 : vector<16xi32>
      %lt3A_485 = vector.broadcast %squeeze3A_20 : i32 to vector<16xi32>
      %lt3A_486 = arith.cmpi slt, %add3A_482, %lt3A_485 : vector<16xi32>
      %and3A_487 = arith.andi %ge3A_484, %lt3A_486 : vector<16xi1>
      %sub3A_488 = vector.broadcast %mul3A_7 : i32 to vector<16xi32>
      %sub3A_489 = arith.subi %get3A_475, %sub3A_488 : vector<16xi32>
      %jit3A_490 = arith.constant 0 : i32
      %jit3A_491 = arith.constant 159 : i32
      %max3A_492 = vector.broadcast %jit3A_490 : i32 to vector<16xi32>
      %max3A_493 = arith.maxsi %max3A_492, %sub3A_489 : vector<16xi32>
      %min3A_494 = vector.broadcast %jit3A_491 : i32 to vector<16xi32>
      %min3A_495 = arith.minsi %min3A_494, %max3A_493 : vector<16xi32>
      %gather3A_496 = tpu.vector_load_idx %arg11[%min3A_495] : memref<160xf32, #tpu.memory_space<vmem>>[vector<16xi32>], vector<16xf32>,
      %get3A_497 = arith.constant 48 : index
      %get3A_498 = tpu.vector_load %arg14[%get3A_497] {strides = array<i32>} : memref<64xi32, #tpu.memory_space<vmem>>, vector<16xi32>,
      %gather3A_499 = tpu.vector_load_idx %arg12[%get3A_498] : memref<10240xf32, #tpu.memory_space<vmem>>[vector<16xi32>], vector<16xf32>,
      %add3A_500 = arith.addf %gather3A_496, %gather3A_499 : vector<16xf32>
      %mul3A_501 = arith.mulf %get3A_477, %add3A_500 : vector<16xf32>
      %ge3A_502 = arith.constant 0.000000e+00 : f32
      %ge3A_503 = vector.broadcast %ge3A_502 : f32 to vector<16xf32>
      %ge3A_504 = arith.cmpf oge, %mul3A_501, %ge3A_503 : vector<16xf32>
      %mul3A_505 = arith.constant 0.00999999977 : f32
      %mul3A_506 = vector.broadcast %mul3A_505 : f32 to vector<16xf32>
      %mul3A_507 = arith.mulf %mul3A_506, %mul3A_501 : vector<16xf32>
      %select_n3A_508 = arith.select %ge3A_504, %mul3A_501, %mul3A_507 : vector<16xi1>, vector<16xf32>
      %jit3A_509 = arith.constant -2.000000e+00 : f32
      %jit3A_510 = arith.constant 2.000000e+00 : f32
      %max3A_511 = vector.broadcast %jit3A_509 : f32 to vector<16xf32>
      %max3A_512 = arith.maximumf %max3A_511, %select_n3A_508 : vector<16xf32>
      %min3A_513 = vector.broadcast %jit3A_510 : f32 to vector<16xf32>
      %min3A_514 = arith.minimumf %min3A_513, %max3A_512 : vector<16xf32>
      %exp3A_515 = math.exp %min3A_514 : vector<16xf32>
      %jit3A_516 = arith.constant 0.000000e+00 : f32
      %broadcast_in_dim3A_517 = vector.broadcast %jit3A_516 : f32 to vector<16xf32>
      %select_n3A_518 = arith.select %and3A_487, %exp3A_515, %broadcast_in_dim3A_517 : vector<16xi1>, vector<16xf32>
      %swap3A_519 = arith.constant 48 : index
      %swap3A_520 = tpu.vector_load %arg17[%swap3A_519] {strides = array<i32>} : memref<64xf32, #tpu.memory_space<vmem>>, vector<16xf32>,
      tpu.vector_store %arg17[%swap3A_519], %select_n3A_518 {strides = array<i32>} : memref<64xf32, #tpu.memory_space<vmem>>, vector<16xf32>,
      %swap3A_521 = arith.constant 48 : index
      %swap3A_522 = tpu.vector_load %arg16[%swap3A_521] {strides = array<i32>} : memref<64xi32, #tpu.memory_space<vmem>>, vector<16xi32>,
      tpu.vector_store %arg16[%swap3A_521], %min3A_495 {strides = array<i32>} : memref<64xi32, #tpu.memory_space<vmem>>, vector<16xi32>,
      "tpu.region"() ({
        %run_scoped3A = tpu.sem_alloc : memref<!tpu.dma_semaphore, #tpu.memory_space<semaphore_mem>>
        %dma_start3A_742 = tpu.memref_slice %arg5[%multiple_of3A_330] : memref<160256xi32, #tpu.memory_space<hbm>> -> memref<64xi32, #tpu.memory_space<hbm>>
        %dma_start3A_743 = tpu.memref_slice %arg5[%multiple_of3A_330] : memref<160256xi32, #tpu.memory_space<hbm>> -> memref<64xi32, #tpu.memory_space<hbm>>
        tpu.enqueue_dma source(%dma_start3A_743 : memref<64xi32, #tpu.memory_space<hbm>>) target(%arg19 : memref<64xi32, #tpu.memory_space<vmem>>) target_semaphore(%run_scoped3A : memref<!tpu.dma_semaphore, #tpu.memory_space<semaphore_mem>>)
        %dma_wait3A_744 = tpu.memref_slice %arg5[%multiple_of3A_330] : memref<160256xi32, #tpu.memory_space<hbm>> -> memref<64xi32, #tpu.memory_space<hbm>>
        %dma_wait3A_745 = tpu.memref_slice %arg5[%multiple_of3A_330] : memref<160256xi32, #tpu.memory_space<hbm>> -> memref<64xi32, #tpu.memory_space<hbm>>
        tpu.wait_dma2 semaphore(%run_scoped3A : memref<!tpu.dma_semaphore, #tpu.memory_space<semaphore_mem>>) src(%dma_wait3A_745 : memref<64xi32, #tpu.memory_space<hbm>>) dst(%arg19 : memref<64xi32, #tpu.memory_space<vmem>>)
        tpu.yield
      }) : () -> ()
      "tpu.region"() ({
        %run_scoped3A = tpu.sem_alloc : memref<!tpu.dma_semaphore, #tpu.memory_space<semaphore_mem>>
        %dma_start3A_742 = tpu.memref_slice %arg6[%multiple_of3A_330] : memref<160256xi32, #tpu.memory_space<hbm>> -> memref<64xi32, #tpu.memory_space<hbm>>
        %dma_start3A_743 = tpu.memref_slice %arg6[%multiple_of3A_330] : memref<160256xi32, #tpu.memory_space<hbm>> -> memref<64xi32, #tpu.memory_space<hbm>>
        tpu.enqueue_dma source(%dma_start3A_743 : memref<64xi32, #tpu.memory_space<hbm>>) target(%arg20 : memref<64xi32, #tpu.memory_space<vmem>>) target_semaphore(%run_scoped3A : memref<!tpu.dma_semaphore, #tpu.memory_space<semaphore_mem>>)
        %dma_wait3A_744 = tpu.memref_slice %arg6[%multiple_of3A_330] : memref<160256xi32, #tpu.memory_space<hbm>> -> memref<64xi32, #tpu.memory_space<hbm>>
        %dma_wait3A_745 = tpu.memref_slice %arg6[%multiple_of3A_330] : memref<160256xi32, #tpu.memory_space<hbm>> -> memref<64xi32, #tpu.memory_space<hbm>>
        tpu.wait_dma2 semaphore(%run_scoped3A : memref<!tpu.dma_semaphore, #tpu.memory_space<semaphore_mem>>) src(%dma_wait3A_745 : memref<64xi32, #tpu.memory_space<hbm>>) dst(%arg20 : memref<64xi32, #tpu.memory_space<vmem>>)
        tpu.yield
      }) : () -> ()
      "tpu.region"() ({
        %run_scoped3A = tpu.sem_alloc : memref<!tpu.dma_semaphore, #tpu.memory_space<semaphore_mem>>
        %dma_start3A_742 = tpu.memref_slice %arg7[%multiple_of3A_330] : memref<160256xf32, #tpu.memory_space<hbm>> -> memref<64xf32, #tpu.memory_space<hbm>>
        %dma_start3A_743 = tpu.memref_slice %arg7[%multiple_of3A_330] : memref<160256xf32, #tpu.memory_space<hbm>> -> memref<64xf32, #tpu.memory_space<hbm>>
        tpu.enqueue_dma source(%dma_start3A_743 : memref<64xf32, #tpu.memory_space<hbm>>) target(%arg21 : memref<64xf32, #tpu.memory_space<vmem>>) target_semaphore(%run_scoped3A : memref<!tpu.dma_semaphore, #tpu.memory_space<semaphore_mem>>)
        %dma_wait3A_744 = tpu.memref_slice %arg7[%multiple_of3A_330] : memref<160256xf32, #tpu.memory_space<hbm>> -> memref<64xf32, #tpu.memory_space<hbm>>
        %dma_wait3A_745 = tpu.memref_slice %arg7[%multiple_of3A_330] : memref<160256xf32, #tpu.memory_space<hbm>> -> memref<64xf32, #tpu.memory_space<hbm>>
        tpu.wait_dma2 semaphore(%run_scoped3A : memref<!tpu.dma_semaphore, #tpu.memory_space<semaphore_mem>>) src(%dma_wait3A_745 : memref<64xf32, #tpu.memory_space<hbm>>) dst(%arg21 : memref<64xf32, #tpu.memory_space<vmem>>)
        tpu.yield
      }) : () -> ()
      %dma_start3A_523 = arith.constant 0 : i32
      %dma_start3A_524 = arith.constant 0 : i32
      %dma_start3A_525 = tpu.memref_slice %arg2[%dma_start3A_523, %dma_start3A_524] : memref<10000x256xf32, #tpu.memory_space<hbm>> -> memref<10000x256xf32, #tpu.memory_space<hbm>>
      tpu.enqueue_indirect_dma source(%dma_start3A_525 : memref<10000x256xf32, #tpu.memory_space<hbm>>) target(%arg24 : memref<64x256xf32, #tpu.memory_space<vmem>>) offsets(%arg20 : memref<64xi32, #tpu.memory_space<vmem>>) semaphore(%arg28 : memref<!tpu.dma_semaphore, #tpu.memory_space<semaphore_mem>>)
      %dma_wait3A = arith.constant 0 : i32
      %dma_wait3A_526 = arith.constant 0 : i32
      %dma_wait3A_527 = tpu.memref_slice %arg2[%dma_wait3A, %dma_wait3A_526] : memref<10000x256xf32, #tpu.memory_space<hbm>> -> memref<10000x256xf32, #tpu.memory_space<hbm>>
      tpu.wait_indirect_dma semaphore(%arg27 : memref<!tpu.dma_semaphore, #tpu.memory_space<semaphore_mem>>) src(%dma_wait3A_527 : memref<10000x256xf32, #tpu.memory_space<hbm>>) dst(%arg18 : memref<64x256xf32, #tpu.memory_space<vmem>>)
      %scan3A_528 = arith.constant 0 : i32
      %scan3A_529 = arith.constant 0 : i32
      %scan3A_530 = arith.constant 64 : i32
      %scan3A_531 = arith.addi %scan3A_529, %scan3A_530 : i32
      %scan3A_532 = arith.constant 1 : i32
      %scan3A_533 = scf.for %scan3A_742 = %scan3A_529 to %scan3A_531 step %scan3A_532 iter_args(%scan3A_743 = %scan3A_528) -> (i32)  : i32 {
        %broadcast_in_dim3A_744 = vector.broadcast %scan3A_742 : i32 to vector<16xi32>
        %gather3A_745 = tpu.vector_load_idx %arg16[%broadcast_in_dim3A_744] : memref<64xi32, #tpu.memory_space<vmem>>[vector<16xi32>], vector<16xi32>,
        %slice3A_746 = vector.extract_strided_slice %gather3A_745 {offsets = [0], sizes = [1], strides = [1]} : vector<16xi32> to vector<1xi32>
        %squeeze3A_747 = vector.extract %slice3A_746[0] : i32 from vector<1xi32>
        %gather3A_748 = tpu.vector_load_idx %arg17[%broadcast_in_dim3A_744] : memref<64xf32, #tpu.memory_space<vmem>>[vector<16xi32>], vector<16xf32>,
        %swap3A_749 = arith.index_cast %squeeze3A_747 : i32 to index
        %swap3A_750 = arith.constant 0 : index
        %swap3A_751 = tpu.vector_load %arg26[%swap3A_749, %swap3A_750] {strides = array<i32>} : memref<160x16xf32, #tpu.memory_space<vmem>>, vector<16xf32>,
        tpu.vector_store %arg26[%swap3A_749, %swap3A_750], %gather3A_748 {add = true, strides = array<i32>} : memref<160x16xf32, #tpu.memory_space<vmem>>, vector<16xf32>,
        %get3A_752 = arith.index_cast %scan3A_742 : i32 to index
        %get3A_753 = arith.constant 0 : index
        %get3A_754 = tpu.vector_load %arg18[%get3A_752, %get3A_753] {strides = array<i32>} : memref<64x256xf32, #tpu.memory_space<vmem>>, vector<16xf32>,
        %mul3A_755 = arith.mulf %get3A_754, %gather3A_748 : vector<16xf32>
        %swap3A_756 = arith.index_cast %squeeze3A_747 : i32 to index
        %swap3A_757 = arith.constant 0 : index
        %swap3A_758 = tpu.vector_load %arg25[%swap3A_756, %swap3A_757] {strides = array<i32>} : memref<160x256xf32, #tpu.memory_space<vmem>>, vector<16xf32>,
        tpu.vector_store %arg25[%swap3A_756, %swap3A_757], %mul3A_755 {add = true, strides = array<i32>} : memref<160x256xf32, #tpu.memory_space<vmem>>, vector<16xf32>,
        %get3A_759 = arith.index_cast %scan3A_742 : i32 to index
        %get3A_760 = arith.constant 16 : index
        %get3A_761 = tpu.vector_load %arg18[%get3A_759, %get3A_760] {strides = array<i32>} : memref<64x256xf32, #tpu.memory_space<vmem>>, vector<16xf32>,
        %mul3A_762 = arith.mulf %get3A_761, %gather3A_748 : vector<16xf32>
        %swap3A_763 = arith.index_cast %squeeze3A_747 : i32 to index
        %swap3A_764 = arith.constant 16 : index
        %swap3A_765 = tpu.vector_load %arg25[%swap3A_763, %swap3A_764] {strides = array<i32>} : memref<160x256xf32, #tpu.memory_space<vmem>>, vector<16xf32>,
        tpu.vector_store %arg25[%swap3A_763, %swap3A_764], %mul3A_762 {add = true, strides = array<i32>} : memref<160x256xf32, #tpu.memory_space<vmem>>, vector<16xf32>,
        %get3A_766 = arith.index_cast %scan3A_742 : i32 to index
        %get3A_767 = arith.constant 32 : index
        %get3A_768 = tpu.vector_load %arg18[%get3A_766, %get3A_767] {strides = array<i32>} : memref<64x256xf32, #tpu.memory_space<vmem>>, vector<16xf32>,
        %mul3A_769 = arith.mulf %get3A_768, %gather3A_748 : vector<16xf32>
        %swap3A_770 = arith.index_cast %squeeze3A_747 : i32 to index
        %swap3A_771 = arith.constant 32 : index
        %swap3A_772 = tpu.vector_load %arg25[%swap3A_770, %swap3A_771] {strides = array<i32>} : memref<160x256xf32, #tpu.memory_space<vmem>>, vector<16xf32>,
        tpu.vector_store %arg25[%swap3A_770, %swap3A_771], %mul3A_769 {add = true, strides = array<i32>} : memref<160x256xf32, #tpu.memory_space<vmem>>, vector<16xf32>,
        %get3A_773 = arith.index_cast %scan3A_742 : i32 to index
        %get3A_774 = arith.constant 48 : index
        %get3A_775 = tpu.vector_load %arg18[%get3A_773, %get3A_774] {strides = array<i32>} : memref<64x256xf32, #tpu.memory_space<vmem>>, vector<16xf32>,
        %mul3A_776 = arith.mulf %get3A_775, %gather3A_748 : vector<16xf32>
        %swap3A_777 = arith.index_cast %squeeze3A_747 : i32 to index
        %swap3A_778 = arith.constant 48 : index
        %swap3A_779 = tpu.vector_load %arg25[%swap3A_777, %swap3A_778] {strides = array<i32>} : memref<160x256xf32, #tpu.memory_space<vmem>>, vector<16xf32>,
        tpu.vector_store %arg25[%swap3A_777, %swap3A_778], %mul3A_776 {add = true, strides = array<i32>} : memref<160x256xf32, #tpu.memory_space<vmem>>, vector<16xf32>,
        %get3A_780 = arith.index_cast %scan3A_742 : i32 to index
        %get3A_781 = arith.constant 64 : index
        %get3A_782 = tpu.vector_load %arg18[%get3A_780, %get3A_781] {strides = array<i32>} : memref<64x256xf32, #tpu.memory_space<vmem>>, vector<16xf32>,
        %mul3A_783 = arith.mulf %get3A_782, %gather3A_748 : vector<16xf32>
        %swap3A_784 = arith.index_cast %squeeze3A_747 : i32 to index
        %swap3A_785 = arith.constant 64 : index
        %swap3A_786 = tpu.vector_load %arg25[%swap3A_784, %swap3A_785] {strides = array<i32>} : memref<160x256xf32, #tpu.memory_space<vmem>>, vector<16xf32>,
        tpu.vector_store %arg25[%swap3A_784, %swap3A_785], %mul3A_783 {add = true, strides = array<i32>} : memref<160x256xf32, #tpu.memory_space<vmem>>, vector<16xf32>,
        %get3A_787 = arith.index_cast %scan3A_742 : i32 to index
        %get3A_788 = arith.constant 80 : index
        %get3A_789 = tpu.vector_load %arg18[%get3A_787, %get3A_788] {strides = array<i32>} : memref<64x256xf32, #tpu.memory_space<vmem>>, vector<16xf32>,
        %mul3A_790 = arith.mulf %get3A_789, %gather3A_748 : vector<16xf32>
        %swap3A_791 = arith.index_cast %squeeze3A_747 : i32 to index
        %swap3A_792 = arith.constant 80 : index
        %swap3A_793 = tpu.vector_load %arg25[%swap3A_791, %swap3A_792] {strides = array<i32>} : memref<160x256xf32, #tpu.memory_space<vmem>>, vector<16xf32>,
        tpu.vector_store %arg25[%swap3A_791, %swap3A_792], %mul3A_790 {add = true, strides = array<i32>} : memref<160x256xf32, #tpu.memory_space<vmem>>, vector<16xf32>,
        %get3A_794 = arith.index_cast %scan3A_742 : i32 to index
        %get3A_795 = arith.constant 96 : index
        %get3A_796 = tpu.vector_load %arg18[%get3A_794, %get3A_795] {strides = array<i32>} : memref<64x256xf32, #tpu.memory_space<vmem>>, vector<16xf32>,
        %mul3A_797 = arith.mulf %get3A_796, %gather3A_748 : vector<16xf32>
        %swap3A_798 = arith.index_cast %squeeze3A_747 : i32 to index
        %swap3A_799 = arith.constant 96 : index
        %swap3A_800 = tpu.vector_load %arg25[%swap3A_798, %swap3A_799] {strides = array<i32>} : memref<160x256xf32, #tpu.memory_space<vmem>>, vector<16xf32>,
        tpu.vector_store %arg25[%swap3A_798, %swap3A_799], %mul3A_797 {add = true, strides = array<i32>} : memref<160x256xf32, #tpu.memory_space<vmem>>, vector<16xf32>,
        %get3A_801 = arith.index_cast %scan3A_742 : i32 to index
        %get3A_802 = arith.constant 112 : index
        %get3A_803 = tpu.vector_load %arg18[%get3A_801, %get3A_802] {strides = array<i32>} : memref<64x256xf32, #tpu.memory_space<vmem>>, vector<16xf32>,
        %mul3A_804 = arith.mulf %get3A_803, %gather3A_748 : vector<16xf32>
        %swap3A_805 = arith.index_cast %squeeze3A_747 : i32 to index
        %swap3A_806 = arith.constant 112 : index
        %swap3A_807 = tpu.vector_load %arg25[%swap3A_805, %swap3A_806] {strides = array<i32>} : memref<160x256xf32, #tpu.memory_space<vmem>>, vector<16xf32>,
        tpu.vector_store %arg25[%swap3A_805, %swap3A_806], %mul3A_804 {add = true, strides = array<i32>} : memref<160x256xf32, #tpu.memory_space<vmem>>, vector<16xf32>,
        %get3A_808 = arith.index_cast %scan3A_742 : i32 to index
        %get3A_809 = arith.constant 128 : index
        %get3A_810 = tpu.vector_load %arg18[%get3A_808, %get3A_809] {strides = array<i32>} : memref<64x256xf32, #tpu.memory_space<vmem>>, vector<16xf32>,
        %mul3A_811 = arith.mulf %get3A_810, %gather3A_748 : vector<16xf32>
        %swap3A_812 = arith.index_cast %squeeze3A_747 : i32 to index
        %swap3A_813 = arith.constant 128 : index
        %swap3A_814 = tpu.vector_load %arg25[%swap3A_812, %swap3A_813] {strides = array<i32>} : memref<160x256xf32, #tpu.memory_space<vmem>>, vector<16xf32>,
        tpu.vector_store %arg25[%swap3A_812, %swap3A_813], %mul3A_811 {add = true, strides = array<i32>} : memref<160x256xf32, #tpu.memory_space<vmem>>, vector<16xf32>,
        %get3A_815 = arith.index_cast %scan3A_742 : i32 to index
        %get3A_816 = arith.constant 144 : index
        %get3A_817 = tpu.vector_load %arg18[%get3A_815, %get3A_816] {strides = array<i32>} : memref<64x256xf32, #tpu.memory_space<vmem>>, vector<16xf32>,
        %mul3A_818 = arith.mulf %get3A_817, %gather3A_748 : vector<16xf32>
        %swap3A_819 = arith.index_cast %squeeze3A_747 : i32 to index
        %swap3A_820 = arith.constant 144 : index
        %swap3A_821 = tpu.vector_load %arg25[%swap3A_819, %swap3A_820] {strides = array<i32>} : memref<160x256xf32, #tpu.memory_space<vmem>>, vector<16xf32>,
        tpu.vector_store %arg25[%swap3A_819, %swap3A_820], %mul3A_818 {add = true, strides = array<i32>} : memref<160x256xf32, #tpu.memory_space<vmem>>, vector<16xf32>,
        %get3A_822 = arith.index_cast %scan3A_742 : i32 to index
        %get3A_823 = arith.constant 160 : index
        %get3A_824 = tpu.vector_load %arg18[%get3A_822, %get3A_823] {strides = array<i32>} : memref<64x256xf32, #tpu.memory_space<vmem>>, vector<16xf32>,
        %mul3A_825 = arith.mulf %get3A_824, %gather3A_748 : vector<16xf32>
        %swap3A_826 = arith.index_cast %squeeze3A_747 : i32 to index
        %swap3A_827 = arith.constant 160 : index
        %swap3A_828 = tpu.vector_load %arg25[%swap3A_826, %swap3A_827] {strides = array<i32>} : memref<160x256xf32, #tpu.memory_space<vmem>>, vector<16xf32>,
        tpu.vector_store %arg25[%swap3A_826, %swap3A_827], %mul3A_825 {add = true, strides = array<i32>} : memref<160x256xf32, #tpu.memory_space<vmem>>, vector<16xf32>,
        %get3A_829 = arith.index_cast %scan3A_742 : i32 to index
        %get3A_830 = arith.constant 176 : index
        %get3A_831 = tpu.vector_load %arg18[%get3A_829, %get3A_830] {strides = array<i32>} : memref<64x256xf32, #tpu.memory_space<vmem>>, vector<16xf32>,
        %mul3A_832 = arith.mulf %get3A_831, %gather3A_748 : vector<16xf32>
        %swap3A_833 = arith.index_cast %squeeze3A_747 : i32 to index
        %swap3A_834 = arith.constant 176 : index
        %swap3A_835 = tpu.vector_load %arg25[%swap3A_833, %swap3A_834] {strides = array<i32>} : memref<160x256xf32, #tpu.memory_space<vmem>>, vector<16xf32>,
        tpu.vector_store %arg25[%swap3A_833, %swap3A_834], %mul3A_832 {add = true, strides = array<i32>} : memref<160x256xf32, #tpu.memory_space<vmem>>, vector<16xf32>,
        %get3A_836 = arith.index_cast %scan3A_742 : i32 to index
        %get3A_837 = arith.constant 192 : index
        %get3A_838 = tpu.vector_load %arg18[%get3A_836, %get3A_837] {strides = array<i32>} : memref<64x256xf32, #tpu.memory_space<vmem>>, vector<16xf32>,
        %mul3A_839 = arith.mulf %get3A_838, %gather3A_748 : vector<16xf32>
        %swap3A_840 = arith.index_cast %squeeze3A_747 : i32 to index
        %swap3A_841 = arith.constant 192 : index
        %swap3A_842 = tpu.vector_load %arg25[%swap3A_840, %swap3A_841] {strides = array<i32>} : memref<160x256xf32, #tpu.memory_space<vmem>>, vector<16xf32>,
        tpu.vector_store %arg25[%swap3A_840, %swap3A_841], %mul3A_839 {add = true, strides = array<i32>} : memref<160x256xf32, #tpu.memory_space<vmem>>, vector<16xf32>,
        %get3A_843 = arith.index_cast %scan3A_742 : i32 to index
        %get3A_844 = arith.constant 208 : index
        %get3A_845 = tpu.vector_load %arg18[%get3A_843, %get3A_844] {strides = array<i32>} : memref<64x256xf32, #tpu.memory_space<vmem>>, vector<16xf32>,
        %mul3A_846 = arith.mulf %get3A_845, %gather3A_748 : vector<16xf32>
        %swap3A_847 = arith.index_cast %squeeze3A_747 : i32 to index
        %swap3A_848 = arith.constant 208 : index
        %swap3A_849 = tpu.vector_load %arg25[%swap3A_847, %swap3A_848] {strides = array<i32>} : memref<160x256xf32, #tpu.memory_space<vmem>>, vector<16xf32>,
        tpu.vector_store %arg25[%swap3A_847, %swap3A_848], %mul3A_846 {add = true, strides = array<i32>} : memref<160x256xf32, #tpu.memory_space<vmem>>, vector<16xf32>,
        %get3A_850 = arith.index_cast %scan3A_742 : i32 to index
        %get3A_851 = arith.constant 224 : index
        %get3A_852 = tpu.vector_load %arg18[%get3A_850, %get3A_851] {strides = array<i32>} : memref<64x256xf32, #tpu.memory_space<vmem>>, vector<16xf32>,
        %mul3A_853 = arith.mulf %get3A_852, %gather3A_748 : vector<16xf32>
        %swap3A_854 = arith.index_cast %squeeze3A_747 : i32 to index
        %swap3A_855 = arith.constant 224 : index
        %swap3A_856 = tpu.vector_load %arg25[%swap3A_854, %swap3A_855] {strides = array<i32>} : memref<160x256xf32, #tpu.memory_space<vmem>>, vector<16xf32>,
        tpu.vector_store %arg25[%swap3A_854, %swap3A_855], %mul3A_853 {add = true, strides = array<i32>} : memref<160x256xf32, #tpu.memory_space<vmem>>, vector<16xf32>,
        %get3A_857 = arith.index_cast %scan3A_742 : i32 to index
        %get3A_858 = arith.constant 240 : index
        %get3A_859 = tpu.vector_load %arg18[%get3A_857, %get3A_858] {strides = array<i32>} : memref<64x256xf32, #tpu.memory_space<vmem>>, vector<16xf32>,
        %mul3A_860 = arith.mulf %get3A_859, %gather3A_748 : vector<16xf32>
        %swap3A_861 = arith.index_cast %squeeze3A_747 : i32 to index
        %swap3A_862 = arith.constant 240 : index
        %swap3A_863 = tpu.vector_load %arg25[%swap3A_861, %swap3A_862] {strides = array<i32>} : memref<160x256xf32, #tpu.memory_space<vmem>>, vector<16xf32>,
        tpu.vector_store %arg25[%swap3A_861, %swap3A_862], %mul3A_860 {add = true, strides = array<i32>} : memref<160x256xf32, #tpu.memory_space<vmem>>, vector<16xf32>,
        %scan3A_864 = arith.constant 0 : i32
        scf.yield %scan3A_864 : i32
      }
      %scan3A_534 = arith.constant 64 : i32
      %get3A_535 = arith.constant 0 : index
      %get3A_536 = tpu.vector_load %arg19[%get3A_535] {strides = array<i32>} : memref<64xi32, #tpu.memory_space<vmem>>, vector<16xi32>,
      %get3A_537 = arith.constant 0 : index
      %get3A_538 = tpu.vector_load %arg21[%get3A_537] {strides = array<i32>} : memref<64xf32, #tpu.memory_space<vmem>>, vector<16xf32>,
      %add3A_539 = arith.constant 0 : i32
      %add3A_540 = arith.addi %multiple_of3A_330, %add3A_539 : i32
      %iota3A_541 = tpu.iota {dimensions = array<i32: 0>} : vector<16xi32>
      %add3A_542 = vector.broadcast %add3A_540 : i32 to vector<16xi32>
      %add3A_543 = arith.addi %add3A_542, %iota3A_541 : vector<16xi32>
      %ge3A_544 = vector.broadcast %squeeze3A : i32 to vector<16xi32>
      %ge3A_545 = arith.cmpi sge, %add3A_543, %ge3A_544 : vector<16xi32>
      %lt3A_546 = vector.broadcast %squeeze3A_20 : i32 to vector<16xi32>
      %lt3A_547 = arith.cmpi slt, %add3A_543, %lt3A_546 : vector<16xi32>
      %and3A_548 = arith.andi %ge3A_545, %lt3A_547 : vector<16xi1>
      %sub3A_549 = vector.broadcast %mul3A_7 : i32 to vector<16xi32>
      %sub3A_550 = arith.subi %get3A_536, %sub3A_549 : vector<16xi32>
      %jit3A_551 = arith.constant 0 : i32
      %jit3A_552 = arith.constant 159 : i32
      %max3A_553 = vector.broadcast %jit3A_551 : i32 to vector<16xi32>
      %max3A_554 = arith.maxsi %max3A_553, %sub3A_550 : vector<16xi32>
      %min3A_555 = vector.broadcast %jit3A_552 : i32 to vector<16xi32>
      %min3A_556 = arith.minsi %min3A_555, %max3A_554 : vector<16xi32>
      %gather3A_557 = tpu.vector_load_idx %arg11[%min3A_556] : memref<160xf32, #tpu.memory_space<vmem>>[vector<16xi32>], vector<16xf32>,
      %get3A_558 = arith.constant 0 : index
      %get3A_559 = tpu.vector_load %arg20[%get3A_558] {strides = array<i32>} : memref<64xi32, #tpu.memory_space<vmem>>, vector<16xi32>,
      %gather3A_560 = tpu.vector_load_idx %arg12[%get3A_559] : memref<10240xf32, #tpu.memory_space<vmem>>[vector<16xi32>], vector<16xf32>,
      %add3A_561 = arith.addf %gather3A_557, %gather3A_560 : vector<16xf32>
      %mul3A_562 = arith.mulf %get3A_538, %add3A_561 : vector<16xf32>
      %ge3A_563 = arith.constant 0.000000e+00 : f32
      %ge3A_564 = vector.broadcast %ge3A_563 : f32 to vector<16xf32>
      %ge3A_565 = arith.cmpf oge, %mul3A_562, %ge3A_564 : vector<16xf32>
      %mul3A_566 = arith.constant 0.00999999977 : f32
      %mul3A_567 = vector.broadcast %mul3A_566 : f32 to vector<16xf32>
      %mul3A_568 = arith.mulf %mul3A_567, %mul3A_562 : vector<16xf32>
      %select_n3A_569 = arith.select %ge3A_565, %mul3A_562, %mul3A_568 : vector<16xi1>, vector<16xf32>
      %jit3A_570 = arith.constant -2.000000e+00 : f32
      %jit3A_571 = arith.constant 2.000000e+00 : f32
      %max3A_572 = vector.broadcast %jit3A_570 : f32 to vector<16xf32>
      %max3A_573 = arith.maximumf %max3A_572, %select_n3A_569 : vector<16xf32>
      %min3A_574 = vector.broadcast %jit3A_571 : f32 to vector<16xf32>
      %min3A_575 = arith.minimumf %min3A_574, %max3A_573 : vector<16xf32>
      %exp3A_576 = math.exp %min3A_575 : vector<16xf32>
      %jit3A_577 = arith.constant 0.000000e+00 : f32
      %broadcast_in_dim3A_578 = vector.broadcast %jit3A_577 : f32 to vector<16xf32>
      %select_n3A_579 = arith.select %and3A_548, %exp3A_576, %broadcast_in_dim3A_578 : vector<16xi1>, vector<16xf32>
      %swap3A_580 = arith.constant 0 : index
      %swap3A_581 = tpu.vector_load %arg23[%swap3A_580] {strides = array<i32>} : memref<64xf32, #tpu.memory_space<vmem>>, vector<16xf32>,
      tpu.vector_store %arg23[%swap3A_580], %select_n3A_579 {strides = array<i32>} : memref<64xf32, #tpu.memory_space<vmem>>, vector<16xf32>,
      %swap3A_582 = arith.constant 0 : index
      %swap3A_583 = tpu.vector_load %arg22[%swap3A_582] {strides = array<i32>} : memref<64xi32, #tpu.memory_space<vmem>>, vector<16xi32>,
      tpu.vector_store %arg22[%swap3A_582], %min3A_556 {strides = array<i32>} : memref<64xi32, #tpu.memory_space<vmem>>, vector<16xi32>,
      %get3A_584 = arith.constant 16 : index
      %get3A_585 = tpu.vector_load %arg19[%get3A_584] {strides = array<i32>} : memref<64xi32, #tpu.memory_space<vmem>>, vector<16xi32>,
      %get3A_586 = arith.constant 16 : index
      %get3A_587 = tpu.vector_load %arg21[%get3A_586] {strides = array<i32>} : memref<64xf32, #tpu.memory_space<vmem>>, vector<16xf32>,
      %add3A_588 = arith.constant 16 : i32
      %add3A_589 = arith.addi %multiple_of3A_330, %add3A_588 : i32
      %iota3A_590 = tpu.iota {dimensions = array<i32: 0>} : vector<16xi32>
      %add3A_591 = vector.broadcast %add3A_589 : i32 to vector<16xi32>
      %add3A_592 = arith.addi %add3A_591, %iota3A_590 : vector<16xi32>
      %ge3A_593 = vector.broadcast %squeeze3A : i32 to vector<16xi32>
      %ge3A_594 = arith.cmpi sge, %add3A_592, %ge3A_593 : vector<16xi32>
      %lt3A_595 = vector.broadcast %squeeze3A_20 : i32 to vector<16xi32>
      %lt3A_596 = arith.cmpi slt, %add3A_592, %lt3A_595 : vector<16xi32>
      %and3A_597 = arith.andi %ge3A_594, %lt3A_596 : vector<16xi1>
      %sub3A_598 = vector.broadcast %mul3A_7 : i32 to vector<16xi32>
      %sub3A_599 = arith.subi %get3A_585, %sub3A_598 : vector<16xi32>
      %jit3A_600 = arith.constant 0 : i32
      %jit3A_601 = arith.constant 159 : i32
      %max3A_602 = vector.broadcast %jit3A_600 : i32 to vector<16xi32>
      %max3A_603 = arith.maxsi %max3A_602, %sub3A_599 : vector<16xi32>
      %min3A_604 = vector.broadcast %jit3A_601 : i32 to vector<16xi32>
      %min3A_605 = arith.minsi %min3A_604, %max3A_603 : vector<16xi32>
      %gather3A_606 = tpu.vector_load_idx %arg11[%min3A_605] : memref<160xf32, #tpu.memory_space<vmem>>[vector<16xi32>], vector<16xf32>,
      %get3A_607 = arith.constant 16 : index
      %get3A_608 = tpu.vector_load %arg20[%get3A_607] {strides = array<i32>} : memref<64xi32, #tpu.memory_space<vmem>>, vector<16xi32>,
      %gather3A_609 = tpu.vector_load_idx %arg12[%get3A_608] : memref<10240xf32, #tpu.memory_space<vmem>>[vector<16xi32>], vector<16xf32>,
      %add3A_610 = arith.addf %gather3A_606, %gather3A_609 : vector<16xf32>
      %mul3A_611 = arith.mulf %get3A_587, %add3A_610 : vector<16xf32>
      %ge3A_612 = arith.constant 0.000000e+00 : f32
      %ge3A_613 = vector.broadcast %ge3A_612 : f32 to vector<16xf32>
      %ge3A_614 = arith.cmpf oge, %mul3A_611, %ge3A_613 : vector<16xf32>
      %mul3A_615 = arith.constant 0.00999999977 : f32
      %mul3A_616 = vector.broadcast %mul3A_615 : f32 to vector<16xf32>
      %mul3A_617 = arith.mulf %mul3A_616, %mul3A_611 : vector<16xf32>
      %select_n3A_618 = arith.select %ge3A_614, %mul3A_611, %mul3A_617 : vector<16xi1>, vector<16xf32>
      %jit3A_619 = arith.constant -2.000000e+00 : f32
      %jit3A_620 = arith.constant 2.000000e+00 : f32
      %max3A_621 = vector.broadcast %jit3A_619 : f32 to vector<16xf32>
      %max3A_622 = arith.maximumf %max3A_621, %select_n3A_618 : vector<16xf32>
      %min3A_623 = vector.broadcast %jit3A_620 : f32 to vector<16xf32>
      %min3A_624 = arith.minimumf %min3A_623, %max3A_622 : vector<16xf32>
      %exp3A_625 = math.exp %min3A_624 : vector<16xf32>
      %jit3A_626 = arith.constant 0.000000e+00 : f32
      %broadcast_in_dim3A_627 = vector.broadcast %jit3A_626 : f32 to vector<16xf32>
      %select_n3A_628 = arith.select %and3A_597, %exp3A_625, %broadcast_in_dim3A_627 : vector<16xi1>, vector<16xf32>
      %swap3A_629 = arith.constant 16 : index
      %swap3A_630 = tpu.vector_load %arg23[%swap3A_629] {strides = array<i32>} : memref<64xf32, #tpu.memory_space<vmem>>, vector<16xf32>,
      tpu.vector_store %arg23[%swap3A_629], %select_n3A_628 {strides = array<i32>} : memref<64xf32, #tpu.memory_space<vmem>>, vector<16xf32>,
      %swap3A_631 = arith.constant 16 : index
      %swap3A_632 = tpu.vector_load %arg22[%swap3A_631] {strides = array<i32>} : memref<64xi32, #tpu.memory_space<vmem>>, vector<16xi32>,
      tpu.vector_store %arg22[%swap3A_631], %min3A_605 {strides = array<i32>} : memref<64xi32, #tpu.memory_space<vmem>>, vector<16xi32>,
      %get3A_633 = arith.constant 32 : index
      %get3A_634 = tpu.vector_load %arg19[%get3A_633] {strides = array<i32>} : memref<64xi32, #tpu.memory_space<vmem>>, vector<16xi32>,
      %get3A_635 = arith.constant 32 : index
      %get3A_636 = tpu.vector_load %arg21[%get3A_635] {strides = array<i32>} : memref<64xf32, #tpu.memory_space<vmem>>, vector<16xf32>,
      %add3A_637 = arith.constant 32 : i32
      %add3A_638 = arith.addi %multiple_of3A_330, %add3A_637 : i32
      %iota3A_639 = tpu.iota {dimensions = array<i32: 0>} : vector<16xi32>
      %add3A_640 = vector.broadcast %add3A_638 : i32 to vector<16xi32>
      %add3A_641 = arith.addi %add3A_640, %iota3A_639 : vector<16xi32>
      %ge3A_642 = vector.broadcast %squeeze3A : i32 to vector<16xi32>
      %ge3A_643 = arith.cmpi sge, %add3A_641, %ge3A_642 : vector<16xi32>
      %lt3A_644 = vector.broadcast %squeeze3A_20 : i32 to vector<16xi32>
      %lt3A_645 = arith.cmpi slt, %add3A_641, %lt3A_644 : vector<16xi32>
      %and3A_646 = arith.andi %ge3A_643, %lt3A_645 : vector<16xi1>
      %sub3A_647 = vector.broadcast %mul3A_7 : i32 to vector<16xi32>
      %sub3A_648 = arith.subi %get3A_634, %sub3A_647 : vector<16xi32>
      %jit3A_649 = arith.constant 0 : i32
      %jit3A_650 = arith.constant 159 : i32
      %max3A_651 = vector.broadcast %jit3A_649 : i32 to vector<16xi32>
      %max3A_652 = arith.maxsi %max3A_651, %sub3A_648 : vector<16xi32>
      %min3A_653 = vector.broadcast %jit3A_650 : i32 to vector<16xi32>
      %min3A_654 = arith.minsi %min3A_653, %max3A_652 : vector<16xi32>
      %gather3A_655 = tpu.vector_load_idx %arg11[%min3A_654] : memref<160xf32, #tpu.memory_space<vmem>>[vector<16xi32>], vector<16xf32>,
      %get3A_656 = arith.constant 32 : index
      %get3A_657 = tpu.vector_load %arg20[%get3A_656] {strides = array<i32>} : memref<64xi32, #tpu.memory_space<vmem>>, vector<16xi32>,
      %gather3A_658 = tpu.vector_load_idx %arg12[%get3A_657] : memref<10240xf32, #tpu.memory_space<vmem>>[vector<16xi32>], vector<16xf32>,
      %add3A_659 = arith.addf %gather3A_655, %gather3A_658 : vector<16xf32>
      %mul3A_660 = arith.mulf %get3A_636, %add3A_659 : vector<16xf32>
      %ge3A_661 = arith.constant 0.000000e+00 : f32
      %ge3A_662 = vector.broadcast %ge3A_661 : f32 to vector<16xf32>
      %ge3A_663 = arith.cmpf oge, %mul3A_660, %ge3A_662 : vector<16xf32>
      %mul3A_664 = arith.constant 0.00999999977 : f32
      %mul3A_665 = vector.broadcast %mul3A_664 : f32 to vector<16xf32>
      %mul3A_666 = arith.mulf %mul3A_665, %mul3A_660 : vector<16xf32>
      %select_n3A_667 = arith.select %ge3A_663, %mul3A_660, %mul3A_666 : vector<16xi1>, vector<16xf32>
      %jit3A_668 = arith.constant -2.000000e+00 : f32
      %jit3A_669 = arith.constant 2.000000e+00 : f32
      %max3A_670 = vector.broadcast %jit3A_668 : f32 to vector<16xf32>
      %max3A_671 = arith.maximumf %max3A_670, %select_n3A_667 : vector<16xf32>
      %min3A_672 = vector.broadcast %jit3A_669 : f32 to vector<16xf32>
      %min3A_673 = arith.minimumf %min3A_672, %max3A_671 : vector<16xf32>
      %exp3A_674 = math.exp %min3A_673 : vector<16xf32>
      %jit3A_675 = arith.constant 0.000000e+00 : f32
      %broadcast_in_dim3A_676 = vector.broadcast %jit3A_675 : f32 to vector<16xf32>
      %select_n3A_677 = arith.select %and3A_646, %exp3A_674, %broadcast_in_dim3A_676 : vector<16xi1>, vector<16xf32>
      %swap3A_678 = arith.constant 32 : index
      %swap3A_679 = tpu.vector_load %arg23[%swap3A_678] {strides = array<i32>} : memref<64xf32, #tpu.memory_space<vmem>>, vector<16xf32>,
      tpu.vector_store %arg23[%swap3A_678], %select_n3A_677 {strides = array<i32>} : memref<64xf32, #tpu.memory_space<vmem>>, vector<16xf32>,
      %swap3A_680 = arith.constant 32 : index
      %swap3A_681 = tpu.vector_load %arg22[%swap3A_680] {strides = array<i32>} : memref<64xi32, #tpu.memory_space<vmem>>, vector<16xi32>,
      tpu.vector_store %arg22[%swap3A_680], %min3A_654 {strides = array<i32>} : memref<64xi32, #tpu.memory_space<vmem>>, vector<16xi32>,
      %get3A_682 = arith.constant 48 : index
      %get3A_683 = tpu.vector_load %arg19[%get3A_682] {strides = array<i32>} : memref<64xi32, #tpu.memory_space<vmem>>, vector<16xi32>,
      %get3A_684 = arith.constant 48 : index
      %get3A_685 = tpu.vector_load %arg21[%get3A_684] {strides = array<i32>} : memref<64xf32, #tpu.memory_space<vmem>>, vector<16xf32>,
      %add3A_686 = arith.constant 48 : i32
      %add3A_687 = arith.addi %multiple_of3A_330, %add3A_686 : i32
      %iota3A_688 = tpu.iota {dimensions = array<i32: 0>} : vector<16xi32>
      %add3A_689 = vector.broadcast %add3A_687 : i32 to vector<16xi32>
      %add3A_690 = arith.addi %add3A_689, %iota3A_688 : vector<16xi32>
      %ge3A_691 = vector.broadcast %squeeze3A : i32 to vector<16xi32>
      %ge3A_692 = arith.cmpi sge, %add3A_690, %ge3A_691 : vector<16xi32>
      %lt3A_693 = vector.broadcast %squeeze3A_20 : i32 to vector<16xi32>
      %lt3A_694 = arith.cmpi slt, %add3A_690, %lt3A_693 : vector<16xi32>
      %and3A_695 = arith.andi %ge3A_692, %lt3A_694 : vector<16xi1>
      %sub3A_696 = vector.broadcast %mul3A_7 : i32 to vector<16xi32>
      %sub3A_697 = arith.subi %get3A_683, %sub3A_696 : vector<16xi32>
      %jit3A_698 = arith.constant 0 : i32
      %jit3A_699 = arith.constant 159 : i32
      %max3A_700 = vector.broadcast %jit3A_698 : i32 to vector<16xi32>
      %max3A_701 = arith.maxsi %max3A_700, %sub3A_697 : vector<16xi32>
      %min3A_702 = vector.broadcast %jit3A_699 : i32 to vector<16xi32>
      %min3A_703 = arith.minsi %min3A_702, %max3A_701 : vector<16xi32>
      %gather3A_704 = tpu.vector_load_idx %arg11[%min3A_703] : memref<160xf32, #tpu.memory_space<vmem>>[vector<16xi32>], vector<16xf32>,
      %get3A_705 = arith.constant 48 : index
      %get3A_706 = tpu.vector_load %arg20[%get3A_705] {strides = array<i32>} : memref<64xi32, #tpu.memory_space<vmem>>, vector<16xi32>,
      %gather3A_707 = tpu.vector_load_idx %arg12[%get3A_706] : memref<10240xf32, #tpu.memory_space<vmem>>[vector<16xi32>], vector<16xf32>,
      %add3A_708 = arith.addf %gather3A_704, %gather3A_707 : vector<16xf32>
      %mul3A_709 = arith.mulf %get3A_685, %add3A_708 : vector<16xf32>
      %ge3A_710 = arith.constant 0.000000e+00 : f32
      %ge3A_711 = vector.broadcast %ge3A_710 : f32 to vector<16xf32>
      %ge3A_712 = arith.cmpf oge, %mul3A_709, %ge3A_711 : vector<16xf32>
      %mul3A_713 = arith.constant 0.00999999977 : f32
      %mul3A_714 = vector.broadcast %mul3A_713 : f32 to vector<16xf32>
      %mul3A_715 = arith.mulf %mul3A_714, %mul3A_709 : vector<16xf32>
      %select_n3A_716 = arith.select %ge3A_712, %mul3A_709, %mul3A_715 : vector<16xi1>, vector<16xf32>
      %jit3A_717 = arith.constant -2.000000e+00 : f32
      %jit3A_718 = arith.constant 2.000000e+00 : f32
      %max3A_719 = vector.broadcast %jit3A_717 : f32 to vector<16xf32>
      %max3A_720 = arith.maximumf %max3A_719, %select_n3A_716 : vector<16xf32>
      %min3A_721 = vector.broadcast %jit3A_718 : f32 to vector<16xf32>
      %min3A_722 = arith.minimumf %min3A_721, %max3A_720 : vector<16xf32>
      %exp3A_723 = math.exp %min3A_722 : vector<16xf32>
      %jit3A_724 = arith.constant 0.000000e+00 : f32
      %broadcast_in_dim3A_725 = vector.broadcast %jit3A_724 : f32 to vector<16xf32>
      %select_n3A_726 = arith.select %and3A_695, %exp3A_723, %broadcast_in_dim3A_725 : vector<16xi1>, vector<16xf32>
      %swap3A_727 = arith.constant 48 : index
      %swap3A_728 = tpu.vector_load %arg23[%swap3A_727] {strides = array<i32>} : memref<64xf32, #tpu.memory_space<vmem>>, vector<16xf32>,
      tpu.vector_store %arg23[%swap3A_727], %select_n3A_726 {strides = array<i32>} : memref<64xf32, #tpu.memory_space<vmem>>, vector<16xf32>,
      %swap3A_729 = arith.constant 48 : index
      %swap3A_730 = tpu.vector_load %arg22[%swap3A_729] {strides = array<i32>} : memref<64xi32, #tpu.memory_space<vmem>>, vector<16xi32>,
      tpu.vector_store %arg22[%swap3A_729], %min3A_703 {strides = array<i32>} : memref<64xi32, #tpu.memory_space<vmem>>, vector<16xi32>,
      %dma_wait3A_731 = arith.constant 0 : i32
      %dma_wait3A_732 = arith.constant 0 : i32
      %dma_wait3A_733 = tpu.memref_slice %arg2[%dma_wait3A_731, %dma_wait3A_732] : memref<10000x256xf32, #tpu.memory_space<hbm>> -> memref<10000x256xf32, #tpu.memory_space<hbm>>
      tpu.wait_indirect_dma semaphore(%arg28 : memref<!tpu.dma_semaphore, #tpu.memory_space<semaphore_mem>>) src(%dma_wait3A_733 : memref<10000x256xf32, #tpu.memory_space<hbm>>) dst(%arg24 : memref<64x256xf32, #tpu.memory_space<vmem>>)
      %scan3A_734 = arith.constant 0 : i32
      %scan3A_735 = arith.constant 0 : i32
      %scan3A_736 = arith.constant 64 : i32
      %scan3A_737 = arith.addi %scan3A_735, %scan3A_736 : i32
      %scan3A_738 = arith.constant 1 : i32
      %scan3A_739 = scf.for %scan3A_742 = %scan3A_735 to %scan3A_737 step %scan3A_738 iter_args(%scan3A_743 = %scan3A_734) -> (i32)  : i32 {
        %broadcast_in_dim3A_744 = vector.broadcast %scan3A_742 : i32 to vector<16xi32>
        %gather3A_745 = tpu.vector_load_idx %arg22[%broadcast_in_dim3A_744] : memref<64xi32, #tpu.memory_space<vmem>>[vector<16xi32>], vector<16xi32>,
        %slice3A_746 = vector.extract_strided_slice %gather3A_745 {offsets = [0], sizes = [1], strides = [1]} : vector<16xi32> to vector<1xi32>
        %squeeze3A_747 = vector.extract %slice3A_746[0] : i32 from vector<1xi32>
        %gather3A_748 = tpu.vector_load_idx %arg23[%broadcast_in_dim3A_744] : memref<64xf32, #tpu.memory_space<vmem>>[vector<16xi32>], vector<16xf32>,
        %swap3A_749 = arith.index_cast %squeeze3A_747 : i32 to index
        %swap3A_750 = arith.constant 0 : index
        %swap3A_751 = tpu.vector_load %arg26[%swap3A_749, %swap3A_750] {strides = array<i32>} : memref<160x16xf32, #tpu.memory_space<vmem>>, vector<16xf32>,
        tpu.vector_store %arg26[%swap3A_749, %swap3A_750], %gather3A_748 {add = true, strides = array<i32>} : memref<160x16xf32, #tpu.memory_space<vmem>>, vector<16xf32>,
        %get3A_752 = arith.index_cast %scan3A_742 : i32 to index
        %get3A_753 = arith.constant 0 : index
        %get3A_754 = tpu.vector_load %arg24[%get3A_752, %get3A_753] {strides = array<i32>} : memref<64x256xf32, #tpu.memory_space<vmem>>, vector<16xf32>,
        %mul3A_755 = arith.mulf %get3A_754, %gather3A_748 : vector<16xf32>
        %swap3A_756 = arith.index_cast %squeeze3A_747 : i32 to index
        %swap3A_757 = arith.constant 0 : index
        %swap3A_758 = tpu.vector_load %arg25[%swap3A_756, %swap3A_757] {strides = array<i32>} : memref<160x256xf32, #tpu.memory_space<vmem>>, vector<16xf32>,
        tpu.vector_store %arg25[%swap3A_756, %swap3A_757], %mul3A_755 {add = true, strides = array<i32>} : memref<160x256xf32, #tpu.memory_space<vmem>>, vector<16xf32>,
        %get3A_759 = arith.index_cast %scan3A_742 : i32 to index
        %get3A_760 = arith.constant 16 : index
        %get3A_761 = tpu.vector_load %arg24[%get3A_759, %get3A_760] {strides = array<i32>} : memref<64x256xf32, #tpu.memory_space<vmem>>, vector<16xf32>,
        %mul3A_762 = arith.mulf %get3A_761, %gather3A_748 : vector<16xf32>
        %swap3A_763 = arith.index_cast %squeeze3A_747 : i32 to index
        %swap3A_764 = arith.constant 16 : index
        %swap3A_765 = tpu.vector_load %arg25[%swap3A_763, %swap3A_764] {strides = array<i32>} : memref<160x256xf32, #tpu.memory_space<vmem>>, vector<16xf32>,
        tpu.vector_store %arg25[%swap3A_763, %swap3A_764], %mul3A_762 {add = true, strides = array<i32>} : memref<160x256xf32, #tpu.memory_space<vmem>>, vector<16xf32>,
        %get3A_766 = arith.index_cast %scan3A_742 : i32 to index
        %get3A_767 = arith.constant 32 : index
        %get3A_768 = tpu.vector_load %arg24[%get3A_766, %get3A_767] {strides = array<i32>} : memref<64x256xf32, #tpu.memory_space<vmem>>, vector<16xf32>,
        %mul3A_769 = arith.mulf %get3A_768, %gather3A_748 : vector<16xf32>
        %swap3A_770 = arith.index_cast %squeeze3A_747 : i32 to index
        %swap3A_771 = arith.constant 32 : index
        %swap3A_772 = tpu.vector_load %arg25[%swap3A_770, %swap3A_771] {strides = array<i32>} : memref<160x256xf32, #tpu.memory_space<vmem>>, vector<16xf32>,
        tpu.vector_store %arg25[%swap3A_770, %swap3A_771], %mul3A_769 {add = true, strides = array<i32>} : memref<160x256xf32, #tpu.memory_space<vmem>>, vector<16xf32>,
        %get3A_773 = arith.index_cast %scan3A_742 : i32 to index
        %get3A_774 = arith.constant 48 : index
        %get3A_775 = tpu.vector_load %arg24[%get3A_773, %get3A_774] {strides = array<i32>} : memref<64x256xf32, #tpu.memory_space<vmem>>, vector<16xf32>,
        %mul3A_776 = arith.mulf %get3A_775, %gather3A_748 : vector<16xf32>
        %swap3A_777 = arith.index_cast %squeeze3A_747 : i32 to index
        %swap3A_778 = arith.constant 48 : index
        %swap3A_779 = tpu.vector_load %arg25[%swap3A_777, %swap3A_778] {strides = array<i32>} : memref<160x256xf32, #tpu.memory_space<vmem>>, vector<16xf32>,
        tpu.vector_store %arg25[%swap3A_777, %swap3A_778], %mul3A_776 {add = true, strides = array<i32>} : memref<160x256xf32, #tpu.memory_space<vmem>>, vector<16xf32>,
        %get3A_780 = arith.index_cast %scan3A_742 : i32 to index
        %get3A_781 = arith.constant 64 : index
        %get3A_782 = tpu.vector_load %arg24[%get3A_780, %get3A_781] {strides = array<i32>} : memref<64x256xf32, #tpu.memory_space<vmem>>, vector<16xf32>,
        %mul3A_783 = arith.mulf %get3A_782, %gather3A_748 : vector<16xf32>
        %swap3A_784 = arith.index_cast %squeeze3A_747 : i32 to index
        %swap3A_785 = arith.constant 64 : index
        %swap3A_786 = tpu.vector_load %arg25[%swap3A_784, %swap3A_785] {strides = array<i32>} : memref<160x256xf32, #tpu.memory_space<vmem>>, vector<16xf32>,
        tpu.vector_store %arg25[%swap3A_784, %swap3A_785], %mul3A_783 {add = true, strides = array<i32>} : memref<160x256xf32, #tpu.memory_space<vmem>>, vector<16xf32>,
        %get3A_787 = arith.index_cast %scan3A_742 : i32 to index
        %get3A_788 = arith.constant 80 : index
        %get3A_789 = tpu.vector_load %arg24[%get3A_787, %get3A_788] {strides = array<i32>} : memref<64x256xf32, #tpu.memory_space<vmem>>, vector<16xf32>,
        %mul3A_790 = arith.mulf %get3A_789, %gather3A_748 : vector<16xf32>
        %swap3A_791 = arith.index_cast %squeeze3A_747 : i32 to index
        %swap3A_792 = arith.constant 80 : index
        %swap3A_793 = tpu.vector_load %arg25[%swap3A_791, %swap3A_792] {strides = array<i32>} : memref<160x256xf32, #tpu.memory_space<vmem>>, vector<16xf32>,
        tpu.vector_store %arg25[%swap3A_791, %swap3A_792], %mul3A_790 {add = true, strides = array<i32>} : memref<160x256xf32, #tpu.memory_space<vmem>>, vector<16xf32>,
        %get3A_794 = arith.index_cast %scan3A_742 : i32 to index
        %get3A_795 = arith.constant 96 : index
        %get3A_796 = tpu.vector_load %arg24[%get3A_794, %get3A_795] {strides = array<i32>} : memref<64x256xf32, #tpu.memory_space<vmem>>, vector<16xf32>,
        %mul3A_797 = arith.mulf %get3A_796, %gather3A_748 : vector<16xf32>
        %swap3A_798 = arith.index_cast %squeeze3A_747 : i32 to index
        %swap3A_799 = arith.constant 96 : index
        %swap3A_800 = tpu.vector_load %arg25[%swap3A_798, %swap3A_799] {strides = array<i32>} : memref<160x256xf32, #tpu.memory_space<vmem>>, vector<16xf32>,
        tpu.vector_store %arg25[%swap3A_798, %swap3A_799], %mul3A_797 {add = true, strides = array<i32>} : memref<160x256xf32, #tpu.memory_space<vmem>>, vector<16xf32>,
        %get3A_801 = arith.index_cast %scan3A_742 : i32 to index
        %get3A_802 = arith.constant 112 : index
        %get3A_803 = tpu.vector_load %arg24[%get3A_801, %get3A_802] {strides = array<i32>} : memref<64x256xf32, #tpu.memory_space<vmem>>, vector<16xf32>,
        %mul3A_804 = arith.mulf %get3A_803, %gather3A_748 : vector<16xf32>
        %swap3A_805 = arith.index_cast %squeeze3A_747 : i32 to index
        %swap3A_806 = arith.constant 112 : index
        %swap3A_807 = tpu.vector_load %arg25[%swap3A_805, %swap3A_806] {strides = array<i32>} : memref<160x256xf32, #tpu.memory_space<vmem>>, vector<16xf32>,
        tpu.vector_store %arg25[%swap3A_805, %swap3A_806], %mul3A_804 {add = true, strides = array<i32>} : memref<160x256xf32, #tpu.memory_space<vmem>>, vector<16xf32>,
        %get3A_808 = arith.index_cast %scan3A_742 : i32 to index
        %get3A_809 = arith.constant 128 : index
        %get3A_810 = tpu.vector_load %arg24[%get3A_808, %get3A_809] {strides = array<i32>} : memref<64x256xf32, #tpu.memory_space<vmem>>, vector<16xf32>,
        %mul3A_811 = arith.mulf %get3A_810, %gather3A_748 : vector<16xf32>
        %swap3A_812 = arith.index_cast %squeeze3A_747 : i32 to index
        %swap3A_813 = arith.constant 128 : index
        %swap3A_814 = tpu.vector_load %arg25[%swap3A_812, %swap3A_813] {strides = array<i32>} : memref<160x256xf32, #tpu.memory_space<vmem>>, vector<16xf32>,
        tpu.vector_store %arg25[%swap3A_812, %swap3A_813], %mul3A_811 {add = true, strides = array<i32>} : memref<160x256xf32, #tpu.memory_space<vmem>>, vector<16xf32>,
        %get3A_815 = arith.index_cast %scan3A_742 : i32 to index
        %get3A_816 = arith.constant 144 : index
        %get3A_817 = tpu.vector_load %arg24[%get3A_815, %get3A_816] {strides = array<i32>} : memref<64x256xf32, #tpu.memory_space<vmem>>, vector<16xf32>,
        %mul3A_818 = arith.mulf %get3A_817, %gather3A_748 : vector<16xf32>
        %swap3A_819 = arith.index_cast %squeeze3A_747 : i32 to index
        %swap3A_820 = arith.constant 144 : index
        %swap3A_821 = tpu.vector_load %arg25[%swap3A_819, %swap3A_820] {strides = array<i32>} : memref<160x256xf32, #tpu.memory_space<vmem>>, vector<16xf32>,
        tpu.vector_store %arg25[%swap3A_819, %swap3A_820], %mul3A_818 {add = true, strides = array<i32>} : memref<160x256xf32, #tpu.memory_space<vmem>>, vector<16xf32>,
        %get3A_822 = arith.index_cast %scan3A_742 : i32 to index
        %get3A_823 = arith.constant 160 : index
        %get3A_824 = tpu.vector_load %arg24[%get3A_822, %get3A_823] {strides = array<i32>} : memref<64x256xf32, #tpu.memory_space<vmem>>, vector<16xf32>,
        %mul3A_825 = arith.mulf %get3A_824, %gather3A_748 : vector<16xf32>
        %swap3A_826 = arith.index_cast %squeeze3A_747 : i32 to index
        %swap3A_827 = arith.constant 160 : index
        %swap3A_828 = tpu.vector_load %arg25[%swap3A_826, %swap3A_827] {strides = array<i32>} : memref<160x256xf32, #tpu.memory_space<vmem>>, vector<16xf32>,
        tpu.vector_store %arg25[%swap3A_826, %swap3A_827], %mul3A_825 {add = true, strides = array<i32>} : memref<160x256xf32, #tpu.memory_space<vmem>>, vector<16xf32>,
        %get3A_829 = arith.index_cast %scan3A_742 : i32 to index
        %get3A_830 = arith.constant 176 : index
        %get3A_831 = tpu.vector_load %arg24[%get3A_829, %get3A_830] {strides = array<i32>} : memref<64x256xf32, #tpu.memory_space<vmem>>, vector<16xf32>,
        %mul3A_832 = arith.mulf %get3A_831, %gather3A_748 : vector<16xf32>
        %swap3A_833 = arith.index_cast %squeeze3A_747 : i32 to index
        %swap3A_834 = arith.constant 176 : index
        %swap3A_835 = tpu.vector_load %arg25[%swap3A_833, %swap3A_834] {strides = array<i32>} : memref<160x256xf32, #tpu.memory_space<vmem>>, vector<16xf32>,
        tpu.vector_store %arg25[%swap3A_833, %swap3A_834], %mul3A_832 {add = true, strides = array<i32>} : memref<160x256xf32, #tpu.memory_space<vmem>>, vector<16xf32>,
        %get3A_836 = arith.index_cast %scan3A_742 : i32 to index
        %get3A_837 = arith.constant 192 : index
        %get3A_838 = tpu.vector_load %arg24[%get3A_836, %get3A_837] {strides = array<i32>} : memref<64x256xf32, #tpu.memory_space<vmem>>, vector<16xf32>,
        %mul3A_839 = arith.mulf %get3A_838, %gather3A_748 : vector<16xf32>
        %swap3A_840 = arith.index_cast %squeeze3A_747 : i32 to index
        %swap3A_841 = arith.constant 192 : index
        %swap3A_842 = tpu.vector_load %arg25[%swap3A_840, %swap3A_841] {strides = array<i32>} : memref<160x256xf32, #tpu.memory_space<vmem>>, vector<16xf32>,
        tpu.vector_store %arg25[%swap3A_840, %swap3A_841], %mul3A_839 {add = true, strides = array<i32>} : memref<160x256xf32, #tpu.memory_space<vmem>>, vector<16xf32>,
        %get3A_843 = arith.index_cast %scan3A_742 : i32 to index
        %get3A_844 = arith.constant 208 : index
        %get3A_845 = tpu.vector_load %arg24[%get3A_843, %get3A_844] {strides = array<i32>} : memref<64x256xf32, #tpu.memory_space<vmem>>, vector<16xf32>,
        %mul3A_846 = arith.mulf %get3A_845, %gather3A_748 : vector<16xf32>
        %swap3A_847 = arith.index_cast %squeeze3A_747 : i32 to index
        %swap3A_848 = arith.constant 208 : index
        %swap3A_849 = tpu.vector_load %arg25[%swap3A_847, %swap3A_848] {strides = array<i32>} : memref<160x256xf32, #tpu.memory_space<vmem>>, vector<16xf32>,
        tpu.vector_store %arg25[%swap3A_847, %swap3A_848], %mul3A_846 {add = true, strides = array<i32>} : memref<160x256xf32, #tpu.memory_space<vmem>>, vector<16xf32>,
        %get3A_850 = arith.index_cast %scan3A_742 : i32 to index
        %get3A_851 = arith.constant 224 : index
        %get3A_852 = tpu.vector_load %arg24[%get3A_850, %get3A_851] {strides = array<i32>} : memref<64x256xf32, #tpu.memory_space<vmem>>, vector<16xf32>,
        %mul3A_853 = arith.mulf %get3A_852, %gather3A_748 : vector<16xf32>
        %swap3A_854 = arith.index_cast %squeeze3A_747 : i32 to index
        %swap3A_855 = arith.constant 224 : index
        %swap3A_856 = tpu.vector_load %arg25[%swap3A_854, %swap3A_855] {strides = array<i32>} : memref<160x256xf32, #tpu.memory_space<vmem>>, vector<16xf32>,
        tpu.vector_store %arg25[%swap3A_854, %swap3A_855], %mul3A_853 {add = true, strides = array<i32>} : memref<160x256xf32, #tpu.memory_space<vmem>>, vector<16xf32>,
        %get3A_857 = arith.index_cast %scan3A_742 : i32 to index
        %get3A_858 = arith.constant 240 : index
        %get3A_859 = tpu.vector_load %arg24[%get3A_857, %get3A_858] {strides = array<i32>} : memref<64x256xf32, #tpu.memory_space<vmem>>, vector<16xf32>,
        %mul3A_860 = arith.mulf %get3A_859, %gather3A_748 : vector<16xf32>
        %swap3A_861 = arith.index_cast %squeeze3A_747 : i32 to index
        %swap3A_862 = arith.constant 240 : index
        %swap3A_863 = tpu.vector_load %arg25[%swap3A_861, %swap3A_862] {strides = array<i32>} : memref<160x256xf32, #tpu.memory_space<vmem>>, vector<16xf32>,
        tpu.vector_store %arg25[%swap3A_861, %swap3A_862], %mul3A_860 {add = true, strides = array<i32>} : memref<160x256xf32, #tpu.memory_space<vmem>>, vector<16xf32>,
        %scan3A_864 = arith.constant 0 : i32
        scf.yield %scan3A_864 : i32
      }
      %scan3A_740 = arith.constant 64 : i32
      %while3A_741 = arith.constant 0 : i32
      scf.yield %while3A_741 : i32
    }
    %while3A_104 = arith.constant 1 : i32
    %while3A_105 = scf.for %while3A_321 = %while3A_101 to %while3A_97 step %while3A_104 iter_args(%while3A_322 = %while3A_103) -> (i32)  : i32 {
      %mul3A_323 = arith.constant 2 : i32
      %mul3A_324 = arith.muli %mul3A_323, %while3A_321 : i32
      %mul3A_325 = arith.constant 64 : i32
      %mul3A_326 = arith.muli %mul3A_324, %mul3A_325 : i32
      %add3A_327 = arith.addi %mul3A_38, %mul3A_326 : i32
      %multiple_of3A = tpu.assume_multiple %add3A_327, 8 : i32
      %add3A_328 = arith.constant 64 : i32
      %add3A_329 = arith.addi %multiple_of3A, %add3A_328 : i32
      %multiple_of3A_330 = tpu.assume_multiple %add3A_329, 8 : i32
      "tpu.region"() ({
        %run_scoped3A = tpu.sem_alloc : memref<!tpu.dma_semaphore, #tpu.memory_space<semaphore_mem>>
        %dma_start3A_742 = tpu.memref_slice %arg5[%multiple_of3A] : memref<160256xi32, #tpu.memory_space<hbm>> -> memref<64xi32, #tpu.memory_space<hbm>>
        %dma_start3A_743 = tpu.memref_slice %arg5[%multiple_of3A] : memref<160256xi32, #tpu.memory_space<hbm>> -> memref<64xi32, #tpu.memory_space<hbm>>
        tpu.enqueue_dma source(%dma_start3A_743 : memref<64xi32, #tpu.memory_space<hbm>>) target(%arg13 : memref<64xi32, #tpu.memory_space<vmem>>) target_semaphore(%run_scoped3A : memref<!tpu.dma_semaphore, #tpu.memory_space<semaphore_mem>>)
        %dma_wait3A_744 = tpu.memref_slice %arg5[%multiple_of3A] : memref<160256xi32, #tpu.memory_space<hbm>> -> memref<64xi32, #tpu.memory_space<hbm>>
        %dma_wait3A_745 = tpu.memref_slice %arg5[%multiple_of3A] : memref<160256xi32, #tpu.memory_space<hbm>> -> memref<64xi32, #tpu.memory_space<hbm>>
        tpu.wait_dma2 semaphore(%run_scoped3A : memref<!tpu.dma_semaphore, #tpu.memory_space<semaphore_mem>>) src(%dma_wait3A_745 : memref<64xi32, #tpu.memory_space<hbm>>) dst(%arg13 : memref<64xi32, #tpu.memory_space<vmem>>)
        tpu.yield
      }) : () -> ()
      "tpu.region"() ({
        %run_scoped3A = tpu.sem_alloc : memref<!tpu.dma_semaphore, #tpu.memory_space<semaphore_mem>>
        %dma_start3A_742 = tpu.memref_slice %arg6[%multiple_of3A] : memref<160256xi32, #tpu.memory_space<hbm>> -> memref<64xi32, #tpu.memory_space<hbm>>
        %dma_start3A_743 = tpu.memref_slice %arg6[%multiple_of3A] : memref<160256xi32, #tpu.memory_space<hbm>> -> memref<64xi32, #tpu.memory_space<hbm>>
        tpu.enqueue_dma source(%dma_start3A_743 : memref<64xi32, #tpu.memory_space<hbm>>) target(%arg14 : memref<64xi32, #tpu.memory_space<vmem>>) target_semaphore(%run_scoped3A : memref<!tpu.dma_semaphore, #tpu.memory_space<semaphore_mem>>)
        %dma_wait3A_744 = tpu.memref_slice %arg6[%multiple_of3A] : memref<160256xi32, #tpu.memory_space<hbm>> -> memref<64xi32, #tpu.memory_space<hbm>>
        %dma_wait3A_745 = tpu.memref_slice %arg6[%multiple_of3A] : memref<160256xi32, #tpu.memory_space<hbm>> -> memref<64xi32, #tpu.memory_space<hbm>>
        tpu.wait_dma2 semaphore(%run_scoped3A : memref<!tpu.dma_semaphore, #tpu.memory_space<semaphore_mem>>) src(%dma_wait3A_745 : memref<64xi32, #tpu.memory_space<hbm>>) dst(%arg14 : memref<64xi32, #tpu.memory_space<vmem>>)
        tpu.yield
      }) : () -> ()
      "tpu.region"() ({
        %run_scoped3A = tpu.sem_alloc : memref<!tpu.dma_semaphore, #tpu.memory_space<semaphore_mem>>
        %dma_start3A_742 = tpu.memref_slice %arg7[%multiple_of3A] : memref<160256xf32, #tpu.memory_space<hbm>> -> memref<64xf32, #tpu.memory_space<hbm>>
        %dma_start3A_743 = tpu.memref_slice %arg7[%multiple_of3A] : memref<160256xf32, #tpu.memory_space<hbm>> -> memref<64xf32, #tpu.memory_space<hbm>>
        tpu.enqueue_dma source(%dma_start3A_743 : memref<64xf32, #tpu.memory_space<hbm>>) target(%arg15 : memref<64xf32, #tpu.memory_space<vmem>>) target_semaphore(%run_scoped3A : memref<!tpu.dma_semaphore, #tpu.memory_space<semaphore_mem>>)
        %dma_wait3A_744 = tpu.memref_slice %arg7[%multiple_of3A] : memref<160256xf32, #tpu.memory_space<hbm>> -> memref<64xf32, #tpu.memory_space<hbm>>
        %dma_wait3A_745 = tpu.memref_slice %arg7[%multiple_of3A] : memref<160256xf32, #tpu.memory_space<hbm>> -> memref<64xf32, #tpu.memory_space<hbm>>
        tpu.wait_dma2 semaphore(%run_scoped3A : memref<!tpu.dma_semaphore, #tpu.memory_space<semaphore_mem>>) src(%dma_wait3A_745 : memref<64xf32, #tpu.memory_space<hbm>>) dst(%arg15 : memref<64xf32, #tpu.memory_space<vmem>>)
        tpu.yield
      }) : () -> ()
      %dma_start3A = arith.constant 0 : i32
      %dma_start3A_331 = arith.constant 0 : i32
      %dma_start3A_332 = tpu.memref_slice %arg2[%dma_start3A, %dma_start3A_331] : memref<10000x256xf32, #tpu.memory_space<hbm>> -> memref<10000x256xf32, #tpu.memory_space<hbm>>
      tpu.enqueue_indirect_dma source(%dma_start3A_332 : memref<10000x256xf32, #tpu.memory_space<hbm>>) target(%arg18 : memref<64x256xf32, #tpu.memory_space<vmem>>) offsets(%arg14 : memref<64xi32, #tpu.memory_space<vmem>>) semaphore(%arg27 : memref<!tpu.dma_semaphore, #tpu.memory_space<semaphore_mem>>)
      %get3A = arith.constant 0 : index
      %get3A_333 = tpu.vector_load %arg13[%get3A] {strides = array<i32>} : memref<64xi32, #tpu.memory_space<vmem>>, vector<16xi32>,
      %get3A_334 = arith.constant 0 : index
      %get3A_335 = tpu.vector_load %arg15[%get3A_334] {strides = array<i32>} : memref<64xf32, #tpu.memory_space<vmem>>, vector<16xf32>,
      %add3A_336 = arith.constant 0 : i32
      %add3A_337 = arith.addi %multiple_of3A, %add3A_336 : i32
      %iota3A = tpu.iota {dimensions = array<i32: 0>} : vector<16xi32>
      %add3A_338 = vector.broadcast %add3A_337 : i32 to vector<16xi32>
      %add3A_339 = arith.addi %add3A_338, %iota3A : vector<16xi32>
      %ge3A = vector.broadcast %squeeze3A : i32 to vector<16xi32>
      %ge3A_340 = arith.cmpi sge, %add3A_339, %ge3A : vector<16xi32>
      %lt3A = vector.broadcast %squeeze3A_20 : i32 to vector<16xi32>
      %lt3A_341 = arith.cmpi slt, %add3A_339, %lt3A : vector<16xi32>
      %and3A_342 = arith.andi %ge3A_340, %lt3A_341 : vector<16xi1>
      %sub3A_343 = vector.broadcast %mul3A_7 : i32 to vector<16xi32>
      %sub3A_344 = arith.subi %get3A_333, %sub3A_343 : vector<16xi32>
      %jit3A_345 = arith.constant 0 : i32
      %jit3A_346 = arith.constant 159 : i32
      %max3A_347 = vector.broadcast %jit3A_345 : i32 to vector<16xi32>
      %max3A_348 = arith.maxsi %max3A_347, %sub3A_344 : vector<16xi32>
      %min3A_349 = vector.broadcast %jit3A_346 : i32 to vector<16xi32>
      %min3A_350 = arith.minsi %min3A_349, %max3A_348 : vector<16xi32>
      %gather3A_351 = tpu.vector_load_idx %arg11[%min3A_350] : memref<160xf32, #tpu.memory_space<vmem>>[vector<16xi32>], vector<16xf32>,
      %get3A_352 = arith.constant 0 : index
      %get3A_353 = tpu.vector_load %arg14[%get3A_352] {strides = array<i32>} : memref<64xi32, #tpu.memory_space<vmem>>, vector<16xi32>,
      %gather3A_354 = tpu.vector_load_idx %arg12[%get3A_353] : memref<10240xf32, #tpu.memory_space<vmem>>[vector<16xi32>], vector<16xf32>,
      %add3A_355 = arith.addf %gather3A_351, %gather3A_354 : vector<16xf32>
      %mul3A_356 = arith.mulf %get3A_335, %add3A_355 : vector<16xf32>
      %ge3A_357 = arith.constant 0.000000e+00 : f32
      %ge3A_358 = vector.broadcast %ge3A_357 : f32 to vector<16xf32>
      %ge3A_359 = arith.cmpf oge, %mul3A_356, %ge3A_358 : vector<16xf32>
      %mul3A_360 = arith.constant 0.00999999977 : f32
      %mul3A_361 = vector.broadcast %mul3A_360 : f32 to vector<16xf32>
      %mul3A_362 = arith.mulf %mul3A_361, %mul3A_356 : vector<16xf32>
      %select_n3A_363 = arith.select %ge3A_359, %mul3A_356, %mul3A_362 : vector<16xi1>, vector<16xf32>
      %jit3A_364 = arith.constant -2.000000e+00 : f32
      %jit3A_365 = arith.constant 2.000000e+00 : f32
      %max3A_366 = vector.broadcast %jit3A_364 : f32 to vector<16xf32>
      %max3A_367 = arith.maximumf %max3A_366, %select_n3A_363 : vector<16xf32>
      %min3A_368 = vector.broadcast %jit3A_365 : f32 to vector<16xf32>
      %min3A_369 = arith.minimumf %min3A_368, %max3A_367 : vector<16xf32>
      %exp3A = math.exp %min3A_369 : vector<16xf32>
      %jit3A_370 = arith.constant 0.000000e+00 : f32
      %broadcast_in_dim3A_371 = vector.broadcast %jit3A_370 : f32 to vector<16xf32>
      %select_n3A_372 = arith.select %and3A_342, %exp3A, %broadcast_in_dim3A_371 : vector<16xi1>, vector<16xf32>
      %swap3A = arith.constant 0 : index
      %swap3A_373 = tpu.vector_load %arg17[%swap3A] {strides = array<i32>} : memref<64xf32, #tpu.memory_space<vmem>>, vector<16xf32>,
      tpu.vector_store %arg17[%swap3A], %select_n3A_372 {strides = array<i32>} : memref<64xf32, #tpu.memory_space<vmem>>, vector<16xf32>,
      %swap3A_374 = arith.constant 0 : index
      %swap3A_375 = tpu.vector_load %arg16[%swap3A_374] {strides = array<i32>} : memref<64xi32, #tpu.memory_space<vmem>>, vector<16xi32>,
      tpu.vector_store %arg16[%swap3A_374], %min3A_350 {strides = array<i32>} : memref<64xi32, #tpu.memory_space<vmem>>, vector<16xi32>,
      %get3A_376 = arith.constant 16 : index
      %get3A_377 = tpu.vector_load %arg13[%get3A_376] {strides = array<i32>} : memref<64xi32, #tpu.memory_space<vmem>>, vector<16xi32>,
      %get3A_378 = arith.constant 16 : index
      %get3A_379 = tpu.vector_load %arg15[%get3A_378] {strides = array<i32>} : memref<64xf32, #tpu.memory_space<vmem>>, vector<16xf32>,
      %add3A_380 = arith.constant 16 : i32
      %add3A_381 = arith.addi %multiple_of3A, %add3A_380 : i32
      %iota3A_382 = tpu.iota {dimensions = array<i32: 0>} : vector<16xi32>
      %add3A_383 = vector.broadcast %add3A_381 : i32 to vector<16xi32>
      %add3A_384 = arith.addi %add3A_383, %iota3A_382 : vector<16xi32>
      %ge3A_385 = vector.broadcast %squeeze3A : i32 to vector<16xi32>
      %ge3A_386 = arith.cmpi sge, %add3A_384, %ge3A_385 : vector<16xi32>
      %lt3A_387 = vector.broadcast %squeeze3A_20 : i32 to vector<16xi32>
      %lt3A_388 = arith.cmpi slt, %add3A_384, %lt3A_387 : vector<16xi32>
      %and3A_389 = arith.andi %ge3A_386, %lt3A_388 : vector<16xi1>
      %sub3A_390 = vector.broadcast %mul3A_7 : i32 to vector<16xi32>
      %sub3A_391 = arith.subi %get3A_377, %sub3A_390 : vector<16xi32>
      %jit3A_392 = arith.constant 0 : i32
      %jit3A_393 = arith.constant 159 : i32
      %max3A_394 = vector.broadcast %jit3A_392 : i32 to vector<16xi32>
      %max3A_395 = arith.maxsi %max3A_394, %sub3A_391 : vector<16xi32>
      %min3A_396 = vector.broadcast %jit3A_393 : i32 to vector<16xi32>
      %min3A_397 = arith.minsi %min3A_396, %max3A_395 : vector<16xi32>
      %gather3A_398 = tpu.vector_load_idx %arg11[%min3A_397] : memref<160xf32, #tpu.memory_space<vmem>>[vector<16xi32>], vector<16xf32>,
      %get3A_399 = arith.constant 16 : index
      %get3A_400 = tpu.vector_load %arg14[%get3A_399] {strides = array<i32>} : memref<64xi32, #tpu.memory_space<vmem>>, vector<16xi32>,
      %gather3A_401 = tpu.vector_load_idx %arg12[%get3A_400] : memref<10240xf32, #tpu.memory_space<vmem>>[vector<16xi32>], vector<16xf32>,
      %add3A_402 = arith.addf %gather3A_398, %gather3A_401 : vector<16xf32>
      %mul3A_403 = arith.mulf %get3A_379, %add3A_402 : vector<16xf32>
      %ge3A_404 = arith.constant 0.000000e+00 : f32
      %ge3A_405 = vector.broadcast %ge3A_404 : f32 to vector<16xf32>
      %ge3A_406 = arith.cmpf oge, %mul3A_403, %ge3A_405 : vector<16xf32>
      %mul3A_407 = arith.constant 0.00999999977 : f32
      %mul3A_408 = vector.broadcast %mul3A_407 : f32 to vector<16xf32>
      %mul3A_409 = arith.mulf %mul3A_408, %mul3A_403 : vector<16xf32>
      %select_n3A_410 = arith.select %ge3A_406, %mul3A_403, %mul3A_409 : vector<16xi1>, vector<16xf32>
      %jit3A_411 = arith.constant -2.000000e+00 : f32
      %jit3A_412 = arith.constant 2.000000e+00 : f32
      %max3A_413 = vector.broadcast %jit3A_411 : f32 to vector<16xf32>
      %max3A_414 = arith.maximumf %max3A_413, %select_n3A_410 : vector<16xf32>
      %min3A_415 = vector.broadcast %jit3A_412 : f32 to vector<16xf32>
      %min3A_416 = arith.minimumf %min3A_415, %max3A_414 : vector<16xf32>
      %exp3A_417 = math.exp %min3A_416 : vector<16xf32>
      %jit3A_418 = arith.constant 0.000000e+00 : f32
      %broadcast_in_dim3A_419 = vector.broadcast %jit3A_418 : f32 to vector<16xf32>
      %select_n3A_420 = arith.select %and3A_389, %exp3A_417, %broadcast_in_dim3A_419 : vector<16xi1>, vector<16xf32>
      %swap3A_421 = arith.constant 16 : index
      %swap3A_422 = tpu.vector_load %arg17[%swap3A_421] {strides = array<i32>} : memref<64xf32, #tpu.memory_space<vmem>>, vector<16xf32>,
      tpu.vector_store %arg17[%swap3A_421], %select_n3A_420 {strides = array<i32>} : memref<64xf32, #tpu.memory_space<vmem>>, vector<16xf32>,
      %swap3A_423 = arith.constant 16 : index
      %swap3A_424 = tpu.vector_load %arg16[%swap3A_423] {strides = array<i32>} : memref<64xi32, #tpu.memory_space<vmem>>, vector<16xi32>,
      tpu.vector_store %arg16[%swap3A_423], %min3A_397 {strides = array<i32>} : memref<64xi32, #tpu.memory_space<vmem>>, vector<16xi32>,
      %get3A_425 = arith.constant 32 : index
      %get3A_426 = tpu.vector_load %arg13[%get3A_425] {strides = array<i32>} : memref<64xi32, #tpu.memory_space<vmem>>, vector<16xi32>,
      %get3A_427 = arith.constant 32 : index
      %get3A_428 = tpu.vector_load %arg15[%get3A_427] {strides = array<i32>} : memref<64xf32, #tpu.memory_space<vmem>>, vector<16xf32>,
      %add3A_429 = arith.constant 32 : i32
      %add3A_430 = arith.addi %multiple_of3A, %add3A_429 : i32
      %iota3A_431 = tpu.iota {dimensions = array<i32: 0>} : vector<16xi32>
      %add3A_432 = vector.broadcast %add3A_430 : i32 to vector<16xi32>
      %add3A_433 = arith.addi %add3A_432, %iota3A_431 : vector<16xi32>
      %ge3A_434 = vector.broadcast %squeeze3A : i32 to vector<16xi32>
      %ge3A_435 = arith.cmpi sge, %add3A_433, %ge3A_434 : vector<16xi32>
      %lt3A_436 = vector.broadcast %squeeze3A_20 : i32 to vector<16xi32>
      %lt3A_437 = arith.cmpi slt, %add3A_433, %lt3A_436 : vector<16xi32>
      %and3A_438 = arith.andi %ge3A_435, %lt3A_437 : vector<16xi1>
      %sub3A_439 = vector.broadcast %mul3A_7 : i32 to vector<16xi32>
      %sub3A_440 = arith.subi %get3A_426, %sub3A_439 : vector<16xi32>
      %jit3A_441 = arith.constant 0 : i32
      %jit3A_442 = arith.constant 159 : i32
      %max3A_443 = vector.broadcast %jit3A_441 : i32 to vector<16xi32>
      %max3A_444 = arith.maxsi %max3A_443, %sub3A_440 : vector<16xi32>
      %min3A_445 = vector.broadcast %jit3A_442 : i32 to vector<16xi32>
      %min3A_446 = arith.minsi %min3A_445, %max3A_444 : vector<16xi32>
      %gather3A_447 = tpu.vector_load_idx %arg11[%min3A_446] : memref<160xf32, #tpu.memory_space<vmem>>[vector<16xi32>], vector<16xf32>,
      %get3A_448 = arith.constant 32 : index
      %get3A_449 = tpu.vector_load %arg14[%get3A_448] {strides = array<i32>} : memref<64xi32, #tpu.memory_space<vmem>>, vector<16xi32>,
      %gather3A_450 = tpu.vector_load_idx %arg12[%get3A_449] : memref<10240xf32, #tpu.memory_space<vmem>>[vector<16xi32>], vector<16xf32>,
      %add3A_451 = arith.addf %gather3A_447, %gather3A_450 : vector<16xf32>
      %mul3A_452 = arith.mulf %get3A_428, %add3A_451 : vector<16xf32>
      %ge3A_453 = arith.constant 0.000000e+00 : f32
      %ge3A_454 = vector.broadcast %ge3A_453 : f32 to vector<16xf32>
      %ge3A_455 = arith.cmpf oge, %mul3A_452, %ge3A_454 : vector<16xf32>
      %mul3A_456 = arith.constant 0.00999999977 : f32
      %mul3A_457 = vector.broadcast %mul3A_456 : f32 to vector<16xf32>
      %mul3A_458 = arith.mulf %mul3A_457, %mul3A_452 : vector<16xf32>
      %select_n3A_459 = arith.select %ge3A_455, %mul3A_452, %mul3A_458 : vector<16xi1>, vector<16xf32>
      %jit3A_460 = arith.constant -2.000000e+00 : f32
      %jit3A_461 = arith.constant 2.000000e+00 : f32
      %max3A_462 = vector.broadcast %jit3A_460 : f32 to vector<16xf32>
      %max3A_463 = arith.maximumf %max3A_462, %select_n3A_459 : vector<16xf32>
      %min3A_464 = vector.broadcast %jit3A_461 : f32 to vector<16xf32>
      %min3A_465 = arith.minimumf %min3A_464, %max3A_463 : vector<16xf32>
      %exp3A_466 = math.exp %min3A_465 : vector<16xf32>
      %jit3A_467 = arith.constant 0.000000e+00 : f32
      %broadcast_in_dim3A_468 = vector.broadcast %jit3A_467 : f32 to vector<16xf32>
      %select_n3A_469 = arith.select %and3A_438, %exp3A_466, %broadcast_in_dim3A_468 : vector<16xi1>, vector<16xf32>
      %swap3A_470 = arith.constant 32 : index
      %swap3A_471 = tpu.vector_load %arg17[%swap3A_470] {strides = array<i32>} : memref<64xf32, #tpu.memory_space<vmem>>, vector<16xf32>,
      tpu.vector_store %arg17[%swap3A_470], %select_n3A_469 {strides = array<i32>} : memref<64xf32, #tpu.memory_space<vmem>>, vector<16xf32>,
      %swap3A_472 = arith.constant 32 : index
      %swap3A_473 = tpu.vector_load %arg16[%swap3A_472] {strides = array<i32>} : memref<64xi32, #tpu.memory_space<vmem>>, vector<16xi32>,
      tpu.vector_store %arg16[%swap3A_472], %min3A_446 {strides = array<i32>} : memref<64xi32, #tpu.memory_space<vmem>>, vector<16xi32>,
      %get3A_474 = arith.constant 48 : index
      %get3A_475 = tpu.vector_load %arg13[%get3A_474] {strides = array<i32>} : memref<64xi32, #tpu.memory_space<vmem>>, vector<16xi32>,
      %get3A_476 = arith.constant 48 : index
      %get3A_477 = tpu.vector_load %arg15[%get3A_476] {strides = array<i32>} : memref<64xf32, #tpu.memory_space<vmem>>, vector<16xf32>,
      %add3A_478 = arith.constant 48 : i32
      %add3A_479 = arith.addi %multiple_of3A, %add3A_478 : i32
      %iota3A_480 = tpu.iota {dimensions = array<i32: 0>} : vector<16xi32>
      %add3A_481 = vector.broadcast %add3A_479 : i32 to vector<16xi32>
      %add3A_482 = arith.addi %add3A_481, %iota3A_480 : vector<16xi32>
      %ge3A_483 = vector.broadcast %squeeze3A : i32 to vector<16xi32>
      %ge3A_484 = arith.cmpi sge, %add3A_482, %ge3A_483 : vector<16xi32>
      %lt3A_485 = vector.broadcast %squeeze3A_20 : i32 to vector<16xi32>
      %lt3A_486 = arith.cmpi slt, %add3A_482, %lt3A_485 : vector<16xi32>
      %and3A_487 = arith.andi %ge3A_484, %lt3A_486 : vector<16xi1>
      %sub3A_488 = vector.broadcast %mul3A_7 : i32 to vector<16xi32>
      %sub3A_489 = arith.subi %get3A_475, %sub3A_488 : vector<16xi32>
      %jit3A_490 = arith.constant 0 : i32
      %jit3A_491 = arith.constant 159 : i32
      %max3A_492 = vector.broadcast %jit3A_490 : i32 to vector<16xi32>
      %max3A_493 = arith.maxsi %max3A_492, %sub3A_489 : vector<16xi32>
      %min3A_494 = vector.broadcast %jit3A_491 : i32 to vector<16xi32>
      %min3A_495 = arith.minsi %min3A_494, %max3A_493 : vector<16xi32>
      %gather3A_496 = tpu.vector_load_idx %arg11[%min3A_495] : memref<160xf32, #tpu.memory_space<vmem>>[vector<16xi32>], vector<16xf32>,
      %get3A_497 = arith.constant 48 : index
      %get3A_498 = tpu.vector_load %arg14[%get3A_497] {strides = array<i32>} : memref<64xi32, #tpu.memory_space<vmem>>, vector<16xi32>,
      %gather3A_499 = tpu.vector_load_idx %arg12[%get3A_498] : memref<10240xf32, #tpu.memory_space<vmem>>[vector<16xi32>], vector<16xf32>,
      %add3A_500 = arith.addf %gather3A_496, %gather3A_499 : vector<16xf32>
      %mul3A_501 = arith.mulf %get3A_477, %add3A_500 : vector<16xf32>
      %ge3A_502 = arith.constant 0.000000e+00 : f32
      %ge3A_503 = vector.broadcast %ge3A_502 : f32 to vector<16xf32>
      %ge3A_504 = arith.cmpf oge, %mul3A_501, %ge3A_503 : vector<16xf32>
      %mul3A_505 = arith.constant 0.00999999977 : f32
      %mul3A_506 = vector.broadcast %mul3A_505 : f32 to vector<16xf32>
      %mul3A_507 = arith.mulf %mul3A_506, %mul3A_501 : vector<16xf32>
      %select_n3A_508 = arith.select %ge3A_504, %mul3A_501, %mul3A_507 : vector<16xi1>, vector<16xf32>
      %jit3A_509 = arith.constant -2.000000e+00 : f32
      %jit3A_510 = arith.constant 2.000000e+00 : f32
      %max3A_511 = vector.broadcast %jit3A_509 : f32 to vector<16xf32>
      %max3A_512 = arith.maximumf %max3A_511, %select_n3A_508 : vector<16xf32>
      %min3A_513 = vector.broadcast %jit3A_510 : f32 to vector<16xf32>
      %min3A_514 = arith.minimumf %min3A_513, %max3A_512 : vector<16xf32>
      %exp3A_515 = math.exp %min3A_514 : vector<16xf32>
      %jit3A_516 = arith.constant 0.000000e+00 : f32
      %broadcast_in_dim3A_517 = vector.broadcast %jit3A_516 : f32 to vector<16xf32>
      %select_n3A_518 = arith.select %and3A_487, %exp3A_515, %broadcast_in_dim3A_517 : vector<16xi1>, vector<16xf32>
      %swap3A_519 = arith.constant 48 : index
      %swap3A_520 = tpu.vector_load %arg17[%swap3A_519] {strides = array<i32>} : memref<64xf32, #tpu.memory_space<vmem>>, vector<16xf32>,
      tpu.vector_store %arg17[%swap3A_519], %select_n3A_518 {strides = array<i32>} : memref<64xf32, #tpu.memory_space<vmem>>, vector<16xf32>,
      %swap3A_521 = arith.constant 48 : index
      %swap3A_522 = tpu.vector_load %arg16[%swap3A_521] {strides = array<i32>} : memref<64xi32, #tpu.memory_space<vmem>>, vector<16xi32>,
      tpu.vector_store %arg16[%swap3A_521], %min3A_495 {strides = array<i32>} : memref<64xi32, #tpu.memory_space<vmem>>, vector<16xi32>,
      "tpu.region"() ({
        %run_scoped3A = tpu.sem_alloc : memref<!tpu.dma_semaphore, #tpu.memory_space<semaphore_mem>>
        %dma_start3A_742 = tpu.memref_slice %arg5[%multiple_of3A_330] : memref<160256xi32, #tpu.memory_space<hbm>> -> memref<64xi32, #tpu.memory_space<hbm>>
        %dma_start3A_743 = tpu.memref_slice %arg5[%multiple_of3A_330] : memref<160256xi32, #tpu.memory_space<hbm>> -> memref<64xi32, #tpu.memory_space<hbm>>
        tpu.enqueue_dma source(%dma_start3A_743 : memref<64xi32, #tpu.memory_space<hbm>>) target(%arg19 : memref<64xi32, #tpu.memory_space<vmem>>) target_semaphore(%run_scoped3A : memref<!tpu.dma_semaphore, #tpu.memory_space<semaphore_mem>>)
        %dma_wait3A_744 = tpu.memref_slice %arg5[%multiple_of3A_330] : memref<160256xi32, #tpu.memory_space<hbm>> -> memref<64xi32, #tpu.memory_space<hbm>>
        %dma_wait3A_745 = tpu.memref_slice %arg5[%multiple_of3A_330] : memref<160256xi32, #tpu.memory_space<hbm>> -> memref<64xi32, #tpu.memory_space<hbm>>
        tpu.wait_dma2 semaphore(%run_scoped3A : memref<!tpu.dma_semaphore, #tpu.memory_space<semaphore_mem>>) src(%dma_wait3A_745 : memref<64xi32, #tpu.memory_space<hbm>>) dst(%arg19 : memref<64xi32, #tpu.memory_space<vmem>>)
        tpu.yield
      }) : () -> ()
      "tpu.region"() ({
        %run_scoped3A = tpu.sem_alloc : memref<!tpu.dma_semaphore, #tpu.memory_space<semaphore_mem>>
        %dma_start3A_742 = tpu.memref_slice %arg6[%multiple_of3A_330] : memref<160256xi32, #tpu.memory_space<hbm>> -> memref<64xi32, #tpu.memory_space<hbm>>
        %dma_start3A_743 = tpu.memref_slice %arg6[%multiple_of3A_330] : memref<160256xi32, #tpu.memory_space<hbm>> -> memref<64xi32, #tpu.memory_space<hbm>>
        tpu.enqueue_dma source(%dma_start3A_743 : memref<64xi32, #tpu.memory_space<hbm>>) target(%arg20 : memref<64xi32, #tpu.memory_space<vmem>>) target_semaphore(%run_scoped3A : memref<!tpu.dma_semaphore, #tpu.memory_space<semaphore_mem>>)
        %dma_wait3A_744 = tpu.memref_slice %arg6[%multiple_of3A_330] : memref<160256xi32, #tpu.memory_space<hbm>> -> memref<64xi32, #tpu.memory_space<hbm>>
        %dma_wait3A_745 = tpu.memref_slice %arg6[%multiple_of3A_330] : memref<160256xi32, #tpu.memory_space<hbm>> -> memref<64xi32, #tpu.memory_space<hbm>>
        tpu.wait_dma2 semaphore(%run_scoped3A : memref<!tpu.dma_semaphore, #tpu.memory_space<semaphore_mem>>) src(%dma_wait3A_745 : memref<64xi32, #tpu.memory_space<hbm>>) dst(%arg20 : memref<64xi32, #tpu.memory_space<vmem>>)
        tpu.yield
      }) : () -> ()
      "tpu.region"() ({
        %run_scoped3A = tpu.sem_alloc : memref<!tpu.dma_semaphore, #tpu.memory_space<semaphore_mem>>
        %dma_start3A_742 = tpu.memref_slice %arg7[%multiple_of3A_330] : memref<160256xf32, #tpu.memory_space<hbm>> -> memref<64xf32, #tpu.memory_space<hbm>>
        %dma_start3A_743 = tpu.memref_slice %arg7[%multiple_of3A_330] : memref<160256xf32, #tpu.memory_space<hbm>> -> memref<64xf32, #tpu.memory_space<hbm>>
        tpu.enqueue_dma source(%dma_start3A_743 : memref<64xf32, #tpu.memory_space<hbm>>) target(%arg21 : memref<64xf32, #tpu.memory_space<vmem>>) target_semaphore(%run_scoped3A : memref<!tpu.dma_semaphore, #tpu.memory_space<semaphore_mem>>)
        %dma_wait3A_744 = tpu.memref_slice %arg7[%multiple_of3A_330] : memref<160256xf32, #tpu.memory_space<hbm>> -> memref<64xf32, #tpu.memory_space<hbm>>
        %dma_wait3A_745 = tpu.memref_slice %arg7[%multiple_of3A_330] : memref<160256xf32, #tpu.memory_space<hbm>> -> memref<64xf32, #tpu.memory_space<hbm>>
        tpu.wait_dma2 semaphore(%run_scoped3A : memref<!tpu.dma_semaphore, #tpu.memory_space<semaphore_mem>>) src(%dma_wait3A_745 : memref<64xf32, #tpu.memory_space<hbm>>) dst(%arg21 : memref<64xf32, #tpu.memory_space<vmem>>)
        tpu.yield
      }) : () -> ()
      %dma_start3A_523 = arith.constant 0 : i32
      %dma_start3A_524 = arith.constant 0 : i32
      %dma_start3A_525 = tpu.memref_slice %arg2[%dma_start3A_523, %dma_start3A_524] : memref<10000x256xf32, #tpu.memory_space<hbm>> -> memref<10000x256xf32, #tpu.memory_space<hbm>>
      tpu.enqueue_indirect_dma source(%dma_start3A_525 : memref<10000x256xf32, #tpu.memory_space<hbm>>) target(%arg24 : memref<64x256xf32, #tpu.memory_space<vmem>>) offsets(%arg20 : memref<64xi32, #tpu.memory_space<vmem>>) semaphore(%arg28 : memref<!tpu.dma_semaphore, #tpu.memory_space<semaphore_mem>>)
      %dma_wait3A = arith.constant 0 : i32
      %dma_wait3A_526 = arith.constant 0 : i32
      %dma_wait3A_527 = tpu.memref_slice %arg2[%dma_wait3A, %dma_wait3A_526] : memref<10000x256xf32, #tpu.memory_space<hbm>> -> memref<10000x256xf32, #tpu.memory_space<hbm>>
      tpu.wait_indirect_dma semaphore(%arg27 : memref<!tpu.dma_semaphore, #tpu.memory_space<semaphore_mem>>) src(%dma_wait3A_527 : memref<10000x256xf32, #tpu.memory_space<hbm>>) dst(%arg18 : memref<64x256xf32, #tpu.memory_space<vmem>>)
      %scan3A_528 = arith.constant 0 : i32
      %scan3A_529 = arith.constant 0 : i32
      %scan3A_530 = arith.constant 64 : i32
      %scan3A_531 = arith.addi %scan3A_529, %scan3A_530 : i32
      %scan3A_532 = arith.constant 1 : i32
      %scan3A_533 = scf.for %scan3A_742 = %scan3A_529 to %scan3A_531 step %scan3A_532 iter_args(%scan3A_743 = %scan3A_528) -> (i32)  : i32 {
        %broadcast_in_dim3A_744 = vector.broadcast %scan3A_742 : i32 to vector<16xi32>
        %gather3A_745 = tpu.vector_load_idx %arg16[%broadcast_in_dim3A_744] : memref<64xi32, #tpu.memory_space<vmem>>[vector<16xi32>], vector<16xi32>,
        %slice3A_746 = vector.extract_strided_slice %gather3A_745 {offsets = [0], sizes = [1], strides = [1]} : vector<16xi32> to vector<1xi32>
        %squeeze3A_747 = vector.extract %slice3A_746[0] : i32 from vector<1xi32>
        %gather3A_748 = tpu.vector_load_idx %arg17[%broadcast_in_dim3A_744] : memref<64xf32, #tpu.memory_space<vmem>>[vector<16xi32>], vector<16xf32>,
        %swap3A_749 = arith.index_cast %squeeze3A_747 : i32 to index
        %swap3A_750 = arith.constant 0 : index
        %swap3A_751 = tpu.vector_load %arg26[%swap3A_749, %swap3A_750] {strides = array<i32>} : memref<160x16xf32, #tpu.memory_space<vmem>>, vector<16xf32>,
        tpu.vector_store %arg26[%swap3A_749, %swap3A_750], %gather3A_748 {add = true, strides = array<i32>} : memref<160x16xf32, #tpu.memory_space<vmem>>, vector<16xf32>,
        %get3A_752 = arith.index_cast %scan3A_742 : i32 to index
        %get3A_753 = arith.constant 0 : index
        %get3A_754 = tpu.vector_load %arg18[%get3A_752, %get3A_753] {strides = array<i32>} : memref<64x256xf32, #tpu.memory_space<vmem>>, vector<16xf32>,
        %mul3A_755 = arith.mulf %get3A_754, %gather3A_748 : vector<16xf32>
        %swap3A_756 = arith.index_cast %squeeze3A_747 : i32 to index
        %swap3A_757 = arith.constant 0 : index
        %swap3A_758 = tpu.vector_load %arg25[%swap3A_756, %swap3A_757] {strides = array<i32>} : memref<160x256xf32, #tpu.memory_space<vmem>>, vector<16xf32>,
        tpu.vector_store %arg25[%swap3A_756, %swap3A_757], %mul3A_755 {add = true, strides = array<i32>} : memref<160x256xf32, #tpu.memory_space<vmem>>, vector<16xf32>,
        %get3A_759 = arith.index_cast %scan3A_742 : i32 to index
        %get3A_760 = arith.constant 16 : index
        %get3A_761 = tpu.vector_load %arg18[%get3A_759, %get3A_760] {strides = array<i32>} : memref<64x256xf32, #tpu.memory_space<vmem>>, vector<16xf32>,
        %mul3A_762 = arith.mulf %get3A_761, %gather3A_748 : vector<16xf32>
        %swap3A_763 = arith.index_cast %squeeze3A_747 : i32 to index
        %swap3A_764 = arith.constant 16 : index
        %swap3A_765 = tpu.vector_load %arg25[%swap3A_763, %swap3A_764] {strides = array<i32>} : memref<160x256xf32, #tpu.memory_space<vmem>>, vector<16xf32>,
        tpu.vector_store %arg25[%swap3A_763, %swap3A_764], %mul3A_762 {add = true, strides = array<i32>} : memref<160x256xf32, #tpu.memory_space<vmem>>, vector<16xf32>,
        %get3A_766 = arith.index_cast %scan3A_742 : i32 to index
        %get3A_767 = arith.constant 32 : index
        %get3A_768 = tpu.vector_load %arg18[%get3A_766, %get3A_767] {strides = array<i32>} : memref<64x256xf32, #tpu.memory_space<vmem>>, vector<16xf32>,
        %mul3A_769 = arith.mulf %get3A_768, %gather3A_748 : vector<16xf32>
        %swap3A_770 = arith.index_cast %squeeze3A_747 : i32 to index
        %swap3A_771 = arith.constant 32 : index
        %swap3A_772 = tpu.vector_load %arg25[%swap3A_770, %swap3A_771] {strides = array<i32>} : memref<160x256xf32, #tpu.memory_space<vmem>>, vector<16xf32>,
        tpu.vector_store %arg25[%swap3A_770, %swap3A_771], %mul3A_769 {add = true, strides = array<i32>} : memref<160x256xf32, #tpu.memory_space<vmem>>, vector<16xf32>,
        %get3A_773 = arith.index_cast %scan3A_742 : i32 to index
        %get3A_774 = arith.constant 48 : index
        %get3A_775 = tpu.vector_load %arg18[%get3A_773, %get3A_774] {strides = array<i32>} : memref<64x256xf32, #tpu.memory_space<vmem>>, vector<16xf32>,
        %mul3A_776 = arith.mulf %get3A_775, %gather3A_748 : vector<16xf32>
        %swap3A_777 = arith.index_cast %squeeze3A_747 : i32 to index
        %swap3A_778 = arith.constant 48 : index
        %swap3A_779 = tpu.vector_load %arg25[%swap3A_777, %swap3A_778] {strides = array<i32>} : memref<160x256xf32, #tpu.memory_space<vmem>>, vector<16xf32>,
        tpu.vector_store %arg25[%swap3A_777, %swap3A_778], %mul3A_776 {add = true, strides = array<i32>} : memref<160x256xf32, #tpu.memory_space<vmem>>, vector<16xf32>,
        %get3A_780 = arith.index_cast %scan3A_742 : i32 to index
        %get3A_781 = arith.constant 64 : index
        %get3A_782 = tpu.vector_load %arg18[%get3A_780, %get3A_781] {strides = array<i32>} : memref<64x256xf32, #tpu.memory_space<vmem>>, vector<16xf32>,
        %mul3A_783 = arith.mulf %get3A_782, %gather3A_748 : vector<16xf32>
        %swap3A_784 = arith.index_cast %squeeze3A_747 : i32 to index
        %swap3A_785 = arith.constant 64 : index
        %swap3A_786 = tpu.vector_load %arg25[%swap3A_784, %swap3A_785] {strides = array<i32>} : memref<160x256xf32, #tpu.memory_space<vmem>>, vector<16xf32>,
        tpu.vector_store %arg25[%swap3A_784, %swap3A_785], %mul3A_783 {add = true, strides = array<i32>} : memref<160x256xf32, #tpu.memory_space<vmem>>, vector<16xf32>,
        %get3A_787 = arith.index_cast %scan3A_742 : i32 to index
        %get3A_788 = arith.constant 80 : index
        %get3A_789 = tpu.vector_load %arg18[%get3A_787, %get3A_788] {strides = array<i32>} : memref<64x256xf32, #tpu.memory_space<vmem>>, vector<16xf32>,
        %mul3A_790 = arith.mulf %get3A_789, %gather3A_748 : vector<16xf32>
        %swap3A_791 = arith.index_cast %squeeze3A_747 : i32 to index
        %swap3A_792 = arith.constant 80 : index
        %swap3A_793 = tpu.vector_load %arg25[%swap3A_791, %swap3A_792] {strides = array<i32>} : memref<160x256xf32, #tpu.memory_space<vmem>>, vector<16xf32>,
        tpu.vector_store %arg25[%swap3A_791, %swap3A_792], %mul3A_790 {add = true, strides = array<i32>} : memref<160x256xf32, #tpu.memory_space<vmem>>, vector<16xf32>,
        %get3A_794 = arith.index_cast %scan3A_742 : i32 to index
        %get3A_795 = arith.constant 96 : index
        %get3A_796 = tpu.vector_load %arg18[%get3A_794, %get3A_795] {strides = array<i32>} : memref<64x256xf32, #tpu.memory_space<vmem>>, vector<16xf32>,
        %mul3A_797 = arith.mulf %get3A_796, %gather3A_748 : vector<16xf32>
        %swap3A_798 = arith.index_cast %squeeze3A_747 : i32 to index
        %swap3A_799 = arith.constant 96 : index
        %swap3A_800 = tpu.vector_load %arg25[%swap3A_798, %swap3A_799] {strides = array<i32>} : memref<160x256xf32, #tpu.memory_space<vmem>>, vector<16xf32>,
        tpu.vector_store %arg25[%swap3A_798, %swap3A_799], %mul3A_797 {add = true, strides = array<i32>} : memref<160x256xf32, #tpu.memory_space<vmem>>, vector<16xf32>,
        %get3A_801 = arith.index_cast %scan3A_742 : i32 to index
        %get3A_802 = arith.constant 112 : index
        %get3A_803 = tpu.vector_load %arg18[%get3A_801, %get3A_802] {strides = array<i32>} : memref<64x256xf32, #tpu.memory_space<vmem>>, vector<16xf32>,
        %mul3A_804 = arith.mulf %get3A_803, %gather3A_748 : vector<16xf32>
        %swap3A_805 = arith.index_cast %squeeze3A_747 : i32 to index
        %swap3A_806 = arith.constant 112 : index
        %swap3A_807 = tpu.vector_load %arg25[%swap3A_805, %swap3A_806] {strides = array<i32>} : memref<160x256xf32, #tpu.memory_space<vmem>>, vector<16xf32>,
        tpu.vector_store %arg25[%swap3A_805, %swap3A_806], %mul3A_804 {add = true, strides = array<i32>} : memref<160x256xf32, #tpu.memory_space<vmem>>, vector<16xf32>,
        %get3A_808 = arith.index_cast %scan3A_742 : i32 to index
        %get3A_809 = arith.constant 128 : index
        %get3A_810 = tpu.vector_load %arg18[%get3A_808, %get3A_809] {strides = array<i32>} : memref<64x256xf32, #tpu.memory_space<vmem>>, vector<16xf32>,
        %mul3A_811 = arith.mulf %get3A_810, %gather3A_748 : vector<16xf32>
        %swap3A_812 = arith.index_cast %squeeze3A_747 : i32 to index
        %swap3A_813 = arith.constant 128 : index
        %swap3A_814 = tpu.vector_load %arg25[%swap3A_812, %swap3A_813] {strides = array<i32>} : memref<160x256xf32, #tpu.memory_space<vmem>>, vector<16xf32>,
        tpu.vector_store %arg25[%swap3A_812, %swap3A_813], %mul3A_811 {add = true, strides = array<i32>} : memref<160x256xf32, #tpu.memory_space<vmem>>, vector<16xf32>,
        %get3A_815 = arith.index_cast %scan3A_742 : i32 to index
        %get3A_816 = arith.constant 144 : index
        %get3A_817 = tpu.vector_load %arg18[%get3A_815, %get3A_816] {strides = array<i32>} : memref<64x256xf32, #tpu.memory_space<vmem>>, vector<16xf32>,
        %mul3A_818 = arith.mulf %get3A_817, %gather3A_748 : vector<16xf32>
        %swap3A_819 = arith.index_cast %squeeze3A_747 : i32 to index
        %swap3A_820 = arith.constant 144 : index
        %swap3A_821 = tpu.vector_load %arg25[%swap3A_819, %swap3A_820] {strides = array<i32>} : memref<160x256xf32, #tpu.memory_space<vmem>>, vector<16xf32>,
        tpu.vector_store %arg25[%swap3A_819, %swap3A_820], %mul3A_818 {add = true, strides = array<i32>} : memref<160x256xf32, #tpu.memory_space<vmem>>, vector<16xf32>,
        %get3A_822 = arith.index_cast %scan3A_742 : i32 to index
        %get3A_823 = arith.constant 160 : index
        %get3A_824 = tpu.vector_load %arg18[%get3A_822, %get3A_823] {strides = array<i32>} : memref<64x256xf32, #tpu.memory_space<vmem>>, vector<16xf32>,
        %mul3A_825 = arith.mulf %get3A_824, %gather3A_748 : vector<16xf32>
        %swap3A_826 = arith.index_cast %squeeze3A_747 : i32 to index
        %swap3A_827 = arith.constant 160 : index
        %swap3A_828 = tpu.vector_load %arg25[%swap3A_826, %swap3A_827] {strides = array<i32>} : memref<160x256xf32, #tpu.memory_space<vmem>>, vector<16xf32>,
        tpu.vector_store %arg25[%swap3A_826, %swap3A_827], %mul3A_825 {add = true, strides = array<i32>} : memref<160x256xf32, #tpu.memory_space<vmem>>, vector<16xf32>,
        %get3A_829 = arith.index_cast %scan3A_742 : i32 to index
        %get3A_830 = arith.constant 176 : index
        %get3A_831 = tpu.vector_load %arg18[%get3A_829, %get3A_830] {strides = array<i32>} : memref<64x256xf32, #tpu.memory_space<vmem>>, vector<16xf32>,
        %mul3A_832 = arith.mulf %get3A_831, %gather3A_748 : vector<16xf32>
        %swap3A_833 = arith.index_cast %squeeze3A_747 : i32 to index
        %swap3A_834 = arith.constant 176 : index
        %swap3A_835 = tpu.vector_load %arg25[%swap3A_833, %swap3A_834] {strides = array<i32>} : memref<160x256xf32, #tpu.memory_space<vmem>>, vector<16xf32>,
        tpu.vector_store %arg25[%swap3A_833, %swap3A_834], %mul3A_832 {add = true, strides = array<i32>} : memref<160x256xf32, #tpu.memory_space<vmem>>, vector<16xf32>,
        %get3A_836 = arith.index_cast %scan3A_742 : i32 to index
        %get3A_837 = arith.constant 192 : index
        %get3A_838 = tpu.vector_load %arg18[%get3A_836, %get3A_837] {strides = array<i32>} : memref<64x256xf32, #tpu.memory_space<vmem>>, vector<16xf32>,
        %mul3A_839 = arith.mulf %get3A_838, %gather3A_748 : vector<16xf32>
        %swap3A_840 = arith.index_cast %squeeze3A_747 : i32 to index
        %swap3A_841 = arith.constant 192 : index
        %swap3A_842 = tpu.vector_load %arg25[%swap3A_840, %swap3A_841] {strides = array<i32>} : memref<160x256xf32, #tpu.memory_space<vmem>>, vector<16xf32>,
        tpu.vector_store %arg25[%swap3A_840, %swap3A_841], %mul3A_839 {add = true, strides = array<i32>} : memref<160x256xf32, #tpu.memory_space<vmem>>, vector<16xf32>,
        %get3A_843 = arith.index_cast %scan3A_742 : i32 to index
        %get3A_844 = arith.constant 208 : index
        %get3A_845 = tpu.vector_load %arg18[%get3A_843, %get3A_844] {strides = array<i32>} : memref<64x256xf32, #tpu.memory_space<vmem>>, vector<16xf32>,
        %mul3A_846 = arith.mulf %get3A_845, %gather3A_748 : vector<16xf32>
        %swap3A_847 = arith.index_cast %squeeze3A_747 : i32 to index
        %swap3A_848 = arith.constant 208 : index
        %swap3A_849 = tpu.vector_load %arg25[%swap3A_847, %swap3A_848] {strides = array<i32>} : memref<160x256xf32, #tpu.memory_space<vmem>>, vector<16xf32>,
        tpu.vector_store %arg25[%swap3A_847, %swap3A_848], %mul3A_846 {add = true, strides = array<i32>} : memref<160x256xf32, #tpu.memory_space<vmem>>, vector<16xf32>,
        %get3A_850 = arith.index_cast %scan3A_742 : i32 to index
        %get3A_851 = arith.constant 224 : index
        %get3A_852 = tpu.vector_load %arg18[%get3A_850, %get3A_851] {strides = array<i32>} : memref<64x256xf32, #tpu.memory_space<vmem>>, vector<16xf32>,
        %mul3A_853 = arith.mulf %get3A_852, %gather3A_748 : vector<16xf32>
        %swap3A_854 = arith.index_cast %squeeze3A_747 : i32 to index
        %swap3A_855 = arith.constant 224 : index
        %swap3A_856 = tpu.vector_load %arg25[%swap3A_854, %swap3A_855] {strides = array<i32>} : memref<160x256xf32, #tpu.memory_space<vmem>>, vector<16xf32>,
        tpu.vector_store %arg25[%swap3A_854, %swap3A_855], %mul3A_853 {add = true, strides = array<i32>} : memref<160x256xf32, #tpu.memory_space<vmem>>, vector<16xf32>,
        %get3A_857 = arith.index_cast %scan3A_742 : i32 to index
        %get3A_858 = arith.constant 240 : index
        %get3A_859 = tpu.vector_load %arg18[%get3A_857, %get3A_858] {strides = array<i32>} : memref<64x256xf32, #tpu.memory_space<vmem>>, vector<16xf32>,
        %mul3A_860 = arith.mulf %get3A_859, %gather3A_748 : vector<16xf32>
        %swap3A_861 = arith.index_cast %squeeze3A_747 : i32 to index
        %swap3A_862 = arith.constant 240 : index
        %swap3A_863 = tpu.vector_load %arg25[%swap3A_861, %swap3A_862] {strides = array<i32>} : memref<160x256xf32, #tpu.memory_space<vmem>>, vector<16xf32>,
        tpu.vector_store %arg25[%swap3A_861, %swap3A_862], %mul3A_860 {add = true, strides = array<i32>} : memref<160x256xf32, #tpu.memory_space<vmem>>, vector<16xf32>,
        %scan3A_864 = arith.constant 0 : i32
        scf.yield %scan3A_864 : i32
      }
      %scan3A_534 = arith.constant 64 : i32
      %get3A_535 = arith.constant 0 : index
      %get3A_536 = tpu.vector_load %arg19[%get3A_535] {strides = array<i32>} : memref<64xi32, #tpu.memory_space<vmem>>, vector<16xi32>,
      %get3A_537 = arith.constant 0 : index
      %get3A_538 = tpu.vector_load %arg21[%get3A_537] {strides = array<i32>} : memref<64xf32, #tpu.memory_space<vmem>>, vector<16xf32>,
      %add3A_539 = arith.constant 0 : i32
      %add3A_540 = arith.addi %multiple_of3A_330, %add3A_539 : i32
      %iota3A_541 = tpu.iota {dimensions = array<i32: 0>} : vector<16xi32>
      %add3A_542 = vector.broadcast %add3A_540 : i32 to vector<16xi32>
      %add3A_543 = arith.addi %add3A_542, %iota3A_541 : vector<16xi32>
      %ge3A_544 = vector.broadcast %squeeze3A : i32 to vector<16xi32>
      %ge3A_545 = arith.cmpi sge, %add3A_543, %ge3A_544 : vector<16xi32>
      %lt3A_546 = vector.broadcast %squeeze3A_20 : i32 to vector<16xi32>
      %lt3A_547 = arith.cmpi slt, %add3A_543, %lt3A_546 : vector<16xi32>
      %and3A_548 = arith.andi %ge3A_545, %lt3A_547 : vector<16xi1>
      %sub3A_549 = vector.broadcast %mul3A_7 : i32 to vector<16xi32>
      %sub3A_550 = arith.subi %get3A_536, %sub3A_549 : vector<16xi32>
      %jit3A_551 = arith.constant 0 : i32
      %jit3A_552 = arith.constant 159 : i32
      %max3A_553 = vector.broadcast %jit3A_551 : i32 to vector<16xi32>
      %max3A_554 = arith.maxsi %max3A_553, %sub3A_550 : vector<16xi32>
      %min3A_555 = vector.broadcast %jit3A_552 : i32 to vector<16xi32>
      %min3A_556 = arith.minsi %min3A_555, %max3A_554 : vector<16xi32>
      %gather3A_557 = tpu.vector_load_idx %arg11[%min3A_556] : memref<160xf32, #tpu.memory_space<vmem>>[vector<16xi32>], vector<16xf32>,
      %get3A_558 = arith.constant 0 : index
      %get3A_559 = tpu.vector_load %arg20[%get3A_558] {strides = array<i32>} : memref<64xi32, #tpu.memory_space<vmem>>, vector<16xi32>,
      %gather3A_560 = tpu.vector_load_idx %arg12[%get3A_559] : memref<10240xf32, #tpu.memory_space<vmem>>[vector<16xi32>], vector<16xf32>,
      %add3A_561 = arith.addf %gather3A_557, %gather3A_560 : vector<16xf32>
      %mul3A_562 = arith.mulf %get3A_538, %add3A_561 : vector<16xf32>
      %ge3A_563 = arith.constant 0.000000e+00 : f32
      %ge3A_564 = vector.broadcast %ge3A_563 : f32 to vector<16xf32>
      %ge3A_565 = arith.cmpf oge, %mul3A_562, %ge3A_564 : vector<16xf32>
      %mul3A_566 = arith.constant 0.00999999977 : f32
      %mul3A_567 = vector.broadcast %mul3A_566 : f32 to vector<16xf32>
      %mul3A_568 = arith.mulf %mul3A_567, %mul3A_562 : vector<16xf32>
      %select_n3A_569 = arith.select %ge3A_565, %mul3A_562, %mul3A_568 : vector<16xi1>, vector<16xf32>
      %jit3A_570 = arith.constant -2.000000e+00 : f32
      %jit3A_571 = arith.constant 2.000000e+00 : f32
      %max3A_572 = vector.broadcast %jit3A_570 : f32 to vector<16xf32>
      %max3A_573 = arith.maximumf %max3A_572, %select_n3A_569 : vector<16xf32>
      %min3A_574 = vector.broadcast %jit3A_571 : f32 to vector<16xf32>
      %min3A_575 = arith.minimumf %min3A_574, %max3A_573 : vector<16xf32>
      %exp3A_576 = math.exp %min3A_575 : vector<16xf32>
      %jit3A_577 = arith.constant 0.000000e+00 : f32
      %broadcast_in_dim3A_578 = vector.broadcast %jit3A_577 : f32 to vector<16xf32>
      %select_n3A_579 = arith.select %and3A_548, %exp3A_576, %broadcast_in_dim3A_578 : vector<16xi1>, vector<16xf32>
      %swap3A_580 = arith.constant 0 : index
      %swap3A_581 = tpu.vector_load %arg23[%swap3A_580] {strides = array<i32>} : memref<64xf32, #tpu.memory_space<vmem>>, vector<16xf32>,
      tpu.vector_store %arg23[%swap3A_580], %select_n3A_579 {strides = array<i32>} : memref<64xf32, #tpu.memory_space<vmem>>, vector<16xf32>,
      %swap3A_582 = arith.constant 0 : index
      %swap3A_583 = tpu.vector_load %arg22[%swap3A_582] {strides = array<i32>} : memref<64xi32, #tpu.memory_space<vmem>>, vector<16xi32>,
      tpu.vector_store %arg22[%swap3A_582], %min3A_556 {strides = array<i32>} : memref<64xi32, #tpu.memory_space<vmem>>, vector<16xi32>,
      %get3A_584 = arith.constant 16 : index
      %get3A_585 = tpu.vector_load %arg19[%get3A_584] {strides = array<i32>} : memref<64xi32, #tpu.memory_space<vmem>>, vector<16xi32>,
      %get3A_586 = arith.constant 16 : index
      %get3A_587 = tpu.vector_load %arg21[%get3A_586] {strides = array<i32>} : memref<64xf32, #tpu.memory_space<vmem>>, vector<16xf32>,
      %add3A_588 = arith.constant 16 : i32
      %add3A_589 = arith.addi %multiple_of3A_330, %add3A_588 : i32
      %iota3A_590 = tpu.iota {dimensions = array<i32: 0>} : vector<16xi32>
      %add3A_591 = vector.broadcast %add3A_589 : i32 to vector<16xi32>
      %add3A_592 = arith.addi %add3A_591, %iota3A_590 : vector<16xi32>
      %ge3A_593 = vector.broadcast %squeeze3A : i32 to vector<16xi32>
      %ge3A_594 = arith.cmpi sge, %add3A_592, %ge3A_593 : vector<16xi32>
      %lt3A_595 = vector.broadcast %squeeze3A_20 : i32 to vector<16xi32>
      %lt3A_596 = arith.cmpi slt, %add3A_592, %lt3A_595 : vector<16xi32>
      %and3A_597 = arith.andi %ge3A_594, %lt3A_596 : vector<16xi1>
      %sub3A_598 = vector.broadcast %mul3A_7 : i32 to vector<16xi32>
      %sub3A_599 = arith.subi %get3A_585, %sub3A_598 : vector<16xi32>
      %jit3A_600 = arith.constant 0 : i32
      %jit3A_601 = arith.constant 159 : i32
      %max3A_602 = vector.broadcast %jit3A_600 : i32 to vector<16xi32>
      %max3A_603 = arith.maxsi %max3A_602, %sub3A_599 : vector<16xi32>
      %min3A_604 = vector.broadcast %jit3A_601 : i32 to vector<16xi32>
      %min3A_605 = arith.minsi %min3A_604, %max3A_603 : vector<16xi32>
      %gather3A_606 = tpu.vector_load_idx %arg11[%min3A_605] : memref<160xf32, #tpu.memory_space<vmem>>[vector<16xi32>], vector<16xf32>,
      %get3A_607 = arith.constant 16 : index
      %get3A_608 = tpu.vector_load %arg20[%get3A_607] {strides = array<i32>} : memref<64xi32, #tpu.memory_space<vmem>>, vector<16xi32>,
      %gather3A_609 = tpu.vector_load_idx %arg12[%get3A_608] : memref<10240xf32, #tpu.memory_space<vmem>>[vector<16xi32>], vector<16xf32>,
      %add3A_610 = arith.addf %gather3A_606, %gather3A_609 : vector<16xf32>
      %mul3A_611 = arith.mulf %get3A_587, %add3A_610 : vector<16xf32>
      %ge3A_612 = arith.constant 0.000000e+00 : f32
      %ge3A_613 = vector.broadcast %ge3A_612 : f32 to vector<16xf32>
      %ge3A_614 = arith.cmpf oge, %mul3A_611, %ge3A_613 : vector<16xf32>
      %mul3A_615 = arith.constant 0.00999999977 : f32
      %mul3A_616 = vector.broadcast %mul3A_615 : f32 to vector<16xf32>
      %mul3A_617 = arith.mulf %mul3A_616, %mul3A_611 : vector<16xf32>
      %select_n3A_618 = arith.select %ge3A_614, %mul3A_611, %mul3A_617 : vector<16xi1>, vector<16xf32>
      %jit3A_619 = arith.constant -2.000000e+00 : f32
      %jit3A_620 = arith.constant 2.000000e+00 : f32
      %max3A_621 = vector.broadcast %jit3A_619 : f32 to vector<16xf32>
      %max3A_622 = arith.maximumf %max3A_621, %select_n3A_618 : vector<16xf32>
      %min3A_623 = vector.broadcast %jit3A_620 : f32 to vector<16xf32>
      %min3A_624 = arith.minimumf %min3A_623, %max3A_622 : vector<16xf32>
      %exp3A_625 = math.exp %min3A_624 : vector<16xf32>
      %jit3A_626 = arith.constant 0.000000e+00 : f32
      %broadcast_in_dim3A_627 = vector.broadcast %jit3A_626 : f32 to vector<16xf32>
      %select_n3A_628 = arith.select %and3A_597, %exp3A_625, %broadcast_in_dim3A_627 : vector<16xi1>, vector<16xf32>
      %swap3A_629 = arith.constant 16 : index
      %swap3A_630 = tpu.vector_load %arg23[%swap3A_629] {strides = array<i32>} : memref<64xf32, #tpu.memory_space<vmem>>, vector<16xf32>,
      tpu.vector_store %arg23[%swap3A_629], %select_n3A_628 {strides = array<i32>} : memref<64xf32, #tpu.memory_space<vmem>>, vector<16xf32>,
      %swap3A_631 = arith.constant 16 : index
      %swap3A_632 = tpu.vector_load %arg22[%swap3A_631] {strides = array<i32>} : memref<64xi32, #tpu.memory_space<vmem>>, vector<16xi32>,
      tpu.vector_store %arg22[%swap3A_631], %min3A_605 {strides = array<i32>} : memref<64xi32, #tpu.memory_space<vmem>>, vector<16xi32>,
      %get3A_633 = arith.constant 32 : index
      %get3A_634 = tpu.vector_load %arg19[%get3A_633] {strides = array<i32>} : memref<64xi32, #tpu.memory_space<vmem>>, vector<16xi32>,
      %get3A_635 = arith.constant 32 : index
      %get3A_636 = tpu.vector_load %arg21[%get3A_635] {strides = array<i32>} : memref<64xf32, #tpu.memory_space<vmem>>, vector<16xf32>,
      %add3A_637 = arith.constant 32 : i32
      %add3A_638 = arith.addi %multiple_of3A_330, %add3A_637 : i32
      %iota3A_639 = tpu.iota {dimensions = array<i32: 0>} : vector<16xi32>
      %add3A_640 = vector.broadcast %add3A_638 : i32 to vector<16xi32>
      %add3A_641 = arith.addi %add3A_640, %iota3A_639 : vector<16xi32>
      %ge3A_642 = vector.broadcast %squeeze3A : i32 to vector<16xi32>
      %ge3A_643 = arith.cmpi sge, %add3A_641, %ge3A_642 : vector<16xi32>
      %lt3A_644 = vector.broadcast %squeeze3A_20 : i32 to vector<16xi32>
      %lt3A_645 = arith.cmpi slt, %add3A_641, %lt3A_644 : vector<16xi32>
      %and3A_646 = arith.andi %ge3A_643, %lt3A_645 : vector<16xi1>
      %sub3A_647 = vector.broadcast %mul3A_7 : i32 to vector<16xi32>
      %sub3A_648 = arith.subi %get3A_634, %sub3A_647 : vector<16xi32>
      %jit3A_649 = arith.constant 0 : i32
      %jit3A_650 = arith.constant 159 : i32
      %max3A_651 = vector.broadcast %jit3A_649 : i32 to vector<16xi32>
      %max3A_652 = arith.maxsi %max3A_651, %sub3A_648 : vector<16xi32>
      %min3A_653 = vector.broadcast %jit3A_650 : i32 to vector<16xi32>
      %min3A_654 = arith.minsi %min3A_653, %max3A_652 : vector<16xi32>
      %gather3A_655 = tpu.vector_load_idx %arg11[%min3A_654] : memref<160xf32, #tpu.memory_space<vmem>>[vector<16xi32>], vector<16xf32>,
      %get3A_656 = arith.constant 32 : index
      %get3A_657 = tpu.vector_load %arg20[%get3A_656] {strides = array<i32>} : memref<64xi32, #tpu.memory_space<vmem>>, vector<16xi32>,
      %gather3A_658 = tpu.vector_load_idx %arg12[%get3A_657] : memref<10240xf32, #tpu.memory_space<vmem>>[vector<16xi32>], vector<16xf32>,
      %add3A_659 = arith.addf %gather3A_655, %gather3A_658 : vector<16xf32>
      %mul3A_660 = arith.mulf %get3A_636, %add3A_659 : vector<16xf32>
      %ge3A_661 = arith.constant 0.000000e+00 : f32
      %ge3A_662 = vector.broadcast %ge3A_661 : f32 to vector<16xf32>
      %ge3A_663 = arith.cmpf oge, %mul3A_660, %ge3A_662 : vector<16xf32>
      %mul3A_664 = arith.constant 0.00999999977 : f32
      %mul3A_665 = vector.broadcast %mul3A_664 : f32 to vector<16xf32>
      %mul3A_666 = arith.mulf %mul3A_665, %mul3A_660 : vector<16xf32>
      %select_n3A_667 = arith.select %ge3A_663, %mul3A_660, %mul3A_666 : vector<16xi1>, vector<16xf32>
      %jit3A_668 = arith.constant -2.000000e+00 : f32
      %jit3A_669 = arith.constant 2.000000e+00 : f32
      %max3A_670 = vector.broadcast %jit3A_668 : f32 to vector<16xf32>
      %max3A_671 = arith.maximumf %max3A_670, %select_n3A_667 : vector<16xf32>
      %min3A_672 = vector.broadcast %jit3A_669 : f32 to vector<16xf32>
      %min3A_673 = arith.minimumf %min3A_672, %max3A_671 : vector<16xf32>
      %exp3A_674 = math.exp %min3A_673 : vector<16xf32>
      %jit3A_675 = arith.constant 0.000000e+00 : f32
      %broadcast_in_dim3A_676 = vector.broadcast %jit3A_675 : f32 to vector<16xf32>
      %select_n3A_677 = arith.select %and3A_646, %exp3A_674, %broadcast_in_dim3A_676 : vector<16xi1>, vector<16xf32>
      %swap3A_678 = arith.constant 32 : index
      %swap3A_679 = tpu.vector_load %arg23[%swap3A_678] {strides = array<i32>} : memref<64xf32, #tpu.memory_space<vmem>>, vector<16xf32>,
      tpu.vector_store %arg23[%swap3A_678], %select_n3A_677 {strides = array<i32>} : memref<64xf32, #tpu.memory_space<vmem>>, vector<16xf32>,
      %swap3A_680 = arith.constant 32 : index
      %swap3A_681 = tpu.vector_load %arg22[%swap3A_680] {strides = array<i32>} : memref<64xi32, #tpu.memory_space<vmem>>, vector<16xi32>,
      tpu.vector_store %arg22[%swap3A_680], %min3A_654 {strides = array<i32>} : memref<64xi32, #tpu.memory_space<vmem>>, vector<16xi32>,
      %get3A_682 = arith.constant 48 : index
      %get3A_683 = tpu.vector_load %arg19[%get3A_682] {strides = array<i32>} : memref<64xi32, #tpu.memory_space<vmem>>, vector<16xi32>,
      %get3A_684 = arith.constant 48 : index
      %get3A_685 = tpu.vector_load %arg21[%get3A_684] {strides = array<i32>} : memref<64xf32, #tpu.memory_space<vmem>>, vector<16xf32>,
      %add3A_686 = arith.constant 48 : i32
      %add3A_687 = arith.addi %multiple_of3A_330, %add3A_686 : i32
      %iota3A_688 = tpu.iota {dimensions = array<i32: 0>} : vector<16xi32>
      %add3A_689 = vector.broadcast %add3A_687 : i32 to vector<16xi32>
      %add3A_690 = arith.addi %add3A_689, %iota3A_688 : vector<16xi32>
      %ge3A_691 = vector.broadcast %squeeze3A : i32 to vector<16xi32>
      %ge3A_692 = arith.cmpi sge, %add3A_690, %ge3A_691 : vector<16xi32>
      %lt3A_693 = vector.broadcast %squeeze3A_20 : i32 to vector<16xi32>
      %lt3A_694 = arith.cmpi slt, %add3A_690, %lt3A_693 : vector<16xi32>
      %and3A_695 = arith.andi %ge3A_692, %lt3A_694 : vector<16xi1>
      %sub3A_696 = vector.broadcast %mul3A_7 : i32 to vector<16xi32>
      %sub3A_697 = arith.subi %get3A_683, %sub3A_696 : vector<16xi32>
      %jit3A_698 = arith.constant 0 : i32
      %jit3A_699 = arith.constant 159 : i32
      %max3A_700 = vector.broadcast %jit3A_698 : i32 to vector<16xi32>
      %max3A_701 = arith.maxsi %max3A_700, %sub3A_697 : vector<16xi32>
      %min3A_702 = vector.broadcast %jit3A_699 : i32 to vector<16xi32>
      %min3A_703 = arith.minsi %min3A_702, %max3A_701 : vector<16xi32>
      %gather3A_704 = tpu.vector_load_idx %arg11[%min3A_703] : memref<160xf32, #tpu.memory_space<vmem>>[vector<16xi32>], vector<16xf32>,
      %get3A_705 = arith.constant 48 : index
      %get3A_706 = tpu.vector_load %arg20[%get3A_705] {strides = array<i32>} : memref<64xi32, #tpu.memory_space<vmem>>, vector<16xi32>,
      %gather3A_707 = tpu.vector_load_idx %arg12[%get3A_706] : memref<10240xf32, #tpu.memory_space<vmem>>[vector<16xi32>], vector<16xf32>,
      %add3A_708 = arith.addf %gather3A_704, %gather3A_707 : vector<16xf32>
      %mul3A_709 = arith.mulf %get3A_685, %add3A_708 : vector<16xf32>
      %ge3A_710 = arith.constant 0.000000e+00 : f32
      %ge3A_711 = vector.broadcast %ge3A_710 : f32 to vector<16xf32>
      %ge3A_712 = arith.cmpf oge, %mul3A_709, %ge3A_711 : vector<16xf32>
      %mul3A_713 = arith.constant 0.00999999977 : f32
      %mul3A_714 = vector.broadcast %mul3A_713 : f32 to vector<16xf32>
      %mul3A_715 = arith.mulf %mul3A_714, %mul3A_709 : vector<16xf32>
      %select_n3A_716 = arith.select %ge3A_712, %mul3A_709, %mul3A_715 : vector<16xi1>, vector<16xf32>
      %jit3A_717 = arith.constant -2.000000e+00 : f32
      %jit3A_718 = arith.constant 2.000000e+00 : f32
      %max3A_719 = vector.broadcast %jit3A_717 : f32 to vector<16xf32>
      %max3A_720 = arith.maximumf %max3A_719, %select_n3A_716 : vector<16xf32>
      %min3A_721 = vector.broadcast %jit3A_718 : f32 to vector<16xf32>
      %min3A_722 = arith.minimumf %min3A_721, %max3A_720 : vector<16xf32>
      %exp3A_723 = math.exp %min3A_722 : vector<16xf32>
      %jit3A_724 = arith.constant 0.000000e+00 : f32
      %broadcast_in_dim3A_725 = vector.broadcast %jit3A_724 : f32 to vector<16xf32>
      %select_n3A_726 = arith.select %and3A_695, %exp3A_723, %broadcast_in_dim3A_725 : vector<16xi1>, vector<16xf32>
      %swap3A_727 = arith.constant 48 : index
      %swap3A_728 = tpu.vector_load %arg23[%swap3A_727] {strides = array<i32>} : memref<64xf32, #tpu.memory_space<vmem>>, vector<16xf32>,
      tpu.vector_store %arg23[%swap3A_727], %select_n3A_726 {strides = array<i32>} : memref<64xf32, #tpu.memory_space<vmem>>, vector<16xf32>,
      %swap3A_729 = arith.constant 48 : index
      %swap3A_730 = tpu.vector_load %arg22[%swap3A_729] {strides = array<i32>} : memref<64xi32, #tpu.memory_space<vmem>>, vector<16xi32>,
      tpu.vector_store %arg22[%swap3A_729], %min3A_703 {strides = array<i32>} : memref<64xi32, #tpu.memory_space<vmem>>, vector<16xi32>,
      %dma_wait3A_731 = arith.constant 0 : i32
      %dma_wait3A_732 = arith.constant 0 : i32
      %dma_wait3A_733 = tpu.memref_slice %arg2[%dma_wait3A_731, %dma_wait3A_732] : memref<10000x256xf32, #tpu.memory_space<hbm>> -> memref<10000x256xf32, #tpu.memory_space<hbm>>
      tpu.wait_indirect_dma semaphore(%arg28 : memref<!tpu.dma_semaphore, #tpu.memory_space<semaphore_mem>>) src(%dma_wait3A_733 : memref<10000x256xf32, #tpu.memory_space<hbm>>) dst(%arg24 : memref<64x256xf32, #tpu.memory_space<vmem>>)
      %scan3A_734 = arith.constant 0 : i32
      %scan3A_735 = arith.constant 0 : i32
      %scan3A_736 = arith.constant 64 : i32
      %scan3A_737 = arith.addi %scan3A_735, %scan3A_736 : i32
      %scan3A_738 = arith.constant 1 : i32
      %scan3A_739 = scf.for %scan3A_742 = %scan3A_735 to %scan3A_737 step %scan3A_738 iter_args(%scan3A_743 = %scan3A_734) -> (i32)  : i32 {
        %broadcast_in_dim3A_744 = vector.broadcast %scan3A_742 : i32 to vector<16xi32>
        %gather3A_745 = tpu.vector_load_idx %arg22[%broadcast_in_dim3A_744] : memref<64xi32, #tpu.memory_space<vmem>>[vector<16xi32>], vector<16xi32>,
        %slice3A_746 = vector.extract_strided_slice %gather3A_745 {offsets = [0], sizes = [1], strides = [1]} : vector<16xi32> to vector<1xi32>
        %squeeze3A_747 = vector.extract %slice3A_746[0] : i32 from vector<1xi32>
        %gather3A_748 = tpu.vector_load_idx %arg23[%broadcast_in_dim3A_744] : memref<64xf32, #tpu.memory_space<vmem>>[vector<16xi32>], vector<16xf32>,
        %swap3A_749 = arith.index_cast %squeeze3A_747 : i32 to index
        %swap3A_750 = arith.constant 0 : index
        %swap3A_751 = tpu.vector_load %arg26[%swap3A_749, %swap3A_750] {strides = array<i32>} : memref<160x16xf32, #tpu.memory_space<vmem>>, vector<16xf32>,
        tpu.vector_store %arg26[%swap3A_749, %swap3A_750], %gather3A_748 {add = true, strides = array<i32>} : memref<160x16xf32, #tpu.memory_space<vmem>>, vector<16xf32>,
        %get3A_752 = arith.index_cast %scan3A_742 : i32 to index
        %get3A_753 = arith.constant 0 : index
        %get3A_754 = tpu.vector_load %arg24[%get3A_752, %get3A_753] {strides = array<i32>} : memref<64x256xf32, #tpu.memory_space<vmem>>, vector<16xf32>,
        %mul3A_755 = arith.mulf %get3A_754, %gather3A_748 : vector<16xf32>
        %swap3A_756 = arith.index_cast %squeeze3A_747 : i32 to index
        %swap3A_757 = arith.constant 0 : index
        %swap3A_758 = tpu.vector_load %arg25[%swap3A_756, %swap3A_757] {strides = array<i32>} : memref<160x256xf32, #tpu.memory_space<vmem>>, vector<16xf32>,
        tpu.vector_store %arg25[%swap3A_756, %swap3A_757], %mul3A_755 {add = true, strides = array<i32>} : memref<160x256xf32, #tpu.memory_space<vmem>>, vector<16xf32>,
        %get3A_759 = arith.index_cast %scan3A_742 : i32 to index
        %get3A_760 = arith.constant 16 : index
        %get3A_761 = tpu.vector_load %arg24[%get3A_759, %get3A_760] {strides = array<i32>} : memref<64x256xf32, #tpu.memory_space<vmem>>, vector<16xf32>,
        %mul3A_762 = arith.mulf %get3A_761, %gather3A_748 : vector<16xf32>
        %swap3A_763 = arith.index_cast %squeeze3A_747 : i32 to index
        %swap3A_764 = arith.constant 16 : index
        %swap3A_765 = tpu.vector_load %arg25[%swap3A_763, %swap3A_764] {strides = array<i32>} : memref<160x256xf32, #tpu.memory_space<vmem>>, vector<16xf32>,
        tpu.vector_store %arg25[%swap3A_763, %swap3A_764], %mul3A_762 {add = true, strides = array<i32>} : memref<160x256xf32, #tpu.memory_space<vmem>>, vector<16xf32>,
        %get3A_766 = arith.index_cast %scan3A_742 : i32 to index
        %get3A_767 = arith.constant 32 : index
        %get3A_768 = tpu.vector_load %arg24[%get3A_766, %get3A_767] {strides = array<i32>} : memref<64x256xf32, #tpu.memory_space<vmem>>, vector<16xf32>,
        %mul3A_769 = arith.mulf %get3A_768, %gather3A_748 : vector<16xf32>
        %swap3A_770 = arith.index_cast %squeeze3A_747 : i32 to index
        %swap3A_771 = arith.constant 32 : index
        %swap3A_772 = tpu.vector_load %arg25[%swap3A_770, %swap3A_771] {strides = array<i32>} : memref<160x256xf32, #tpu.memory_space<vmem>>, vector<16xf32>,
        tpu.vector_store %arg25[%swap3A_770, %swap3A_771], %mul3A_769 {add = true, strides = array<i32>} : memref<160x256xf32, #tpu.memory_space<vmem>>, vector<16xf32>,
        %get3A_773 = arith.index_cast %scan3A_742 : i32 to index
        %get3A_774 = arith.constant 48 : index
        %get3A_775 = tpu.vector_load %arg24[%get3A_773, %get3A_774] {strides = array<i32>} : memref<64x256xf32, #tpu.memory_space<vmem>>, vector<16xf32>,
        %mul3A_776 = arith.mulf %get3A_775, %gather3A_748 : vector<16xf32>
        %swap3A_777 = arith.index_cast %squeeze3A_747 : i32 to index
        %swap3A_778 = arith.constant 48 : index
        %swap3A_779 = tpu.vector_load %arg25[%swap3A_777, %swap3A_778] {strides = array<i32>} : memref<160x256xf32, #tpu.memory_space<vmem>>, vector<16xf32>,
        tpu.vector_store %arg25[%swap3A_777, %swap3A_778], %mul3A_776 {add = true, strides = array<i32>} : memref<160x256xf32, #tpu.memory_space<vmem>>, vector<16xf32>,
        %get3A_780 = arith.index_cast %scan3A_742 : i32 to index
        %get3A_781 = arith.constant 64 : index
        %get3A_782 = tpu.vector_load %arg24[%get3A_780, %get3A_781] {strides = array<i32>} : memref<64x256xf32, #tpu.memory_space<vmem>>, vector<16xf32>,
        %mul3A_783 = arith.mulf %get3A_782, %gather3A_748 : vector<16xf32>
        %swap3A_784 = arith.index_cast %squeeze3A_747 : i32 to index
        %swap3A_785 = arith.constant 64 : index
        %swap3A_786 = tpu.vector_load %arg25[%swap3A_784, %swap3A_785] {strides = array<i32>} : memref<160x256xf32, #tpu.memory_space<vmem>>, vector<16xf32>,
        tpu.vector_store %arg25[%swap3A_784, %swap3A_785], %mul3A_783 {add = true, strides = array<i32>} : memref<160x256xf32, #tpu.memory_space<vmem>>, vector<16xf32>,
        %get3A_787 = arith.index_cast %scan3A_742 : i32 to index
        %get3A_788 = arith.constant 80 : index
        %get3A_789 = tpu.vector_load %arg24[%get3A_787, %get3A_788] {strides = array<i32>} : memref<64x256xf32, #tpu.memory_space<vmem>>, vector<16xf32>,
        %mul3A_790 = arith.mulf %get3A_789, %gather3A_748 : vector<16xf32>
        %swap3A_791 = arith.index_cast %squeeze3A_747 : i32 to index
        %swap3A_792 = arith.constant 80 : index
        %swap3A_793 = tpu.vector_load %arg25[%swap3A_791, %swap3A_792] {strides = array<i32>} : memref<160x256xf32, #tpu.memory_space<vmem>>, vector<16xf32>,
        tpu.vector_store %arg25[%swap3A_791, %swap3A_792], %mul3A_790 {add = true, strides = array<i32>} : memref<160x256xf32, #tpu.memory_space<vmem>>, vector<16xf32>,
        %get3A_794 = arith.index_cast %scan3A_742 : i32 to index
        %get3A_795 = arith.constant 96 : index
        %get3A_796 = tpu.vector_load %arg24[%get3A_794, %get3A_795] {strides = array<i32>} : memref<64x256xf32, #tpu.memory_space<vmem>>, vector<16xf32>,
        %mul3A_797 = arith.mulf %get3A_796, %gather3A_748 : vector<16xf32>
        %swap3A_798 = arith.index_cast %squeeze3A_747 : i32 to index
        %swap3A_799 = arith.constant 96 : index
        %swap3A_800 = tpu.vector_load %arg25[%swap3A_798, %swap3A_799] {strides = array<i32>} : memref<160x256xf32, #tpu.memory_space<vmem>>, vector<16xf32>,
        tpu.vector_store %arg25[%swap3A_798, %swap3A_799], %mul3A_797 {add = true, strides = array<i32>} : memref<160x256xf32, #tpu.memory_space<vmem>>, vector<16xf32>,
        %get3A_801 = arith.index_cast %scan3A_742 : i32 to index
        %get3A_802 = arith.constant 112 : index
        %get3A_803 = tpu.vector_load %arg24[%get3A_801, %get3A_802] {strides = array<i32>} : memref<64x256xf32, #tpu.memory_space<vmem>>, vector<16xf32>,
        %mul3A_804 = arith.mulf %get3A_803, %gather3A_748 : vector<16xf32>
        %swap3A_805 = arith.index_cast %squeeze3A_747 : i32 to index
        %swap3A_806 = arith.constant 112 : index
        %swap3A_807 = tpu.vector_load %arg25[%swap3A_805, %swap3A_806] {strides = array<i32>} : memref<160x256xf32, #tpu.memory_space<vmem>>, vector<16xf32>,
        tpu.vector_store %arg25[%swap3A_805, %swap3A_806], %mul3A_804 {add = true, strides = array<i32>} : memref<160x256xf32, #tpu.memory_space<vmem>>, vector<16xf32>,
        %get3A_808 = arith.index_cast %scan3A_742 : i32 to index
        %get3A_809 = arith.constant 128 : index
        %get3A_810 = tpu.vector_load %arg24[%get3A_808, %get3A_809] {strides = array<i32>} : memref<64x256xf32, #tpu.memory_space<vmem>>, vector<16xf32>,
        %mul3A_811 = arith.mulf %get3A_810, %gather3A_748 : vector<16xf32>
        %swap3A_812 = arith.index_cast %squeeze3A_747 : i32 to index
        %swap3A_813 = arith.constant 128 : index
        %swap3A_814 = tpu.vector_load %arg25[%swap3A_812, %swap3A_813] {strides = array<i32>} : memref<160x256xf32, #tpu.memory_space<vmem>>, vector<16xf32>,
        tpu.vector_store %arg25[%swap3A_812, %swap3A_813], %mul3A_811 {add = true, strides = array<i32>} : memref<160x256xf32, #tpu.memory_space<vmem>>, vector<16xf32>,
        %get3A_815 = arith.index_cast %scan3A_742 : i32 to index
        %get3A_816 = arith.constant 144 : index
        %get3A_817 = tpu.vector_load %arg24[%get3A_815, %get3A_816] {strides = array<i32>} : memref<64x256xf32, #tpu.memory_space<vmem>>, vector<16xf32>,
        %mul3A_818 = arith.mulf %get3A_817, %gather3A_748 : vector<16xf32>
        %swap3A_819 = arith.index_cast %squeeze3A_747 : i32 to index
        %swap3A_820 = arith.constant 144 : index
        %swap3A_821 = tpu.vector_load %arg25[%swap3A_819, %swap3A_820] {strides = array<i32>} : memref<160x256xf32, #tpu.memory_space<vmem>>, vector<16xf32>,
        tpu.vector_store %arg25[%swap3A_819, %swap3A_820], %mul3A_818 {add = true, strides = array<i32>} : memref<160x256xf32, #tpu.memory_space<vmem>>, vector<16xf32>,
        %get3A_822 = arith.index_cast %scan3A_742 : i32 to index
        %get3A_823 = arith.constant 160 : index
        %get3A_824 = tpu.vector_load %arg24[%get3A_822, %get3A_823] {strides = array<i32>} : memref<64x256xf32, #tpu.memory_space<vmem>>, vector<16xf32>,
        %mul3A_825 = arith.mulf %get3A_824, %gather3A_748 : vector<16xf32>
        %swap3A_826 = arith.index_cast %squeeze3A_747 : i32 to index
        %swap3A_827 = arith.constant 160 : index
        %swap3A_828 = tpu.vector_load %arg25[%swap3A_826, %swap3A_827] {strides = array<i32>} : memref<160x256xf32, #tpu.memory_space<vmem>>, vector<16xf32>,
        tpu.vector_store %arg25[%swap3A_826, %swap3A_827], %mul3A_825 {add = true, strides = array<i32>} : memref<160x256xf32, #tpu.memory_space<vmem>>, vector<16xf32>,
        %get3A_829 = arith.index_cast %scan3A_742 : i32 to index
        %get3A_830 = arith.constant 176 : index
        %get3A_831 = tpu.vector_load %arg24[%get3A_829, %get3A_830] {strides = array<i32>} : memref<64x256xf32, #tpu.memory_space<vmem>>, vector<16xf32>,
        %mul3A_832 = arith.mulf %get3A_831, %gather3A_748 : vector<16xf32>
        %swap3A_833 = arith.index_cast %squeeze3A_747 : i32 to index
        %swap3A_834 = arith.constant 176 : index
        %swap3A_835 = tpu.vector_load %arg25[%swap3A_833, %swap3A_834] {strides = array<i32>} : memref<160x256xf32, #tpu.memory_space<vmem>>, vector<16xf32>,
        tpu.vector_store %arg25[%swap3A_833, %swap3A_834], %mul3A_832 {add = true, strides = array<i32>} : memref<160x256xf32, #tpu.memory_space<vmem>>, vector<16xf32>,
        %get3A_836 = arith.index_cast %scan3A_742 : i32 to index
        %get3A_837 = arith.constant 192 : index
        %get3A_838 = tpu.vector_load %arg24[%get3A_836, %get3A_837] {strides = array<i32>} : memref<64x256xf32, #tpu.memory_space<vmem>>, vector<16xf32>,
        %mul3A_839 = arith.mulf %get3A_838, %gather3A_748 : vector<16xf32>
        %swap3A_840 = arith.index_cast %squeeze3A_747 : i32 to index
        %swap3A_841 = arith.constant 192 : index
        %swap3A_842 = tpu.vector_load %arg25[%swap3A_840, %swap3A_841] {strides = array<i32>} : memref<160x256xf32, #tpu.memory_space<vmem>>, vector<16xf32>,
        tpu.vector_store %arg25[%swap3A_840, %swap3A_841], %mul3A_839 {add = true, strides = array<i32>} : memref<160x256xf32, #tpu.memory_space<vmem>>, vector<16xf32>,
        %get3A_843 = arith.index_cast %scan3A_742 : i32 to index
        %get3A_844 = arith.constant 208 : index
        %get3A_845 = tpu.vector_load %arg24[%get3A_843, %get3A_844] {strides = array<i32>} : memref<64x256xf32, #tpu.memory_space<vmem>>, vector<16xf32>,
        %mul3A_846 = arith.mulf %get3A_845, %gather3A_748 : vector<16xf32>
        %swap3A_847 = arith.index_cast %squeeze3A_747 : i32 to index
        %swap3A_848 = arith.constant 208 : index
        %swap3A_849 = tpu.vector_load %arg25[%swap3A_847, %swap3A_848] {strides = array<i32>} : memref<160x256xf32, #tpu.memory_space<vmem>>, vector<16xf32>,
        tpu.vector_store %arg25[%swap3A_847, %swap3A_848], %mul3A_846 {add = true, strides = array<i32>} : memref<160x256xf32, #tpu.memory_space<vmem>>, vector<16xf32>,
        %get3A_850 = arith.index_cast %scan3A_742 : i32 to index
        %get3A_851 = arith.constant 224 : index
        %get3A_852 = tpu.vector_load %arg24[%get3A_850, %get3A_851] {strides = array<i32>} : memref<64x256xf32, #tpu.memory_space<vmem>>, vector<16xf32>,
        %mul3A_853 = arith.mulf %get3A_852, %gather3A_748 : vector<16xf32>
        %swap3A_854 = arith.index_cast %squeeze3A_747 : i32 to index
        %swap3A_855 = arith.constant 224 : index
        %swap3A_856 = tpu.vector_load %arg25[%swap3A_854, %swap3A_855] {strides = array<i32>} : memref<160x256xf32, #tpu.memory_space<vmem>>, vector<16xf32>,
        tpu.vector_store %arg25[%swap3A_854, %swap3A_855], %mul3A_853 {add = true, strides = array<i32>} : memref<160x256xf32, #tpu.memory_space<vmem>>, vector<16xf32>,
        %get3A_857 = arith.index_cast %scan3A_742 : i32 to index
        %get3A_858 = arith.constant 240 : index
        %get3A_859 = tpu.vector_load %arg24[%get3A_857, %get3A_858] {strides = array<i32>} : memref<64x256xf32, #tpu.memory_space<vmem>>, vector<16xf32>,
        %mul3A_860 = arith.mulf %get3A_859, %gather3A_748 : vector<16xf32>
        %swap3A_861 = arith.index_cast %squeeze3A_747 : i32 to index
        %swap3A_862 = arith.constant 240 : index
        %swap3A_863 = tpu.vector_load %arg25[%swap3A_861, %swap3A_862] {strides = array<i32>} : memref<160x256xf32, #tpu.memory_space<vmem>>, vector<16xf32>,
        tpu.vector_store %arg25[%swap3A_861, %swap3A_862], %mul3A_860 {add = true, strides = array<i32>} : memref<160x256xf32, #tpu.memory_space<vmem>>, vector<16xf32>,
        %scan3A_864 = arith.constant 0 : i32
        scf.yield %scan3A_864 : i32
      }
      %scan3A_740 = arith.constant 64 : i32
      %while3A_741 = arith.constant 0 : i32
      scf.yield %while3A_741 : i32
    }
    %scan3A_106 = arith.constant 0 : i32
    %scan3A_107 = arith.constant 0 : i32
    %scan3A_108 = arith.constant 160 : i32
    %scan3A_109 = arith.addi %scan3A_107, %scan3A_108 : i32
    %scan3A_110 = arith.constant 1 : i32
    %scan3A_111 = scf.for %scan3A_321 = %scan3A_107 to %scan3A_109 step %scan3A_110 iter_args(%scan3A_322 = %scan3A_106) -> (i32)  : i32 {
      %get3A = arith.index_cast %scan3A_321 : i32 to index
      %get3A_323 = arith.constant 0 : index
      %get3A_324 = tpu.vector_load %arg26[%get3A, %get3A_323] {strides = array<i32>} : memref<160x16xf32, #tpu.memory_space<vmem>>, vector<16xf32>,
      %max3A_325 = arith.constant 1.000000e-30 : f32
      %max3A_326 = vector.broadcast %max3A_325 : f32 to vector<16xf32>
      %max3A_327 = arith.maximumf %get3A_324, %max3A_326 : vector<16xf32>
      %div3A_328 = arith.constant 1.000000e+00 : f32
      %div3A_329 = vector.broadcast %div3A_328 : f32 to vector<16xf32>
      %div3A_330 = arith.divf %div3A_329, %max3A_327 : vector<16xf32>
      %get3A_331 = arith.index_cast %scan3A_321 : i32 to index
      %get3A_332 = arith.constant 0 : index
      %get3A_333 = tpu.vector_load %arg25[%get3A_331, %get3A_332] {strides = array<i32>} : memref<160x256xf32, #tpu.memory_space<vmem>>, vector<16xf32>,
      %mul3A_334 = arith.mulf %get3A_333, %div3A_330 : vector<16xf32>
      %swap3A = arith.index_cast %scan3A_321 : i32 to index
      %swap3A_335 = arith.constant 0 : index
      %swap3A_336 = tpu.vector_load %arg25[%swap3A, %swap3A_335] {strides = array<i32>} : memref<160x256xf32, #tpu.memory_space<vmem>>, vector<16xf32>,
      tpu.vector_store %arg25[%swap3A, %swap3A_335], %mul3A_334 {strides = array<i32>} : memref<160x256xf32, #tpu.memory_space<vmem>>, vector<16xf32>,
      %get3A_337 = arith.index_cast %scan3A_321 : i32 to index
      %get3A_338 = arith.constant 16 : index
      %get3A_339 = tpu.vector_load %arg25[%get3A_337, %get3A_338] {strides = array<i32>} : memref<160x256xf32, #tpu.memory_space<vmem>>, vector<16xf32>,
      %mul3A_340 = arith.mulf %get3A_339, %div3A_330 : vector<16xf32>
      %swap3A_341 = arith.index_cast %scan3A_321 : i32 to index
      %swap3A_342 = arith.constant 16 : index
      %swap3A_343 = tpu.vector_load %arg25[%swap3A_341, %swap3A_342] {strides = array<i32>} : memref<160x256xf32, #tpu.memory_space<vmem>>, vector<16xf32>,
      tpu.vector_store %arg25[%swap3A_341, %swap3A_342], %mul3A_340 {strides = array<i32>} : memref<160x256xf32, #tpu.memory_space<vmem>>, vector<16xf32>,
      %get3A_344 = arith.index_cast %scan3A_321 : i32 to index
      %get3A_345 = arith.constant 32 : index
      %get3A_346 = tpu.vector_load %arg25[%get3A_344, %get3A_345] {strides = array<i32>} : memref<160x256xf32, #tpu.memory_space<vmem>>, vector<16xf32>,
      %mul3A_347 = arith.mulf %get3A_346, %div3A_330 : vector<16xf32>
      %swap3A_348 = arith.index_cast %scan3A_321 : i32 to index
      %swap3A_349 = arith.constant 32 : index
      %swap3A_350 = tpu.vector_load %arg25[%swap3A_348, %swap3A_349] {strides = array<i32>} : memref<160x256xf32, #tpu.memory_space<vmem>>, vector<16xf32>,
      tpu.vector_store %arg25[%swap3A_348, %swap3A_349], %mul3A_347 {strides = array<i32>} : memref<160x256xf32, #tpu.memory_space<vmem>>, vector<16xf32>,
      %get3A_351 = arith.index_cast %scan3A_321 : i32 to index
      %get3A_352 = arith.constant 48 : index
      %get3A_353 = tpu.vector_load %arg25[%get3A_351, %get3A_352] {strides = array<i32>} : memref<160x256xf32, #tpu.memory_space<vmem>>, vector<16xf32>,
      %mul3A_354 = arith.mulf %get3A_353, %div3A_330 : vector<16xf32>
      %swap3A_355 = arith.index_cast %scan3A_321 : i32 to index
      %swap3A_356 = arith.constant 48 : index
      %swap3A_357 = tpu.vector_load %arg25[%swap3A_355, %swap3A_356] {strides = array<i32>} : memref<160x256xf32, #tpu.memory_space<vmem>>, vector<16xf32>,
      tpu.vector_store %arg25[%swap3A_355, %swap3A_356], %mul3A_354 {strides = array<i32>} : memref<160x256xf32, #tpu.memory_space<vmem>>, vector<16xf32>,
      %get3A_358 = arith.index_cast %scan3A_321 : i32 to index
      %get3A_359 = arith.constant 64 : index
      %get3A_360 = tpu.vector_load %arg25[%get3A_358, %get3A_359] {strides = array<i32>} : memref<160x256xf32, #tpu.memory_space<vmem>>, vector<16xf32>,
      %mul3A_361 = arith.mulf %get3A_360, %div3A_330 : vector<16xf32>
      %swap3A_362 = arith.index_cast %scan3A_321 : i32 to index
      %swap3A_363 = arith.constant 64 : index
      %swap3A_364 = tpu.vector_load %arg25[%swap3A_362, %swap3A_363] {strides = array<i32>} : memref<160x256xf32, #tpu.memory_space<vmem>>, vector<16xf32>,
      tpu.vector_store %arg25[%swap3A_362, %swap3A_363], %mul3A_361 {strides = array<i32>} : memref<160x256xf32, #tpu.memory_space<vmem>>, vector<16xf32>,
      %get3A_365 = arith.index_cast %scan3A_321 : i32 to index
      %get3A_366 = arith.constant 80 : index
      %get3A_367 = tpu.vector_load %arg25[%get3A_365, %get3A_366] {strides = array<i32>} : memref<160x256xf32, #tpu.memory_space<vmem>>, vector<16xf32>,
      %mul3A_368 = arith.mulf %get3A_367, %div3A_330 : vector<16xf32>
      %swap3A_369 = arith.index_cast %scan3A_321 : i32 to index
      %swap3A_370 = arith.constant 80 : index
      %swap3A_371 = tpu.vector_load %arg25[%swap3A_369, %swap3A_370] {strides = array<i32>} : memref<160x256xf32, #tpu.memory_space<vmem>>, vector<16xf32>,
      tpu.vector_store %arg25[%swap3A_369, %swap3A_370], %mul3A_368 {strides = array<i32>} : memref<160x256xf32, #tpu.memory_space<vmem>>, vector<16xf32>,
      %get3A_372 = arith.index_cast %scan3A_321 : i32 to index
      %get3A_373 = arith.constant 96 : index
      %get3A_374 = tpu.vector_load %arg25[%get3A_372, %get3A_373] {strides = array<i32>} : memref<160x256xf32, #tpu.memory_space<vmem>>, vector<16xf32>,
      %mul3A_375 = arith.mulf %get3A_374, %div3A_330 : vector<16xf32>
      %swap3A_376 = arith.index_cast %scan3A_321 : i32 to index
      %swap3A_377 = arith.constant 96 : index
      %swap3A_378 = tpu.vector_load %arg25[%swap3A_376, %swap3A_377] {strides = array<i32>} : memref<160x256xf32, #tpu.memory_space<vmem>>, vector<16xf32>,
      tpu.vector_store %arg25[%swap3A_376, %swap3A_377], %mul3A_375 {strides = array<i32>} : memref<160x256xf32, #tpu.memory_space<vmem>>, vector<16xf32>,
      %get3A_379 = arith.index_cast %scan3A_321 : i32 to index
      %get3A_380 = arith.constant 112 : index
      %get3A_381 = tpu.vector_load %arg25[%get3A_379, %get3A_380] {strides = array<i32>} : memref<160x256xf32, #tpu.memory_space<vmem>>, vector<16xf32>,
      %mul3A_382 = arith.mulf %get3A_381, %div3A_330 : vector<16xf32>
      %swap3A_383 = arith.index_cast %scan3A_321 : i32 to index
      %swap3A_384 = arith.constant 112 : index
      %swap3A_385 = tpu.vector_load %arg25[%swap3A_383, %swap3A_384] {strides = array<i32>} : memref<160x256xf32, #tpu.memory_space<vmem>>, vector<16xf32>,
      tpu.vector_store %arg25[%swap3A_383, %swap3A_384], %mul3A_382 {strides = array<i32>} : memref<160x256xf32, #tpu.memory_space<vmem>>, vector<16xf32>,
      %get3A_386 = arith.index_cast %scan3A_321 : i32 to index
      %get3A_387 = arith.constant 128 : index
      %get3A_388 = tpu.vector_load %arg25[%get3A_386, %get3A_387] {strides = array<i32>} : memref<160x256xf32, #tpu.memory_space<vmem>>, vector<16xf32>,
      %mul3A_389 = arith.mulf %get3A_388, %div3A_330 : vector<16xf32>
      %swap3A_390 = arith.index_cast %scan3A_321 : i32 to index
      %swap3A_391 = arith.constant 128 : index
      %swap3A_392 = tpu.vector_load %arg25[%swap3A_390, %swap3A_391] {strides = array<i32>} : memref<160x256xf32, #tpu.memory_space<vmem>>, vector<16xf32>,
      tpu.vector_store %arg25[%swap3A_390, %swap3A_391], %mul3A_389 {strides = array<i32>} : memref<160x256xf32, #tpu.memory_space<vmem>>, vector<16xf32>,
      %get3A_393 = arith.index_cast %scan3A_321 : i32 to index
      %get3A_394 = arith.constant 144 : index
      %get3A_395 = tpu.vector_load %arg25[%get3A_393, %get3A_394] {strides = array<i32>} : memref<160x256xf32, #tpu.memory_space<vmem>>, vector<16xf32>,
      %mul3A_396 = arith.mulf %get3A_395, %div3A_330 : vector<16xf32>
      %swap3A_397 = arith.index_cast %scan3A_321 : i32 to index
      %swap3A_398 = arith.constant 144 : index
      %swap3A_399 = tpu.vector_load %arg25[%swap3A_397, %swap3A_398] {strides = array<i32>} : memref<160x256xf32, #tpu.memory_space<vmem>>, vector<16xf32>,
      tpu.vector_store %arg25[%swap3A_397, %swap3A_398], %mul3A_396 {strides = array<i32>} : memref<160x256xf32, #tpu.memory_space<vmem>>, vector<16xf32>,
      %get3A_400 = arith.index_cast %scan3A_321 : i32 to index
      %get3A_401 = arith.constant 160 : index
      %get3A_402 = tpu.vector_load %arg25[%get3A_400, %get3A_401] {strides = array<i32>} : memref<160x256xf32, #tpu.memory_space<vmem>>, vector<16xf32>,
      %mul3A_403 = arith.mulf %get3A_402, %div3A_330 : vector<16xf32>
      %swap3A_404 = arith.index_cast %scan3A_321 : i32 to index
      %swap3A_405 = arith.constant 160 : index
      %swap3A_406 = tpu.vector_load %arg25[%swap3A_404, %swap3A_405] {strides = array<i32>} : memref<160x256xf32, #tpu.memory_space<vmem>>, vector<16xf32>,
      tpu.vector_store %arg25[%swap3A_404, %swap3A_405], %mul3A_403 {strides = array<i32>} : memref<160x256xf32, #tpu.memory_space<vmem>>, vector<16xf32>,
      %get3A_407 = arith.index_cast %scan3A_321 : i32 to index
      %get3A_408 = arith.constant 176 : index
      %get3A_409 = tpu.vector_load %arg25[%get3A_407, %get3A_408] {strides = array<i32>} : memref<160x256xf32, #tpu.memory_space<vmem>>, vector<16xf32>,
      %mul3A_410 = arith.mulf %get3A_409, %div3A_330 : vector<16xf32>
      %swap3A_411 = arith.index_cast %scan3A_321 : i32 to index
      %swap3A_412 = arith.constant 176 : index
      %swap3A_413 = tpu.vector_load %arg25[%swap3A_411, %swap3A_412] {strides = array<i32>} : memref<160x256xf32, #tpu.memory_space<vmem>>, vector<16xf32>,
      tpu.vector_store %arg25[%swap3A_411, %swap3A_412], %mul3A_410 {strides = array<i32>} : memref<160x256xf32, #tpu.memory_space<vmem>>, vector<16xf32>,
      %get3A_414 = arith.index_cast %scan3A_321 : i32 to index
      %get3A_415 = arith.constant 192 : index
      %get3A_416 = tpu.vector_load %arg25[%get3A_414, %get3A_415] {strides = array<i32>} : memref<160x256xf32, #tpu.memory_space<vmem>>, vector<16xf32>,
      %mul3A_417 = arith.mulf %get3A_416, %div3A_330 : vector<16xf32>
      %swap3A_418 = arith.index_cast %scan3A_321 : i32 to index
      %swap3A_419 = arith.constant 192 : index
      %swap3A_420 = tpu.vector_load %arg25[%swap3A_418, %swap3A_419] {strides = array<i32>} : memref<160x256xf32, #tpu.memory_space<vmem>>, vector<16xf32>,
      tpu.vector_store %arg25[%swap3A_418, %swap3A_419], %mul3A_417 {strides = array<i32>} : memref<160x256xf32, #tpu.memory_space<vmem>>, vector<16xf32>,
      %get3A_421 = arith.index_cast %scan3A_321 : i32 to index
      %get3A_422 = arith.constant 208 : index
      %get3A_423 = tpu.vector_load %arg25[%get3A_421, %get3A_422] {strides = array<i32>} : memref<160x256xf32, #tpu.memory_space<vmem>>, vector<16xf32>,
      %mul3A_424 = arith.mulf %get3A_423, %div3A_330 : vector<16xf32>
      %swap3A_425 = arith.index_cast %scan3A_321 : i32 to index
      %swap3A_426 = arith.constant 208 : index
      %swap3A_427 = tpu.vector_load %arg25[%swap3A_425, %swap3A_426] {strides = array<i32>} : memref<160x256xf32, #tpu.memory_space<vmem>>, vector<16xf32>,
      tpu.vector_store %arg25[%swap3A_425, %swap3A_426], %mul3A_424 {strides = array<i32>} : memref<160x256xf32, #tpu.memory_space<vmem>>, vector<16xf32>,
      %get3A_428 = arith.index_cast %scan3A_321 : i32 to index
      %get3A_429 = arith.constant 224 : index
      %get3A_430 = tpu.vector_load %arg25[%get3A_428, %get3A_429] {strides = array<i32>} : memref<160x256xf32, #tpu.memory_space<vmem>>, vector<16xf32>,
      %mul3A_431 = arith.mulf %get3A_430, %div3A_330 : vector<16xf32>
      %swap3A_432 = arith.index_cast %scan3A_321 : i32 to index
      %swap3A_433 = arith.constant 224 : index
      %swap3A_434 = tpu.vector_load %arg25[%swap3A_432, %swap3A_433] {strides = array<i32>} : memref<160x256xf32, #tpu.memory_space<vmem>>, vector<16xf32>,
      tpu.vector_store %arg25[%swap3A_432, %swap3A_433], %mul3A_431 {strides = array<i32>} : memref<160x256xf32, #tpu.memory_space<vmem>>, vector<16xf32>,
      %get3A_435 = arith.index_cast %scan3A_321 : i32 to index
      %get3A_436 = arith.constant 240 : index
      %get3A_437 = tpu.vector_load %arg25[%get3A_435, %get3A_436] {strides = array<i32>} : memref<160x256xf32, #tpu.memory_space<vmem>>, vector<16xf32>,
      %mul3A_438 = arith.mulf %get3A_437, %div3A_330 : vector<16xf32>
      %swap3A_439 = arith.index_cast %scan3A_321 : i32 to index
      %swap3A_440 = arith.constant 240 : index
      %swap3A_441 = tpu.vector_load %arg25[%swap3A_439, %swap3A_440] {strides = array<i32>} : memref<160x256xf32, #tpu.memory_space<vmem>>, vector<16xf32>,
      tpu.vector_store %arg25[%swap3A_439, %swap3A_440], %mul3A_438 {strides = array<i32>} : memref<160x256xf32, #tpu.memory_space<vmem>>, vector<16xf32>,
      %scan3A_442 = arith.constant 0 : i32
      scf.yield %scan3A_442 : i32
    }
    %scan3A_112 = arith.constant 160 : i32
    %sub3A_113 = arith.constant 10000 : i32
    %sub3A_114 = arith.subi %sub3A_113, %mul3A_7 : i32
    %jit3A_115 = arith.constant 16 : i32
    %div3A_116 = arith.divsi %sub3A_114, %jit3A_115 : i32
    %sign3A_117 = arith.constant 0 : i32
    %sign3A_118 = arith.cmpi sgt, %sub3A_114, %sign3A_117 : i32
    %sign3A_119 = arith.extui %sign3A_118 : i1 to i32
    %sign3A_120 = arith.constant 0 : i32
    %sign3A_121 = arith.cmpi slt, %sub3A_114, %sign3A_120 : i32
    %sign3A_122 = arith.extui %sign3A_121 : i1 to i32
    %sign3A_123 = arith.subi %sign3A_119, %sign3A_122 : i32
    %sign3A_124 = arith.constant 0 : i32
    %sign3A_125 = arith.cmpi sgt, %jit3A_115, %sign3A_124 : i32
    %sign3A_126 = arith.extui %sign3A_125 : i1 to i32
    %sign3A_127 = arith.constant 0 : i32
    %sign3A_128 = arith.cmpi slt, %jit3A_115, %sign3A_127 : i32
    %sign3A_129 = arith.extui %sign3A_128 : i1 to i32
    %sign3A_130 = arith.subi %sign3A_126, %sign3A_129 : i32
    %ne3A_131 = arith.cmpi ne, %sign3A_123, %sign3A_130 : i32
    %rem3A_132 = arith.remsi %sub3A_114, %jit3A_115 : i32
    %ne3A_133 = arith.constant 0 : i32
    %ne3A_134 = arith.cmpi ne, %rem3A_132, %ne3A_133 : i32
    %and3A_135 = arith.andi %ne3A_131, %ne3A_134 : i1
    %sub3A_136 = arith.constant 1 : i32
    %sub3A_137 = arith.subi %div3A_116, %sub3A_136 : i32
    %select_n3A_138 = arith.select %and3A_135, %sub3A_137, %div3A_116 : i32
    %jit3A_139 = arith.constant 0 : i32
    %jit3A_140 = arith.constant 10 : i32
    %max3A_141 = arith.maxsi %jit3A_139, %select_n3A_138 : i32
    %min3A = arith.minsi %jit3A_140, %max3A_141 : i32
    %while3A_142 = arith.constant 0 : i32
    %while3A_143 = arith.constant 0 : i32
    %while3A_144 = arith.subi %min3A, %while3A_142 : i32
    %while3A_145 = arith.addi %while3A_142, %while3A_144 : i32
    %while3A_146 = arith.constant 1 : i32
    %while3A_147 = arith.divsi %while3A_144, %while3A_146 : i32
    %while3A_148 = arith.muli %while3A_147, %while3A_146 : i32
    %while3A_149 = arith.addi %while3A_142, %while3A_148 : i32
    %while3A_150 = arith.constant 1 : i32
    %while3A_151 = scf.for %while3A_321 = %while3A_142 to %while3A_149 step %while3A_150 iter_args(%while3A_322 = %while3A_143) -> (i32)  : i32 {
      %mul3A_323 = arith.constant 16 : i32
      %mul3A_324 = arith.muli %while3A_321, %mul3A_323 : i32
      %mul3A_325 = arith.constant 16 : i32
      %mul3A_326 = arith.muli %while3A_321, %mul3A_325 : i32
      %add3A_327 = arith.addi %mul3A_7, %mul3A_326 : i32
      "tpu.region"() ({
        %run_scoped3A = tpu.sem_alloc : memref<!tpu.dma_semaphore, #tpu.memory_space<semaphore_mem>>
        %dma_start3A = arith.constant 0 : i32
        %dma_start3A_329 = tpu.memref_slice %arg25[%mul3A_324, %dma_start3A] : memref<160x256xf32, #tpu.memory_space<vmem>> -> memref<16x256xf32, #tpu.memory_space<vmem>>
        %dma_start3A_330 = arith.constant 0 : i32
        %dma_start3A_331 = tpu.memref_slice %arg9[%add3A_327, %dma_start3A_330] : memref<10000x256xf32, #tpu.memory_space<hbm>> -> memref<16x256xf32, #tpu.memory_space<hbm>>
        %dma_start3A_332 = arith.constant 0 : i32
        %dma_start3A_333 = tpu.memref_slice %arg9[%add3A_327, %dma_start3A_332] : memref<10000x256xf32, #tpu.memory_space<hbm>> -> memref<16x256xf32, #tpu.memory_space<hbm>>
        %dma_start3A_334 = arith.constant 0 : i32
        %dma_start3A_335 = tpu.memref_slice %arg25[%mul3A_324, %dma_start3A_334] : memref<160x256xf32, #tpu.memory_space<vmem>> -> memref<16x256xf32, #tpu.memory_space<vmem>>
        tpu.enqueue_dma source(%dma_start3A_335 : memref<16x256xf32, #tpu.memory_space<vmem>>) target(%dma_start3A_333 : memref<16x256xf32, #tpu.memory_space<hbm>>) target_semaphore(%run_scoped3A : memref<!tpu.dma_semaphore, #tpu.memory_space<semaphore_mem>>)
        %dma_wait3A = arith.constant 0 : i32
        %dma_wait3A_336 = tpu.memref_slice %arg25[%mul3A_324, %dma_wait3A] : memref<160x256xf32, #tpu.memory_space<vmem>> -> memref<16x256xf32, #tpu.memory_space<vmem>>
        %dma_wait3A_337 = arith.constant 0 : i32
        %dma_wait3A_338 = tpu.memref_slice %arg9[%add3A_327, %dma_wait3A_337] : memref<10000x256xf32, #tpu.memory_space<hbm>> -> memref<16x256xf32, #tpu.memory_space<hbm>>
        %dma_wait3A_339 = arith.constant 0 : i32
        %dma_wait3A_340 = tpu.memref_slice %arg9[%add3A_327, %dma_wait3A_339] : memref<10000x256xf32, #tpu.memory_space<hbm>> -> memref<16x256xf32, #tpu.memory_space<hbm>>
        %dma_wait3A_341 = arith.constant 0 : i32
        %dma_wait3A_342 = tpu.memref_slice %arg25[%mul3A_324, %dma_wait3A_341] : memref<160x256xf32, #tpu.memory_space<vmem>> -> memref<16x256xf32, #tpu.memory_space<vmem>>
        tpu.wait_dma2 semaphore(%run_scoped3A : memref<!tpu.dma_semaphore, #tpu.memory_space<semaphore_mem>>) src(%dma_wait3A_342 : memref<16x256xf32, #tpu.memory_space<vmem>>) dst(%dma_wait3A_340 : memref<16x256xf32, #tpu.memory_space<hbm>>)
        tpu.yield
      }) : () -> ()
      %while3A_328 = arith.constant 0 : i32
      scf.yield %while3A_328 : i32
    }
    %while3A_152 = arith.constant 1 : i32
    %while3A_153 = scf.for %while3A_321 = %while3A_149 to %while3A_145 step %while3A_152 iter_args(%while3A_322 = %while3A_151) -> (i32)  : i32 {
      %mul3A_323 = arith.constant 16 : i32
      %mul3A_324 = arith.muli %while3A_321, %mul3A_323 : i32
      %mul3A_325 = arith.constant 16 : i32
      %mul3A_326 = arith.muli %while3A_321, %mul3A_325 : i32
      %add3A_327 = arith.addi %mul3A_7, %mul3A_326 : i32
      "tpu.region"() ({
        %run_scoped3A = tpu.sem_alloc : memref<!tpu.dma_semaphore, #tpu.memory_space<semaphore_mem>>
        %dma_start3A = arith.constant 0 : i32
        %dma_start3A_329 = tpu.memref_slice %arg25[%mul3A_324, %dma_start3A] : memref<160x256xf32, #tpu.memory_space<vmem>> -> memref<16x256xf32, #tpu.memory_space<vmem>>
        %dma_start3A_330 = arith.constant 0 : i32
        %dma_start3A_331 = tpu.memref_slice %arg9[%add3A_327, %dma_start3A_330] : memref<10000x256xf32, #tpu.memory_space<hbm>> -> memref<16x256xf32, #tpu.memory_space<hbm>>
        %dma_start3A_332 = arith.constant 0 : i32
        %dma_start3A_333 = tpu.memref_slice %arg9[%add3A_327, %dma_start3A_332] : memref<10000x256xf32, #tpu.memory_space<hbm>> -> memref<16x256xf32, #tpu.memory_space<hbm>>
        %dma_start3A_334 = arith.constant 0 : i32
        %dma_start3A_335 = tpu.memref_slice %arg25[%mul3A_324, %dma_start3A_334] : memref<160x256xf32, #tpu.memory_space<vmem>> -> memref<16x256xf32, #tpu.memory_space<vmem>>
        tpu.enqueue_dma source(%dma_start3A_335 : memref<16x256xf32, #tpu.memory_space<vmem>>) target(%dma_start3A_333 : memref<16x256xf32, #tpu.memory_space<hbm>>) target_semaphore(%run_scoped3A : memref<!tpu.dma_semaphore, #tpu.memory_space<semaphore_mem>>)
        %dma_wait3A = arith.constant 0 : i32
        %dma_wait3A_336 = tpu.memref_slice %arg25[%mul3A_324, %dma_wait3A] : memref<160x256xf32, #tpu.memory_space<vmem>> -> memref<16x256xf32, #tpu.memory_space<vmem>>
        %dma_wait3A_337 = arith.constant 0 : i32
        %dma_wait3A_338 = tpu.memref_slice %arg9[%add3A_327, %dma_wait3A_337] : memref<10000x256xf32, #tpu.memory_space<hbm>> -> memref<16x256xf32, #tpu.memory_space<hbm>>
        %dma_wait3A_339 = arith.constant 0 : i32
        %dma_wait3A_340 = tpu.memref_slice %arg9[%add3A_327, %dma_wait3A_339] : memref<10000x256xf32, #tpu.memory_space<hbm>> -> memref<16x256xf32, #tpu.memory_space<hbm>>
        %dma_wait3A_341 = arith.constant 0 : i32
        %dma_wait3A_342 = tpu.memref_slice %arg25[%mul3A_324, %dma_wait3A_341] : memref<160x256xf32, #tpu.memory_space<vmem>> -> memref<16x256xf32, #tpu.memory_space<vmem>>
        tpu.wait_dma2 semaphore(%run_scoped3A : memref<!tpu.dma_semaphore, #tpu.memory_space<semaphore_mem>>) src(%dma_wait3A_342 : memref<16x256xf32, #tpu.memory_space<vmem>>) dst(%dma_wait3A_340 : memref<16x256xf32, #tpu.memory_space<hbm>>)
        tpu.yield
      }) : () -> ()
      %while3A_328 = arith.constant 0 : i32
      scf.yield %while3A_328 : i32
    }
    %mul3A_154 = arith.constant 2 : i32
    %mul3A_155 = arith.muli %add3A, %mul3A_154 : i32
    %add3A_156 = arith.constant 1 : i32
    %add3A_157 = arith.addi %mul3A_155, %add3A_156 : i32
    %mul3A_158 = arith.constant 160 : i32
    %mul3A_159 = arith.muli %add3A_157, %mul3A_158 : i32
    %scan3A_160 = arith.constant 0 : i32
    %scan3A_161 = arith.constant 0 : i32
    %scan3A_162 = arith.constant 160 : i32
    %scan3A_163 = arith.addi %scan3A_161, %scan3A_162 : i32
    %scan3A_164 = arith.constant 1 : i32
    %scan3A_165 = scf.for %scan3A_321 = %scan3A_161 to %scan3A_163 step %scan3A_164 iter_args(%scan3A_322 = %scan3A_160) -> (i32)  : i32 {
      %swap3A = arith.index_cast %scan3A_321 : i32 to index
      %swap3A_323 = arith.constant 0 : index
      %swap3A_324 = tpu.vector_load %arg25[%swap3A, %swap3A_323] {strides = array<i32>} : memref<160x256xf32, #tpu.memory_space<vmem>>, vector<16xf32>,
      tpu.vector_store %arg25[%swap3A, %swap3A_323], %broadcast_in_dim3A_1 {strides = array<i32>} : memref<160x256xf32, #tpu.memory_space<vmem>>, vector<16xf32>,
      %swap3A_325 = arith.index_cast %scan3A_321 : i32 to index
      %swap3A_326 = arith.constant 16 : index
      %swap3A_327 = tpu.vector_load %arg25[%swap3A_325, %swap3A_326] {strides = array<i32>} : memref<160x256xf32, #tpu.memory_space<vmem>>, vector<16xf32>,
      tpu.vector_store %arg25[%swap3A_325, %swap3A_326], %broadcast_in_dim3A_1 {strides = array<i32>} : memref<160x256xf32, #tpu.memory_space<vmem>>, vector<16xf32>,
      %swap3A_328 = arith.index_cast %scan3A_321 : i32 to index
      %swap3A_329 = arith.constant 32 : index
      %swap3A_330 = tpu.vector_load %arg25[%swap3A_328, %swap3A_329] {strides = array<i32>} : memref<160x256xf32, #tpu.memory_space<vmem>>, vector<16xf32>,
      tpu.vector_store %arg25[%swap3A_328, %swap3A_329], %broadcast_in_dim3A_1 {strides = array<i32>} : memref<160x256xf32, #tpu.memory_space<vmem>>, vector<16xf32>,
      %swap3A_331 = arith.index_cast %scan3A_321 : i32 to index
      %swap3A_332 = arith.constant 48 : index
      %swap3A_333 = tpu.vector_load %arg25[%swap3A_331, %swap3A_332] {strides = array<i32>} : memref<160x256xf32, #tpu.memory_space<vmem>>, vector<16xf32>,
      tpu.vector_store %arg25[%swap3A_331, %swap3A_332], %broadcast_in_dim3A_1 {strides = array<i32>} : memref<160x256xf32, #tpu.memory_space<vmem>>, vector<16xf32>,
      %swap3A_334 = arith.index_cast %scan3A_321 : i32 to index
      %swap3A_335 = arith.constant 64 : index
      %swap3A_336 = tpu.vector_load %arg25[%swap3A_334, %swap3A_335] {strides = array<i32>} : memref<160x256xf32, #tpu.memory_space<vmem>>, vector<16xf32>,
      tpu.vector_store %arg25[%swap3A_334, %swap3A_335], %broadcast_in_dim3A_1 {strides = array<i32>} : memref<160x256xf32, #tpu.memory_space<vmem>>, vector<16xf32>,
      %swap3A_337 = arith.index_cast %scan3A_321 : i32 to index
      %swap3A_338 = arith.constant 80 : index
      %swap3A_339 = tpu.vector_load %arg25[%swap3A_337, %swap3A_338] {strides = array<i32>} : memref<160x256xf32, #tpu.memory_space<vmem>>, vector<16xf32>,
      tpu.vector_store %arg25[%swap3A_337, %swap3A_338], %broadcast_in_dim3A_1 {strides = array<i32>} : memref<160x256xf32, #tpu.memory_space<vmem>>, vector<16xf32>,
      %swap3A_340 = arith.index_cast %scan3A_321 : i32 to index
      %swap3A_341 = arith.constant 96 : index
      %swap3A_342 = tpu.vector_load %arg25[%swap3A_340, %swap3A_341] {strides = array<i32>} : memref<160x256xf32, #tpu.memory_space<vmem>>, vector<16xf32>,
      tpu.vector_store %arg25[%swap3A_340, %swap3A_341], %broadcast_in_dim3A_1 {strides = array<i32>} : memref<160x256xf32, #tpu.memory_space<vmem>>, vector<16xf32>,
      %swap3A_343 = arith.index_cast %scan3A_321 : i32 to index
      %swap3A_344 = arith.constant 112 : index
      %swap3A_345 = tpu.vector_load %arg25[%swap3A_343, %swap3A_344] {strides = array<i32>} : memref<160x256xf32, #tpu.memory_space<vmem>>, vector<16xf32>,
      tpu.vector_store %arg25[%swap3A_343, %swap3A_344], %broadcast_in_dim3A_1 {strides = array<i32>} : memref<160x256xf32, #tpu.memory_space<vmem>>, vector<16xf32>,
      %swap3A_346 = arith.index_cast %scan3A_321 : i32 to index
      %swap3A_347 = arith.constant 128 : index
      %swap3A_348 = tpu.vector_load %arg25[%swap3A_346, %swap3A_347] {strides = array<i32>} : memref<160x256xf32, #tpu.memory_space<vmem>>, vector<16xf32>,
      tpu.vector_store %arg25[%swap3A_346, %swap3A_347], %broadcast_in_dim3A_1 {strides = array<i32>} : memref<160x256xf32, #tpu.memory_space<vmem>>, vector<16xf32>,
      %swap3A_349 = arith.index_cast %scan3A_321 : i32 to index
      %swap3A_350 = arith.constant 144 : index
      %swap3A_351 = tpu.vector_load %arg25[%swap3A_349, %swap3A_350] {strides = array<i32>} : memref<160x256xf32, #tpu.memory_space<vmem>>, vector<16xf32>,
      tpu.vector_store %arg25[%swap3A_349, %swap3A_350], %broadcast_in_dim3A_1 {strides = array<i32>} : memref<160x256xf32, #tpu.memory_space<vmem>>, vector<16xf32>,
      %swap3A_352 = arith.index_cast %scan3A_321 : i32 to index
      %swap3A_353 = arith.constant 160 : index
      %swap3A_354 = tpu.vector_load %arg25[%swap3A_352, %swap3A_353] {strides = array<i32>} : memref<160x256xf32, #tpu.memory_space<vmem>>, vector<16xf32>,
      tpu.vector_store %arg25[%swap3A_352, %swap3A_353], %broadcast_in_dim3A_1 {strides = array<i32>} : memref<160x256xf32, #tpu.memory_space<vmem>>, vector<16xf32>,
      %swap3A_355 = arith.index_cast %scan3A_321 : i32 to index
      %swap3A_356 = arith.constant 176 : index
      %swap3A_357 = tpu.vector_load %arg25[%swap3A_355, %swap3A_356] {strides = array<i32>} : memref<160x256xf32, #tpu.memory_space<vmem>>, vector<16xf32>,
      tpu.vector_store %arg25[%swap3A_355, %swap3A_356], %broadcast_in_dim3A_1 {strides = array<i32>} : memref<160x256xf32, #tpu.memory_space<vmem>>, vector<16xf32>,
      %swap3A_358 = arith.index_cast %scan3A_321 : i32 to index
      %swap3A_359 = arith.constant 192 : index
      %swap3A_360 = tpu.vector_load %arg25[%swap3A_358, %swap3A_359] {strides = array<i32>} : memref<160x256xf32, #tpu.memory_space<vmem>>, vector<16xf32>,
      tpu.vector_store %arg25[%swap3A_358, %swap3A_359], %broadcast_in_dim3A_1 {strides = array<i32>} : memref<160x256xf32, #tpu.memory_space<vmem>>, vector<16xf32>,
      %swap3A_361 = arith.index_cast %scan3A_321 : i32 to index
      %swap3A_362 = arith.constant 208 : index
      %swap3A_363 = tpu.vector_load %arg25[%swap3A_361, %swap3A_362] {strides = array<i32>} : memref<160x256xf32, #tpu.memory_space<vmem>>, vector<16xf32>,
      tpu.vector_store %arg25[%swap3A_361, %swap3A_362], %broadcast_in_dim3A_1 {strides = array<i32>} : memref<160x256xf32, #tpu.memory_space<vmem>>, vector<16xf32>,
      %swap3A_364 = arith.index_cast %scan3A_321 : i32 to index
      %swap3A_365 = arith.constant 224 : index
      %swap3A_366 = tpu.vector_load %arg25[%swap3A_364, %swap3A_365] {strides = array<i32>} : memref<160x256xf32, #tpu.memory_space<vmem>>, vector<16xf32>,
      tpu.vector_store %arg25[%swap3A_364, %swap3A_365], %broadcast_in_dim3A_1 {strides = array<i32>} : memref<160x256xf32, #tpu.memory_space<vmem>>, vector<16xf32>,
      %swap3A_367 = arith.index_cast %scan3A_321 : i32 to index
      %swap3A_368 = arith.constant 240 : index
      %swap3A_369 = tpu.vector_load %arg25[%swap3A_367, %swap3A_368] {strides = array<i32>} : memref<160x256xf32, #tpu.memory_space<vmem>>, vector<16xf32>,
      tpu.vector_store %arg25[%swap3A_367, %swap3A_368], %broadcast_in_dim3A_1 {strides = array<i32>} : memref<160x256xf32, #tpu.memory_space<vmem>>, vector<16xf32>,
      %swap3A_370 = arith.index_cast %scan3A_321 : i32 to index
      %swap3A_371 = arith.constant 0 : index
      %swap3A_372 = tpu.vector_load %arg26[%swap3A_370, %swap3A_371] {strides = array<i32>} : memref<160x16xf32, #tpu.memory_space<vmem>>, vector<16xf32>,
      tpu.vector_store %arg26[%swap3A_370, %swap3A_371], %broadcast_in_dim3A_1 {strides = array<i32>} : memref<160x16xf32, #tpu.memory_space<vmem>>, vector<16xf32>,
      %scan3A_373 = arith.constant 0 : i32
      scf.yield %scan3A_373 : i32
    }
    %scan3A_166 = arith.constant 160 : i32
    "tpu.region"() ({
      %run_scoped3A = tpu.sem_alloc : memref<!tpu.dma_semaphore, #tpu.memory_space<semaphore_mem>>
      %dma_start3A = tpu.memref_slice %arg3[%mul3A_159] : memref<10240xf32, #tpu.memory_space<hbm>> -> memref<160xf32, #tpu.memory_space<hbm>>
      %dma_start3A_321 = tpu.memref_slice %arg3[%mul3A_159] : memref<10240xf32, #tpu.memory_space<hbm>> -> memref<160xf32, #tpu.memory_space<hbm>>
      tpu.enqueue_dma source(%dma_start3A_321 : memref<160xf32, #tpu.memory_space<hbm>>) target(%arg11 : memref<160xf32, #tpu.memory_space<vmem>>) target_semaphore(%run_scoped3A : memref<!tpu.dma_semaphore, #tpu.memory_space<semaphore_mem>>)
      %dma_wait3A = tpu.memref_slice %arg3[%mul3A_159] : memref<10240xf32, #tpu.memory_space<hbm>> -> memref<160xf32, #tpu.memory_space<hbm>>
      %dma_wait3A_322 = tpu.memref_slice %arg3[%mul3A_159] : memref<10240xf32, #tpu.memory_space<hbm>> -> memref<160xf32, #tpu.memory_space<hbm>>
      tpu.wait_dma2 semaphore(%run_scoped3A : memref<!tpu.dma_semaphore, #tpu.memory_space<semaphore_mem>>) src(%dma_wait3A_322 : memref<160xf32, #tpu.memory_space<hbm>>) dst(%arg11 : memref<160xf32, #tpu.memory_space<vmem>>)
      tpu.yield
    }) : () -> ()
    %broadcast_in_dim3A_167 = vector.broadcast %add3A_157 : i32 to vector<16xi32>
    %gather3A_168 = tpu.vector_load_idx %arg10[%broadcast_in_dim3A_167] : memref<80xi32, #tpu.memory_space<vmem>>[vector<16xi32>], vector<16xi32>,
    %slice3A_169 = vector.extract_strided_slice %gather3A_168 {offsets = [0], sizes = [1], strides = [1]} : vector<16xi32> to vector<1xi32>
    %squeeze3A_170 = vector.extract %slice3A_169[0] : i32 from vector<1xi32>
    %add3A_171 = arith.constant 1 : i32
    %add3A_172 = vector.broadcast %add3A_171 : i32 to vector<16xi32>
    %add3A_173 = arith.addi %broadcast_in_dim3A_167, %add3A_172 : vector<16xi32>
    %gather3A_174 = tpu.vector_load_idx %arg10[%add3A_173] : memref<80xi32, #tpu.memory_space<vmem>>[vector<16xi32>], vector<16xi32>,
    %slice3A_175 = vector.extract_strided_slice %gather3A_174 {offsets = [0], sizes = [1], strides = [1]} : vector<16xi32> to vector<1xi32>
    %squeeze3A_176 = vector.extract %slice3A_175[0] : i32 from vector<1xi32>
    %jit3A_177 = arith.constant 8 : i32
    %div3A_178 = arith.divsi %squeeze3A_170, %jit3A_177 : i32
    %sign3A_179 = arith.constant 0 : i32
    %sign3A_180 = arith.cmpi sgt, %squeeze3A_170, %sign3A_179 : i32
    %sign3A_181 = arith.extui %sign3A_180 : i1 to i32
    %sign3A_182 = arith.constant 0 : i32
    %sign3A_183 = arith.cmpi slt, %squeeze3A_170, %sign3A_182 : i32
    %sign3A_184 = arith.extui %sign3A_183 : i1 to i32
    %sign3A_185 = arith.subi %sign3A_181, %sign3A_184 : i32
    %sign3A_186 = arith.constant 0 : i32
    %sign3A_187 = arith.cmpi sgt, %jit3A_177, %sign3A_186 : i32
    %sign3A_188 = arith.extui %sign3A_187 : i1 to i32
    %sign3A_189 = arith.constant 0 : i32
    %sign3A_190 = arith.cmpi slt, %jit3A_177, %sign3A_189 : i32
    %sign3A_191 = arith.extui %sign3A_190 : i1 to i32
    %sign3A_192 = arith.subi %sign3A_188, %sign3A_191 : i32
    %ne3A_193 = arith.cmpi ne, %sign3A_185, %sign3A_192 : i32
    %rem3A_194 = arith.remsi %squeeze3A_170, %jit3A_177 : i32
    %ne3A_195 = arith.constant 0 : i32
    %ne3A_196 = arith.cmpi ne, %rem3A_194, %ne3A_195 : i32
    %and3A_197 = arith.andi %ne3A_193, %ne3A_196 : i1
    %sub3A_198 = arith.constant 1 : i32
    %sub3A_199 = arith.subi %div3A_178, %sub3A_198 : i32
    %select_n3A_200 = arith.select %and3A_197, %sub3A_199, %div3A_178 : i32
    %mul3A_201 = arith.constant 8 : i32
    %mul3A_202 = arith.muli %select_n3A_200, %mul3A_201 : i32
    %sub3A_203 = arith.subi %squeeze3A_176, %mul3A_202 : i32
    %add3A_204 = arith.constant 64 : i32
    %add3A_205 = arith.addi %sub3A_203, %add3A_204 : i32
    %sub3A_206 = arith.constant 1 : i32
    %sub3A_207 = arith.subi %add3A_205, %sub3A_206 : i32
    %jit3A_208 = arith.constant 64 : i32
    %div3A_209 = arith.divsi %sub3A_207, %jit3A_208 : i32
    %sign3A_210 = arith.constant 0 : i32
    %sign3A_211 = arith.cmpi sgt, %sub3A_207, %sign3A_210 : i32
    %sign3A_212 = arith.extui %sign3A_211 : i1 to i32
    %sign3A_213 = arith.constant 0 : i32
    %sign3A_214 = arith.cmpi slt, %sub3A_207, %sign3A_213 : i32
    %sign3A_215 = arith.extui %sign3A_214 : i1 to i32
    %sign3A_216 = arith.subi %sign3A_212, %sign3A_215 : i32
    %sign3A_217 = arith.constant 0 : i32
    %sign3A_218 = arith.cmpi sgt, %jit3A_208, %sign3A_217 : i32
    %sign3A_219 = arith.extui %sign3A_218 : i1 to i32
    %sign3A_220 = arith.constant 0 : i32
    %sign3A_221 = arith.cmpi slt, %jit3A_208, %sign3A_220 : i32
    %sign3A_222 = arith.extui %sign3A_221 : i1 to i32
    %sign3A_223 = arith.subi %sign3A_219, %sign3A_222 : i32
    %ne3A_224 = arith.cmpi ne, %sign3A_216, %sign3A_223 : i32
    %rem3A_225 = arith.remsi %sub3A_207, %jit3A_208 : i32
    %ne3A_226 = arith.constant 0 : i32
    %ne3A_227 = arith.cmpi ne, %rem3A_225, %ne3A_226 : i32
    %and3A_228 = arith.andi %ne3A_224, %ne3A_227 : i1
    %sub3A_229 = arith.constant 1 : i32
    %sub3A_230 = arith.subi %div3A_209, %sub3A_229 : i32
    %select_n3A_231 = arith.select %and3A_228, %sub3A_230, %div3A_209 : i32
    %max3A_232 = arith.constant 0 : i32
    %max3A_233 = arith.maxsi %select_n3A_231, %max3A_232 : i32
    %add3A_234 = arith.constant 1 : i32
    %add3A_235 = arith.addi %max3A_233, %add3A_234 : i32
    %jit3A_236 = arith.constant 2 : i32
    %div3A_237 = arith.divsi %add3A_235, %jit3A_236 : i32
    %sign3A_238 = arith.constant 0 : i32
    %sign3A_239 = arith.cmpi sgt, %add3A_235, %sign3A_238 : i32
    %sign3A_240 = arith.extui %sign3A_239 : i1 to i32
    %sign3A_241 = arith.constant 0 : i32
    %sign3A_242 = arith.cmpi slt, %add3A_235, %sign3A_241 : i32
    %sign3A_243 = arith.extui %sign3A_242 : i1 to i32
    %sign3A_244 = arith.subi %sign3A_240, %sign3A_243 : i32
    %sign3A_245 = arith.constant 0 : i32
    %sign3A_246 = arith.cmpi sgt, %jit3A_236, %sign3A_245 : i32
    %sign3A_247 = arith.extui %sign3A_246 : i1 to i32
    %sign3A_248 = arith.constant 0 : i32
    %sign3A_249 = arith.cmpi slt, %jit3A_236, %sign3A_248 : i32
    %sign3A_250 = arith.extui %sign3A_249 : i1 to i32
    %sign3A_251 = arith.subi %sign3A_247, %sign3A_250 : i32
    %ne3A_252 = arith.cmpi ne, %sign3A_244, %sign3A_251 : i32
    %rem3A_253 = arith.remsi %add3A_235, %jit3A_236 : i32
    %ne3A_254 = arith.constant 0 : i32
    %ne3A_255 = arith.cmpi ne, %rem3A_253, %ne3A_254 : i32
    %and3A_256 = arith.andi %ne3A_252, %ne3A_255 : i1
    %sub3A_257 = arith.constant 1 : i32
    %sub3A_258 = arith.subi %div3A_237, %sub3A_257 : i32
    %select_n3A_259 = arith.select %and3A_256, %sub3A_258, %div3A_237 : i32
    %while3A_260 = arith.constant 0 : i32
    %while3A_261 = arith.constant 0 : i32
    %while3A_262 = arith.subi %select_n3A_259, %while3A_260 : i32
    %while3A_263 = arith.addi %while3A_260, %while3A_262 : i32
    %while3A_264 = arith.constant 1 : i32
    %while3A_265 = arith.divsi %while3A_262, %while3A_264 : i32
    %while3A_266 = arith.muli %while3A_265, %while3A_264 : i32
    %while3A_267 = arith.addi %while3A_260, %while3A_266 : i32
    %while3A_268 = arith.constant 1 : i32
    %while3A_269 = scf.for %while3A_321 = %while3A_260 to %while3A_267 step %while3A_268 iter_args(%while3A_322 = %while3A_261) -> (i32)  : i32 {
      %mul3A_323 = arith.constant 2 : i32
      %mul3A_324 = arith.muli %mul3A_323, %while3A_321 : i32
      %mul3A_325 = arith.constant 64 : i32
      %mul3A_326 = arith.muli %mul3A_324, %mul3A_325 : i32
      %add3A_327 = arith.addi %mul3A_202, %mul3A_326 : i32
      %multiple_of3A = tpu.assume_multiple %add3A_327, 8 : i32
      %add3A_328 = arith.constant 64 : i32
      %add3A_329 = arith.addi %multiple_of3A, %add3A_328 : i32
      %multiple_of3A_330 = tpu.assume_multiple %add3A_329, 8 : i32
      "tpu.region"() ({
        %run_scoped3A = tpu.sem_alloc : memref<!tpu.dma_semaphore, #tpu.memory_space<semaphore_mem>>
        %dma_start3A_742 = tpu.memref_slice %arg5[%multiple_of3A] : memref<160256xi32, #tpu.memory_space<hbm>> -> memref<64xi32, #tpu.memory_space<hbm>>
        %dma_start3A_743 = tpu.memref_slice %arg5[%multiple_of3A] : memref<160256xi32, #tpu.memory_space<hbm>> -> memref<64xi32, #tpu.memory_space<hbm>>
        tpu.enqueue_dma source(%dma_start3A_743 : memref<64xi32, #tpu.memory_space<hbm>>) target(%arg13 : memref<64xi32, #tpu.memory_space<vmem>>) target_semaphore(%run_scoped3A : memref<!tpu.dma_semaphore, #tpu.memory_space<semaphore_mem>>)
        %dma_wait3A_744 = tpu.memref_slice %arg5[%multiple_of3A] : memref<160256xi32, #tpu.memory_space<hbm>> -> memref<64xi32, #tpu.memory_space<hbm>>
        %dma_wait3A_745 = tpu.memref_slice %arg5[%multiple_of3A] : memref<160256xi32, #tpu.memory_space<hbm>> -> memref<64xi32, #tpu.memory_space<hbm>>
        tpu.wait_dma2 semaphore(%run_scoped3A : memref<!tpu.dma_semaphore, #tpu.memory_space<semaphore_mem>>) src(%dma_wait3A_745 : memref<64xi32, #tpu.memory_space<hbm>>) dst(%arg13 : memref<64xi32, #tpu.memory_space<vmem>>)
        tpu.yield
      }) : () -> ()
      "tpu.region"() ({
        %run_scoped3A = tpu.sem_alloc : memref<!tpu.dma_semaphore, #tpu.memory_space<semaphore_mem>>
        %dma_start3A_742 = tpu.memref_slice %arg6[%multiple_of3A] : memref<160256xi32, #tpu.memory_space<hbm>> -> memref<64xi32, #tpu.memory_space<hbm>>
        %dma_start3A_743 = tpu.memref_slice %arg6[%multiple_of3A] : memref<160256xi32, #tpu.memory_space<hbm>> -> memref<64xi32, #tpu.memory_space<hbm>>
        tpu.enqueue_dma source(%dma_start3A_743 : memref<64xi32, #tpu.memory_space<hbm>>) target(%arg14 : memref<64xi32, #tpu.memory_space<vmem>>) target_semaphore(%run_scoped3A : memref<!tpu.dma_semaphore, #tpu.memory_space<semaphore_mem>>)
        %dma_wait3A_744 = tpu.memref_slice %arg6[%multiple_of3A] : memref<160256xi32, #tpu.memory_space<hbm>> -> memref<64xi32, #tpu.memory_space<hbm>>
        %dma_wait3A_745 = tpu.memref_slice %arg6[%multiple_of3A] : memref<160256xi32, #tpu.memory_space<hbm>> -> memref<64xi32, #tpu.memory_space<hbm>>
        tpu.wait_dma2 semaphore(%run_scoped3A : memref<!tpu.dma_semaphore, #tpu.memory_space<semaphore_mem>>) src(%dma_wait3A_745 : memref<64xi32, #tpu.memory_space<hbm>>) dst(%arg14 : memref<64xi32, #tpu.memory_space<vmem>>)
        tpu.yield
      }) : () -> ()
      "tpu.region"() ({
        %run_scoped3A = tpu.sem_alloc : memref<!tpu.dma_semaphore, #tpu.memory_space<semaphore_mem>>
        %dma_start3A_742 = tpu.memref_slice %arg7[%multiple_of3A] : memref<160256xf32, #tpu.memory_space<hbm>> -> memref<64xf32, #tpu.memory_space<hbm>>
        %dma_start3A_743 = tpu.memref_slice %arg7[%multiple_of3A] : memref<160256xf32, #tpu.memory_space<hbm>> -> memref<64xf32, #tpu.memory_space<hbm>>
        tpu.enqueue_dma source(%dma_start3A_743 : memref<64xf32, #tpu.memory_space<hbm>>) target(%arg15 : memref<64xf32, #tpu.memory_space<vmem>>) target_semaphore(%run_scoped3A : memref<!tpu.dma_semaphore, #tpu.memory_space<semaphore_mem>>)
        %dma_wait3A_744 = tpu.memref_slice %arg7[%multiple_of3A] : memref<160256xf32, #tpu.memory_space<hbm>> -> memref<64xf32, #tpu.memory_space<hbm>>
        %dma_wait3A_745 = tpu.memref_slice %arg7[%multiple_of3A] : memref<160256xf32, #tpu.memory_space<hbm>> -> memref<64xf32, #tpu.memory_space<hbm>>
        tpu.wait_dma2 semaphore(%run_scoped3A : memref<!tpu.dma_semaphore, #tpu.memory_space<semaphore_mem>>) src(%dma_wait3A_745 : memref<64xf32, #tpu.memory_space<hbm>>) dst(%arg15 : memref<64xf32, #tpu.memory_space<vmem>>)
        tpu.yield
      }) : () -> ()
      %dma_start3A = arith.constant 0 : i32
      %dma_start3A_331 = arith.constant 0 : i32
      %dma_start3A_332 = tpu.memref_slice %arg2[%dma_start3A, %dma_start3A_331] : memref<10000x256xf32, #tpu.memory_space<hbm>> -> memref<10000x256xf32, #tpu.memory_space<hbm>>
      tpu.enqueue_indirect_dma source(%dma_start3A_332 : memref<10000x256xf32, #tpu.memory_space<hbm>>) target(%arg18 : memref<64x256xf32, #tpu.memory_space<vmem>>) offsets(%arg14 : memref<64xi32, #tpu.memory_space<vmem>>) semaphore(%arg27 : memref<!tpu.dma_semaphore, #tpu.memory_space<semaphore_mem>>)
      %get3A = arith.constant 0 : index
      %get3A_333 = tpu.vector_load %arg13[%get3A] {strides = array<i32>} : memref<64xi32, #tpu.memory_space<vmem>>, vector<16xi32>,
      %get3A_334 = arith.constant 0 : index
      %get3A_335 = tpu.vector_load %arg15[%get3A_334] {strides = array<i32>} : memref<64xf32, #tpu.memory_space<vmem>>, vector<16xf32>,
      %add3A_336 = arith.constant 0 : i32
      %add3A_337 = arith.addi %multiple_of3A, %add3A_336 : i32
      %iota3A = tpu.iota {dimensions = array<i32: 0>} : vector<16xi32>
      %add3A_338 = vector.broadcast %add3A_337 : i32 to vector<16xi32>
      %add3A_339 = arith.addi %add3A_338, %iota3A : vector<16xi32>
      %ge3A = vector.broadcast %squeeze3A_170 : i32 to vector<16xi32>
      %ge3A_340 = arith.cmpi sge, %add3A_339, %ge3A : vector<16xi32>
      %lt3A = vector.broadcast %squeeze3A_176 : i32 to vector<16xi32>
      %lt3A_341 = arith.cmpi slt, %add3A_339, %lt3A : vector<16xi32>
      %and3A_342 = arith.andi %ge3A_340, %lt3A_341 : vector<16xi1>
      %sub3A_343 = vector.broadcast %mul3A_159 : i32 to vector<16xi32>
      %sub3A_344 = arith.subi %get3A_333, %sub3A_343 : vector<16xi32>
      %jit3A_345 = arith.constant 0 : i32
      %jit3A_346 = arith.constant 159 : i32
      %max3A_347 = vector.broadcast %jit3A_345 : i32 to vector<16xi32>
      %max3A_348 = arith.maxsi %max3A_347, %sub3A_344 : vector<16xi32>
      %min3A_349 = vector.broadcast %jit3A_346 : i32 to vector<16xi32>
      %min3A_350 = arith.minsi %min3A_349, %max3A_348 : vector<16xi32>
      %gather3A_351 = tpu.vector_load_idx %arg11[%min3A_350] : memref<160xf32, #tpu.memory_space<vmem>>[vector<16xi32>], vector<16xf32>,
      %get3A_352 = arith.constant 0 : index
      %get3A_353 = tpu.vector_load %arg14[%get3A_352] {strides = array<i32>} : memref<64xi32, #tpu.memory_space<vmem>>, vector<16xi32>,
      %gather3A_354 = tpu.vector_load_idx %arg12[%get3A_353] : memref<10240xf32, #tpu.memory_space<vmem>>[vector<16xi32>], vector<16xf32>,
      %add3A_355 = arith.addf %gather3A_351, %gather3A_354 : vector<16xf32>
      %mul3A_356 = arith.mulf %get3A_335, %add3A_355 : vector<16xf32>
      %ge3A_357 = arith.constant 0.000000e+00 : f32
      %ge3A_358 = vector.broadcast %ge3A_357 : f32 to vector<16xf32>
      %ge3A_359 = arith.cmpf oge, %mul3A_356, %ge3A_358 : vector<16xf32>
      %mul3A_360 = arith.constant 0.00999999977 : f32
      %mul3A_361 = vector.broadcast %mul3A_360 : f32 to vector<16xf32>
      %mul3A_362 = arith.mulf %mul3A_361, %mul3A_356 : vector<16xf32>
      %select_n3A_363 = arith.select %ge3A_359, %mul3A_356, %mul3A_362 : vector<16xi1>, vector<16xf32>
      %jit3A_364 = arith.constant -2.000000e+00 : f32
      %jit3A_365 = arith.constant 2.000000e+00 : f32
      %max3A_366 = vector.broadcast %jit3A_364 : f32 to vector<16xf32>
      %max3A_367 = arith.maximumf %max3A_366, %select_n3A_363 : vector<16xf32>
      %min3A_368 = vector.broadcast %jit3A_365 : f32 to vector<16xf32>
      %min3A_369 = arith.minimumf %min3A_368, %max3A_367 : vector<16xf32>
      %exp3A = math.exp %min3A_369 : vector<16xf32>
      %jit3A_370 = arith.constant 0.000000e+00 : f32
      %broadcast_in_dim3A_371 = vector.broadcast %jit3A_370 : f32 to vector<16xf32>
      %select_n3A_372 = arith.select %and3A_342, %exp3A, %broadcast_in_dim3A_371 : vector<16xi1>, vector<16xf32>
      %swap3A = arith.constant 0 : index
      %swap3A_373 = tpu.vector_load %arg17[%swap3A] {strides = array<i32>} : memref<64xf32, #tpu.memory_space<vmem>>, vector<16xf32>,
      tpu.vector_store %arg17[%swap3A], %select_n3A_372 {strides = array<i32>} : memref<64xf32, #tpu.memory_space<vmem>>, vector<16xf32>,
      %swap3A_374 = arith.constant 0 : index
      %swap3A_375 = tpu.vector_load %arg16[%swap3A_374] {strides = array<i32>} : memref<64xi32, #tpu.memory_space<vmem>>, vector<16xi32>,
      tpu.vector_store %arg16[%swap3A_374], %min3A_350 {strides = array<i32>} : memref<64xi32, #tpu.memory_space<vmem>>, vector<16xi32>,
      %get3A_376 = arith.constant 16 : index
      %get3A_377 = tpu.vector_load %arg13[%get3A_376] {strides = array<i32>} : memref<64xi32, #tpu.memory_space<vmem>>, vector<16xi32>,
      %get3A_378 = arith.constant 16 : index
      %get3A_379 = tpu.vector_load %arg15[%get3A_378] {strides = array<i32>} : memref<64xf32, #tpu.memory_space<vmem>>, vector<16xf32>,
      %add3A_380 = arith.constant 16 : i32
      %add3A_381 = arith.addi %multiple_of3A, %add3A_380 : i32
      %iota3A_382 = tpu.iota {dimensions = array<i32: 0>} : vector<16xi32>
      %add3A_383 = vector.broadcast %add3A_381 : i32 to vector<16xi32>
      %add3A_384 = arith.addi %add3A_383, %iota3A_382 : vector<16xi32>
      %ge3A_385 = vector.broadcast %squeeze3A_170 : i32 to vector<16xi32>
      %ge3A_386 = arith.cmpi sge, %add3A_384, %ge3A_385 : vector<16xi32>
      %lt3A_387 = vector.broadcast %squeeze3A_176 : i32 to vector<16xi32>
      %lt3A_388 = arith.cmpi slt, %add3A_384, %lt3A_387 : vector<16xi32>
      %and3A_389 = arith.andi %ge3A_386, %lt3A_388 : vector<16xi1>
      %sub3A_390 = vector.broadcast %mul3A_159 : i32 to vector<16xi32>
      %sub3A_391 = arith.subi %get3A_377, %sub3A_390 : vector<16xi32>
      %jit3A_392 = arith.constant 0 : i32
      %jit3A_393 = arith.constant 159 : i32
      %max3A_394 = vector.broadcast %jit3A_392 : i32 to vector<16xi32>
      %max3A_395 = arith.maxsi %max3A_394, %sub3A_391 : vector<16xi32>
      %min3A_396 = vector.broadcast %jit3A_393 : i32 to vector<16xi32>
      %min3A_397 = arith.minsi %min3A_396, %max3A_395 : vector<16xi32>
      %gather3A_398 = tpu.vector_load_idx %arg11[%min3A_397] : memref<160xf32, #tpu.memory_space<vmem>>[vector<16xi32>], vector<16xf32>,
      %get3A_399 = arith.constant 16 : index
      %get3A_400 = tpu.vector_load %arg14[%get3A_399] {strides = array<i32>} : memref<64xi32, #tpu.memory_space<vmem>>, vector<16xi32>,
      %gather3A_401 = tpu.vector_load_idx %arg12[%get3A_400] : memref<10240xf32, #tpu.memory_space<vmem>>[vector<16xi32>], vector<16xf32>,
      %add3A_402 = arith.addf %gather3A_398, %gather3A_401 : vector<16xf32>
      %mul3A_403 = arith.mulf %get3A_379, %add3A_402 : vector<16xf32>
      %ge3A_404 = arith.constant 0.000000e+00 : f32
      %ge3A_405 = vector.broadcast %ge3A_404 : f32 to vector<16xf32>
      %ge3A_406 = arith.cmpf oge, %mul3A_403, %ge3A_405 : vector<16xf32>
      %mul3A_407 = arith.constant 0.00999999977 : f32
      %mul3A_408 = vector.broadcast %mul3A_407 : f32 to vector<16xf32>
      %mul3A_409 = arith.mulf %mul3A_408, %mul3A_403 : vector<16xf32>
      %select_n3A_410 = arith.select %ge3A_406, %mul3A_403, %mul3A_409 : vector<16xi1>, vector<16xf32>
      %jit3A_411 = arith.constant -2.000000e+00 : f32
      %jit3A_412 = arith.constant 2.000000e+00 : f32
      %max3A_413 = vector.broadcast %jit3A_411 : f32 to vector<16xf32>
      %max3A_414 = arith.maximumf %max3A_413, %select_n3A_410 : vector<16xf32>
      %min3A_415 = vector.broadcast %jit3A_412 : f32 to vector<16xf32>
      %min3A_416 = arith.minimumf %min3A_415, %max3A_414 : vector<16xf32>
      %exp3A_417 = math.exp %min3A_416 : vector<16xf32>
      %jit3A_418 = arith.constant 0.000000e+00 : f32
      %broadcast_in_dim3A_419 = vector.broadcast %jit3A_418 : f32 to vector<16xf32>
      %select_n3A_420 = arith.select %and3A_389, %exp3A_417, %broadcast_in_dim3A_419 : vector<16xi1>, vector<16xf32>
      %swap3A_421 = arith.constant 16 : index
      %swap3A_422 = tpu.vector_load %arg17[%swap3A_421] {strides = array<i32>} : memref<64xf32, #tpu.memory_space<vmem>>, vector<16xf32>,
      tpu.vector_store %arg17[%swap3A_421], %select_n3A_420 {strides = array<i32>} : memref<64xf32, #tpu.memory_space<vmem>>, vector<16xf32>,
      %swap3A_423 = arith.constant 16 : index
      %swap3A_424 = tpu.vector_load %arg16[%swap3A_423] {strides = array<i32>} : memref<64xi32, #tpu.memory_space<vmem>>, vector<16xi32>,
      tpu.vector_store %arg16[%swap3A_423], %min3A_397 {strides = array<i32>} : memref<64xi32, #tpu.memory_space<vmem>>, vector<16xi32>,
      %get3A_425 = arith.constant 32 : index
      %get3A_426 = tpu.vector_load %arg13[%get3A_425] {strides = array<i32>} : memref<64xi32, #tpu.memory_space<vmem>>, vector<16xi32>,
      %get3A_427 = arith.constant 32 : index
      %get3A_428 = tpu.vector_load %arg15[%get3A_427] {strides = array<i32>} : memref<64xf32, #tpu.memory_space<vmem>>, vector<16xf32>,
      %add3A_429 = arith.constant 32 : i32
      %add3A_430 = arith.addi %multiple_of3A, %add3A_429 : i32
      %iota3A_431 = tpu.iota {dimensions = array<i32: 0>} : vector<16xi32>
      %add3A_432 = vector.broadcast %add3A_430 : i32 to vector<16xi32>
      %add3A_433 = arith.addi %add3A_432, %iota3A_431 : vector<16xi32>
      %ge3A_434 = vector.broadcast %squeeze3A_170 : i32 to vector<16xi32>
      %ge3A_435 = arith.cmpi sge, %add3A_433, %ge3A_434 : vector<16xi32>
      %lt3A_436 = vector.broadcast %squeeze3A_176 : i32 to vector<16xi32>
      %lt3A_437 = arith.cmpi slt, %add3A_433, %lt3A_436 : vector<16xi32>
      %and3A_438 = arith.andi %ge3A_435, %lt3A_437 : vector<16xi1>
      %sub3A_439 = vector.broadcast %mul3A_159 : i32 to vector<16xi32>
      %sub3A_440 = arith.subi %get3A_426, %sub3A_439 : vector<16xi32>
      %jit3A_441 = arith.constant 0 : i32
      %jit3A_442 = arith.constant 159 : i32
      %max3A_443 = vector.broadcast %jit3A_441 : i32 to vector<16xi32>
      %max3A_444 = arith.maxsi %max3A_443, %sub3A_440 : vector<16xi32>
      %min3A_445 = vector.broadcast %jit3A_442 : i32 to vector<16xi32>
      %min3A_446 = arith.minsi %min3A_445, %max3A_444 : vector<16xi32>
      %gather3A_447 = tpu.vector_load_idx %arg11[%min3A_446] : memref<160xf32, #tpu.memory_space<vmem>>[vector<16xi32>], vector<16xf32>,
      %get3A_448 = arith.constant 32 : index
      %get3A_449 = tpu.vector_load %arg14[%get3A_448] {strides = array<i32>} : memref<64xi32, #tpu.memory_space<vmem>>, vector<16xi32>,
      %gather3A_450 = tpu.vector_load_idx %arg12[%get3A_449] : memref<10240xf32, #tpu.memory_space<vmem>>[vector<16xi32>], vector<16xf32>,
      %add3A_451 = arith.addf %gather3A_447, %gather3A_450 : vector<16xf32>
      %mul3A_452 = arith.mulf %get3A_428, %add3A_451 : vector<16xf32>
      %ge3A_453 = arith.constant 0.000000e+00 : f32
      %ge3A_454 = vector.broadcast %ge3A_453 : f32 to vector<16xf32>
      %ge3A_455 = arith.cmpf oge, %mul3A_452, %ge3A_454 : vector<16xf32>
      %mul3A_456 = arith.constant 0.00999999977 : f32
      %mul3A_457 = vector.broadcast %mul3A_456 : f32 to vector<16xf32>
      %mul3A_458 = arith.mulf %mul3A_457, %mul3A_452 : vector<16xf32>
      %select_n3A_459 = arith.select %ge3A_455, %mul3A_452, %mul3A_458 : vector<16xi1>, vector<16xf32>
      %jit3A_460 = arith.constant -2.000000e+00 : f32
      %jit3A_461 = arith.constant 2.000000e+00 : f32
      %max3A_462 = vector.broadcast %jit3A_460 : f32 to vector<16xf32>
      %max3A_463 = arith.maximumf %max3A_462, %select_n3A_459 : vector<16xf32>
      %min3A_464 = vector.broadcast %jit3A_461 : f32 to vector<16xf32>
      %min3A_465 = arith.minimumf %min3A_464, %max3A_463 : vector<16xf32>
      %exp3A_466 = math.exp %min3A_465 : vector<16xf32>
      %jit3A_467 = arith.constant 0.000000e+00 : f32
      %broadcast_in_dim3A_468 = vector.broadcast %jit3A_467 : f32 to vector<16xf32>
      %select_n3A_469 = arith.select %and3A_438, %exp3A_466, %broadcast_in_dim3A_468 : vector<16xi1>, vector<16xf32>
      %swap3A_470 = arith.constant 32 : index
      %swap3A_471 = tpu.vector_load %arg17[%swap3A_470] {strides = array<i32>} : memref<64xf32, #tpu.memory_space<vmem>>, vector<16xf32>,
      tpu.vector_store %arg17[%swap3A_470], %select_n3A_469 {strides = array<i32>} : memref<64xf32, #tpu.memory_space<vmem>>, vector<16xf32>,
      %swap3A_472 = arith.constant 32 : index
      %swap3A_473 = tpu.vector_load %arg16[%swap3A_472] {strides = array<i32>} : memref<64xi32, #tpu.memory_space<vmem>>, vector<16xi32>,
      tpu.vector_store %arg16[%swap3A_472], %min3A_446 {strides = array<i32>} : memref<64xi32, #tpu.memory_space<vmem>>, vector<16xi32>,
      %get3A_474 = arith.constant 48 : index
      %get3A_475 = tpu.vector_load %arg13[%get3A_474] {strides = array<i32>} : memref<64xi32, #tpu.memory_space<vmem>>, vector<16xi32>,
      %get3A_476 = arith.constant 48 : index
      %get3A_477 = tpu.vector_load %arg15[%get3A_476] {strides = array<i32>} : memref<64xf32, #tpu.memory_space<vmem>>, vector<16xf32>,
      %add3A_478 = arith.constant 48 : i32
      %add3A_479 = arith.addi %multiple_of3A, %add3A_478 : i32
      %iota3A_480 = tpu.iota {dimensions = array<i32: 0>} : vector<16xi32>
      %add3A_481 = vector.broadcast %add3A_479 : i32 to vector<16xi32>
      %add3A_482 = arith.addi %add3A_481, %iota3A_480 : vector<16xi32>
      %ge3A_483 = vector.broadcast %squeeze3A_170 : i32 to vector<16xi32>
      %ge3A_484 = arith.cmpi sge, %add3A_482, %ge3A_483 : vector<16xi32>
      %lt3A_485 = vector.broadcast %squeeze3A_176 : i32 to vector<16xi32>
      %lt3A_486 = arith.cmpi slt, %add3A_482, %lt3A_485 : vector<16xi32>
      %and3A_487 = arith.andi %ge3A_484, %lt3A_486 : vector<16xi1>
      %sub3A_488 = vector.broadcast %mul3A_159 : i32 to vector<16xi32>
      %sub3A_489 = arith.subi %get3A_475, %sub3A_488 : vector<16xi32>
      %jit3A_490 = arith.constant 0 : i32
      %jit3A_491 = arith.constant 159 : i32
      %max3A_492 = vector.broadcast %jit3A_490 : i32 to vector<16xi32>
      %max3A_493 = arith.maxsi %max3A_492, %sub3A_489 : vector<16xi32>
      %min3A_494 = vector.broadcast %jit3A_491 : i32 to vector<16xi32>
      %min3A_495 = arith.minsi %min3A_494, %max3A_493 : vector<16xi32>
      %gather3A_496 = tpu.vector_load_idx %arg11[%min3A_495] : memref<160xf32, #tpu.memory_space<vmem>>[vector<16xi32>], vector<16xf32>,
      %get3A_497 = arith.constant 48 : index
      %get3A_498 = tpu.vector_load %arg14[%get3A_497] {strides = array<i32>} : memref<64xi32, #tpu.memory_space<vmem>>, vector<16xi32>,
      %gather3A_499 = tpu.vector_load_idx %arg12[%get3A_498] : memref<10240xf32, #tpu.memory_space<vmem>>[vector<16xi32>], vector<16xf32>,
      %add3A_500 = arith.addf %gather3A_496, %gather3A_499 : vector<16xf32>
      %mul3A_501 = arith.mulf %get3A_477, %add3A_500 : vector<16xf32>
      %ge3A_502 = arith.constant 0.000000e+00 : f32
      %ge3A_503 = vector.broadcast %ge3A_502 : f32 to vector<16xf32>
      %ge3A_504 = arith.cmpf oge, %mul3A_501, %ge3A_503 : vector<16xf32>
      %mul3A_505 = arith.constant 0.00999999977 : f32
      %mul3A_506 = vector.broadcast %mul3A_505 : f32 to vector<16xf32>
      %mul3A_507 = arith.mulf %mul3A_506, %mul3A_501 : vector<16xf32>
      %select_n3A_508 = arith.select %ge3A_504, %mul3A_501, %mul3A_507 : vector<16xi1>, vector<16xf32>
      %jit3A_509 = arith.constant -2.000000e+00 : f32
      %jit3A_510 = arith.constant 2.000000e+00 : f32
      %max3A_511 = vector.broadcast %jit3A_509 : f32 to vector<16xf32>
      %max3A_512 = arith.maximumf %max3A_511, %select_n3A_508 : vector<16xf32>
      %min3A_513 = vector.broadcast %jit3A_510 : f32 to vector<16xf32>
      %min3A_514 = arith.minimumf %min3A_513, %max3A_512 : vector<16xf32>
      %exp3A_515 = math.exp %min3A_514 : vector<16xf32>
      %jit3A_516 = arith.constant 0.000000e+00 : f32
      %broadcast_in_dim3A_517 = vector.broadcast %jit3A_516 : f32 to vector<16xf32>
      %select_n3A_518 = arith.select %and3A_487, %exp3A_515, %broadcast_in_dim3A_517 : vector<16xi1>, vector<16xf32>
      %swap3A_519 = arith.constant 48 : index
      %swap3A_520 = tpu.vector_load %arg17[%swap3A_519] {strides = array<i32>} : memref<64xf32, #tpu.memory_space<vmem>>, vector<16xf32>,
      tpu.vector_store %arg17[%swap3A_519], %select_n3A_518 {strides = array<i32>} : memref<64xf32, #tpu.memory_space<vmem>>, vector<16xf32>,
      %swap3A_521 = arith.constant 48 : index
      %swap3A_522 = tpu.vector_load %arg16[%swap3A_521] {strides = array<i32>} : memref<64xi32, #tpu.memory_space<vmem>>, vector<16xi32>,
      tpu.vector_store %arg16[%swap3A_521], %min3A_495 {strides = array<i32>} : memref<64xi32, #tpu.memory_space<vmem>>, vector<16xi32>,
      "tpu.region"() ({
        %run_scoped3A = tpu.sem_alloc : memref<!tpu.dma_semaphore, #tpu.memory_space<semaphore_mem>>
        %dma_start3A_742 = tpu.memref_slice %arg5[%multiple_of3A_330] : memref<160256xi32, #tpu.memory_space<hbm>> -> memref<64xi32, #tpu.memory_space<hbm>>
        %dma_start3A_743 = tpu.memref_slice %arg5[%multiple_of3A_330] : memref<160256xi32, #tpu.memory_space<hbm>> -> memref<64xi32, #tpu.memory_space<hbm>>
        tpu.enqueue_dma source(%dma_start3A_743 : memref<64xi32, #tpu.memory_space<hbm>>) target(%arg19 : memref<64xi32, #tpu.memory_space<vmem>>) target_semaphore(%run_scoped3A : memref<!tpu.dma_semaphore, #tpu.memory_space<semaphore_mem>>)
        %dma_wait3A_744 = tpu.memref_slice %arg5[%multiple_of3A_330] : memref<160256xi32, #tpu.memory_space<hbm>> -> memref<64xi32, #tpu.memory_space<hbm>>
        %dma_wait3A_745 = tpu.memref_slice %arg5[%multiple_of3A_330] : memref<160256xi32, #tpu.memory_space<hbm>> -> memref<64xi32, #tpu.memory_space<hbm>>
        tpu.wait_dma2 semaphore(%run_scoped3A : memref<!tpu.dma_semaphore, #tpu.memory_space<semaphore_mem>>) src(%dma_wait3A_745 : memref<64xi32, #tpu.memory_space<hbm>>) dst(%arg19 : memref<64xi32, #tpu.memory_space<vmem>>)
        tpu.yield
      }) : () -> ()
      "tpu.region"() ({
        %run_scoped3A = tpu.sem_alloc : memref<!tpu.dma_semaphore, #tpu.memory_space<semaphore_mem>>
        %dma_start3A_742 = tpu.memref_slice %arg6[%multiple_of3A_330] : memref<160256xi32, #tpu.memory_space<hbm>> -> memref<64xi32, #tpu.memory_space<hbm>>
        %dma_start3A_743 = tpu.memref_slice %arg6[%multiple_of3A_330] : memref<160256xi32, #tpu.memory_space<hbm>> -> memref<64xi32, #tpu.memory_space<hbm>>
        tpu.enqueue_dma source(%dma_start3A_743 : memref<64xi32, #tpu.memory_space<hbm>>) target(%arg20 : memref<64xi32, #tpu.memory_space<vmem>>) target_semaphore(%run_scoped3A : memref<!tpu.dma_semaphore, #tpu.memory_space<semaphore_mem>>)
        %dma_wait3A_744 = tpu.memref_slice %arg6[%multiple_of3A_330] : memref<160256xi32, #tpu.memory_space<hbm>> -> memref<64xi32, #tpu.memory_space<hbm>>
        %dma_wait3A_745 = tpu.memref_slice %arg6[%multiple_of3A_330] : memref<160256xi32, #tpu.memory_space<hbm>> -> memref<64xi32, #tpu.memory_space<hbm>>
        tpu.wait_dma2 semaphore(%run_scoped3A : memref<!tpu.dma_semaphore, #tpu.memory_space<semaphore_mem>>) src(%dma_wait3A_745 : memref<64xi32, #tpu.memory_space<hbm>>) dst(%arg20 : memref<64xi32, #tpu.memory_space<vmem>>)
        tpu.yield
      }) : () -> ()
      "tpu.region"() ({
        %run_scoped3A = tpu.sem_alloc : memref<!tpu.dma_semaphore, #tpu.memory_space<semaphore_mem>>
        %dma_start3A_742 = tpu.memref_slice %arg7[%multiple_of3A_330] : memref<160256xf32, #tpu.memory_space<hbm>> -> memref<64xf32, #tpu.memory_space<hbm>>
        %dma_start3A_743 = tpu.memref_slice %arg7[%multiple_of3A_330] : memref<160256xf32, #tpu.memory_space<hbm>> -> memref<64xf32, #tpu.memory_space<hbm>>
        tpu.enqueue_dma source(%dma_start3A_743 : memref<64xf32, #tpu.memory_space<hbm>>) target(%arg21 : memref<64xf32, #tpu.memory_space<vmem>>) target_semaphore(%run_scoped3A : memref<!tpu.dma_semaphore, #tpu.memory_space<semaphore_mem>>)
        %dma_wait3A_744 = tpu.memref_slice %arg7[%multiple_of3A_330] : memref<160256xf32, #tpu.memory_space<hbm>> -> memref<64xf32, #tpu.memory_space<hbm>>
        %dma_wait3A_745 = tpu.memref_slice %arg7[%multiple_of3A_330] : memref<160256xf32, #tpu.memory_space<hbm>> -> memref<64xf32, #tpu.memory_space<hbm>>
        tpu.wait_dma2 semaphore(%run_scoped3A : memref<!tpu.dma_semaphore, #tpu.memory_space<semaphore_mem>>) src(%dma_wait3A_745 : memref<64xf32, #tpu.memory_space<hbm>>) dst(%arg21 : memref<64xf32, #tpu.memory_space<vmem>>)
        tpu.yield
      }) : () -> ()
      %dma_start3A_523 = arith.constant 0 : i32
      %dma_start3A_524 = arith.constant 0 : i32
      %dma_start3A_525 = tpu.memref_slice %arg2[%dma_start3A_523, %dma_start3A_524] : memref<10000x256xf32, #tpu.memory_space<hbm>> -> memref<10000x256xf32, #tpu.memory_space<hbm>>
      tpu.enqueue_indirect_dma source(%dma_start3A_525 : memref<10000x256xf32, #tpu.memory_space<hbm>>) target(%arg24 : memref<64x256xf32, #tpu.memory_space<vmem>>) offsets(%arg20 : memref<64xi32, #tpu.memory_space<vmem>>) semaphore(%arg28 : memref<!tpu.dma_semaphore, #tpu.memory_space<semaphore_mem>>)
      %dma_wait3A = arith.constant 0 : i32
      %dma_wait3A_526 = arith.constant 0 : i32
      %dma_wait3A_527 = tpu.memref_slice %arg2[%dma_wait3A, %dma_wait3A_526] : memref<10000x256xf32, #tpu.memory_space<hbm>> -> memref<10000x256xf32, #tpu.memory_space<hbm>>
      tpu.wait_indirect_dma semaphore(%arg27 : memref<!tpu.dma_semaphore, #tpu.memory_space<semaphore_mem>>) src(%dma_wait3A_527 : memref<10000x256xf32, #tpu.memory_space<hbm>>) dst(%arg18 : memref<64x256xf32, #tpu.memory_space<vmem>>)
      %scan3A_528 = arith.constant 0 : i32
      %scan3A_529 = arith.constant 0 : i32
      %scan3A_530 = arith.constant 64 : i32
      %scan3A_531 = arith.addi %scan3A_529, %scan3A_530 : i32
      %scan3A_532 = arith.constant 1 : i32
      %scan3A_533 = scf.for %scan3A_742 = %scan3A_529 to %scan3A_531 step %scan3A_532 iter_args(%scan3A_743 = %scan3A_528) -> (i32)  : i32 {
        %broadcast_in_dim3A_744 = vector.broadcast %scan3A_742 : i32 to vector<16xi32>
        %gather3A_745 = tpu.vector_load_idx %arg16[%broadcast_in_dim3A_744] : memref<64xi32, #tpu.memory_space<vmem>>[vector<16xi32>], vector<16xi32>,
        %slice3A_746 = vector.extract_strided_slice %gather3A_745 {offsets = [0], sizes = [1], strides = [1]} : vector<16xi32> to vector<1xi32>
        %squeeze3A_747 = vector.extract %slice3A_746[0] : i32 from vector<1xi32>
        %gather3A_748 = tpu.vector_load_idx %arg17[%broadcast_in_dim3A_744] : memref<64xf32, #tpu.memory_space<vmem>>[vector<16xi32>], vector<16xf32>,
        %swap3A_749 = arith.index_cast %squeeze3A_747 : i32 to index
        %swap3A_750 = arith.constant 0 : index
        %swap3A_751 = tpu.vector_load %arg26[%swap3A_749, %swap3A_750] {strides = array<i32>} : memref<160x16xf32, #tpu.memory_space<vmem>>, vector<16xf32>,
        tpu.vector_store %arg26[%swap3A_749, %swap3A_750], %gather3A_748 {add = true, strides = array<i32>} : memref<160x16xf32, #tpu.memory_space<vmem>>, vector<16xf32>,
        %get3A_752 = arith.index_cast %scan3A_742 : i32 to index
        %get3A_753 = arith.constant 0 : index
        %get3A_754 = tpu.vector_load %arg18[%get3A_752, %get3A_753] {strides = array<i32>} : memref<64x256xf32, #tpu.memory_space<vmem>>, vector<16xf32>,
        %mul3A_755 = arith.mulf %get3A_754, %gather3A_748 : vector<16xf32>
        %swap3A_756 = arith.index_cast %squeeze3A_747 : i32 to index
        %swap3A_757 = arith.constant 0 : index
        %swap3A_758 = tpu.vector_load %arg25[%swap3A_756, %swap3A_757] {strides = array<i32>} : memref<160x256xf32, #tpu.memory_space<vmem>>, vector<16xf32>,
        tpu.vector_store %arg25[%swap3A_756, %swap3A_757], %mul3A_755 {add = true, strides = array<i32>} : memref<160x256xf32, #tpu.memory_space<vmem>>, vector<16xf32>,
        %get3A_759 = arith.index_cast %scan3A_742 : i32 to index
        %get3A_760 = arith.constant 16 : index
        %get3A_761 = tpu.vector_load %arg18[%get3A_759, %get3A_760] {strides = array<i32>} : memref<64x256xf32, #tpu.memory_space<vmem>>, vector<16xf32>,
        %mul3A_762 = arith.mulf %get3A_761, %gather3A_748 : vector<16xf32>
        %swap3A_763 = arith.index_cast %squeeze3A_747 : i32 to index
        %swap3A_764 = arith.constant 16 : index
        %swap3A_765 = tpu.vector_load %arg25[%swap3A_763, %swap3A_764] {strides = array<i32>} : memref<160x256xf32, #tpu.memory_space<vmem>>, vector<16xf32>,
        tpu.vector_store %arg25[%swap3A_763, %swap3A_764], %mul3A_762 {add = true, strides = array<i32>} : memref<160x256xf32, #tpu.memory_space<vmem>>, vector<16xf32>,
        %get3A_766 = arith.index_cast %scan3A_742 : i32 to index
        %get3A_767 = arith.constant 32 : index
        %get3A_768 = tpu.vector_load %arg18[%get3A_766, %get3A_767] {strides = array<i32>} : memref<64x256xf32, #tpu.memory_space<vmem>>, vector<16xf32>,
        %mul3A_769 = arith.mulf %get3A_768, %gather3A_748 : vector<16xf32>
        %swap3A_770 = arith.index_cast %squeeze3A_747 : i32 to index
        %swap3A_771 = arith.constant 32 : index
        %swap3A_772 = tpu.vector_load %arg25[%swap3A_770, %swap3A_771] {strides = array<i32>} : memref<160x256xf32, #tpu.memory_space<vmem>>, vector<16xf32>,
        tpu.vector_store %arg25[%swap3A_770, %swap3A_771], %mul3A_769 {add = true, strides = array<i32>} : memref<160x256xf32, #tpu.memory_space<vmem>>, vector<16xf32>,
        %get3A_773 = arith.index_cast %scan3A_742 : i32 to index
        %get3A_774 = arith.constant 48 : index
        %get3A_775 = tpu.vector_load %arg18[%get3A_773, %get3A_774] {strides = array<i32>} : memref<64x256xf32, #tpu.memory_space<vmem>>, vector<16xf32>,
        %mul3A_776 = arith.mulf %get3A_775, %gather3A_748 : vector<16xf32>
        %swap3A_777 = arith.index_cast %squeeze3A_747 : i32 to index
        %swap3A_778 = arith.constant 48 : index
        %swap3A_779 = tpu.vector_load %arg25[%swap3A_777, %swap3A_778] {strides = array<i32>} : memref<160x256xf32, #tpu.memory_space<vmem>>, vector<16xf32>,
        tpu.vector_store %arg25[%swap3A_777, %swap3A_778], %mul3A_776 {add = true, strides = array<i32>} : memref<160x256xf32, #tpu.memory_space<vmem>>, vector<16xf32>,
        %get3A_780 = arith.index_cast %scan3A_742 : i32 to index
        %get3A_781 = arith.constant 64 : index
        %get3A_782 = tpu.vector_load %arg18[%get3A_780, %get3A_781] {strides = array<i32>} : memref<64x256xf32, #tpu.memory_space<vmem>>, vector<16xf32>,
        %mul3A_783 = arith.mulf %get3A_782, %gather3A_748 : vector<16xf32>
        %swap3A_784 = arith.index_cast %squeeze3A_747 : i32 to index
        %swap3A_785 = arith.constant 64 : index
        %swap3A_786 = tpu.vector_load %arg25[%swap3A_784, %swap3A_785] {strides = array<i32>} : memref<160x256xf32, #tpu.memory_space<vmem>>, vector<16xf32>,
        tpu.vector_store %arg25[%swap3A_784, %swap3A_785], %mul3A_783 {add = true, strides = array<i32>} : memref<160x256xf32, #tpu.memory_space<vmem>>, vector<16xf32>,
        %get3A_787 = arith.index_cast %scan3A_742 : i32 to index
        %get3A_788 = arith.constant 80 : index
        %get3A_789 = tpu.vector_load %arg18[%get3A_787, %get3A_788] {strides = array<i32>} : memref<64x256xf32, #tpu.memory_space<vmem>>, vector<16xf32>,
        %mul3A_790 = arith.mulf %get3A_789, %gather3A_748 : vector<16xf32>
        %swap3A_791 = arith.index_cast %squeeze3A_747 : i32 to index
        %swap3A_792 = arith.constant 80 : index
        %swap3A_793 = tpu.vector_load %arg25[%swap3A_791, %swap3A_792] {strides = array<i32>} : memref<160x256xf32, #tpu.memory_space<vmem>>, vector<16xf32>,
        tpu.vector_store %arg25[%swap3A_791, %swap3A_792], %mul3A_790 {add = true, strides = array<i32>} : memref<160x256xf32, #tpu.memory_space<vmem>>, vector<16xf32>,
        %get3A_794 = arith.index_cast %scan3A_742 : i32 to index
        %get3A_795 = arith.constant 96 : index
        %get3A_796 = tpu.vector_load %arg18[%get3A_794, %get3A_795] {strides = array<i32>} : memref<64x256xf32, #tpu.memory_space<vmem>>, vector<16xf32>,
        %mul3A_797 = arith.mulf %get3A_796, %gather3A_748 : vector<16xf32>
        %swap3A_798 = arith.index_cast %squeeze3A_747 : i32 to index
        %swap3A_799 = arith.constant 96 : index
        %swap3A_800 = tpu.vector_load %arg25[%swap3A_798, %swap3A_799] {strides = array<i32>} : memref<160x256xf32, #tpu.memory_space<vmem>>, vector<16xf32>,
        tpu.vector_store %arg25[%swap3A_798, %swap3A_799], %mul3A_797 {add = true, strides = array<i32>} : memref<160x256xf32, #tpu.memory_space<vmem>>, vector<16xf32>,
        %get3A_801 = arith.index_cast %scan3A_742 : i32 to index
        %get3A_802 = arith.constant 112 : index
        %get3A_803 = tpu.vector_load %arg18[%get3A_801, %get3A_802] {strides = array<i32>} : memref<64x256xf32, #tpu.memory_space<vmem>>, vector<16xf32>,
        %mul3A_804 = arith.mulf %get3A_803, %gather3A_748 : vector<16xf32>
        %swap3A_805 = arith.index_cast %squeeze3A_747 : i32 to index
        %swap3A_806 = arith.constant 112 : index
        %swap3A_807 = tpu.vector_load %arg25[%swap3A_805, %swap3A_806] {strides = array<i32>} : memref<160x256xf32, #tpu.memory_space<vmem>>, vector<16xf32>,
        tpu.vector_store %arg25[%swap3A_805, %swap3A_806], %mul3A_804 {add = true, strides = array<i32>} : memref<160x256xf32, #tpu.memory_space<vmem>>, vector<16xf32>,
        %get3A_808 = arith.index_cast %scan3A_742 : i32 to index
        %get3A_809 = arith.constant 128 : index
        %get3A_810 = tpu.vector_load %arg18[%get3A_808, %get3A_809] {strides = array<i32>} : memref<64x256xf32, #tpu.memory_space<vmem>>, vector<16xf32>,
        %mul3A_811 = arith.mulf %get3A_810, %gather3A_748 : vector<16xf32>
        %swap3A_812 = arith.index_cast %squeeze3A_747 : i32 to index
        %swap3A_813 = arith.constant 128 : index
        %swap3A_814 = tpu.vector_load %arg25[%swap3A_812, %swap3A_813] {strides = array<i32>} : memref<160x256xf32, #tpu.memory_space<vmem>>, vector<16xf32>,
        tpu.vector_store %arg25[%swap3A_812, %swap3A_813], %mul3A_811 {add = true, strides = array<i32>} : memref<160x256xf32, #tpu.memory_space<vmem>>, vector<16xf32>,
        %get3A_815 = arith.index_cast %scan3A_742 : i32 to index
        %get3A_816 = arith.constant 144 : index
        %get3A_817 = tpu.vector_load %arg18[%get3A_815, %get3A_816] {strides = array<i32>} : memref<64x256xf32, #tpu.memory_space<vmem>>, vector<16xf32>,
        %mul3A_818 = arith.mulf %get3A_817, %gather3A_748 : vector<16xf32>
        %swap3A_819 = arith.index_cast %squeeze3A_747 : i32 to index
        %swap3A_820 = arith.constant 144 : index
        %swap3A_821 = tpu.vector_load %arg25[%swap3A_819, %swap3A_820] {strides = array<i32>} : memref<160x256xf32, #tpu.memory_space<vmem>>, vector<16xf32>,
        tpu.vector_store %arg25[%swap3A_819, %swap3A_820], %mul3A_818 {add = true, strides = array<i32>} : memref<160x256xf32, #tpu.memory_space<vmem>>, vector<16xf32>,
        %get3A_822 = arith.index_cast %scan3A_742 : i32 to index
        %get3A_823 = arith.constant 160 : index
        %get3A_824 = tpu.vector_load %arg18[%get3A_822, %get3A_823] {strides = array<i32>} : memref<64x256xf32, #tpu.memory_space<vmem>>, vector<16xf32>,
        %mul3A_825 = arith.mulf %get3A_824, %gather3A_748 : vector<16xf32>
        %swap3A_826 = arith.index_cast %squeeze3A_747 : i32 to index
        %swap3A_827 = arith.constant 160 : index
        %swap3A_828 = tpu.vector_load %arg25[%swap3A_826, %swap3A_827] {strides = array<i32>} : memref<160x256xf32, #tpu.memory_space<vmem>>, vector<16xf32>,
        tpu.vector_store %arg25[%swap3A_826, %swap3A_827], %mul3A_825 {add = true, strides = array<i32>} : memref<160x256xf32, #tpu.memory_space<vmem>>, vector<16xf32>,
        %get3A_829 = arith.index_cast %scan3A_742 : i32 to index
        %get3A_830 = arith.constant 176 : index
        %get3A_831 = tpu.vector_load %arg18[%get3A_829, %get3A_830] {strides = array<i32>} : memref<64x256xf32, #tpu.memory_space<vmem>>, vector<16xf32>,
        %mul3A_832 = arith.mulf %get3A_831, %gather3A_748 : vector<16xf32>
        %swap3A_833 = arith.index_cast %squeeze3A_747 : i32 to index
        %swap3A_834 = arith.constant 176 : index
        %swap3A_835 = tpu.vector_load %arg25[%swap3A_833, %swap3A_834] {strides = array<i32>} : memref<160x256xf32, #tpu.memory_space<vmem>>, vector<16xf32>,
        tpu.vector_store %arg25[%swap3A_833, %swap3A_834], %mul3A_832 {add = true, strides = array<i32>} : memref<160x256xf32, #tpu.memory_space<vmem>>, vector<16xf32>,
        %get3A_836 = arith.index_cast %scan3A_742 : i32 to index
        %get3A_837 = arith.constant 192 : index
        %get3A_838 = tpu.vector_load %arg18[%get3A_836, %get3A_837] {strides = array<i32>} : memref<64x256xf32, #tpu.memory_space<vmem>>, vector<16xf32>,
        %mul3A_839 = arith.mulf %get3A_838, %gather3A_748 : vector<16xf32>
        %swap3A_840 = arith.index_cast %squeeze3A_747 : i32 to index
        %swap3A_841 = arith.constant 192 : index
        %swap3A_842 = tpu.vector_load %arg25[%swap3A_840, %swap3A_841] {strides = array<i32>} : memref<160x256xf32, #tpu.memory_space<vmem>>, vector<16xf32>,
        tpu.vector_store %arg25[%swap3A_840, %swap3A_841], %mul3A_839 {add = true, strides = array<i32>} : memref<160x256xf32, #tpu.memory_space<vmem>>, vector<16xf32>,
        %get3A_843 = arith.index_cast %scan3A_742 : i32 to index
        %get3A_844 = arith.constant 208 : index
        %get3A_845 = tpu.vector_load %arg18[%get3A_843, %get3A_844] {strides = array<i32>} : memref<64x256xf32, #tpu.memory_space<vmem>>, vector<16xf32>,
        %mul3A_846 = arith.mulf %get3A_845, %gather3A_748 : vector<16xf32>
        %swap3A_847 = arith.index_cast %squeeze3A_747 : i32 to index
        %swap3A_848 = arith.constant 208 : index
        %swap3A_849 = tpu.vector_load %arg25[%swap3A_847, %swap3A_848] {strides = array<i32>} : memref<160x256xf32, #tpu.memory_space<vmem>>, vector<16xf32>,
        tpu.vector_store %arg25[%swap3A_847, %swap3A_848], %mul3A_846 {add = true, strides = array<i32>} : memref<160x256xf32, #tpu.memory_space<vmem>>, vector<16xf32>,
        %get3A_850 = arith.index_cast %scan3A_742 : i32 to index
        %get3A_851 = arith.constant 224 : index
        %get3A_852 = tpu.vector_load %arg18[%get3A_850, %get3A_851] {strides = array<i32>} : memref<64x256xf32, #tpu.memory_space<vmem>>, vector<16xf32>,
        %mul3A_853 = arith.mulf %get3A_852, %gather3A_748 : vector<16xf32>
        %swap3A_854 = arith.index_cast %squeeze3A_747 : i32 to index
        %swap3A_855 = arith.constant 224 : index
        %swap3A_856 = tpu.vector_load %arg25[%swap3A_854, %swap3A_855] {strides = array<i32>} : memref<160x256xf32, #tpu.memory_space<vmem>>, vector<16xf32>,
        tpu.vector_store %arg25[%swap3A_854, %swap3A_855], %mul3A_853 {add = true, strides = array<i32>} : memref<160x256xf32, #tpu.memory_space<vmem>>, vector<16xf32>,
        %get3A_857 = arith.index_cast %scan3A_742 : i32 to index
        %get3A_858 = arith.constant 240 : index
        %get3A_859 = tpu.vector_load %arg18[%get3A_857, %get3A_858] {strides = array<i32>} : memref<64x256xf32, #tpu.memory_space<vmem>>, vector<16xf32>,
        %mul3A_860 = arith.mulf %get3A_859, %gather3A_748 : vector<16xf32>
        %swap3A_861 = arith.index_cast %squeeze3A_747 : i32 to index
        %swap3A_862 = arith.constant 240 : index
        %swap3A_863 = tpu.vector_load %arg25[%swap3A_861, %swap3A_862] {strides = array<i32>} : memref<160x256xf32, #tpu.memory_space<vmem>>, vector<16xf32>,
        tpu.vector_store %arg25[%swap3A_861, %swap3A_862], %mul3A_860 {add = true, strides = array<i32>} : memref<160x256xf32, #tpu.memory_space<vmem>>, vector<16xf32>,
        %scan3A_864 = arith.constant 0 : i32
        scf.yield %scan3A_864 : i32
      }
      %scan3A_534 = arith.constant 64 : i32
      %get3A_535 = arith.constant 0 : index
      %get3A_536 = tpu.vector_load %arg19[%get3A_535] {strides = array<i32>} : memref<64xi32, #tpu.memory_space<vmem>>, vector<16xi32>,
      %get3A_537 = arith.constant 0 : index
      %get3A_538 = tpu.vector_load %arg21[%get3A_537] {strides = array<i32>} : memref<64xf32, #tpu.memory_space<vmem>>, vector<16xf32>,
      %add3A_539 = arith.constant 0 : i32
      %add3A_540 = arith.addi %multiple_of3A_330, %add3A_539 : i32
      %iota3A_541 = tpu.iota {dimensions = array<i32: 0>} : vector<16xi32>
      %add3A_542 = vector.broadcast %add3A_540 : i32 to vector<16xi32>
      %add3A_543 = arith.addi %add3A_542, %iota3A_541 : vector<16xi32>
      %ge3A_544 = vector.broadcast %squeeze3A_170 : i32 to vector<16xi32>
      %ge3A_545 = arith.cmpi sge, %add3A_543, %ge3A_544 : vector<16xi32>
      %lt3A_546 = vector.broadcast %squeeze3A_176 : i32 to vector<16xi32>
      %lt3A_547 = arith.cmpi slt, %add3A_543, %lt3A_546 : vector<16xi32>
      %and3A_548 = arith.andi %ge3A_545, %lt3A_547 : vector<16xi1>
      %sub3A_549 = vector.broadcast %mul3A_159 : i32 to vector<16xi32>
      %sub3A_550 = arith.subi %get3A_536, %sub3A_549 : vector<16xi32>
      %jit3A_551 = arith.constant 0 : i32
      %jit3A_552 = arith.constant 159 : i32
      %max3A_553 = vector.broadcast %jit3A_551 : i32 to vector<16xi32>
      %max3A_554 = arith.maxsi %max3A_553, %sub3A_550 : vector<16xi32>
      %min3A_555 = vector.broadcast %jit3A_552 : i32 to vector<16xi32>
      %min3A_556 = arith.minsi %min3A_555, %max3A_554 : vector<16xi32>
      %gather3A_557 = tpu.vector_load_idx %arg11[%min3A_556] : memref<160xf32, #tpu.memory_space<vmem>>[vector<16xi32>], vector<16xf32>,
      %get3A_558 = arith.constant 0 : index
      %get3A_559 = tpu.vector_load %arg20[%get3A_558] {strides = array<i32>} : memref<64xi32, #tpu.memory_space<vmem>>, vector<16xi32>,
      %gather3A_560 = tpu.vector_load_idx %arg12[%get3A_559] : memref<10240xf32, #tpu.memory_space<vmem>>[vector<16xi32>], vector<16xf32>,
      %add3A_561 = arith.addf %gather3A_557, %gather3A_560 : vector<16xf32>
      %mul3A_562 = arith.mulf %get3A_538, %add3A_561 : vector<16xf32>
      %ge3A_563 = arith.constant 0.000000e+00 : f32
      %ge3A_564 = vector.broadcast %ge3A_563 : f32 to vector<16xf32>
      %ge3A_565 = arith.cmpf oge, %mul3A_562, %ge3A_564 : vector<16xf32>
      %mul3A_566 = arith.constant 0.00999999977 : f32
      %mul3A_567 = vector.broadcast %mul3A_566 : f32 to vector<16xf32>
      %mul3A_568 = arith.mulf %mul3A_567, %mul3A_562 : vector<16xf32>
      %select_n3A_569 = arith.select %ge3A_565, %mul3A_562, %mul3A_568 : vector<16xi1>, vector<16xf32>
      %jit3A_570 = arith.constant -2.000000e+00 : f32
      %jit3A_571 = arith.constant 2.000000e+00 : f32
      %max3A_572 = vector.broadcast %jit3A_570 : f32 to vector<16xf32>
      %max3A_573 = arith.maximumf %max3A_572, %select_n3A_569 : vector<16xf32>
      %min3A_574 = vector.broadcast %jit3A_571 : f32 to vector<16xf32>
      %min3A_575 = arith.minimumf %min3A_574, %max3A_573 : vector<16xf32>
      %exp3A_576 = math.exp %min3A_575 : vector<16xf32>
      %jit3A_577 = arith.constant 0.000000e+00 : f32
      %broadcast_in_dim3A_578 = vector.broadcast %jit3A_577 : f32 to vector<16xf32>
      %select_n3A_579 = arith.select %and3A_548, %exp3A_576, %broadcast_in_dim3A_578 : vector<16xi1>, vector<16xf32>
      %swap3A_580 = arith.constant 0 : index
      %swap3A_581 = tpu.vector_load %arg23[%swap3A_580] {strides = array<i32>} : memref<64xf32, #tpu.memory_space<vmem>>, vector<16xf32>,
      tpu.vector_store %arg23[%swap3A_580], %select_n3A_579 {strides = array<i32>} : memref<64xf32, #tpu.memory_space<vmem>>, vector<16xf32>,
      %swap3A_582 = arith.constant 0 : index
      %swap3A_583 = tpu.vector_load %arg22[%swap3A_582] {strides = array<i32>} : memref<64xi32, #tpu.memory_space<vmem>>, vector<16xi32>,
      tpu.vector_store %arg22[%swap3A_582], %min3A_556 {strides = array<i32>} : memref<64xi32, #tpu.memory_space<vmem>>, vector<16xi32>,
      %get3A_584 = arith.constant 16 : index
      %get3A_585 = tpu.vector_load %arg19[%get3A_584] {strides = array<i32>} : memref<64xi32, #tpu.memory_space<vmem>>, vector<16xi32>,
      %get3A_586 = arith.constant 16 : index
      %get3A_587 = tpu.vector_load %arg21[%get3A_586] {strides = array<i32>} : memref<64xf32, #tpu.memory_space<vmem>>, vector<16xf32>,
      %add3A_588 = arith.constant 16 : i32
      %add3A_589 = arith.addi %multiple_of3A_330, %add3A_588 : i32
      %iota3A_590 = tpu.iota {dimensions = array<i32: 0>} : vector<16xi32>
      %add3A_591 = vector.broadcast %add3A_589 : i32 to vector<16xi32>
      %add3A_592 = arith.addi %add3A_591, %iota3A_590 : vector<16xi32>
      %ge3A_593 = vector.broadcast %squeeze3A_170 : i32 to vector<16xi32>
      %ge3A_594 = arith.cmpi sge, %add3A_592, %ge3A_593 : vector<16xi32>
      %lt3A_595 = vector.broadcast %squeeze3A_176 : i32 to vector<16xi32>
      %lt3A_596 = arith.cmpi slt, %add3A_592, %lt3A_595 : vector<16xi32>
      %and3A_597 = arith.andi %ge3A_594, %lt3A_596 : vector<16xi1>
      %sub3A_598 = vector.broadcast %mul3A_159 : i32 to vector<16xi32>
      %sub3A_599 = arith.subi %get3A_585, %sub3A_598 : vector<16xi32>
      %jit3A_600 = arith.constant 0 : i32
      %jit3A_601 = arith.constant 159 : i32
      %max3A_602 = vector.broadcast %jit3A_600 : i32 to vector<16xi32>
      %max3A_603 = arith.maxsi %max3A_602, %sub3A_599 : vector<16xi32>
      %min3A_604 = vector.broadcast %jit3A_601 : i32 to vector<16xi32>
      %min3A_605 = arith.minsi %min3A_604, %max3A_603 : vector<16xi32>
      %gather3A_606 = tpu.vector_load_idx %arg11[%min3A_605] : memref<160xf32, #tpu.memory_space<vmem>>[vector<16xi32>], vector<16xf32>,
      %get3A_607 = arith.constant 16 : index
      %get3A_608 = tpu.vector_load %arg20[%get3A_607] {strides = array<i32>} : memref<64xi32, #tpu.memory_space<vmem>>, vector<16xi32>,
      %gather3A_609 = tpu.vector_load_idx %arg12[%get3A_608] : memref<10240xf32, #tpu.memory_space<vmem>>[vector<16xi32>], vector<16xf32>,
      %add3A_610 = arith.addf %gather3A_606, %gather3A_609 : vector<16xf32>
      %mul3A_611 = arith.mulf %get3A_587, %add3A_610 : vector<16xf32>
      %ge3A_612 = arith.constant 0.000000e+00 : f32
      %ge3A_613 = vector.broadcast %ge3A_612 : f32 to vector<16xf32>
      %ge3A_614 = arith.cmpf oge, %mul3A_611, %ge3A_613 : vector<16xf32>
      %mul3A_615 = arith.constant 0.00999999977 : f32
      %mul3A_616 = vector.broadcast %mul3A_615 : f32 to vector<16xf32>
      %mul3A_617 = arith.mulf %mul3A_616, %mul3A_611 : vector<16xf32>
      %select_n3A_618 = arith.select %ge3A_614, %mul3A_611, %mul3A_617 : vector<16xi1>, vector<16xf32>
      %jit3A_619 = arith.constant -2.000000e+00 : f32
      %jit3A_620 = arith.constant 2.000000e+00 : f32
      %max3A_621 = vector.broadcast %jit3A_619 : f32 to vector<16xf32>
      %max3A_622 = arith.maximumf %max3A_621, %select_n3A_618 : vector<16xf32>
      %min3A_623 = vector.broadcast %jit3A_620 : f32 to vector<16xf32>
      %min3A_624 = arith.minimumf %min3A_623, %max3A_622 : vector<16xf32>
      %exp3A_625 = math.exp %min3A_624 : vector<16xf32>
      %jit3A_626 = arith.constant 0.000000e+00 : f32
      %broadcast_in_dim3A_627 = vector.broadcast %jit3A_626 : f32 to vector<16xf32>
      %select_n3A_628 = arith.select %and3A_597, %exp3A_625, %broadcast_in_dim3A_627 : vector<16xi1>, vector<16xf32>
      %swap3A_629 = arith.constant 16 : index
      %swap3A_630 = tpu.vector_load %arg23[%swap3A_629] {strides = array<i32>} : memref<64xf32, #tpu.memory_space<vmem>>, vector<16xf32>,
      tpu.vector_store %arg23[%swap3A_629], %select_n3A_628 {strides = array<i32>} : memref<64xf32, #tpu.memory_space<vmem>>, vector<16xf32>,
      %swap3A_631 = arith.constant 16 : index
      %swap3A_632 = tpu.vector_load %arg22[%swap3A_631] {strides = array<i32>} : memref<64xi32, #tpu.memory_space<vmem>>, vector<16xi32>,
      tpu.vector_store %arg22[%swap3A_631], %min3A_605 {strides = array<i32>} : memref<64xi32, #tpu.memory_space<vmem>>, vector<16xi32>,
      %get3A_633 = arith.constant 32 : index
      %get3A_634 = tpu.vector_load %arg19[%get3A_633] {strides = array<i32>} : memref<64xi32, #tpu.memory_space<vmem>>, vector<16xi32>,
      %get3A_635 = arith.constant 32 : index
      %get3A_636 = tpu.vector_load %arg21[%get3A_635] {strides = array<i32>} : memref<64xf32, #tpu.memory_space<vmem>>, vector<16xf32>,
      %add3A_637 = arith.constant 32 : i32
      %add3A_638 = arith.addi %multiple_of3A_330, %add3A_637 : i32
      %iota3A_639 = tpu.iota {dimensions = array<i32: 0>} : vector<16xi32>
      %add3A_640 = vector.broadcast %add3A_638 : i32 to vector<16xi32>
      %add3A_641 = arith.addi %add3A_640, %iota3A_639 : vector<16xi32>
      %ge3A_642 = vector.broadcast %squeeze3A_170 : i32 to vector<16xi32>
      %ge3A_643 = arith.cmpi sge, %add3A_641, %ge3A_642 : vector<16xi32>
      %lt3A_644 = vector.broadcast %squeeze3A_176 : i32 to vector<16xi32>
      %lt3A_645 = arith.cmpi slt, %add3A_641, %lt3A_644 : vector<16xi32>
      %and3A_646 = arith.andi %ge3A_643, %lt3A_645 : vector<16xi1>
      %sub3A_647 = vector.broadcast %mul3A_159 : i32 to vector<16xi32>
      %sub3A_648 = arith.subi %get3A_634, %sub3A_647 : vector<16xi32>
      %jit3A_649 = arith.constant 0 : i32
      %jit3A_650 = arith.constant 159 : i32
      %max3A_651 = vector.broadcast %jit3A_649 : i32 to vector<16xi32>
      %max3A_652 = arith.maxsi %max3A_651, %sub3A_648 : vector<16xi32>
      %min3A_653 = vector.broadcast %jit3A_650 : i32 to vector<16xi32>
      %min3A_654 = arith.minsi %min3A_653, %max3A_652 : vector<16xi32>
      %gather3A_655 = tpu.vector_load_idx %arg11[%min3A_654] : memref<160xf32, #tpu.memory_space<vmem>>[vector<16xi32>], vector<16xf32>,
      %get3A_656 = arith.constant 32 : index
      %get3A_657 = tpu.vector_load %arg20[%get3A_656] {strides = array<i32>} : memref<64xi32, #tpu.memory_space<vmem>>, vector<16xi32>,
      %gather3A_658 = tpu.vector_load_idx %arg12[%get3A_657] : memref<10240xf32, #tpu.memory_space<vmem>>[vector<16xi32>], vector<16xf32>,
      %add3A_659 = arith.addf %gather3A_655, %gather3A_658 : vector<16xf32>
      %mul3A_660 = arith.mulf %get3A_636, %add3A_659 : vector<16xf32>
      %ge3A_661 = arith.constant 0.000000e+00 : f32
      %ge3A_662 = vector.broadcast %ge3A_661 : f32 to vector<16xf32>
      %ge3A_663 = arith.cmpf oge, %mul3A_660, %ge3A_662 : vector<16xf32>
      %mul3A_664 = arith.constant 0.00999999977 : f32
      %mul3A_665 = vector.broadcast %mul3A_664 : f32 to vector<16xf32>
      %mul3A_666 = arith.mulf %mul3A_665, %mul3A_660 : vector<16xf32>
      %select_n3A_667 = arith.select %ge3A_663, %mul3A_660, %mul3A_666 : vector<16xi1>, vector<16xf32>
      %jit3A_668 = arith.constant -2.000000e+00 : f32
      %jit3A_669 = arith.constant 2.000000e+00 : f32
      %max3A_670 = vector.broadcast %jit3A_668 : f32 to vector<16xf32>
      %max3A_671 = arith.maximumf %max3A_670, %select_n3A_667 : vector<16xf32>
      %min3A_672 = vector.broadcast %jit3A_669 : f32 to vector<16xf32>
      %min3A_673 = arith.minimumf %min3A_672, %max3A_671 : vector<16xf32>
      %exp3A_674 = math.exp %min3A_673 : vector<16xf32>
      %jit3A_675 = arith.constant 0.000000e+00 : f32
      %broadcast_in_dim3A_676 = vector.broadcast %jit3A_675 : f32 to vector<16xf32>
      %select_n3A_677 = arith.select %and3A_646, %exp3A_674, %broadcast_in_dim3A_676 : vector<16xi1>, vector<16xf32>
      %swap3A_678 = arith.constant 32 : index
      %swap3A_679 = tpu.vector_load %arg23[%swap3A_678] {strides = array<i32>} : memref<64xf32, #tpu.memory_space<vmem>>, vector<16xf32>,
      tpu.vector_store %arg23[%swap3A_678], %select_n3A_677 {strides = array<i32>} : memref<64xf32, #tpu.memory_space<vmem>>, vector<16xf32>,
      %swap3A_680 = arith.constant 32 : index
      %swap3A_681 = tpu.vector_load %arg22[%swap3A_680] {strides = array<i32>} : memref<64xi32, #tpu.memory_space<vmem>>, vector<16xi32>,
      tpu.vector_store %arg22[%swap3A_680], %min3A_654 {strides = array<i32>} : memref<64xi32, #tpu.memory_space<vmem>>, vector<16xi32>,
      %get3A_682 = arith.constant 48 : index
      %get3A_683 = tpu.vector_load %arg19[%get3A_682] {strides = array<i32>} : memref<64xi32, #tpu.memory_space<vmem>>, vector<16xi32>,
      %get3A_684 = arith.constant 48 : index
      %get3A_685 = tpu.vector_load %arg21[%get3A_684] {strides = array<i32>} : memref<64xf32, #tpu.memory_space<vmem>>, vector<16xf32>,
      %add3A_686 = arith.constant 48 : i32
      %add3A_687 = arith.addi %multiple_of3A_330, %add3A_686 : i32
      %iota3A_688 = tpu.iota {dimensions = array<i32: 0>} : vector<16xi32>
      %add3A_689 = vector.broadcast %add3A_687 : i32 to vector<16xi32>
      %add3A_690 = arith.addi %add3A_689, %iota3A_688 : vector<16xi32>
      %ge3A_691 = vector.broadcast %squeeze3A_170 : i32 to vector<16xi32>
      %ge3A_692 = arith.cmpi sge, %add3A_690, %ge3A_691 : vector<16xi32>
      %lt3A_693 = vector.broadcast %squeeze3A_176 : i32 to vector<16xi32>
      %lt3A_694 = arith.cmpi slt, %add3A_690, %lt3A_693 : vector<16xi32>
      %and3A_695 = arith.andi %ge3A_692, %lt3A_694 : vector<16xi1>
      %sub3A_696 = vector.broadcast %mul3A_159 : i32 to vector<16xi32>
      %sub3A_697 = arith.subi %get3A_683, %sub3A_696 : vector<16xi32>
      %jit3A_698 = arith.constant 0 : i32
      %jit3A_699 = arith.constant 159 : i32
      %max3A_700 = vector.broadcast %jit3A_698 : i32 to vector<16xi32>
      %max3A_701 = arith.maxsi %max3A_700, %sub3A_697 : vector<16xi32>
      %min3A_702 = vector.broadcast %jit3A_699 : i32 to vector<16xi32>
      %min3A_703 = arith.minsi %min3A_702, %max3A_701 : vector<16xi32>
      %gather3A_704 = tpu.vector_load_idx %arg11[%min3A_703] : memref<160xf32, #tpu.memory_space<vmem>>[vector<16xi32>], vector<16xf32>,
      %get3A_705 = arith.constant 48 : index
      %get3A_706 = tpu.vector_load %arg20[%get3A_705] {strides = array<i32>} : memref<64xi32, #tpu.memory_space<vmem>>, vector<16xi32>,
      %gather3A_707 = tpu.vector_load_idx %arg12[%get3A_706] : memref<10240xf32, #tpu.memory_space<vmem>>[vector<16xi32>], vector<16xf32>,
      %add3A_708 = arith.addf %gather3A_704, %gather3A_707 : vector<16xf32>
      %mul3A_709 = arith.mulf %get3A_685, %add3A_708 : vector<16xf32>
      %ge3A_710 = arith.constant 0.000000e+00 : f32
      %ge3A_711 = vector.broadcast %ge3A_710 : f32 to vector<16xf32>
      %ge3A_712 = arith.cmpf oge, %mul3A_709, %ge3A_711 : vector<16xf32>
      %mul3A_713 = arith.constant 0.00999999977 : f32
      %mul3A_714 = vector.broadcast %mul3A_713 : f32 to vector<16xf32>
      %mul3A_715 = arith.mulf %mul3A_714, %mul3A_709 : vector<16xf32>
      %select_n3A_716 = arith.select %ge3A_712, %mul3A_709, %mul3A_715 : vector<16xi1>, vector<16xf32>
      %jit3A_717 = arith.constant -2.000000e+00 : f32
      %jit3A_718 = arith.constant 2.000000e+00 : f32
      %max3A_719 = vector.broadcast %jit3A_717 : f32 to vector<16xf32>
      %max3A_720 = arith.maximumf %max3A_719, %select_n3A_716 : vector<16xf32>
      %min3A_721 = vector.broadcast %jit3A_718 : f32 to vector<16xf32>
      %min3A_722 = arith.minimumf %min3A_721, %max3A_720 : vector<16xf32>
      %exp3A_723 = math.exp %min3A_722 : vector<16xf32>
      %jit3A_724 = arith.constant 0.000000e+00 : f32
      %broadcast_in_dim3A_725 = vector.broadcast %jit3A_724 : f32 to vector<16xf32>
      %select_n3A_726 = arith.select %and3A_695, %exp3A_723, %broadcast_in_dim3A_725 : vector<16xi1>, vector<16xf32>
      %swap3A_727 = arith.constant 48 : index
      %swap3A_728 = tpu.vector_load %arg23[%swap3A_727] {strides = array<i32>} : memref<64xf32, #tpu.memory_space<vmem>>, vector<16xf32>,
      tpu.vector_store %arg23[%swap3A_727], %select_n3A_726 {strides = array<i32>} : memref<64xf32, #tpu.memory_space<vmem>>, vector<16xf32>,
      %swap3A_729 = arith.constant 48 : index
      %swap3A_730 = tpu.vector_load %arg22[%swap3A_729] {strides = array<i32>} : memref<64xi32, #tpu.memory_space<vmem>>, vector<16xi32>,
      tpu.vector_store %arg22[%swap3A_729], %min3A_703 {strides = array<i32>} : memref<64xi32, #tpu.memory_space<vmem>>, vector<16xi32>,
      %dma_wait3A_731 = arith.constant 0 : i32
      %dma_wait3A_732 = arith.constant 0 : i32
      %dma_wait3A_733 = tpu.memref_slice %arg2[%dma_wait3A_731, %dma_wait3A_732] : memref<10000x256xf32, #tpu.memory_space<hbm>> -> memref<10000x256xf32, #tpu.memory_space<hbm>>
      tpu.wait_indirect_dma semaphore(%arg28 : memref<!tpu.dma_semaphore, #tpu.memory_space<semaphore_mem>>) src(%dma_wait3A_733 : memref<10000x256xf32, #tpu.memory_space<hbm>>) dst(%arg24 : memref<64x256xf32, #tpu.memory_space<vmem>>)
      %scan3A_734 = arith.constant 0 : i32
      %scan3A_735 = arith.constant 0 : i32
      %scan3A_736 = arith.constant 64 : i32
      %scan3A_737 = arith.addi %scan3A_735, %scan3A_736 : i32
      %scan3A_738 = arith.constant 1 : i32
      %scan3A_739 = scf.for %scan3A_742 = %scan3A_735 to %scan3A_737 step %scan3A_738 iter_args(%scan3A_743 = %scan3A_734) -> (i32)  : i32 {
        %broadcast_in_dim3A_744 = vector.broadcast %scan3A_742 : i32 to vector<16xi32>
        %gather3A_745 = tpu.vector_load_idx %arg22[%broadcast_in_dim3A_744] : memref<64xi32, #tpu.memory_space<vmem>>[vector<16xi32>], vector<16xi32>,
        %slice3A_746 = vector.extract_strided_slice %gather3A_745 {offsets = [0], sizes = [1], strides = [1]} : vector<16xi32> to vector<1xi32>
        %squeeze3A_747 = vector.extract %slice3A_746[0] : i32 from vector<1xi32>
        %gather3A_748 = tpu.vector_load_idx %arg23[%broadcast_in_dim3A_744] : memref<64xf32, #tpu.memory_space<vmem>>[vector<16xi32>], vector<16xf32>,
        %swap3A_749 = arith.index_cast %squeeze3A_747 : i32 to index
        %swap3A_750 = arith.constant 0 : index
        %swap3A_751 = tpu.vector_load %arg26[%swap3A_749, %swap3A_750] {strides = array<i32>} : memref<160x16xf32, #tpu.memory_space<vmem>>, vector<16xf32>,
        tpu.vector_store %arg26[%swap3A_749, %swap3A_750], %gather3A_748 {add = true, strides = array<i32>} : memref<160x16xf32, #tpu.memory_space<vmem>>, vector<16xf32>,
        %get3A_752 = arith.index_cast %scan3A_742 : i32 to index
        %get3A_753 = arith.constant 0 : index
        %get3A_754 = tpu.vector_load %arg24[%get3A_752, %get3A_753] {strides = array<i32>} : memref<64x256xf32, #tpu.memory_space<vmem>>, vector<16xf32>,
        %mul3A_755 = arith.mulf %get3A_754, %gather3A_748 : vector<16xf32>
        %swap3A_756 = arith.index_cast %squeeze3A_747 : i32 to index
        %swap3A_757 = arith.constant 0 : index
        %swap3A_758 = tpu.vector_load %arg25[%swap3A_756, %swap3A_757] {strides = array<i32>} : memref<160x256xf32, #tpu.memory_space<vmem>>, vector<16xf32>,
        tpu.vector_store %arg25[%swap3A_756, %swap3A_757], %mul3A_755 {add = true, strides = array<i32>} : memref<160x256xf32, #tpu.memory_space<vmem>>, vector<16xf32>,
        %get3A_759 = arith.index_cast %scan3A_742 : i32 to index
        %get3A_760 = arith.constant 16 : index
        %get3A_761 = tpu.vector_load %arg24[%get3A_759, %get3A_760] {strides = array<i32>} : memref<64x256xf32, #tpu.memory_space<vmem>>, vector<16xf32>,
        %mul3A_762 = arith.mulf %get3A_761, %gather3A_748 : vector<16xf32>
        %swap3A_763 = arith.index_cast %squeeze3A_747 : i32 to index
        %swap3A_764 = arith.constant 16 : index
        %swap3A_765 = tpu.vector_load %arg25[%swap3A_763, %swap3A_764] {strides = array<i32>} : memref<160x256xf32, #tpu.memory_space<vmem>>, vector<16xf32>,
        tpu.vector_store %arg25[%swap3A_763, %swap3A_764], %mul3A_762 {add = true, strides = array<i32>} : memref<160x256xf32, #tpu.memory_space<vmem>>, vector<16xf32>,
        %get3A_766 = arith.index_cast %scan3A_742 : i32 to index
        %get3A_767 = arith.constant 32 : index
        %get3A_768 = tpu.vector_load %arg24[%get3A_766, %get3A_767] {strides = array<i32>} : memref<64x256xf32, #tpu.memory_space<vmem>>, vector<16xf32>,
        %mul3A_769 = arith.mulf %get3A_768, %gather3A_748 : vector<16xf32>
        %swap3A_770 = arith.index_cast %squeeze3A_747 : i32 to index
        %swap3A_771 = arith.constant 32 : index
        %swap3A_772 = tpu.vector_load %arg25[%swap3A_770, %swap3A_771] {strides = array<i32>} : memref<160x256xf32, #tpu.memory_space<vmem>>, vector<16xf32>,
        tpu.vector_store %arg25[%swap3A_770, %swap3A_771], %mul3A_769 {add = true, strides = array<i32>} : memref<160x256xf32, #tpu.memory_space<vmem>>, vector<16xf32>,
        %get3A_773 = arith.index_cast %scan3A_742 : i32 to index
        %get3A_774 = arith.constant 48 : index
        %get3A_775 = tpu.vector_load %arg24[%get3A_773, %get3A_774] {strides = array<i32>} : memref<64x256xf32, #tpu.memory_space<vmem>>, vector<16xf32>,
        %mul3A_776 = arith.mulf %get3A_775, %gather3A_748 : vector<16xf32>
        %swap3A_777 = arith.index_cast %squeeze3A_747 : i32 to index
        %swap3A_778 = arith.constant 48 : index
        %swap3A_779 = tpu.vector_load %arg25[%swap3A_777, %swap3A_778] {strides = array<i32>} : memref<160x256xf32, #tpu.memory_space<vmem>>, vector<16xf32>,
        tpu.vector_store %arg25[%swap3A_777, %swap3A_778], %mul3A_776 {add = true, strides = array<i32>} : memref<160x256xf32, #tpu.memory_space<vmem>>, vector<16xf32>,
        %get3A_780 = arith.index_cast %scan3A_742 : i32 to index
        %get3A_781 = arith.constant 64 : index
        %get3A_782 = tpu.vector_load %arg24[%get3A_780, %get3A_781] {strides = array<i32>} : memref<64x256xf32, #tpu.memory_space<vmem>>, vector<16xf32>,
        %mul3A_783 = arith.mulf %get3A_782, %gather3A_748 : vector<16xf32>
        %swap3A_784 = arith.index_cast %squeeze3A_747 : i32 to index
        %swap3A_785 = arith.constant 64 : index
        %swap3A_786 = tpu.vector_load %arg25[%swap3A_784, %swap3A_785] {strides = array<i32>} : memref<160x256xf32, #tpu.memory_space<vmem>>, vector<16xf32>,
        tpu.vector_store %arg25[%swap3A_784, %swap3A_785], %mul3A_783 {add = true, strides = array<i32>} : memref<160x256xf32, #tpu.memory_space<vmem>>, vector<16xf32>,
        %get3A_787 = arith.index_cast %scan3A_742 : i32 to index
        %get3A_788 = arith.constant 80 : index
        %get3A_789 = tpu.vector_load %arg24[%get3A_787, %get3A_788] {strides = array<i32>} : memref<64x256xf32, #tpu.memory_space<vmem>>, vector<16xf32>,
        %mul3A_790 = arith.mulf %get3A_789, %gather3A_748 : vector<16xf32>
        %swap3A_791 = arith.index_cast %squeeze3A_747 : i32 to index
        %swap3A_792 = arith.constant 80 : index
        %swap3A_793 = tpu.vector_load %arg25[%swap3A_791, %swap3A_792] {strides = array<i32>} : memref<160x256xf32, #tpu.memory_space<vmem>>, vector<16xf32>,
        tpu.vector_store %arg25[%swap3A_791, %swap3A_792], %mul3A_790 {add = true, strides = array<i32>} : memref<160x256xf32, #tpu.memory_space<vmem>>, vector<16xf32>,
        %get3A_794 = arith.index_cast %scan3A_742 : i32 to index
        %get3A_795 = arith.constant 96 : index
        %get3A_796 = tpu.vector_load %arg24[%get3A_794, %get3A_795] {strides = array<i32>} : memref<64x256xf32, #tpu.memory_space<vmem>>, vector<16xf32>,
        %mul3A_797 = arith.mulf %get3A_796, %gather3A_748 : vector<16xf32>
        %swap3A_798 = arith.index_cast %squeeze3A_747 : i32 to index
        %swap3A_799 = arith.constant 96 : index
        %swap3A_800 = tpu.vector_load %arg25[%swap3A_798, %swap3A_799] {strides = array<i32>} : memref<160x256xf32, #tpu.memory_space<vmem>>, vector<16xf32>,
        tpu.vector_store %arg25[%swap3A_798, %swap3A_799], %mul3A_797 {add = true, strides = array<i32>} : memref<160x256xf32, #tpu.memory_space<vmem>>, vector<16xf32>,
        %get3A_801 = arith.index_cast %scan3A_742 : i32 to index
        %get3A_802 = arith.constant 112 : index
        %get3A_803 = tpu.vector_load %arg24[%get3A_801, %get3A_802] {strides = array<i32>} : memref<64x256xf32, #tpu.memory_space<vmem>>, vector<16xf32>,
        %mul3A_804 = arith.mulf %get3A_803, %gather3A_748 : vector<16xf32>
        %swap3A_805 = arith.index_cast %squeeze3A_747 : i32 to index
        %swap3A_806 = arith.constant 112 : index
        %swap3A_807 = tpu.vector_load %arg25[%swap3A_805, %swap3A_806] {strides = array<i32>} : memref<160x256xf32, #tpu.memory_space<vmem>>, vector<16xf32>,
        tpu.vector_store %arg25[%swap3A_805, %swap3A_806], %mul3A_804 {add = true, strides = array<i32>} : memref<160x256xf32, #tpu.memory_space<vmem>>, vector<16xf32>,
        %get3A_808 = arith.index_cast %scan3A_742 : i32 to index
        %get3A_809 = arith.constant 128 : index
        %get3A_810 = tpu.vector_load %arg24[%get3A_808, %get3A_809] {strides = array<i32>} : memref<64x256xf32, #tpu.memory_space<vmem>>, vector<16xf32>,
        %mul3A_811 = arith.mulf %get3A_810, %gather3A_748 : vector<16xf32>
        %swap3A_812 = arith.index_cast %squeeze3A_747 : i32 to index
        %swap3A_813 = arith.constant 128 : index
        %swap3A_814 = tpu.vector_load %arg25[%swap3A_812, %swap3A_813] {strides = array<i32>} : memref<160x256xf32, #tpu.memory_space<vmem>>, vector<16xf32>,
        tpu.vector_store %arg25[%swap3A_812, %swap3A_813], %mul3A_811 {add = true, strides = array<i32>} : memref<160x256xf32, #tpu.memory_space<vmem>>, vector<16xf32>,
        %get3A_815 = arith.index_cast %scan3A_742 : i32 to index
        %get3A_816 = arith.constant 144 : index
        %get3A_817 = tpu.vector_load %arg24[%get3A_815, %get3A_816] {strides = array<i32>} : memref<64x256xf32, #tpu.memory_space<vmem>>, vector<16xf32>,
        %mul3A_818 = arith.mulf %get3A_817, %gather3A_748 : vector<16xf32>
        %swap3A_819 = arith.index_cast %squeeze3A_747 : i32 to index
        %swap3A_820 = arith.constant 144 : index
        %swap3A_821 = tpu.vector_load %arg25[%swap3A_819, %swap3A_820] {strides = array<i32>} : memref<160x256xf32, #tpu.memory_space<vmem>>, vector<16xf32>,
        tpu.vector_store %arg25[%swap3A_819, %swap3A_820], %mul3A_818 {add = true, strides = array<i32>} : memref<160x256xf32, #tpu.memory_space<vmem>>, vector<16xf32>,
        %get3A_822 = arith.index_cast %scan3A_742 : i32 to index
        %get3A_823 = arith.constant 160 : index
        %get3A_824 = tpu.vector_load %arg24[%get3A_822, %get3A_823] {strides = array<i32>} : memref<64x256xf32, #tpu.memory_space<vmem>>, vector<16xf32>,
        %mul3A_825 = arith.mulf %get3A_824, %gather3A_748 : vector<16xf32>
        %swap3A_826 = arith.index_cast %squeeze3A_747 : i32 to index
        %swap3A_827 = arith.constant 160 : index
        %swap3A_828 = tpu.vector_load %arg25[%swap3A_826, %swap3A_827] {strides = array<i32>} : memref<160x256xf32, #tpu.memory_space<vmem>>, vector<16xf32>,
        tpu.vector_store %arg25[%swap3A_826, %swap3A_827], %mul3A_825 {add = true, strides = array<i32>} : memref<160x256xf32, #tpu.memory_space<vmem>>, vector<16xf32>,
        %get3A_829 = arith.index_cast %scan3A_742 : i32 to index
        %get3A_830 = arith.constant 176 : index
        %get3A_831 = tpu.vector_load %arg24[%get3A_829, %get3A_830] {strides = array<i32>} : memref<64x256xf32, #tpu.memory_space<vmem>>, vector<16xf32>,
        %mul3A_832 = arith.mulf %get3A_831, %gather3A_748 : vector<16xf32>
        %swap3A_833 = arith.index_cast %squeeze3A_747 : i32 to index
        %swap3A_834 = arith.constant 176 : index
        %swap3A_835 = tpu.vector_load %arg25[%swap3A_833, %swap3A_834] {strides = array<i32>} : memref<160x256xf32, #tpu.memory_space<vmem>>, vector<16xf32>,
        tpu.vector_store %arg25[%swap3A_833, %swap3A_834], %mul3A_832 {add = true, strides = array<i32>} : memref<160x256xf32, #tpu.memory_space<vmem>>, vector<16xf32>,
        %get3A_836 = arith.index_cast %scan3A_742 : i32 to index
        %get3A_837 = arith.constant 192 : index
        %get3A_838 = tpu.vector_load %arg24[%get3A_836, %get3A_837] {strides = array<i32>} : memref<64x256xf32, #tpu.memory_space<vmem>>, vector<16xf32>,
        %mul3A_839 = arith.mulf %get3A_838, %gather3A_748 : vector<16xf32>
        %swap3A_840 = arith.index_cast %squeeze3A_747 : i32 to index
        %swap3A_841 = arith.constant 192 : index
        %swap3A_842 = tpu.vector_load %arg25[%swap3A_840, %swap3A_841] {strides = array<i32>} : memref<160x256xf32, #tpu.memory_space<vmem>>, vector<16xf32>,
        tpu.vector_store %arg25[%swap3A_840, %swap3A_841], %mul3A_839 {add = true, strides = array<i32>} : memref<160x256xf32, #tpu.memory_space<vmem>>, vector<16xf32>,
        %get3A_843 = arith.index_cast %scan3A_742 : i32 to index
        %get3A_844 = arith.constant 208 : index
        %get3A_845 = tpu.vector_load %arg24[%get3A_843, %get3A_844] {strides = array<i32>} : memref<64x256xf32, #tpu.memory_space<vmem>>, vector<16xf32>,
        %mul3A_846 = arith.mulf %get3A_845, %gather3A_748 : vector<16xf32>
        %swap3A_847 = arith.index_cast %squeeze3A_747 : i32 to index
        %swap3A_848 = arith.constant 208 : index
        %swap3A_849 = tpu.vector_load %arg25[%swap3A_847, %swap3A_848] {strides = array<i32>} : memref<160x256xf32, #tpu.memory_space<vmem>>, vector<16xf32>,
        tpu.vector_store %arg25[%swap3A_847, %swap3A_848], %mul3A_846 {add = true, strides = array<i32>} : memref<160x256xf32, #tpu.memory_space<vmem>>, vector<16xf32>,
        %get3A_850 = arith.index_cast %scan3A_742 : i32 to index
        %get3A_851 = arith.constant 224 : index
        %get3A_852 = tpu.vector_load %arg24[%get3A_850, %get3A_851] {strides = array<i32>} : memref<64x256xf32, #tpu.memory_space<vmem>>, vector<16xf32>,
        %mul3A_853 = arith.mulf %get3A_852, %gather3A_748 : vector<16xf32>
        %swap3A_854 = arith.index_cast %squeeze3A_747 : i32 to index
        %swap3A_855 = arith.constant 224 : index
        %swap3A_856 = tpu.vector_load %arg25[%swap3A_854, %swap3A_855] {strides = array<i32>} : memref<160x256xf32, #tpu.memory_space<vmem>>, vector<16xf32>,
        tpu.vector_store %arg25[%swap3A_854, %swap3A_855], %mul3A_853 {add = true, strides = array<i32>} : memref<160x256xf32, #tpu.memory_space<vmem>>, vector<16xf32>,
        %get3A_857 = arith.index_cast %scan3A_742 : i32 to index
        %get3A_858 = arith.constant 240 : index
        %get3A_859 = tpu.vector_load %arg24[%get3A_857, %get3A_858] {strides = array<i32>} : memref<64x256xf32, #tpu.memory_space<vmem>>, vector<16xf32>,
        %mul3A_860 = arith.mulf %get3A_859, %gather3A_748 : vector<16xf32>
        %swap3A_861 = arith.index_cast %squeeze3A_747 : i32 to index
        %swap3A_862 = arith.constant 240 : index
        %swap3A_863 = tpu.vector_load %arg25[%swap3A_861, %swap3A_862] {strides = array<i32>} : memref<160x256xf32, #tpu.memory_space<vmem>>, vector<16xf32>,
        tpu.vector_store %arg25[%swap3A_861, %swap3A_862], %mul3A_860 {add = true, strides = array<i32>} : memref<160x256xf32, #tpu.memory_space<vmem>>, vector<16xf32>,
        %scan3A_864 = arith.constant 0 : i32
        scf.yield %scan3A_864 : i32
      }
      %scan3A_740 = arith.constant 64 : i32
      %while3A_741 = arith.constant 0 : i32
      scf.yield %while3A_741 : i32
    }
    %while3A_270 = arith.constant 1 : i32
    %while3A_271 = scf.for %while3A_321 = %while3A_267 to %while3A_263 step %while3A_270 iter_args(%while3A_322 = %while3A_269) -> (i32)  : i32 {
      %mul3A_323 = arith.constant 2 : i32
      %mul3A_324 = arith.muli %mul3A_323, %while3A_321 : i32
      %mul3A_325 = arith.constant 64 : i32
      %mul3A_326 = arith.muli %mul3A_324, %mul3A_325 : i32
      %add3A_327 = arith.addi %mul3A_202, %mul3A_326 : i32
      %multiple_of3A = tpu.assume_multiple %add3A_327, 8 : i32
      %add3A_328 = arith.constant 64 : i32
      %add3A_329 = arith.addi %multiple_of3A, %add3A_328 : i32
      %multiple_of3A_330 = tpu.assume_multiple %add3A_329, 8 : i32
      "tpu.region"() ({
        %run_scoped3A = tpu.sem_alloc : memref<!tpu.dma_semaphore, #tpu.memory_space<semaphore_mem>>
        %dma_start3A_742 = tpu.memref_slice %arg5[%multiple_of3A] : memref<160256xi32, #tpu.memory_space<hbm>> -> memref<64xi32, #tpu.memory_space<hbm>>
        %dma_start3A_743 = tpu.memref_slice %arg5[%multiple_of3A] : memref<160256xi32, #tpu.memory_space<hbm>> -> memref<64xi32, #tpu.memory_space<hbm>>
        tpu.enqueue_dma source(%dma_start3A_743 : memref<64xi32, #tpu.memory_space<hbm>>) target(%arg13 : memref<64xi32, #tpu.memory_space<vmem>>) target_semaphore(%run_scoped3A : memref<!tpu.dma_semaphore, #tpu.memory_space<semaphore_mem>>)
        %dma_wait3A_744 = tpu.memref_slice %arg5[%multiple_of3A] : memref<160256xi32, #tpu.memory_space<hbm>> -> memref<64xi32, #tpu.memory_space<hbm>>
        %dma_wait3A_745 = tpu.memref_slice %arg5[%multiple_of3A] : memref<160256xi32, #tpu.memory_space<hbm>> -> memref<64xi32, #tpu.memory_space<hbm>>
        tpu.wait_dma2 semaphore(%run_scoped3A : memref<!tpu.dma_semaphore, #tpu.memory_space<semaphore_mem>>) src(%dma_wait3A_745 : memref<64xi32, #tpu.memory_space<hbm>>) dst(%arg13 : memref<64xi32, #tpu.memory_space<vmem>>)
        tpu.yield
      }) : () -> ()
      "tpu.region"() ({
        %run_scoped3A = tpu.sem_alloc : memref<!tpu.dma_semaphore, #tpu.memory_space<semaphore_mem>>
        %dma_start3A_742 = tpu.memref_slice %arg6[%multiple_of3A] : memref<160256xi32, #tpu.memory_space<hbm>> -> memref<64xi32, #tpu.memory_space<hbm>>
        %dma_start3A_743 = tpu.memref_slice %arg6[%multiple_of3A] : memref<160256xi32, #tpu.memory_space<hbm>> -> memref<64xi32, #tpu.memory_space<hbm>>
        tpu.enqueue_dma source(%dma_start3A_743 : memref<64xi32, #tpu.memory_space<hbm>>) target(%arg14 : memref<64xi32, #tpu.memory_space<vmem>>) target_semaphore(%run_scoped3A : memref<!tpu.dma_semaphore, #tpu.memory_space<semaphore_mem>>)
        %dma_wait3A_744 = tpu.memref_slice %arg6[%multiple_of3A] : memref<160256xi32, #tpu.memory_space<hbm>> -> memref<64xi32, #tpu.memory_space<hbm>>
        %dma_wait3A_745 = tpu.memref_slice %arg6[%multiple_of3A] : memref<160256xi32, #tpu.memory_space<hbm>> -> memref<64xi32, #tpu.memory_space<hbm>>
        tpu.wait_dma2 semaphore(%run_scoped3A : memref<!tpu.dma_semaphore, #tpu.memory_space<semaphore_mem>>) src(%dma_wait3A_745 : memref<64xi32, #tpu.memory_space<hbm>>) dst(%arg14 : memref<64xi32, #tpu.memory_space<vmem>>)
        tpu.yield
      }) : () -> ()
      "tpu.region"() ({
        %run_scoped3A = tpu.sem_alloc : memref<!tpu.dma_semaphore, #tpu.memory_space<semaphore_mem>>
        %dma_start3A_742 = tpu.memref_slice %arg7[%multiple_of3A] : memref<160256xf32, #tpu.memory_space<hbm>> -> memref<64xf32, #tpu.memory_space<hbm>>
        %dma_start3A_743 = tpu.memref_slice %arg7[%multiple_of3A] : memref<160256xf32, #tpu.memory_space<hbm>> -> memref<64xf32, #tpu.memory_space<hbm>>
        tpu.enqueue_dma source(%dma_start3A_743 : memref<64xf32, #tpu.memory_space<hbm>>) target(%arg15 : memref<64xf32, #tpu.memory_space<vmem>>) target_semaphore(%run_scoped3A : memref<!tpu.dma_semaphore, #tpu.memory_space<semaphore_mem>>)
        %dma_wait3A_744 = tpu.memref_slice %arg7[%multiple_of3A] : memref<160256xf32, #tpu.memory_space<hbm>> -> memref<64xf32, #tpu.memory_space<hbm>>
        %dma_wait3A_745 = tpu.memref_slice %arg7[%multiple_of3A] : memref<160256xf32, #tpu.memory_space<hbm>> -> memref<64xf32, #tpu.memory_space<hbm>>
        tpu.wait_dma2 semaphore(%run_scoped3A : memref<!tpu.dma_semaphore, #tpu.memory_space<semaphore_mem>>) src(%dma_wait3A_745 : memref<64xf32, #tpu.memory_space<hbm>>) dst(%arg15 : memref<64xf32, #tpu.memory_space<vmem>>)
        tpu.yield
      }) : () -> ()
      %dma_start3A = arith.constant 0 : i32
      %dma_start3A_331 = arith.constant 0 : i32
      %dma_start3A_332 = tpu.memref_slice %arg2[%dma_start3A, %dma_start3A_331] : memref<10000x256xf32, #tpu.memory_space<hbm>> -> memref<10000x256xf32, #tpu.memory_space<hbm>>
      tpu.enqueue_indirect_dma source(%dma_start3A_332 : memref<10000x256xf32, #tpu.memory_space<hbm>>) target(%arg18 : memref<64x256xf32, #tpu.memory_space<vmem>>) offsets(%arg14 : memref<64xi32, #tpu.memory_space<vmem>>) semaphore(%arg27 : memref<!tpu.dma_semaphore, #tpu.memory_space<semaphore_mem>>)
      %get3A = arith.constant 0 : index
      %get3A_333 = tpu.vector_load %arg13[%get3A] {strides = array<i32>} : memref<64xi32, #tpu.memory_space<vmem>>, vector<16xi32>,
      %get3A_334 = arith.constant 0 : index
      %get3A_335 = tpu.vector_load %arg15[%get3A_334] {strides = array<i32>} : memref<64xf32, #tpu.memory_space<vmem>>, vector<16xf32>,
      %add3A_336 = arith.constant 0 : i32
      %add3A_337 = arith.addi %multiple_of3A, %add3A_336 : i32
      %iota3A = tpu.iota {dimensions = array<i32: 0>} : vector<16xi32>
      %add3A_338 = vector.broadcast %add3A_337 : i32 to vector<16xi32>
      %add3A_339 = arith.addi %add3A_338, %iota3A : vector<16xi32>
      %ge3A = vector.broadcast %squeeze3A_170 : i32 to vector<16xi32>
      %ge3A_340 = arith.cmpi sge, %add3A_339, %ge3A : vector<16xi32>
      %lt3A = vector.broadcast %squeeze3A_176 : i32 to vector<16xi32>
      %lt3A_341 = arith.cmpi slt, %add3A_339, %lt3A : vector<16xi32>
      %and3A_342 = arith.andi %ge3A_340, %lt3A_341 : vector<16xi1>
      %sub3A_343 = vector.broadcast %mul3A_159 : i32 to vector<16xi32>
      %sub3A_344 = arith.subi %get3A_333, %sub3A_343 : vector<16xi32>
      %jit3A_345 = arith.constant 0 : i32
      %jit3A_346 = arith.constant 159 : i32
      %max3A_347 = vector.broadcast %jit3A_345 : i32 to vector<16xi32>
      %max3A_348 = arith.maxsi %max3A_347, %sub3A_344 : vector<16xi32>
      %min3A_349 = vector.broadcast %jit3A_346 : i32 to vector<16xi32>
      %min3A_350 = arith.minsi %min3A_349, %max3A_348 : vector<16xi32>
      %gather3A_351 = tpu.vector_load_idx %arg11[%min3A_350] : memref<160xf32, #tpu.memory_space<vmem>>[vector<16xi32>], vector<16xf32>,
      %get3A_352 = arith.constant 0 : index
      %get3A_353 = tpu.vector_load %arg14[%get3A_352] {strides = array<i32>} : memref<64xi32, #tpu.memory_space<vmem>>, vector<16xi32>,
      %gather3A_354 = tpu.vector_load_idx %arg12[%get3A_353] : memref<10240xf32, #tpu.memory_space<vmem>>[vector<16xi32>], vector<16xf32>,
      %add3A_355 = arith.addf %gather3A_351, %gather3A_354 : vector<16xf32>
      %mul3A_356 = arith.mulf %get3A_335, %add3A_355 : vector<16xf32>
      %ge3A_357 = arith.constant 0.000000e+00 : f32
      %ge3A_358 = vector.broadcast %ge3A_357 : f32 to vector<16xf32>
      %ge3A_359 = arith.cmpf oge, %mul3A_356, %ge3A_358 : vector<16xf32>
      %mul3A_360 = arith.constant 0.00999999977 : f32
      %mul3A_361 = vector.broadcast %mul3A_360 : f32 to vector<16xf32>
      %mul3A_362 = arith.mulf %mul3A_361, %mul3A_356 : vector<16xf32>
      %select_n3A_363 = arith.select %ge3A_359, %mul3A_356, %mul3A_362 : vector<16xi1>, vector<16xf32>
      %jit3A_364 = arith.constant -2.000000e+00 : f32
      %jit3A_365 = arith.constant 2.000000e+00 : f32
      %max3A_366 = vector.broadcast %jit3A_364 : f32 to vector<16xf32>
      %max3A_367 = arith.maximumf %max3A_366, %select_n3A_363 : vector<16xf32>
      %min3A_368 = vector.broadcast %jit3A_365 : f32 to vector<16xf32>
      %min3A_369 = arith.minimumf %min3A_368, %max3A_367 : vector<16xf32>
      %exp3A = math.exp %min3A_369 : vector<16xf32>
      %jit3A_370 = arith.constant 0.000000e+00 : f32
      %broadcast_in_dim3A_371 = vector.broadcast %jit3A_370 : f32 to vector<16xf32>
      %select_n3A_372 = arith.select %and3A_342, %exp3A, %broadcast_in_dim3A_371 : vector<16xi1>, vector<16xf32>
      %swap3A = arith.constant 0 : index
      %swap3A_373 = tpu.vector_load %arg17[%swap3A] {strides = array<i32>} : memref<64xf32, #tpu.memory_space<vmem>>, vector<16xf32>,
      tpu.vector_store %arg17[%swap3A], %select_n3A_372 {strides = array<i32>} : memref<64xf32, #tpu.memory_space<vmem>>, vector<16xf32>,
      %swap3A_374 = arith.constant 0 : index
      %swap3A_375 = tpu.vector_load %arg16[%swap3A_374] {strides = array<i32>} : memref<64xi32, #tpu.memory_space<vmem>>, vector<16xi32>,
      tpu.vector_store %arg16[%swap3A_374], %min3A_350 {strides = array<i32>} : memref<64xi32, #tpu.memory_space<vmem>>, vector<16xi32>,
      %get3A_376 = arith.constant 16 : index
      %get3A_377 = tpu.vector_load %arg13[%get3A_376] {strides = array<i32>} : memref<64xi32, #tpu.memory_space<vmem>>, vector<16xi32>,
      %get3A_378 = arith.constant 16 : index
      %get3A_379 = tpu.vector_load %arg15[%get3A_378] {strides = array<i32>} : memref<64xf32, #tpu.memory_space<vmem>>, vector<16xf32>,
      %add3A_380 = arith.constant 16 : i32
      %add3A_381 = arith.addi %multiple_of3A, %add3A_380 : i32
      %iota3A_382 = tpu.iota {dimensions = array<i32: 0>} : vector<16xi32>
      %add3A_383 = vector.broadcast %add3A_381 : i32 to vector<16xi32>
      %add3A_384 = arith.addi %add3A_383, %iota3A_382 : vector<16xi32>
      %ge3A_385 = vector.broadcast %squeeze3A_170 : i32 to vector<16xi32>
      %ge3A_386 = arith.cmpi sge, %add3A_384, %ge3A_385 : vector<16xi32>
      %lt3A_387 = vector.broadcast %squeeze3A_176 : i32 to vector<16xi32>
      %lt3A_388 = arith.cmpi slt, %add3A_384, %lt3A_387 : vector<16xi32>
      %and3A_389 = arith.andi %ge3A_386, %lt3A_388 : vector<16xi1>
      %sub3A_390 = vector.broadcast %mul3A_159 : i32 to vector<16xi32>
      %sub3A_391 = arith.subi %get3A_377, %sub3A_390 : vector<16xi32>
      %jit3A_392 = arith.constant 0 : i32
      %jit3A_393 = arith.constant 159 : i32
      %max3A_394 = vector.broadcast %jit3A_392 : i32 to vector<16xi32>
      %max3A_395 = arith.maxsi %max3A_394, %sub3A_391 : vector<16xi32>
      %min3A_396 = vector.broadcast %jit3A_393 : i32 to vector<16xi32>
      %min3A_397 = arith.minsi %min3A_396, %max3A_395 : vector<16xi32>
      %gather3A_398 = tpu.vector_load_idx %arg11[%min3A_397] : memref<160xf32, #tpu.memory_space<vmem>>[vector<16xi32>], vector<16xf32>,
      %get3A_399 = arith.constant 16 : index
      %get3A_400 = tpu.vector_load %arg14[%get3A_399] {strides = array<i32>} : memref<64xi32, #tpu.memory_space<vmem>>, vector<16xi32>,
      %gather3A_401 = tpu.vector_load_idx %arg12[%get3A_400] : memref<10240xf32, #tpu.memory_space<vmem>>[vector<16xi32>], vector<16xf32>,
      %add3A_402 = arith.addf %gather3A_398, %gather3A_401 : vector<16xf32>
      %mul3A_403 = arith.mulf %get3A_379, %add3A_402 : vector<16xf32>
      %ge3A_404 = arith.constant 0.000000e+00 : f32
      %ge3A_405 = vector.broadcast %ge3A_404 : f32 to vector<16xf32>
      %ge3A_406 = arith.cmpf oge, %mul3A_403, %ge3A_405 : vector<16xf32>
      %mul3A_407 = arith.constant 0.00999999977 : f32
      %mul3A_408 = vector.broadcast %mul3A_407 : f32 to vector<16xf32>
      %mul3A_409 = arith.mulf %mul3A_408, %mul3A_403 : vector<16xf32>
      %select_n3A_410 = arith.select %ge3A_406, %mul3A_403, %mul3A_409 : vector<16xi1>, vector<16xf32>
      %jit3A_411 = arith.constant -2.000000e+00 : f32
      %jit3A_412 = arith.constant 2.000000e+00 : f32
      %max3A_413 = vector.broadcast %jit3A_411 : f32 to vector<16xf32>
      %max3A_414 = arith.maximumf %max3A_413, %select_n3A_410 : vector<16xf32>
      %min3A_415 = vector.broadcast %jit3A_412 : f32 to vector<16xf32>
      %min3A_416 = arith.minimumf %min3A_415, %max3A_414 : vector<16xf32>
      %exp3A_417 = math.exp %min3A_416 : vector<16xf32>
      %jit3A_418 = arith.constant 0.000000e+00 : f32
      %broadcast_in_dim3A_419 = vector.broadcast %jit3A_418 : f32 to vector<16xf32>
      %select_n3A_420 = arith.select %and3A_389, %exp3A_417, %broadcast_in_dim3A_419 : vector<16xi1>, vector<16xf32>
      %swap3A_421 = arith.constant 16 : index
      %swap3A_422 = tpu.vector_load %arg17[%swap3A_421] {strides = array<i32>} : memref<64xf32, #tpu.memory_space<vmem>>, vector<16xf32>,
      tpu.vector_store %arg17[%swap3A_421], %select_n3A_420 {strides = array<i32>} : memref<64xf32, #tpu.memory_space<vmem>>, vector<16xf32>,
      %swap3A_423 = arith.constant 16 : index
      %swap3A_424 = tpu.vector_load %arg16[%swap3A_423] {strides = array<i32>} : memref<64xi32, #tpu.memory_space<vmem>>, vector<16xi32>,
      tpu.vector_store %arg16[%swap3A_423], %min3A_397 {strides = array<i32>} : memref<64xi32, #tpu.memory_space<vmem>>, vector<16xi32>,
      %get3A_425 = arith.constant 32 : index
      %get3A_426 = tpu.vector_load %arg13[%get3A_425] {strides = array<i32>} : memref<64xi32, #tpu.memory_space<vmem>>, vector<16xi32>,
      %get3A_427 = arith.constant 32 : index
      %get3A_428 = tpu.vector_load %arg15[%get3A_427] {strides = array<i32>} : memref<64xf32, #tpu.memory_space<vmem>>, vector<16xf32>,
      %add3A_429 = arith.constant 32 : i32
      %add3A_430 = arith.addi %multiple_of3A, %add3A_429 : i32
      %iota3A_431 = tpu.iota {dimensions = array<i32: 0>} : vector<16xi32>
      %add3A_432 = vector.broadcast %add3A_430 : i32 to vector<16xi32>
      %add3A_433 = arith.addi %add3A_432, %iota3A_431 : vector<16xi32>
      %ge3A_434 = vector.broadcast %squeeze3A_170 : i32 to vector<16xi32>
      %ge3A_435 = arith.cmpi sge, %add3A_433, %ge3A_434 : vector<16xi32>
      %lt3A_436 = vector.broadcast %squeeze3A_176 : i32 to vector<16xi32>
      %lt3A_437 = arith.cmpi slt, %add3A_433, %lt3A_436 : vector<16xi32>
      %and3A_438 = arith.andi %ge3A_435, %lt3A_437 : vector<16xi1>
      %sub3A_439 = vector.broadcast %mul3A_159 : i32 to vector<16xi32>
      %sub3A_440 = arith.subi %get3A_426, %sub3A_439 : vector<16xi32>
      %jit3A_441 = arith.constant 0 : i32
      %jit3A_442 = arith.constant 159 : i32
      %max3A_443 = vector.broadcast %jit3A_441 : i32 to vector<16xi32>
      %max3A_444 = arith.maxsi %max3A_443, %sub3A_440 : vector<16xi32>
      %min3A_445 = vector.broadcast %jit3A_442 : i32 to vector<16xi32>
      %min3A_446 = arith.minsi %min3A_445, %max3A_444 : vector<16xi32>
      %gather3A_447 = tpu.vector_load_idx %arg11[%min3A_446] : memref<160xf32, #tpu.memory_space<vmem>>[vector<16xi32>], vector<16xf32>,
      %get3A_448 = arith.constant 32 : index
      %get3A_449 = tpu.vector_load %arg14[%get3A_448] {strides = array<i32>} : memref<64xi32, #tpu.memory_space<vmem>>, vector<16xi32>,
      %gather3A_450 = tpu.vector_load_idx %arg12[%get3A_449] : memref<10240xf32, #tpu.memory_space<vmem>>[vector<16xi32>], vector<16xf32>,
      %add3A_451 = arith.addf %gather3A_447, %gather3A_450 : vector<16xf32>
      %mul3A_452 = arith.mulf %get3A_428, %add3A_451 : vector<16xf32>
      %ge3A_453 = arith.constant 0.000000e+00 : f32
      %ge3A_454 = vector.broadcast %ge3A_453 : f32 to vector<16xf32>
      %ge3A_455 = arith.cmpf oge, %mul3A_452, %ge3A_454 : vector<16xf32>
      %mul3A_456 = arith.constant 0.00999999977 : f32
      %mul3A_457 = vector.broadcast %mul3A_456 : f32 to vector<16xf32>
      %mul3A_458 = arith.mulf %mul3A_457, %mul3A_452 : vector<16xf32>
      %select_n3A_459 = arith.select %ge3A_455, %mul3A_452, %mul3A_458 : vector<16xi1>, vector<16xf32>
      %jit3A_460 = arith.constant -2.000000e+00 : f32
      %jit3A_461 = arith.constant 2.000000e+00 : f32
      %max3A_462 = vector.broadcast %jit3A_460 : f32 to vector<16xf32>
      %max3A_463 = arith.maximumf %max3A_462, %select_n3A_459 : vector<16xf32>
      %min3A_464 = vector.broadcast %jit3A_461 : f32 to vector<16xf32>
      %min3A_465 = arith.minimumf %min3A_464, %max3A_463 : vector<16xf32>
      %exp3A_466 = math.exp %min3A_465 : vector<16xf32>
      %jit3A_467 = arith.constant 0.000000e+00 : f32
      %broadcast_in_dim3A_468 = vector.broadcast %jit3A_467 : f32 to vector<16xf32>
      %select_n3A_469 = arith.select %and3A_438, %exp3A_466, %broadcast_in_dim3A_468 : vector<16xi1>, vector<16xf32>
      %swap3A_470 = arith.constant 32 : index
      %swap3A_471 = tpu.vector_load %arg17[%swap3A_470] {strides = array<i32>} : memref<64xf32, #tpu.memory_space<vmem>>, vector<16xf32>,
      tpu.vector_store %arg17[%swap3A_470], %select_n3A_469 {strides = array<i32>} : memref<64xf32, #tpu.memory_space<vmem>>, vector<16xf32>,
      %swap3A_472 = arith.constant 32 : index
      %swap3A_473 = tpu.vector_load %arg16[%swap3A_472] {strides = array<i32>} : memref<64xi32, #tpu.memory_space<vmem>>, vector<16xi32>,
      tpu.vector_store %arg16[%swap3A_472], %min3A_446 {strides = array<i32>} : memref<64xi32, #tpu.memory_space<vmem>>, vector<16xi32>,
      %get3A_474 = arith.constant 48 : index
      %get3A_475 = tpu.vector_load %arg13[%get3A_474] {strides = array<i32>} : memref<64xi32, #tpu.memory_space<vmem>>, vector<16xi32>,
      %get3A_476 = arith.constant 48 : index
      %get3A_477 = tpu.vector_load %arg15[%get3A_476] {strides = array<i32>} : memref<64xf32, #tpu.memory_space<vmem>>, vector<16xf32>,
      %add3A_478 = arith.constant 48 : i32
      %add3A_479 = arith.addi %multiple_of3A, %add3A_478 : i32
      %iota3A_480 = tpu.iota {dimensions = array<i32: 0>} : vector<16xi32>
      %add3A_481 = vector.broadcast %add3A_479 : i32 to vector<16xi32>
      %add3A_482 = arith.addi %add3A_481, %iota3A_480 : vector<16xi32>
      %ge3A_483 = vector.broadcast %squeeze3A_170 : i32 to vector<16xi32>
      %ge3A_484 = arith.cmpi sge, %add3A_482, %ge3A_483 : vector<16xi32>
      %lt3A_485 = vector.broadcast %squeeze3A_176 : i32 to vector<16xi32>
      %lt3A_486 = arith.cmpi slt, %add3A_482, %lt3A_485 : vector<16xi32>
      %and3A_487 = arith.andi %ge3A_484, %lt3A_486 : vector<16xi1>
      %sub3A_488 = vector.broadcast %mul3A_159 : i32 to vector<16xi32>
      %sub3A_489 = arith.subi %get3A_475, %sub3A_488 : vector<16xi32>
      %jit3A_490 = arith.constant 0 : i32
      %jit3A_491 = arith.constant 159 : i32
      %max3A_492 = vector.broadcast %jit3A_490 : i32 to vector<16xi32>
      %max3A_493 = arith.maxsi %max3A_492, %sub3A_489 : vector<16xi32>
      %min3A_494 = vector.broadcast %jit3A_491 : i32 to vector<16xi32>
      %min3A_495 = arith.minsi %min3A_494, %max3A_493 : vector<16xi32>
      %gather3A_496 = tpu.vector_load_idx %arg11[%min3A_495] : memref<160xf32, #tpu.memory_space<vmem>>[vector<16xi32>], vector<16xf32>,
      %get3A_497 = arith.constant 48 : index
      %get3A_498 = tpu.vector_load %arg14[%get3A_497] {strides = array<i32>} : memref<64xi32, #tpu.memory_space<vmem>>, vector<16xi32>,
      %gather3A_499 = tpu.vector_load_idx %arg12[%get3A_498] : memref<10240xf32, #tpu.memory_space<vmem>>[vector<16xi32>], vector<16xf32>,
      %add3A_500 = arith.addf %gather3A_496, %gather3A_499 : vector<16xf32>
      %mul3A_501 = arith.mulf %get3A_477, %add3A_500 : vector<16xf32>
      %ge3A_502 = arith.constant 0.000000e+00 : f32
      %ge3A_503 = vector.broadcast %ge3A_502 : f32 to vector<16xf32>
      %ge3A_504 = arith.cmpf oge, %mul3A_501, %ge3A_503 : vector<16xf32>
      %mul3A_505 = arith.constant 0.00999999977 : f32
      %mul3A_506 = vector.broadcast %mul3A_505 : f32 to vector<16xf32>
      %mul3A_507 = arith.mulf %mul3A_506, %mul3A_501 : vector<16xf32>
      %select_n3A_508 = arith.select %ge3A_504, %mul3A_501, %mul3A_507 : vector<16xi1>, vector<16xf32>
      %jit3A_509 = arith.constant -2.000000e+00 : f32
      %jit3A_510 = arith.constant 2.000000e+00 : f32
      %max3A_511 = vector.broadcast %jit3A_509 : f32 to vector<16xf32>
      %max3A_512 = arith.maximumf %max3A_511, %select_n3A_508 : vector<16xf32>
      %min3A_513 = vector.broadcast %jit3A_510 : f32 to vector<16xf32>
      %min3A_514 = arith.minimumf %min3A_513, %max3A_512 : vector<16xf32>
      %exp3A_515 = math.exp %min3A_514 : vector<16xf32>
      %jit3A_516 = arith.constant 0.000000e+00 : f32
      %broadcast_in_dim3A_517 = vector.broadcast %jit3A_516 : f32 to vector<16xf32>
      %select_n3A_518 = arith.select %and3A_487, %exp3A_515, %broadcast_in_dim3A_517 : vector<16xi1>, vector<16xf32>
      %swap3A_519 = arith.constant 48 : index
      %swap3A_520 = tpu.vector_load %arg17[%swap3A_519] {strides = array<i32>} : memref<64xf32, #tpu.memory_space<vmem>>, vector<16xf32>,
      tpu.vector_store %arg17[%swap3A_519], %select_n3A_518 {strides = array<i32>} : memref<64xf32, #tpu.memory_space<vmem>>, vector<16xf32>,
      %swap3A_521 = arith.constant 48 : index
      %swap3A_522 = tpu.vector_load %arg16[%swap3A_521] {strides = array<i32>} : memref<64xi32, #tpu.memory_space<vmem>>, vector<16xi32>,
      tpu.vector_store %arg16[%swap3A_521], %min3A_495 {strides = array<i32>} : memref<64xi32, #tpu.memory_space<vmem>>, vector<16xi32>,
      "tpu.region"() ({
        %run_scoped3A = tpu.sem_alloc : memref<!tpu.dma_semaphore, #tpu.memory_space<semaphore_mem>>
        %dma_start3A_742 = tpu.memref_slice %arg5[%multiple_of3A_330] : memref<160256xi32, #tpu.memory_space<hbm>> -> memref<64xi32, #tpu.memory_space<hbm>>
        %dma_start3A_743 = tpu.memref_slice %arg5[%multiple_of3A_330] : memref<160256xi32, #tpu.memory_space<hbm>> -> memref<64xi32, #tpu.memory_space<hbm>>
        tpu.enqueue_dma source(%dma_start3A_743 : memref<64xi32, #tpu.memory_space<hbm>>) target(%arg19 : memref<64xi32, #tpu.memory_space<vmem>>) target_semaphore(%run_scoped3A : memref<!tpu.dma_semaphore, #tpu.memory_space<semaphore_mem>>)
        %dma_wait3A_744 = tpu.memref_slice %arg5[%multiple_of3A_330] : memref<160256xi32, #tpu.memory_space<hbm>> -> memref<64xi32, #tpu.memory_space<hbm>>
        %dma_wait3A_745 = tpu.memref_slice %arg5[%multiple_of3A_330] : memref<160256xi32, #tpu.memory_space<hbm>> -> memref<64xi32, #tpu.memory_space<hbm>>
        tpu.wait_dma2 semaphore(%run_scoped3A : memref<!tpu.dma_semaphore, #tpu.memory_space<semaphore_mem>>) src(%dma_wait3A_745 : memref<64xi32, #tpu.memory_space<hbm>>) dst(%arg19 : memref<64xi32, #tpu.memory_space<vmem>>)
        tpu.yield
      }) : () -> ()
      "tpu.region"() ({
        %run_scoped3A = tpu.sem_alloc : memref<!tpu.dma_semaphore, #tpu.memory_space<semaphore_mem>>
        %dma_start3A_742 = tpu.memref_slice %arg6[%multiple_of3A_330] : memref<160256xi32, #tpu.memory_space<hbm>> -> memref<64xi32, #tpu.memory_space<hbm>>
        %dma_start3A_743 = tpu.memref_slice %arg6[%multiple_of3A_330] : memref<160256xi32, #tpu.memory_space<hbm>> -> memref<64xi32, #tpu.memory_space<hbm>>
        tpu.enqueue_dma source(%dma_start3A_743 : memref<64xi32, #tpu.memory_space<hbm>>) target(%arg20 : memref<64xi32, #tpu.memory_space<vmem>>) target_semaphore(%run_scoped3A : memref<!tpu.dma_semaphore, #tpu.memory_space<semaphore_mem>>)
        %dma_wait3A_744 = tpu.memref_slice %arg6[%multiple_of3A_330] : memref<160256xi32, #tpu.memory_space<hbm>> -> memref<64xi32, #tpu.memory_space<hbm>>
        %dma_wait3A_745 = tpu.memref_slice %arg6[%multiple_of3A_330] : memref<160256xi32, #tpu.memory_space<hbm>> -> memref<64xi32, #tpu.memory_space<hbm>>
        tpu.wait_dma2 semaphore(%run_scoped3A : memref<!tpu.dma_semaphore, #tpu.memory_space<semaphore_mem>>) src(%dma_wait3A_745 : memref<64xi32, #tpu.memory_space<hbm>>) dst(%arg20 : memref<64xi32, #tpu.memory_space<vmem>>)
        tpu.yield
      }) : () -> ()
      "tpu.region"() ({
        %run_scoped3A = tpu.sem_alloc : memref<!tpu.dma_semaphore, #tpu.memory_space<semaphore_mem>>
        %dma_start3A_742 = tpu.memref_slice %arg7[%multiple_of3A_330] : memref<160256xf32, #tpu.memory_space<hbm>> -> memref<64xf32, #tpu.memory_space<hbm>>
        %dma_start3A_743 = tpu.memref_slice %arg7[%multiple_of3A_330] : memref<160256xf32, #tpu.memory_space<hbm>> -> memref<64xf32, #tpu.memory_space<hbm>>
        tpu.enqueue_dma source(%dma_start3A_743 : memref<64xf32, #tpu.memory_space<hbm>>) target(%arg21 : memref<64xf32, #tpu.memory_space<vmem>>) target_semaphore(%run_scoped3A : memref<!tpu.dma_semaphore, #tpu.memory_space<semaphore_mem>>)
        %dma_wait3A_744 = tpu.memref_slice %arg7[%multiple_of3A_330] : memref<160256xf32, #tpu.memory_space<hbm>> -> memref<64xf32, #tpu.memory_space<hbm>>
        %dma_wait3A_745 = tpu.memref_slice %arg7[%multiple_of3A_330] : memref<160256xf32, #tpu.memory_space<hbm>> -> memref<64xf32, #tpu.memory_space<hbm>>
        tpu.wait_dma2 semaphore(%run_scoped3A : memref<!tpu.dma_semaphore, #tpu.memory_space<semaphore_mem>>) src(%dma_wait3A_745 : memref<64xf32, #tpu.memory_space<hbm>>) dst(%arg21 : memref<64xf32, #tpu.memory_space<vmem>>)
        tpu.yield
      }) : () -> ()
      %dma_start3A_523 = arith.constant 0 : i32
      %dma_start3A_524 = arith.constant 0 : i32
      %dma_start3A_525 = tpu.memref_slice %arg2[%dma_start3A_523, %dma_start3A_524] : memref<10000x256xf32, #tpu.memory_space<hbm>> -> memref<10000x256xf32, #tpu.memory_space<hbm>>
      tpu.enqueue_indirect_dma source(%dma_start3A_525 : memref<10000x256xf32, #tpu.memory_space<hbm>>) target(%arg24 : memref<64x256xf32, #tpu.memory_space<vmem>>) offsets(%arg20 : memref<64xi32, #tpu.memory_space<vmem>>) semaphore(%arg28 : memref<!tpu.dma_semaphore, #tpu.memory_space<semaphore_mem>>)
      %dma_wait3A = arith.constant 0 : i32
      %dma_wait3A_526 = arith.constant 0 : i32
      %dma_wait3A_527 = tpu.memref_slice %arg2[%dma_wait3A, %dma_wait3A_526] : memref<10000x256xf32, #tpu.memory_space<hbm>> -> memref<10000x256xf32, #tpu.memory_space<hbm>>
      tpu.wait_indirect_dma semaphore(%arg27 : memref<!tpu.dma_semaphore, #tpu.memory_space<semaphore_mem>>) src(%dma_wait3A_527 : memref<10000x256xf32, #tpu.memory_space<hbm>>) dst(%arg18 : memref<64x256xf32, #tpu.memory_space<vmem>>)
      %scan3A_528 = arith.constant 0 : i32
      %scan3A_529 = arith.constant 0 : i32
      %scan3A_530 = arith.constant 64 : i32
      %scan3A_531 = arith.addi %scan3A_529, %scan3A_530 : i32
      %scan3A_532 = arith.constant 1 : i32
      %scan3A_533 = scf.for %scan3A_742 = %scan3A_529 to %scan3A_531 step %scan3A_532 iter_args(%scan3A_743 = %scan3A_528) -> (i32)  : i32 {
        %broadcast_in_dim3A_744 = vector.broadcast %scan3A_742 : i32 to vector<16xi32>
        %gather3A_745 = tpu.vector_load_idx %arg16[%broadcast_in_dim3A_744] : memref<64xi32, #tpu.memory_space<vmem>>[vector<16xi32>], vector<16xi32>,
        %slice3A_746 = vector.extract_strided_slice %gather3A_745 {offsets = [0], sizes = [1], strides = [1]} : vector<16xi32> to vector<1xi32>
        %squeeze3A_747 = vector.extract %slice3A_746[0] : i32 from vector<1xi32>
        %gather3A_748 = tpu.vector_load_idx %arg17[%broadcast_in_dim3A_744] : memref<64xf32, #tpu.memory_space<vmem>>[vector<16xi32>], vector<16xf32>,
        %swap3A_749 = arith.index_cast %squeeze3A_747 : i32 to index
        %swap3A_750 = arith.constant 0 : index
        %swap3A_751 = tpu.vector_load %arg26[%swap3A_749, %swap3A_750] {strides = array<i32>} : memref<160x16xf32, #tpu.memory_space<vmem>>, vector<16xf32>,
        tpu.vector_store %arg26[%swap3A_749, %swap3A_750], %gather3A_748 {add = true, strides = array<i32>} : memref<160x16xf32, #tpu.memory_space<vmem>>, vector<16xf32>,
        %get3A_752 = arith.index_cast %scan3A_742 : i32 to index
        %get3A_753 = arith.constant 0 : index
        %get3A_754 = tpu.vector_load %arg18[%get3A_752, %get3A_753] {strides = array<i32>} : memref<64x256xf32, #tpu.memory_space<vmem>>, vector<16xf32>,
        %mul3A_755 = arith.mulf %get3A_754, %gather3A_748 : vector<16xf32>
        %swap3A_756 = arith.index_cast %squeeze3A_747 : i32 to index
        %swap3A_757 = arith.constant 0 : index
        %swap3A_758 = tpu.vector_load %arg25[%swap3A_756, %swap3A_757] {strides = array<i32>} : memref<160x256xf32, #tpu.memory_space<vmem>>, vector<16xf32>,
        tpu.vector_store %arg25[%swap3A_756, %swap3A_757], %mul3A_755 {add = true, strides = array<i32>} : memref<160x256xf32, #tpu.memory_space<vmem>>, vector<16xf32>,
        %get3A_759 = arith.index_cast %scan3A_742 : i32 to index
        %get3A_760 = arith.constant 16 : index
        %get3A_761 = tpu.vector_load %arg18[%get3A_759, %get3A_760] {strides = array<i32>} : memref<64x256xf32, #tpu.memory_space<vmem>>, vector<16xf32>,
        %mul3A_762 = arith.mulf %get3A_761, %gather3A_748 : vector<16xf32>
        %swap3A_763 = arith.index_cast %squeeze3A_747 : i32 to index
        %swap3A_764 = arith.constant 16 : index
        %swap3A_765 = tpu.vector_load %arg25[%swap3A_763, %swap3A_764] {strides = array<i32>} : memref<160x256xf32, #tpu.memory_space<vmem>>, vector<16xf32>,
        tpu.vector_store %arg25[%swap3A_763, %swap3A_764], %mul3A_762 {add = true, strides = array<i32>} : memref<160x256xf32, #tpu.memory_space<vmem>>, vector<16xf32>,
        %get3A_766 = arith.index_cast %scan3A_742 : i32 to index
        %get3A_767 = arith.constant 32 : index
        %get3A_768 = tpu.vector_load %arg18[%get3A_766, %get3A_767] {strides = array<i32>} : memref<64x256xf32, #tpu.memory_space<vmem>>, vector<16xf32>,
        %mul3A_769 = arith.mulf %get3A_768, %gather3A_748 : vector<16xf32>
        %swap3A_770 = arith.index_cast %squeeze3A_747 : i32 to index
        %swap3A_771 = arith.constant 32 : index
        %swap3A_772 = tpu.vector_load %arg25[%swap3A_770, %swap3A_771] {strides = array<i32>} : memref<160x256xf32, #tpu.memory_space<vmem>>, vector<16xf32>,
        tpu.vector_store %arg25[%swap3A_770, %swap3A_771], %mul3A_769 {add = true, strides = array<i32>} : memref<160x256xf32, #tpu.memory_space<vmem>>, vector<16xf32>,
        %get3A_773 = arith.index_cast %scan3A_742 : i32 to index
        %get3A_774 = arith.constant 48 : index
        %get3A_775 = tpu.vector_load %arg18[%get3A_773, %get3A_774] {strides = array<i32>} : memref<64x256xf32, #tpu.memory_space<vmem>>, vector<16xf32>,
        %mul3A_776 = arith.mulf %get3A_775, %gather3A_748 : vector<16xf32>
        %swap3A_777 = arith.index_cast %squeeze3A_747 : i32 to index
        %swap3A_778 = arith.constant 48 : index
        %swap3A_779 = tpu.vector_load %arg25[%swap3A_777, %swap3A_778] {strides = array<i32>} : memref<160x256xf32, #tpu.memory_space<vmem>>, vector<16xf32>,
        tpu.vector_store %arg25[%swap3A_777, %swap3A_778], %mul3A_776 {add = true, strides = array<i32>} : memref<160x256xf32, #tpu.memory_space<vmem>>, vector<16xf32>,
        %get3A_780 = arith.index_cast %scan3A_742 : i32 to index
        %get3A_781 = arith.constant 64 : index
        %get3A_782 = tpu.vector_load %arg18[%get3A_780, %get3A_781] {strides = array<i32>} : memref<64x256xf32, #tpu.memory_space<vmem>>, vector<16xf32>,
        %mul3A_783 = arith.mulf %get3A_782, %gather3A_748 : vector<16xf32>
        %swap3A_784 = arith.index_cast %squeeze3A_747 : i32 to index
        %swap3A_785 = arith.constant 64 : index
        %swap3A_786 = tpu.vector_load %arg25[%swap3A_784, %swap3A_785] {strides = array<i32>} : memref<160x256xf32, #tpu.memory_space<vmem>>, vector<16xf32>,
        tpu.vector_store %arg25[%swap3A_784, %swap3A_785], %mul3A_783 {add = true, strides = array<i32>} : memref<160x256xf32, #tpu.memory_space<vmem>>, vector<16xf32>,
        %get3A_787 = arith.index_cast %scan3A_742 : i32 to index
        %get3A_788 = arith.constant 80 : index
        %get3A_789 = tpu.vector_load %arg18[%get3A_787, %get3A_788] {strides = array<i32>} : memref<64x256xf32, #tpu.memory_space<vmem>>, vector<16xf32>,
        %mul3A_790 = arith.mulf %get3A_789, %gather3A_748 : vector<16xf32>
        %swap3A_791 = arith.index_cast %squeeze3A_747 : i32 to index
        %swap3A_792 = arith.constant 80 : index
        %swap3A_793 = tpu.vector_load %arg25[%swap3A_791, %swap3A_792] {strides = array<i32>} : memref<160x256xf32, #tpu.memory_space<vmem>>, vector<16xf32>,
        tpu.vector_store %arg25[%swap3A_791, %swap3A_792], %mul3A_790 {add = true, strides = array<i32>} : memref<160x256xf32, #tpu.memory_space<vmem>>, vector<16xf32>,
        %get3A_794 = arith.index_cast %scan3A_742 : i32 to index
        %get3A_795 = arith.constant 96 : index
        %get3A_796 = tpu.vector_load %arg18[%get3A_794, %get3A_795] {strides = array<i32>} : memref<64x256xf32, #tpu.memory_space<vmem>>, vector<16xf32>,
        %mul3A_797 = arith.mulf %get3A_796, %gather3A_748 : vector<16xf32>
        %swap3A_798 = arith.index_cast %squeeze3A_747 : i32 to index
        %swap3A_799 = arith.constant 96 : index
        %swap3A_800 = tpu.vector_load %arg25[%swap3A_798, %swap3A_799] {strides = array<i32>} : memref<160x256xf32, #tpu.memory_space<vmem>>, vector<16xf32>,
        tpu.vector_store %arg25[%swap3A_798, %swap3A_799], %mul3A_797 {add = true, strides = array<i32>} : memref<160x256xf32, #tpu.memory_space<vmem>>, vector<16xf32>,
        %get3A_801 = arith.index_cast %scan3A_742 : i32 to index
        %get3A_802 = arith.constant 112 : index
        %get3A_803 = tpu.vector_load %arg18[%get3A_801, %get3A_802] {strides = array<i32>} : memref<64x256xf32, #tpu.memory_space<vmem>>, vector<16xf32>,
        %mul3A_804 = arith.mulf %get3A_803, %gather3A_748 : vector<16xf32>
        %swap3A_805 = arith.index_cast %squeeze3A_747 : i32 to index
        %swap3A_806 = arith.constant 112 : index
        %swap3A_807 = tpu.vector_load %arg25[%swap3A_805, %swap3A_806] {strides = array<i32>} : memref<160x256xf32, #tpu.memory_space<vmem>>, vector<16xf32>,
        tpu.vector_store %arg25[%swap3A_805, %swap3A_806], %mul3A_804 {add = true, strides = array<i32>} : memref<160x256xf32, #tpu.memory_space<vmem>>, vector<16xf32>,
        %get3A_808 = arith.index_cast %scan3A_742 : i32 to index
        %get3A_809 = arith.constant 128 : index
        %get3A_810 = tpu.vector_load %arg18[%get3A_808, %get3A_809] {strides = array<i32>} : memref<64x256xf32, #tpu.memory_space<vmem>>, vector<16xf32>,
        %mul3A_811 = arith.mulf %get3A_810, %gather3A_748 : vector<16xf32>
        %swap3A_812 = arith.index_cast %squeeze3A_747 : i32 to index
        %swap3A_813 = arith.constant 128 : index
        %swap3A_814 = tpu.vector_load %arg25[%swap3A_812, %swap3A_813] {strides = array<i32>} : memref<160x256xf32, #tpu.memory_space<vmem>>, vector<16xf32>,
        tpu.vector_store %arg25[%swap3A_812, %swap3A_813], %mul3A_811 {add = true, strides = array<i32>} : memref<160x256xf32, #tpu.memory_space<vmem>>, vector<16xf32>,
        %get3A_815 = arith.index_cast %scan3A_742 : i32 to index
        %get3A_816 = arith.constant 144 : index
        %get3A_817 = tpu.vector_load %arg18[%get3A_815, %get3A_816] {strides = array<i32>} : memref<64x256xf32, #tpu.memory_space<vmem>>, vector<16xf32>,
        %mul3A_818 = arith.mulf %get3A_817, %gather3A_748 : vector<16xf32>
        %swap3A_819 = arith.index_cast %squeeze3A_747 : i32 to index
        %swap3A_820 = arith.constant 144 : index
        %swap3A_821 = tpu.vector_load %arg25[%swap3A_819, %swap3A_820] {strides = array<i32>} : memref<160x256xf32, #tpu.memory_space<vmem>>, vector<16xf32>,
        tpu.vector_store %arg25[%swap3A_819, %swap3A_820], %mul3A_818 {add = true, strides = array<i32>} : memref<160x256xf32, #tpu.memory_space<vmem>>, vector<16xf32>,
        %get3A_822 = arith.index_cast %scan3A_742 : i32 to index
        %get3A_823 = arith.constant 160 : index
        %get3A_824 = tpu.vector_load %arg18[%get3A_822, %get3A_823] {strides = array<i32>} : memref<64x256xf32, #tpu.memory_space<vmem>>, vector<16xf32>,
        %mul3A_825 = arith.mulf %get3A_824, %gather3A_748 : vector<16xf32>
        %swap3A_826 = arith.index_cast %squeeze3A_747 : i32 to index
        %swap3A_827 = arith.constant 160 : index
        %swap3A_828 = tpu.vector_load %arg25[%swap3A_826, %swap3A_827] {strides = array<i32>} : memref<160x256xf32, #tpu.memory_space<vmem>>, vector<16xf32>,
        tpu.vector_store %arg25[%swap3A_826, %swap3A_827], %mul3A_825 {add = true, strides = array<i32>} : memref<160x256xf32, #tpu.memory_space<vmem>>, vector<16xf32>,
        %get3A_829 = arith.index_cast %scan3A_742 : i32 to index
        %get3A_830 = arith.constant 176 : index
        %get3A_831 = tpu.vector_load %arg18[%get3A_829, %get3A_830] {strides = array<i32>} : memref<64x256xf32, #tpu.memory_space<vmem>>, vector<16xf32>,
        %mul3A_832 = arith.mulf %get3A_831, %gather3A_748 : vector<16xf32>
        %swap3A_833 = arith.index_cast %squeeze3A_747 : i32 to index
        %swap3A_834 = arith.constant 176 : index
        %swap3A_835 = tpu.vector_load %arg25[%swap3A_833, %swap3A_834] {strides = array<i32>} : memref<160x256xf32, #tpu.memory_space<vmem>>, vector<16xf32>,
        tpu.vector_store %arg25[%swap3A_833, %swap3A_834], %mul3A_832 {add = true, strides = array<i32>} : memref<160x256xf32, #tpu.memory_space<vmem>>, vector<16xf32>,
        %get3A_836 = arith.index_cast %scan3A_742 : i32 to index
        %get3A_837 = arith.constant 192 : index
        %get3A_838 = tpu.vector_load %arg18[%get3A_836, %get3A_837] {strides = array<i32>} : memref<64x256xf32, #tpu.memory_space<vmem>>, vector<16xf32>,
        %mul3A_839 = arith.mulf %get3A_838, %gather3A_748 : vector<16xf32>
        %swap3A_840 = arith.index_cast %squeeze3A_747 : i32 to index
        %swap3A_841 = arith.constant 192 : index
        %swap3A_842 = tpu.vector_load %arg25[%swap3A_840, %swap3A_841] {strides = array<i32>} : memref<160x256xf32, #tpu.memory_space<vmem>>, vector<16xf32>,
        tpu.vector_store %arg25[%swap3A_840, %swap3A_841], %mul3A_839 {add = true, strides = array<i32>} : memref<160x256xf32, #tpu.memory_space<vmem>>, vector<16xf32>,
        %get3A_843 = arith.index_cast %scan3A_742 : i32 to index
        %get3A_844 = arith.constant 208 : index
        %get3A_845 = tpu.vector_load %arg18[%get3A_843, %get3A_844] {strides = array<i32>} : memref<64x256xf32, #tpu.memory_space<vmem>>, vector<16xf32>,
        %mul3A_846 = arith.mulf %get3A_845, %gather3A_748 : vector<16xf32>
        %swap3A_847 = arith.index_cast %squeeze3A_747 : i32 to index
        %swap3A_848 = arith.constant 208 : index
        %swap3A_849 = tpu.vector_load %arg25[%swap3A_847, %swap3A_848] {strides = array<i32>} : memref<160x256xf32, #tpu.memory_space<vmem>>, vector<16xf32>,
        tpu.vector_store %arg25[%swap3A_847, %swap3A_848], %mul3A_846 {add = true, strides = array<i32>} : memref<160x256xf32, #tpu.memory_space<vmem>>, vector<16xf32>,
        %get3A_850 = arith.index_cast %scan3A_742 : i32 to index
        %get3A_851 = arith.constant 224 : index
        %get3A_852 = tpu.vector_load %arg18[%get3A_850, %get3A_851] {strides = array<i32>} : memref<64x256xf32, #tpu.memory_space<vmem>>, vector<16xf32>,
        %mul3A_853 = arith.mulf %get3A_852, %gather3A_748 : vector<16xf32>
        %swap3A_854 = arith.index_cast %squeeze3A_747 : i32 to index
        %swap3A_855 = arith.constant 224 : index
        %swap3A_856 = tpu.vector_load %arg25[%swap3A_854, %swap3A_855] {strides = array<i32>} : memref<160x256xf32, #tpu.memory_space<vmem>>, vector<16xf32>,
        tpu.vector_store %arg25[%swap3A_854, %swap3A_855], %mul3A_853 {add = true, strides = array<i32>} : memref<160x256xf32, #tpu.memory_space<vmem>>, vector<16xf32>,
        %get3A_857 = arith.index_cast %scan3A_742 : i32 to index
        %get3A_858 = arith.constant 240 : index
        %get3A_859 = tpu.vector_load %arg18[%get3A_857, %get3A_858] {strides = array<i32>} : memref<64x256xf32, #tpu.memory_space<vmem>>, vector<16xf32>,
        %mul3A_860 = arith.mulf %get3A_859, %gather3A_748 : vector<16xf32>
        %swap3A_861 = arith.index_cast %squeeze3A_747 : i32 to index
        %swap3A_862 = arith.constant 240 : index
        %swap3A_863 = tpu.vector_load %arg25[%swap3A_861, %swap3A_862] {strides = array<i32>} : memref<160x256xf32, #tpu.memory_space<vmem>>, vector<16xf32>,
        tpu.vector_store %arg25[%swap3A_861, %swap3A_862], %mul3A_860 {add = true, strides = array<i32>} : memref<160x256xf32, #tpu.memory_space<vmem>>, vector<16xf32>,
        %scan3A_864 = arith.constant 0 : i32
        scf.yield %scan3A_864 : i32
      }
      %scan3A_534 = arith.constant 64 : i32
      %get3A_535 = arith.constant 0 : index
      %get3A_536 = tpu.vector_load %arg19[%get3A_535] {strides = array<i32>} : memref<64xi32, #tpu.memory_space<vmem>>, vector<16xi32>,
      %get3A_537 = arith.constant 0 : index
      %get3A_538 = tpu.vector_load %arg21[%get3A_537] {strides = array<i32>} : memref<64xf32, #tpu.memory_space<vmem>>, vector<16xf32>,
      %add3A_539 = arith.constant 0 : i32
      %add3A_540 = arith.addi %multiple_of3A_330, %add3A_539 : i32
      %iota3A_541 = tpu.iota {dimensions = array<i32: 0>} : vector<16xi32>
      %add3A_542 = vector.broadcast %add3A_540 : i32 to vector<16xi32>
      %add3A_543 = arith.addi %add3A_542, %iota3A_541 : vector<16xi32>
      %ge3A_544 = vector.broadcast %squeeze3A_170 : i32 to vector<16xi32>
      %ge3A_545 = arith.cmpi sge, %add3A_543, %ge3A_544 : vector<16xi32>
      %lt3A_546 = vector.broadcast %squeeze3A_176 : i32 to vector<16xi32>
      %lt3A_547 = arith.cmpi slt, %add3A_543, %lt3A_546 : vector<16xi32>
      %and3A_548 = arith.andi %ge3A_545, %lt3A_547 : vector<16xi1>
      %sub3A_549 = vector.broadcast %mul3A_159 : i32 to vector<16xi32>
      %sub3A_550 = arith.subi %get3A_536, %sub3A_549 : vector<16xi32>
      %jit3A_551 = arith.constant 0 : i32
      %jit3A_552 = arith.constant 159 : i32
      %max3A_553 = vector.broadcast %jit3A_551 : i32 to vector<16xi32>
      %max3A_554 = arith.maxsi %max3A_553, %sub3A_550 : vector<16xi32>
      %min3A_555 = vector.broadcast %jit3A_552 : i32 to vector<16xi32>
      %min3A_556 = arith.minsi %min3A_555, %max3A_554 : vector<16xi32>
      %gather3A_557 = tpu.vector_load_idx %arg11[%min3A_556] : memref<160xf32, #tpu.memory_space<vmem>>[vector<16xi32>], vector<16xf32>,
      %get3A_558 = arith.constant 0 : index
      %get3A_559 = tpu.vector_load %arg20[%get3A_558] {strides = array<i32>} : memref<64xi32, #tpu.memory_space<vmem>>, vector<16xi32>,
      %gather3A_560 = tpu.vector_load_idx %arg12[%get3A_559] : memref<10240xf32, #tpu.memory_space<vmem>>[vector<16xi32>], vector<16xf32>,
      %add3A_561 = arith.addf %gather3A_557, %gather3A_560 : vector<16xf32>
      %mul3A_562 = arith.mulf %get3A_538, %add3A_561 : vector<16xf32>
      %ge3A_563 = arith.constant 0.000000e+00 : f32
      %ge3A_564 = vector.broadcast %ge3A_563 : f32 to vector<16xf32>
      %ge3A_565 = arith.cmpf oge, %mul3A_562, %ge3A_564 : vector<16xf32>
      %mul3A_566 = arith.constant 0.00999999977 : f32
      %mul3A_567 = vector.broadcast %mul3A_566 : f32 to vector<16xf32>
      %mul3A_568 = arith.mulf %mul3A_567, %mul3A_562 : vector<16xf32>
      %select_n3A_569 = arith.select %ge3A_565, %mul3A_562, %mul3A_568 : vector<16xi1>, vector<16xf32>
      %jit3A_570 = arith.constant -2.000000e+00 : f32
      %jit3A_571 = arith.constant 2.000000e+00 : f32
      %max3A_572 = vector.broadcast %jit3A_570 : f32 to vector<16xf32>
      %max3A_573 = arith.maximumf %max3A_572, %select_n3A_569 : vector<16xf32>
      %min3A_574 = vector.broadcast %jit3A_571 : f32 to vector<16xf32>
      %min3A_575 = arith.minimumf %min3A_574, %max3A_573 : vector<16xf32>
      %exp3A_576 = math.exp %min3A_575 : vector<16xf32>
      %jit3A_577 = arith.constant 0.000000e+00 : f32
      %broadcast_in_dim3A_578 = vector.broadcast %jit3A_577 : f32 to vector<16xf32>
      %select_n3A_579 = arith.select %and3A_548, %exp3A_576, %broadcast_in_dim3A_578 : vector<16xi1>, vector<16xf32>
      %swap3A_580 = arith.constant 0 : index
      %swap3A_581 = tpu.vector_load %arg23[%swap3A_580] {strides = array<i32>} : memref<64xf32, #tpu.memory_space<vmem>>, vector<16xf32>,
      tpu.vector_store %arg23[%swap3A_580], %select_n3A_579 {strides = array<i32>} : memref<64xf32, #tpu.memory_space<vmem>>, vector<16xf32>,
      %swap3A_582 = arith.constant 0 : index
      %swap3A_583 = tpu.vector_load %arg22[%swap3A_582] {strides = array<i32>} : memref<64xi32, #tpu.memory_space<vmem>>, vector<16xi32>,
      tpu.vector_store %arg22[%swap3A_582], %min3A_556 {strides = array<i32>} : memref<64xi32, #tpu.memory_space<vmem>>, vector<16xi32>,
      %get3A_584 = arith.constant 16 : index
      %get3A_585 = tpu.vector_load %arg19[%get3A_584] {strides = array<i32>} : memref<64xi32, #tpu.memory_space<vmem>>, vector<16xi32>,
      %get3A_586 = arith.constant 16 : index
      %get3A_587 = tpu.vector_load %arg21[%get3A_586] {strides = array<i32>} : memref<64xf32, #tpu.memory_space<vmem>>, vector<16xf32>,
      %add3A_588 = arith.constant 16 : i32
      %add3A_589 = arith.addi %multiple_of3A_330, %add3A_588 : i32
      %iota3A_590 = tpu.iota {dimensions = array<i32: 0>} : vector<16xi32>
      %add3A_591 = vector.broadcast %add3A_589 : i32 to vector<16xi32>
      %add3A_592 = arith.addi %add3A_591, %iota3A_590 : vector<16xi32>
      %ge3A_593 = vector.broadcast %squeeze3A_170 : i32 to vector<16xi32>
      %ge3A_594 = arith.cmpi sge, %add3A_592, %ge3A_593 : vector<16xi32>
      %lt3A_595 = vector.broadcast %squeeze3A_176 : i32 to vector<16xi32>
      %lt3A_596 = arith.cmpi slt, %add3A_592, %lt3A_595 : vector<16xi32>
      %and3A_597 = arith.andi %ge3A_594, %lt3A_596 : vector<16xi1>
      %sub3A_598 = vector.broadcast %mul3A_159 : i32 to vector<16xi32>
      %sub3A_599 = arith.subi %get3A_585, %sub3A_598 : vector<16xi32>
      %jit3A_600 = arith.constant 0 : i32
      %jit3A_601 = arith.constant 159 : i32
      %max3A_602 = vector.broadcast %jit3A_600 : i32 to vector<16xi32>
      %max3A_603 = arith.maxsi %max3A_602, %sub3A_599 : vector<16xi32>
      %min3A_604 = vector.broadcast %jit3A_601 : i32 to vector<16xi32>
      %min3A_605 = arith.minsi %min3A_604, %max3A_603 : vector<16xi32>
      %gather3A_606 = tpu.vector_load_idx %arg11[%min3A_605] : memref<160xf32, #tpu.memory_space<vmem>>[vector<16xi32>], vector<16xf32>,
      %get3A_607 = arith.constant 16 : index
      %get3A_608 = tpu.vector_load %arg20[%get3A_607] {strides = array<i32>} : memref<64xi32, #tpu.memory_space<vmem>>, vector<16xi32>,
      %gather3A_609 = tpu.vector_load_idx %arg12[%get3A_608] : memref<10240xf32, #tpu.memory_space<vmem>>[vector<16xi32>], vector<16xf32>,
      %add3A_610 = arith.addf %gather3A_606, %gather3A_609 : vector<16xf32>
      %mul3A_611 = arith.mulf %get3A_587, %add3A_610 : vector<16xf32>
      %ge3A_612 = arith.constant 0.000000e+00 : f32
      %ge3A_613 = vector.broadcast %ge3A_612 : f32 to vector<16xf32>
      %ge3A_614 = arith.cmpf oge, %mul3A_611, %ge3A_613 : vector<16xf32>
      %mul3A_615 = arith.constant 0.00999999977 : f32
      %mul3A_616 = vector.broadcast %mul3A_615 : f32 to vector<16xf32>
      %mul3A_617 = arith.mulf %mul3A_616, %mul3A_611 : vector<16xf32>
      %select_n3A_618 = arith.select %ge3A_614, %mul3A_611, %mul3A_617 : vector<16xi1>, vector<16xf32>
      %jit3A_619 = arith.constant -2.000000e+00 : f32
      %jit3A_620 = arith.constant 2.000000e+00 : f32
      %max3A_621 = vector.broadcast %jit3A_619 : f32 to vector<16xf32>
      %max3A_622 = arith.maximumf %max3A_621, %select_n3A_618 : vector<16xf32>
      %min3A_623 = vector.broadcast %jit3A_620 : f32 to vector<16xf32>
      %min3A_624 = arith.minimumf %min3A_623, %max3A_622 : vector<16xf32>
      %exp3A_625 = math.exp %min3A_624 : vector<16xf32>
      %jit3A_626 = arith.constant 0.000000e+00 : f32
      %broadcast_in_dim3A_627 = vector.broadcast %jit3A_626 : f32 to vector<16xf32>
      %select_n3A_628 = arith.select %and3A_597, %exp3A_625, %broadcast_in_dim3A_627 : vector<16xi1>, vector<16xf32>
      %swap3A_629 = arith.constant 16 : index
      %swap3A_630 = tpu.vector_load %arg23[%swap3A_629] {strides = array<i32>} : memref<64xf32, #tpu.memory_space<vmem>>, vector<16xf32>,
      tpu.vector_store %arg23[%swap3A_629], %select_n3A_628 {strides = array<i32>} : memref<64xf32, #tpu.memory_space<vmem>>, vector<16xf32>,
      %swap3A_631 = arith.constant 16 : index
      %swap3A_632 = tpu.vector_load %arg22[%swap3A_631] {strides = array<i32>} : memref<64xi32, #tpu.memory_space<vmem>>, vector<16xi32>,
      tpu.vector_store %arg22[%swap3A_631], %min3A_605 {strides = array<i32>} : memref<64xi32, #tpu.memory_space<vmem>>, vector<16xi32>,
      %get3A_633 = arith.constant 32 : index
      %get3A_634 = tpu.vector_load %arg19[%get3A_633] {strides = array<i32>} : memref<64xi32, #tpu.memory_space<vmem>>, vector<16xi32>,
      %get3A_635 = arith.constant 32 : index
      %get3A_636 = tpu.vector_load %arg21[%get3A_635] {strides = array<i32>} : memref<64xf32, #tpu.memory_space<vmem>>, vector<16xf32>,
      %add3A_637 = arith.constant 32 : i32
      %add3A_638 = arith.addi %multiple_of3A_330, %add3A_637 : i32
      %iota3A_639 = tpu.iota {dimensions = array<i32: 0>} : vector<16xi32>
      %add3A_640 = vector.broadcast %add3A_638 : i32 to vector<16xi32>
      %add3A_641 = arith.addi %add3A_640, %iota3A_639 : vector<16xi32>
      %ge3A_642 = vector.broadcast %squeeze3A_170 : i32 to vector<16xi32>
      %ge3A_643 = arith.cmpi sge, %add3A_641, %ge3A_642 : vector<16xi32>
      %lt3A_644 = vector.broadcast %squeeze3A_176 : i32 to vector<16xi32>
      %lt3A_645 = arith.cmpi slt, %add3A_641, %lt3A_644 : vector<16xi32>
      %and3A_646 = arith.andi %ge3A_643, %lt3A_645 : vector<16xi1>
      %sub3A_647 = vector.broadcast %mul3A_159 : i32 to vector<16xi32>
      %sub3A_648 = arith.subi %get3A_634, %sub3A_647 : vector<16xi32>
      %jit3A_649 = arith.constant 0 : i32
      %jit3A_650 = arith.constant 159 : i32
      %max3A_651 = vector.broadcast %jit3A_649 : i32 to vector<16xi32>
      %max3A_652 = arith.maxsi %max3A_651, %sub3A_648 : vector<16xi32>
      %min3A_653 = vector.broadcast %jit3A_650 : i32 to vector<16xi32>
      %min3A_654 = arith.minsi %min3A_653, %max3A_652 : vector<16xi32>
      %gather3A_655 = tpu.vector_load_idx %arg11[%min3A_654] : memref<160xf32, #tpu.memory_space<vmem>>[vector<16xi32>], vector<16xf32>,
      %get3A_656 = arith.constant 32 : index
      %get3A_657 = tpu.vector_load %arg20[%get3A_656] {strides = array<i32>} : memref<64xi32, #tpu.memory_space<vmem>>, vector<16xi32>,
      %gather3A_658 = tpu.vector_load_idx %arg12[%get3A_657] : memref<10240xf32, #tpu.memory_space<vmem>>[vector<16xi32>], vector<16xf32>,
      %add3A_659 = arith.addf %gather3A_655, %gather3A_658 : vector<16xf32>
      %mul3A_660 = arith.mulf %get3A_636, %add3A_659 : vector<16xf32>
      %ge3A_661 = arith.constant 0.000000e+00 : f32
      %ge3A_662 = vector.broadcast %ge3A_661 : f32 to vector<16xf32>
      %ge3A_663 = arith.cmpf oge, %mul3A_660, %ge3A_662 : vector<16xf32>
      %mul3A_664 = arith.constant 0.00999999977 : f32
      %mul3A_665 = vector.broadcast %mul3A_664 : f32 to vector<16xf32>
      %mul3A_666 = arith.mulf %mul3A_665, %mul3A_660 : vector<16xf32>
      %select_n3A_667 = arith.select %ge3A_663, %mul3A_660, %mul3A_666 : vector<16xi1>, vector<16xf32>
      %jit3A_668 = arith.constant -2.000000e+00 : f32
      %jit3A_669 = arith.constant 2.000000e+00 : f32
      %max3A_670 = vector.broadcast %jit3A_668 : f32 to vector<16xf32>
      %max3A_671 = arith.maximumf %max3A_670, %select_n3A_667 : vector<16xf32>
      %min3A_672 = vector.broadcast %jit3A_669 : f32 to vector<16xf32>
      %min3A_673 = arith.minimumf %min3A_672, %max3A_671 : vector<16xf32>
      %exp3A_674 = math.exp %min3A_673 : vector<16xf32>
      %jit3A_675 = arith.constant 0.000000e+00 : f32
      %broadcast_in_dim3A_676 = vector.broadcast %jit3A_675 : f32 to vector<16xf32>
      %select_n3A_677 = arith.select %and3A_646, %exp3A_674, %broadcast_in_dim3A_676 : vector<16xi1>, vector<16xf32>
      %swap3A_678 = arith.constant 32 : index
      %swap3A_679 = tpu.vector_load %arg23[%swap3A_678] {strides = array<i32>} : memref<64xf32, #tpu.memory_space<vmem>>, vector<16xf32>,
      tpu.vector_store %arg23[%swap3A_678], %select_n3A_677 {strides = array<i32>} : memref<64xf32, #tpu.memory_space<vmem>>, vector<16xf32>,
      %swap3A_680 = arith.constant 32 : index
      %swap3A_681 = tpu.vector_load %arg22[%swap3A_680] {strides = array<i32>} : memref<64xi32, #tpu.memory_space<vmem>>, vector<16xi32>,
      tpu.vector_store %arg22[%swap3A_680], %min3A_654 {strides = array<i32>} : memref<64xi32, #tpu.memory_space<vmem>>, vector<16xi32>,
      %get3A_682 = arith.constant 48 : index
      %get3A_683 = tpu.vector_load %arg19[%get3A_682] {strides = array<i32>} : memref<64xi32, #tpu.memory_space<vmem>>, vector<16xi32>,
      %get3A_684 = arith.constant 48 : index
      %get3A_685 = tpu.vector_load %arg21[%get3A_684] {strides = array<i32>} : memref<64xf32, #tpu.memory_space<vmem>>, vector<16xf32>,
      %add3A_686 = arith.constant 48 : i32
      %add3A_687 = arith.addi %multiple_of3A_330, %add3A_686 : i32
      %iota3A_688 = tpu.iota {dimensions = array<i32: 0>} : vector<16xi32>
      %add3A_689 = vector.broadcast %add3A_687 : i32 to vector<16xi32>
      %add3A_690 = arith.addi %add3A_689, %iota3A_688 : vector<16xi32>
      %ge3A_691 = vector.broadcast %squeeze3A_170 : i32 to vector<16xi32>
      %ge3A_692 = arith.cmpi sge, %add3A_690, %ge3A_691 : vector<16xi32>
      %lt3A_693 = vector.broadcast %squeeze3A_176 : i32 to vector<16xi32>
      %lt3A_694 = arith.cmpi slt, %add3A_690, %lt3A_693 : vector<16xi32>
      %and3A_695 = arith.andi %ge3A_692, %lt3A_694 : vector<16xi1>
      %sub3A_696 = vector.broadcast %mul3A_159 : i32 to vector<16xi32>
      %sub3A_697 = arith.subi %get3A_683, %sub3A_696 : vector<16xi32>
      %jit3A_698 = arith.constant 0 : i32
      %jit3A_699 = arith.constant 159 : i32
      %max3A_700 = vector.broadcast %jit3A_698 : i32 to vector<16xi32>
      %max3A_701 = arith.maxsi %max3A_700, %sub3A_697 : vector<16xi32>
      %min3A_702 = vector.broadcast %jit3A_699 : i32 to vector<16xi32>
      %min3A_703 = arith.minsi %min3A_702, %max3A_701 : vector<16xi32>
      %gather3A_704 = tpu.vector_load_idx %arg11[%min3A_703] : memref<160xf32, #tpu.memory_space<vmem>>[vector<16xi32>], vector<16xf32>,
      %get3A_705 = arith.constant 48 : index
      %get3A_706 = tpu.vector_load %arg20[%get3A_705] {strides = array<i32>} : memref<64xi32, #tpu.memory_space<vmem>>, vector<16xi32>,
      %gather3A_707 = tpu.vector_load_idx %arg12[%get3A_706] : memref<10240xf32, #tpu.memory_space<vmem>>[vector<16xi32>], vector<16xf32>,
      %add3A_708 = arith.addf %gather3A_704, %gather3A_707 : vector<16xf32>
      %mul3A_709 = arith.mulf %get3A_685, %add3A_708 : vector<16xf32>
      %ge3A_710 = arith.constant 0.000000e+00 : f32
      %ge3A_711 = vector.broadcast %ge3A_710 : f32 to vector<16xf32>
      %ge3A_712 = arith.cmpf oge, %mul3A_709, %ge3A_711 : vector<16xf32>
      %mul3A_713 = arith.constant 0.00999999977 : f32
      %mul3A_714 = vector.broadcast %mul3A_713 : f32 to vector<16xf32>
      %mul3A_715 = arith.mulf %mul3A_714, %mul3A_709 : vector<16xf32>
      %select_n3A_716 = arith.select %ge3A_712, %mul3A_709, %mul3A_715 : vector<16xi1>, vector<16xf32>
      %jit3A_717 = arith.constant -2.000000e+00 : f32
      %jit3A_718 = arith.constant 2.000000e+00 : f32
      %max3A_719 = vector.broadcast %jit3A_717 : f32 to vector<16xf32>
      %max3A_720 = arith.maximumf %max3A_719, %select_n3A_716 : vector<16xf32>
      %min3A_721 = vector.broadcast %jit3A_718 : f32 to vector<16xf32>
      %min3A_722 = arith.minimumf %min3A_721, %max3A_720 : vector<16xf32>
      %exp3A_723 = math.exp %min3A_722 : vector<16xf32>
      %jit3A_724 = arith.constant 0.000000e+00 : f32
      %broadcast_in_dim3A_725 = vector.broadcast %jit3A_724 : f32 to vector<16xf32>
      %select_n3A_726 = arith.select %and3A_695, %exp3A_723, %broadcast_in_dim3A_725 : vector<16xi1>, vector<16xf32>
      %swap3A_727 = arith.constant 48 : index
      %swap3A_728 = tpu.vector_load %arg23[%swap3A_727] {strides = array<i32>} : memref<64xf32, #tpu.memory_space<vmem>>, vector<16xf32>,
      tpu.vector_store %arg23[%swap3A_727], %select_n3A_726 {strides = array<i32>} : memref<64xf32, #tpu.memory_space<vmem>>, vector<16xf32>,
      %swap3A_729 = arith.constant 48 : index
      %swap3A_730 = tpu.vector_load %arg22[%swap3A_729] {strides = array<i32>} : memref<64xi32, #tpu.memory_space<vmem>>, vector<16xi32>,
      tpu.vector_store %arg22[%swap3A_729], %min3A_703 {strides = array<i32>} : memref<64xi32, #tpu.memory_space<vmem>>, vector<16xi32>,
      %dma_wait3A_731 = arith.constant 0 : i32
      %dma_wait3A_732 = arith.constant 0 : i32
      %dma_wait3A_733 = tpu.memref_slice %arg2[%dma_wait3A_731, %dma_wait3A_732] : memref<10000x256xf32, #tpu.memory_space<hbm>> -> memref<10000x256xf32, #tpu.memory_space<hbm>>
      tpu.wait_indirect_dma semaphore(%arg28 : memref<!tpu.dma_semaphore, #tpu.memory_space<semaphore_mem>>) src(%dma_wait3A_733 : memref<10000x256xf32, #tpu.memory_space<hbm>>) dst(%arg24 : memref<64x256xf32, #tpu.memory_space<vmem>>)
      %scan3A_734 = arith.constant 0 : i32
      %scan3A_735 = arith.constant 0 : i32
      %scan3A_736 = arith.constant 64 : i32
      %scan3A_737 = arith.addi %scan3A_735, %scan3A_736 : i32
      %scan3A_738 = arith.constant 1 : i32
      %scan3A_739 = scf.for %scan3A_742 = %scan3A_735 to %scan3A_737 step %scan3A_738 iter_args(%scan3A_743 = %scan3A_734) -> (i32)  : i32 {
        %broadcast_in_dim3A_744 = vector.broadcast %scan3A_742 : i32 to vector<16xi32>
        %gather3A_745 = tpu.vector_load_idx %arg22[%broadcast_in_dim3A_744] : memref<64xi32, #tpu.memory_space<vmem>>[vector<16xi32>], vector<16xi32>,
        %slice3A_746 = vector.extract_strided_slice %gather3A_745 {offsets = [0], sizes = [1], strides = [1]} : vector<16xi32> to vector<1xi32>
        %squeeze3A_747 = vector.extract %slice3A_746[0] : i32 from vector<1xi32>
        %gather3A_748 = tpu.vector_load_idx %arg23[%broadcast_in_dim3A_744] : memref<64xf32, #tpu.memory_space<vmem>>[vector<16xi32>], vector<16xf32>,
        %swap3A_749 = arith.index_cast %squeeze3A_747 : i32 to index
        %swap3A_750 = arith.constant 0 : index
        %swap3A_751 = tpu.vector_load %arg26[%swap3A_749, %swap3A_750] {strides = array<i32>} : memref<160x16xf32, #tpu.memory_space<vmem>>, vector<16xf32>,
        tpu.vector_store %arg26[%swap3A_749, %swap3A_750], %gather3A_748 {add = true, strides = array<i32>} : memref<160x16xf32, #tpu.memory_space<vmem>>, vector<16xf32>,
        %get3A_752 = arith.index_cast %scan3A_742 : i32 to index
        %get3A_753 = arith.constant 0 : index
        %get3A_754 = tpu.vector_load %arg24[%get3A_752, %get3A_753] {strides = array<i32>} : memref<64x256xf32, #tpu.memory_space<vmem>>, vector<16xf32>,
        %mul3A_755 = arith.mulf %get3A_754, %gather3A_748 : vector<16xf32>
        %swap3A_756 = arith.index_cast %squeeze3A_747 : i32 to index
        %swap3A_757 = arith.constant 0 : index
        %swap3A_758 = tpu.vector_load %arg25[%swap3A_756, %swap3A_757] {strides = array<i32>} : memref<160x256xf32, #tpu.memory_space<vmem>>, vector<16xf32>,
        tpu.vector_store %arg25[%swap3A_756, %swap3A_757], %mul3A_755 {add = true, strides = array<i32>} : memref<160x256xf32, #tpu.memory_space<vmem>>, vector<16xf32>,
        %get3A_759 = arith.index_cast %scan3A_742 : i32 to index
        %get3A_760 = arith.constant 16 : index
        %get3A_761 = tpu.vector_load %arg24[%get3A_759, %get3A_760] {strides = array<i32>} : memref<64x256xf32, #tpu.memory_space<vmem>>, vector<16xf32>,
        %mul3A_762 = arith.mulf %get3A_761, %gather3A_748 : vector<16xf32>
        %swap3A_763 = arith.index_cast %squeeze3A_747 : i32 to index
        %swap3A_764 = arith.constant 16 : index
        %swap3A_765 = tpu.vector_load %arg25[%swap3A_763, %swap3A_764] {strides = array<i32>} : memref<160x256xf32, #tpu.memory_space<vmem>>, vector<16xf32>,
        tpu.vector_store %arg25[%swap3A_763, %swap3A_764], %mul3A_762 {add = true, strides = array<i32>} : memref<160x256xf32, #tpu.memory_space<vmem>>, vector<16xf32>,
        %get3A_766 = arith.index_cast %scan3A_742 : i32 to index
        %get3A_767 = arith.constant 32 : index
        %get3A_768 = tpu.vector_load %arg24[%get3A_766, %get3A_767] {strides = array<i32>} : memref<64x256xf32, #tpu.memory_space<vmem>>, vector<16xf32>,
        %mul3A_769 = arith.mulf %get3A_768, %gather3A_748 : vector<16xf32>
        %swap3A_770 = arith.index_cast %squeeze3A_747 : i32 to index
        %swap3A_771 = arith.constant 32 : index
        %swap3A_772 = tpu.vector_load %arg25[%swap3A_770, %swap3A_771] {strides = array<i32>} : memref<160x256xf32, #tpu.memory_space<vmem>>, vector<16xf32>,
        tpu.vector_store %arg25[%swap3A_770, %swap3A_771], %mul3A_769 {add = true, strides = array<i32>} : memref<160x256xf32, #tpu.memory_space<vmem>>, vector<16xf32>,
        %get3A_773 = arith.index_cast %scan3A_742 : i32 to index
        %get3A_774 = arith.constant 48 : index
        %get3A_775 = tpu.vector_load %arg24[%get3A_773, %get3A_774] {strides = array<i32>} : memref<64x256xf32, #tpu.memory_space<vmem>>, vector<16xf32>,
        %mul3A_776 = arith.mulf %get3A_775, %gather3A_748 : vector<16xf32>
        %swap3A_777 = arith.index_cast %squeeze3A_747 : i32 to index
        %swap3A_778 = arith.constant 48 : index
        %swap3A_779 = tpu.vector_load %arg25[%swap3A_777, %swap3A_778] {strides = array<i32>} : memref<160x256xf32, #tpu.memory_space<vmem>>, vector<16xf32>,
        tpu.vector_store %arg25[%swap3A_777, %swap3A_778], %mul3A_776 {add = true, strides = array<i32>} : memref<160x256xf32, #tpu.memory_space<vmem>>, vector<16xf32>,
        %get3A_780 = arith.index_cast %scan3A_742 : i32 to index
        %get3A_781 = arith.constant 64 : index
        %get3A_782 = tpu.vector_load %arg24[%get3A_780, %get3A_781] {strides = array<i32>} : memref<64x256xf32, #tpu.memory_space<vmem>>, vector<16xf32>,
        %mul3A_783 = arith.mulf %get3A_782, %gather3A_748 : vector<16xf32>
        %swap3A_784 = arith.index_cast %squeeze3A_747 : i32 to index
        %swap3A_785 = arith.constant 64 : index
        %swap3A_786 = tpu.vector_load %arg25[%swap3A_784, %swap3A_785] {strides = array<i32>} : memref<160x256xf32, #tpu.memory_space<vmem>>, vector<16xf32>,
        tpu.vector_store %arg25[%swap3A_784, %swap3A_785], %mul3A_783 {add = true, strides = array<i32>} : memref<160x256xf32, #tpu.memory_space<vmem>>, vector<16xf32>,
        %get3A_787 = arith.index_cast %scan3A_742 : i32 to index
        %get3A_788 = arith.constant 80 : index
        %get3A_789 = tpu.vector_load %arg24[%get3A_787, %get3A_788] {strides = array<i32>} : memref<64x256xf32, #tpu.memory_space<vmem>>, vector<16xf32>,
        %mul3A_790 = arith.mulf %get3A_789, %gather3A_748 : vector<16xf32>
        %swap3A_791 = arith.index_cast %squeeze3A_747 : i32 to index
        %swap3A_792 = arith.constant 80 : index
        %swap3A_793 = tpu.vector_load %arg25[%swap3A_791, %swap3A_792] {strides = array<i32>} : memref<160x256xf32, #tpu.memory_space<vmem>>, vector<16xf32>,
        tpu.vector_store %arg25[%swap3A_791, %swap3A_792], %mul3A_790 {add = true, strides = array<i32>} : memref<160x256xf32, #tpu.memory_space<vmem>>, vector<16xf32>,
        %get3A_794 = arith.index_cast %scan3A_742 : i32 to index
        %get3A_795 = arith.constant 96 : index
        %get3A_796 = tpu.vector_load %arg24[%get3A_794, %get3A_795] {strides = array<i32>} : memref<64x256xf32, #tpu.memory_space<vmem>>, vector<16xf32>,
        %mul3A_797 = arith.mulf %get3A_796, %gather3A_748 : vector<16xf32>
        %swap3A_798 = arith.index_cast %squeeze3A_747 : i32 to index
        %swap3A_799 = arith.constant 96 : index
        %swap3A_800 = tpu.vector_load %arg25[%swap3A_798, %swap3A_799] {strides = array<i32>} : memref<160x256xf32, #tpu.memory_space<vmem>>, vector<16xf32>,
        tpu.vector_store %arg25[%swap3A_798, %swap3A_799], %mul3A_797 {add = true, strides = array<i32>} : memref<160x256xf32, #tpu.memory_space<vmem>>, vector<16xf32>,
        %get3A_801 = arith.index_cast %scan3A_742 : i32 to index
        %get3A_802 = arith.constant 112 : index
        %get3A_803 = tpu.vector_load %arg24[%get3A_801, %get3A_802] {strides = array<i32>} : memref<64x256xf32, #tpu.memory_space<vmem>>, vector<16xf32>,
        %mul3A_804 = arith.mulf %get3A_803, %gather3A_748 : vector<16xf32>
        %swap3A_805 = arith.index_cast %squeeze3A_747 : i32 to index
        %swap3A_806 = arith.constant 112 : index
        %swap3A_807 = tpu.vector_load %arg25[%swap3A_805, %swap3A_806] {strides = array<i32>} : memref<160x256xf32, #tpu.memory_space<vmem>>, vector<16xf32>,
        tpu.vector_store %arg25[%swap3A_805, %swap3A_806], %mul3A_804 {add = true, strides = array<i32>} : memref<160x256xf32, #tpu.memory_space<vmem>>, vector<16xf32>,
        %get3A_808 = arith.index_cast %scan3A_742 : i32 to index
        %get3A_809 = arith.constant 128 : index
        %get3A_810 = tpu.vector_load %arg24[%get3A_808, %get3A_809] {strides = array<i32>} : memref<64x256xf32, #tpu.memory_space<vmem>>, vector<16xf32>,
        %mul3A_811 = arith.mulf %get3A_810, %gather3A_748 : vector<16xf32>
        %swap3A_812 = arith.index_cast %squeeze3A_747 : i32 to index
        %swap3A_813 = arith.constant 128 : index
        %swap3A_814 = tpu.vector_load %arg25[%swap3A_812, %swap3A_813] {strides = array<i32>} : memref<160x256xf32, #tpu.memory_space<vmem>>, vector<16xf32>,
        tpu.vector_store %arg25[%swap3A_812, %swap3A_813], %mul3A_811 {add = true, strides = array<i32>} : memref<160x256xf32, #tpu.memory_space<vmem>>, vector<16xf32>,
        %get3A_815 = arith.index_cast %scan3A_742 : i32 to index
        %get3A_816 = arith.constant 144 : index
        %get3A_817 = tpu.vector_load %arg24[%get3A_815, %get3A_816] {strides = array<i32>} : memref<64x256xf32, #tpu.memory_space<vmem>>, vector<16xf32>,
        %mul3A_818 = arith.mulf %get3A_817, %gather3A_748 : vector<16xf32>
        %swap3A_819 = arith.index_cast %squeeze3A_747 : i32 to index
        %swap3A_820 = arith.constant 144 : index
        %swap3A_821 = tpu.vector_load %arg25[%swap3A_819, %swap3A_820] {strides = array<i32>} : memref<160x256xf32, #tpu.memory_space<vmem>>, vector<16xf32>,
        tpu.vector_store %arg25[%swap3A_819, %swap3A_820], %mul3A_818 {add = true, strides = array<i32>} : memref<160x256xf32, #tpu.memory_space<vmem>>, vector<16xf32>,
        %get3A_822 = arith.index_cast %scan3A_742 : i32 to index
        %get3A_823 = arith.constant 160 : index
        %get3A_824 = tpu.vector_load %arg24[%get3A_822, %get3A_823] {strides = array<i32>} : memref<64x256xf32, #tpu.memory_space<vmem>>, vector<16xf32>,
        %mul3A_825 = arith.mulf %get3A_824, %gather3A_748 : vector<16xf32>
        %swap3A_826 = arith.index_cast %squeeze3A_747 : i32 to index
        %swap3A_827 = arith.constant 160 : index
        %swap3A_828 = tpu.vector_load %arg25[%swap3A_826, %swap3A_827] {strides = array<i32>} : memref<160x256xf32, #tpu.memory_space<vmem>>, vector<16xf32>,
        tpu.vector_store %arg25[%swap3A_826, %swap3A_827], %mul3A_825 {add = true, strides = array<i32>} : memref<160x256xf32, #tpu.memory_space<vmem>>, vector<16xf32>,
        %get3A_829 = arith.index_cast %scan3A_742 : i32 to index
        %get3A_830 = arith.constant 176 : index
        %get3A_831 = tpu.vector_load %arg24[%get3A_829, %get3A_830] {strides = array<i32>} : memref<64x256xf32, #tpu.memory_space<vmem>>, vector<16xf32>,
        %mul3A_832 = arith.mulf %get3A_831, %gather3A_748 : vector<16xf32>
        %swap3A_833 = arith.index_cast %squeeze3A_747 : i32 to index
        %swap3A_834 = arith.constant 176 : index
        %swap3A_835 = tpu.vector_load %arg25[%swap3A_833, %swap3A_834] {strides = array<i32>} : memref<160x256xf32, #tpu.memory_space<vmem>>, vector<16xf32>,
        tpu.vector_store %arg25[%swap3A_833, %swap3A_834], %mul3A_832 {add = true, strides = array<i32>} : memref<160x256xf32, #tpu.memory_space<vmem>>, vector<16xf32>,
        %get3A_836 = arith.index_cast %scan3A_742 : i32 to index
        %get3A_837 = arith.constant 192 : index
        %get3A_838 = tpu.vector_load %arg24[%get3A_836, %get3A_837] {strides = array<i32>} : memref<64x256xf32, #tpu.memory_space<vmem>>, vector<16xf32>,
        %mul3A_839 = arith.mulf %get3A_838, %gather3A_748 : vector<16xf32>
        %swap3A_840 = arith.index_cast %squeeze3A_747 : i32 to index
        %swap3A_841 = arith.constant 192 : index
        %swap3A_842 = tpu.vector_load %arg25[%swap3A_840, %swap3A_841] {strides = array<i32>} : memref<160x256xf32, #tpu.memory_space<vmem>>, vector<16xf32>,
        tpu.vector_store %arg25[%swap3A_840, %swap3A_841], %mul3A_839 {add = true, strides = array<i32>} : memref<160x256xf32, #tpu.memory_space<vmem>>, vector<16xf32>,
        %get3A_843 = arith.index_cast %scan3A_742 : i32 to index
        %get3A_844 = arith.constant 208 : index
        %get3A_845 = tpu.vector_load %arg24[%get3A_843, %get3A_844] {strides = array<i32>} : memref<64x256xf32, #tpu.memory_space<vmem>>, vector<16xf32>,
        %mul3A_846 = arith.mulf %get3A_845, %gather3A_748 : vector<16xf32>
        %swap3A_847 = arith.index_cast %squeeze3A_747 : i32 to index
        %swap3A_848 = arith.constant 208 : index
        %swap3A_849 = tpu.vector_load %arg25[%swap3A_847, %swap3A_848] {strides = array<i32>} : memref<160x256xf32, #tpu.memory_space<vmem>>, vector<16xf32>,
        tpu.vector_store %arg25[%swap3A_847, %swap3A_848], %mul3A_846 {add = true, strides = array<i32>} : memref<160x256xf32, #tpu.memory_space<vmem>>, vector<16xf32>,
        %get3A_850 = arith.index_cast %scan3A_742 : i32 to index
        %get3A_851 = arith.constant 224 : index
        %get3A_852 = tpu.vector_load %arg24[%get3A_850, %get3A_851] {strides = array<i32>} : memref<64x256xf32, #tpu.memory_space<vmem>>, vector<16xf32>,
        %mul3A_853 = arith.mulf %get3A_852, %gather3A_748 : vector<16xf32>
        %swap3A_854 = arith.index_cast %squeeze3A_747 : i32 to index
        %swap3A_855 = arith.constant 224 : index
        %swap3A_856 = tpu.vector_load %arg25[%swap3A_854, %swap3A_855] {strides = array<i32>} : memref<160x256xf32, #tpu.memory_space<vmem>>, vector<16xf32>,
        tpu.vector_store %arg25[%swap3A_854, %swap3A_855], %mul3A_853 {add = true, strides = array<i32>} : memref<160x256xf32, #tpu.memory_space<vmem>>, vector<16xf32>,
        %get3A_857 = arith.index_cast %scan3A_742 : i32 to index
        %get3A_858 = arith.constant 240 : index
        %get3A_859 = tpu.vector_load %arg24[%get3A_857, %get3A_858] {strides = array<i32>} : memref<64x256xf32, #tpu.memory_space<vmem>>, vector<16xf32>,
        %mul3A_860 = arith.mulf %get3A_859, %gather3A_748 : vector<16xf32>
        %swap3A_861 = arith.index_cast %squeeze3A_747 : i32 to index
        %swap3A_862 = arith.constant 240 : index
        %swap3A_863 = tpu.vector_load %arg25[%swap3A_861, %swap3A_862] {strides = array<i32>} : memref<160x256xf32, #tpu.memory_space<vmem>>, vector<16xf32>,
        tpu.vector_store %arg25[%swap3A_861, %swap3A_862], %mul3A_860 {add = true, strides = array<i32>} : memref<160x256xf32, #tpu.memory_space<vmem>>, vector<16xf32>,
        %scan3A_864 = arith.constant 0 : i32
        scf.yield %scan3A_864 : i32
      }
      %scan3A_740 = arith.constant 64 : i32
      %while3A_741 = arith.constant 0 : i32
      scf.yield %while3A_741 : i32
    }
    %scan3A_272 = arith.constant 0 : i32
    %scan3A_273 = arith.constant 0 : i32
    %scan3A_274 = arith.constant 160 : i32
    %scan3A_275 = arith.addi %scan3A_273, %scan3A_274 : i32
    %scan3A_276 = arith.constant 1 : i32
    %scan3A_277 = scf.for %scan3A_321 = %scan3A_273 to %scan3A_275 step %scan3A_276 iter_args(%scan3A_322 = %scan3A_272) -> (i32)  : i32 {
      %get3A = arith.index_cast %scan3A_321 : i32 to index
      %get3A_323 = arith.constant 0 : index
      %get3A_324 = tpu.vector_load %arg26[%get3A, %get3A_323] {strides = array<i32>} : memref<160x16xf32, #tpu.memory_space<vmem>>, vector<16xf32>,
      %max3A_325 = arith.constant 1.000000e-30 : f32
      %max3A_326 = vector.broadcast %max3A_325 : f32 to vector<16xf32>
      %max3A_327 = arith.maximumf %get3A_324, %max3A_326 : vector<16xf32>
      %div3A_328 = arith.constant 1.000000e+00 : f32
      %div3A_329 = vector.broadcast %div3A_328 : f32 to vector<16xf32>
      %div3A_330 = arith.divf %div3A_329, %max3A_327 : vector<16xf32>
      %get3A_331 = arith.index_cast %scan3A_321 : i32 to index
      %get3A_332 = arith.constant 0 : index
      %get3A_333 = tpu.vector_load %arg25[%get3A_331, %get3A_332] {strides = array<i32>} : memref<160x256xf32, #tpu.memory_space<vmem>>, vector<16xf32>,
      %mul3A_334 = arith.mulf %get3A_333, %div3A_330 : vector<16xf32>
      %swap3A = arith.index_cast %scan3A_321 : i32 to index
      %swap3A_335 = arith.constant 0 : index
      %swap3A_336 = tpu.vector_load %arg25[%swap3A, %swap3A_335] {strides = array<i32>} : memref<160x256xf32, #tpu.memory_space<vmem>>, vector<16xf32>,
      tpu.vector_store %arg25[%swap3A, %swap3A_335], %mul3A_334 {strides = array<i32>} : memref<160x256xf32, #tpu.memory_space<vmem>>, vector<16xf32>,
      %get3A_337 = arith.index_cast %scan3A_321 : i32 to index
      %get3A_338 = arith.constant 16 : index
      %get3A_339 = tpu.vector_load %arg25[%get3A_337, %get3A_338] {strides = array<i32>} : memref<160x256xf32, #tpu.memory_space<vmem>>, vector<16xf32>,
      %mul3A_340 = arith.mulf %get3A_339, %div3A_330 : vector<16xf32>
      %swap3A_341 = arith.index_cast %scan3A_321 : i32 to index
      %swap3A_342 = arith.constant 16 : index
      %swap3A_343 = tpu.vector_load %arg25[%swap3A_341, %swap3A_342] {strides = array<i32>} : memref<160x256xf32, #tpu.memory_space<vmem>>, vector<16xf32>,
      tpu.vector_store %arg25[%swap3A_341, %swap3A_342], %mul3A_340 {strides = array<i32>} : memref<160x256xf32, #tpu.memory_space<vmem>>, vector<16xf32>,
      %get3A_344 = arith.index_cast %scan3A_321 : i32 to index
      %get3A_345 = arith.constant 32 : index
      %get3A_346 = tpu.vector_load %arg25[%get3A_344, %get3A_345] {strides = array<i32>} : memref<160x256xf32, #tpu.memory_space<vmem>>, vector<16xf32>,
      %mul3A_347 = arith.mulf %get3A_346, %div3A_330 : vector<16xf32>
      %swap3A_348 = arith.index_cast %scan3A_321 : i32 to index
      %swap3A_349 = arith.constant 32 : index
      %swap3A_350 = tpu.vector_load %arg25[%swap3A_348, %swap3A_349] {strides = array<i32>} : memref<160x256xf32, #tpu.memory_space<vmem>>, vector<16xf32>,
      tpu.vector_store %arg25[%swap3A_348, %swap3A_349], %mul3A_347 {strides = array<i32>} : memref<160x256xf32, #tpu.memory_space<vmem>>, vector<16xf32>,
      %get3A_351 = arith.index_cast %scan3A_321 : i32 to index
      %get3A_352 = arith.constant 48 : index
      %get3A_353 = tpu.vector_load %arg25[%get3A_351, %get3A_352] {strides = array<i32>} : memref<160x256xf32, #tpu.memory_space<vmem>>, vector<16xf32>,
      %mul3A_354 = arith.mulf %get3A_353, %div3A_330 : vector<16xf32>
      %swap3A_355 = arith.index_cast %scan3A_321 : i32 to index
      %swap3A_356 = arith.constant 48 : index
      %swap3A_357 = tpu.vector_load %arg25[%swap3A_355, %swap3A_356] {strides = array<i32>} : memref<160x256xf32, #tpu.memory_space<vmem>>, vector<16xf32>,
      tpu.vector_store %arg25[%swap3A_355, %swap3A_356], %mul3A_354 {strides = array<i32>} : memref<160x256xf32, #tpu.memory_space<vmem>>, vector<16xf32>,
      %get3A_358 = arith.index_cast %scan3A_321 : i32 to index
      %get3A_359 = arith.constant 64 : index
      %get3A_360 = tpu.vector_load %arg25[%get3A_358, %get3A_359] {strides = array<i32>} : memref<160x256xf32, #tpu.memory_space<vmem>>, vector<16xf32>,
      %mul3A_361 = arith.mulf %get3A_360, %div3A_330 : vector<16xf32>
      %swap3A_362 = arith.index_cast %scan3A_321 : i32 to index
      %swap3A_363 = arith.constant 64 : index
      %swap3A_364 = tpu.vector_load %arg25[%swap3A_362, %swap3A_363] {strides = array<i32>} : memref<160x256xf32, #tpu.memory_space<vmem>>, vector<16xf32>,
      tpu.vector_store %arg25[%swap3A_362, %swap3A_363], %mul3A_361 {strides = array<i32>} : memref<160x256xf32, #tpu.memory_space<vmem>>, vector<16xf32>,
      %get3A_365 = arith.index_cast %scan3A_321 : i32 to index
      %get3A_366 = arith.constant 80 : index
      %get3A_367 = tpu.vector_load %arg25[%get3A_365, %get3A_366] {strides = array<i32>} : memref<160x256xf32, #tpu.memory_space<vmem>>, vector<16xf32>,
      %mul3A_368 = arith.mulf %get3A_367, %div3A_330 : vector<16xf32>
      %swap3A_369 = arith.index_cast %scan3A_321 : i32 to index
      %swap3A_370 = arith.constant 80 : index
      %swap3A_371 = tpu.vector_load %arg25[%swap3A_369, %swap3A_370] {strides = array<i32>} : memref<160x256xf32, #tpu.memory_space<vmem>>, vector<16xf32>,
      tpu.vector_store %arg25[%swap3A_369, %swap3A_370], %mul3A_368 {strides = array<i32>} : memref<160x256xf32, #tpu.memory_space<vmem>>, vector<16xf32>,
      %get3A_372 = arith.index_cast %scan3A_321 : i32 to index
      %get3A_373 = arith.constant 96 : index
      %get3A_374 = tpu.vector_load %arg25[%get3A_372, %get3A_373] {strides = array<i32>} : memref<160x256xf32, #tpu.memory_space<vmem>>, vector<16xf32>,
      %mul3A_375 = arith.mulf %get3A_374, %div3A_330 : vector<16xf32>
      %swap3A_376 = arith.index_cast %scan3A_321 : i32 to index
      %swap3A_377 = arith.constant 96 : index
      %swap3A_378 = tpu.vector_load %arg25[%swap3A_376, %swap3A_377] {strides = array<i32>} : memref<160x256xf32, #tpu.memory_space<vmem>>, vector<16xf32>,
      tpu.vector_store %arg25[%swap3A_376, %swap3A_377], %mul3A_375 {strides = array<i32>} : memref<160x256xf32, #tpu.memory_space<vmem>>, vector<16xf32>,
      %get3A_379 = arith.index_cast %scan3A_321 : i32 to index
      %get3A_380 = arith.constant 112 : index
      %get3A_381 = tpu.vector_load %arg25[%get3A_379, %get3A_380] {strides = array<i32>} : memref<160x256xf32, #tpu.memory_space<vmem>>, vector<16xf32>,
      %mul3A_382 = arith.mulf %get3A_381, %div3A_330 : vector<16xf32>
      %swap3A_383 = arith.index_cast %scan3A_321 : i32 to index
      %swap3A_384 = arith.constant 112 : index
      %swap3A_385 = tpu.vector_load %arg25[%swap3A_383, %swap3A_384] {strides = array<i32>} : memref<160x256xf32, #tpu.memory_space<vmem>>, vector<16xf32>,
      tpu.vector_store %arg25[%swap3A_383, %swap3A_384], %mul3A_382 {strides = array<i32>} : memref<160x256xf32, #tpu.memory_space<vmem>>, vector<16xf32>,
      %get3A_386 = arith.index_cast %scan3A_321 : i32 to index
      %get3A_387 = arith.constant 128 : index
      %get3A_388 = tpu.vector_load %arg25[%get3A_386, %get3A_387] {strides = array<i32>} : memref<160x256xf32, #tpu.memory_space<vmem>>, vector<16xf32>,
      %mul3A_389 = arith.mulf %get3A_388, %div3A_330 : vector<16xf32>
      %swap3A_390 = arith.index_cast %scan3A_321 : i32 to index
      %swap3A_391 = arith.constant 128 : index
      %swap3A_392 = tpu.vector_load %arg25[%swap3A_390, %swap3A_391] {strides = array<i32>} : memref<160x256xf32, #tpu.memory_space<vmem>>, vector<16xf32>,
      tpu.vector_store %arg25[%swap3A_390, %swap3A_391], %mul3A_389 {strides = array<i32>} : memref<160x256xf32, #tpu.memory_space<vmem>>, vector<16xf32>,
      %get3A_393 = arith.index_cast %scan3A_321 : i32 to index
      %get3A_394 = arith.constant 144 : index
      %get3A_395 = tpu.vector_load %arg25[%get3A_393, %get3A_394] {strides = array<i32>} : memref<160x256xf32, #tpu.memory_space<vmem>>, vector<16xf32>,
      %mul3A_396 = arith.mulf %get3A_395, %div3A_330 : vector<16xf32>
      %swap3A_397 = arith.index_cast %scan3A_321 : i32 to index
      %swap3A_398 = arith.constant 144 : index
      %swap3A_399 = tpu.vector_load %arg25[%swap3A_397, %swap3A_398] {strides = array<i32>} : memref<160x256xf32, #tpu.memory_space<vmem>>, vector<16xf32>,
      tpu.vector_store %arg25[%swap3A_397, %swap3A_398], %mul3A_396 {strides = array<i32>} : memref<160x256xf32, #tpu.memory_space<vmem>>, vector<16xf32>,
      %get3A_400 = arith.index_cast %scan3A_321 : i32 to index
      %get3A_401 = arith.constant 160 : index
      %get3A_402 = tpu.vector_load %arg25[%get3A_400, %get3A_401] {strides = array<i32>} : memref<160x256xf32, #tpu.memory_space<vmem>>, vector<16xf32>,
      %mul3A_403 = arith.mulf %get3A_402, %div3A_330 : vector<16xf32>
      %swap3A_404 = arith.index_cast %scan3A_321 : i32 to index
      %swap3A_405 = arith.constant 160 : index
      %swap3A_406 = tpu.vector_load %arg25[%swap3A_404, %swap3A_405] {strides = array<i32>} : memref<160x256xf32, #tpu.memory_space<vmem>>, vector<16xf32>,
      tpu.vector_store %arg25[%swap3A_404, %swap3A_405], %mul3A_403 {strides = array<i32>} : memref<160x256xf32, #tpu.memory_space<vmem>>, vector<16xf32>,
      %get3A_407 = arith.index_cast %scan3A_321 : i32 to index
      %get3A_408 = arith.constant 176 : index
      %get3A_409 = tpu.vector_load %arg25[%get3A_407, %get3A_408] {strides = array<i32>} : memref<160x256xf32, #tpu.memory_space<vmem>>, vector<16xf32>,
      %mul3A_410 = arith.mulf %get3A_409, %div3A_330 : vector<16xf32>
      %swap3A_411 = arith.index_cast %scan3A_321 : i32 to index
      %swap3A_412 = arith.constant 176 : index
      %swap3A_413 = tpu.vector_load %arg25[%swap3A_411, %swap3A_412] {strides = array<i32>} : memref<160x256xf32, #tpu.memory_space<vmem>>, vector<16xf32>,
      tpu.vector_store %arg25[%swap3A_411, %swap3A_412], %mul3A_410 {strides = array<i32>} : memref<160x256xf32, #tpu.memory_space<vmem>>, vector<16xf32>,
      %get3A_414 = arith.index_cast %scan3A_321 : i32 to index
      %get3A_415 = arith.constant 192 : index
      %get3A_416 = tpu.vector_load %arg25[%get3A_414, %get3A_415] {strides = array<i32>} : memref<160x256xf32, #tpu.memory_space<vmem>>, vector<16xf32>,
      %mul3A_417 = arith.mulf %get3A_416, %div3A_330 : vector<16xf32>
      %swap3A_418 = arith.index_cast %scan3A_321 : i32 to index
      %swap3A_419 = arith.constant 192 : index
      %swap3A_420 = tpu.vector_load %arg25[%swap3A_418, %swap3A_419] {strides = array<i32>} : memref<160x256xf32, #tpu.memory_space<vmem>>, vector<16xf32>,
      tpu.vector_store %arg25[%swap3A_418, %swap3A_419], %mul3A_417 {strides = array<i32>} : memref<160x256xf32, #tpu.memory_space<vmem>>, vector<16xf32>,
      %get3A_421 = arith.index_cast %scan3A_321 : i32 to index
      %get3A_422 = arith.constant 208 : index
      %get3A_423 = tpu.vector_load %arg25[%get3A_421, %get3A_422] {strides = array<i32>} : memref<160x256xf32, #tpu.memory_space<vmem>>, vector<16xf32>,
      %mul3A_424 = arith.mulf %get3A_423, %div3A_330 : vector<16xf32>
      %swap3A_425 = arith.index_cast %scan3A_321 : i32 to index
      %swap3A_426 = arith.constant 208 : index
      %swap3A_427 = tpu.vector_load %arg25[%swap3A_425, %swap3A_426] {strides = array<i32>} : memref<160x256xf32, #tpu.memory_space<vmem>>, vector<16xf32>,
      tpu.vector_store %arg25[%swap3A_425, %swap3A_426], %mul3A_424 {strides = array<i32>} : memref<160x256xf32, #tpu.memory_space<vmem>>, vector<16xf32>,
      %get3A_428 = arith.index_cast %scan3A_321 : i32 to index
      %get3A_429 = arith.constant 224 : index
      %get3A_430 = tpu.vector_load %arg25[%get3A_428, %get3A_429] {strides = array<i32>} : memref<160x256xf32, #tpu.memory_space<vmem>>, vector<16xf32>,
      %mul3A_431 = arith.mulf %get3A_430, %div3A_330 : vector<16xf32>
      %swap3A_432 = arith.index_cast %scan3A_321 : i32 to index
      %swap3A_433 = arith.constant 224 : index
      %swap3A_434 = tpu.vector_load %arg25[%swap3A_432, %swap3A_433] {strides = array<i32>} : memref<160x256xf32, #tpu.memory_space<vmem>>, vector<16xf32>,
      tpu.vector_store %arg25[%swap3A_432, %swap3A_433], %mul3A_431 {strides = array<i32>} : memref<160x256xf32, #tpu.memory_space<vmem>>, vector<16xf32>,
      %get3A_435 = arith.index_cast %scan3A_321 : i32 to index
      %get3A_436 = arith.constant 240 : index
      %get3A_437 = tpu.vector_load %arg25[%get3A_435, %get3A_436] {strides = array<i32>} : memref<160x256xf32, #tpu.memory_space<vmem>>, vector<16xf32>,
      %mul3A_438 = arith.mulf %get3A_437, %div3A_330 : vector<16xf32>
      %swap3A_439 = arith.index_cast %scan3A_321 : i32 to index
      %swap3A_440 = arith.constant 240 : index
      %swap3A_441 = tpu.vector_load %arg25[%swap3A_439, %swap3A_440] {strides = array<i32>} : memref<160x256xf32, #tpu.memory_space<vmem>>, vector<16xf32>,
      tpu.vector_store %arg25[%swap3A_439, %swap3A_440], %mul3A_438 {strides = array<i32>} : memref<160x256xf32, #tpu.memory_space<vmem>>, vector<16xf32>,
      %scan3A_442 = arith.constant 0 : i32
      scf.yield %scan3A_442 : i32
    }
    %scan3A_278 = arith.constant 160 : i32
    %sub3A_279 = arith.constant 10000 : i32
    %sub3A_280 = arith.subi %sub3A_279, %mul3A_159 : i32
    %jit3A_281 = arith.constant 16 : i32
    %div3A_282 = arith.divsi %sub3A_280, %jit3A_281 : i32
    %sign3A_283 = arith.constant 0 : i32
    %sign3A_284 = arith.cmpi sgt, %sub3A_280, %sign3A_283 : i32
    %sign3A_285 = arith.extui %sign3A_284 : i1 to i32
    %sign3A_286 = arith.constant 0 : i32
    %sign3A_287 = arith.cmpi slt, %sub3A_280, %sign3A_286 : i32
    %sign3A_288 = arith.extui %sign3A_287 : i1 to i32
    %sign3A_289 = arith.subi %sign3A_285, %sign3A_288 : i32
    %sign3A_290 = arith.constant 0 : i32
    %sign3A_291 = arith.cmpi sgt, %jit3A_281, %sign3A_290 : i32
    %sign3A_292 = arith.extui %sign3A_291 : i1 to i32
    %sign3A_293 = arith.constant 0 : i32
    %sign3A_294 = arith.cmpi slt, %jit3A_281, %sign3A_293 : i32
    %sign3A_295 = arith.extui %sign3A_294 : i1 to i32
    %sign3A_296 = arith.subi %sign3A_292, %sign3A_295 : i32
    %ne3A_297 = arith.cmpi ne, %sign3A_289, %sign3A_296 : i32
    %rem3A_298 = arith.remsi %sub3A_280, %jit3A_281 : i32
    %ne3A_299 = arith.constant 0 : i32
    %ne3A_300 = arith.cmpi ne, %rem3A_298, %ne3A_299 : i32
    %and3A_301 = arith.andi %ne3A_297, %ne3A_300 : i1
    %sub3A_302 = arith.constant 1 : i32
    %sub3A_303 = arith.subi %div3A_282, %sub3A_302 : i32
    %select_n3A_304 = arith.select %and3A_301, %sub3A_303, %div3A_282 : i32
    %jit3A_305 = arith.constant 0 : i32
    %jit3A_306 = arith.constant 10 : i32
    %max3A_307 = arith.maxsi %jit3A_305, %select_n3A_304 : i32
    %min3A_308 = arith.minsi %jit3A_306, %max3A_307 : i32
    %while3A_309 = arith.constant 0 : i32
    %while3A_310 = arith.constant 0 : i32
    %while3A_311 = arith.subi %min3A_308, %while3A_309 : i32
    %while3A_312 = arith.addi %while3A_309, %while3A_311 : i32
    %while3A_313 = arith.constant 1 : i32
    %while3A_314 = arith.divsi %while3A_311, %while3A_313 : i32
    %while3A_315 = arith.muli %while3A_314, %while3A_313 : i32
    %while3A_316 = arith.addi %while3A_309, %while3A_315 : i32
    %while3A_317 = arith.constant 1 : i32
    %while3A_318 = scf.for %while3A_321 = %while3A_309 to %while3A_316 step %while3A_317 iter_args(%while3A_322 = %while3A_310) -> (i32)  : i32 {
      %mul3A_323 = arith.constant 16 : i32
      %mul3A_324 = arith.muli %while3A_321, %mul3A_323 : i32
      %mul3A_325 = arith.constant 16 : i32
      %mul3A_326 = arith.muli %while3A_321, %mul3A_325 : i32
      %add3A_327 = arith.addi %mul3A_159, %mul3A_326 : i32
      "tpu.region"() ({
        %run_scoped3A = tpu.sem_alloc : memref<!tpu.dma_semaphore, #tpu.memory_space<semaphore_mem>>
        %dma_start3A = arith.constant 0 : i32
        %dma_start3A_329 = tpu.memref_slice %arg25[%mul3A_324, %dma_start3A] : memref<160x256xf32, #tpu.memory_space<vmem>> -> memref<16x256xf32, #tpu.memory_space<vmem>>
        %dma_start3A_330 = arith.constant 0 : i32
        %dma_start3A_331 = tpu.memref_slice %arg9[%add3A_327, %dma_start3A_330] : memref<10000x256xf32, #tpu.memory_space<hbm>> -> memref<16x256xf32, #tpu.memory_space<hbm>>
        %dma_start3A_332 = arith.constant 0 : i32
        %dma_start3A_333 = tpu.memref_slice %arg9[%add3A_327, %dma_start3A_332] : memref<10000x256xf32, #tpu.memory_space<hbm>> -> memref<16x256xf32, #tpu.memory_space<hbm>>
        %dma_start3A_334 = arith.constant 0 : i32
        %dma_start3A_335 = tpu.memref_slice %arg25[%mul3A_324, %dma_start3A_334] : memref<160x256xf32, #tpu.memory_space<vmem>> -> memref<16x256xf32, #tpu.memory_space<vmem>>
        tpu.enqueue_dma source(%dma_start3A_335 : memref<16x256xf32, #tpu.memory_space<vmem>>) target(%dma_start3A_333 : memref<16x256xf32, #tpu.memory_space<hbm>>) target_semaphore(%run_scoped3A : memref<!tpu.dma_semaphore, #tpu.memory_space<semaphore_mem>>)
        %dma_wait3A = arith.constant 0 : i32
        %dma_wait3A_336 = tpu.memref_slice %arg25[%mul3A_324, %dma_wait3A] : memref<160x256xf32, #tpu.memory_space<vmem>> -> memref<16x256xf32, #tpu.memory_space<vmem>>
        %dma_wait3A_337 = arith.constant 0 : i32
        %dma_wait3A_338 = tpu.memref_slice %arg9[%add3A_327, %dma_wait3A_337] : memref<10000x256xf32, #tpu.memory_space<hbm>> -> memref<16x256xf32, #tpu.memory_space<hbm>>
        %dma_wait3A_339 = arith.constant 0 : i32
        %dma_wait3A_340 = tpu.memref_slice %arg9[%add3A_327, %dma_wait3A_339] : memref<10000x256xf32, #tpu.memory_space<hbm>> -> memref<16x256xf32, #tpu.memory_space<hbm>>
        %dma_wait3A_341 = arith.constant 0 : i32
        %dma_wait3A_342 = tpu.memref_slice %arg25[%mul3A_324, %dma_wait3A_341] : memref<160x256xf32, #tpu.memory_space<vmem>> -> memref<16x256xf32, #tpu.memory_space<vmem>>
        tpu.wait_dma2 semaphore(%run_scoped3A : memref<!tpu.dma_semaphore, #tpu.memory_space<semaphore_mem>>) src(%dma_wait3A_342 : memref<16x256xf32, #tpu.memory_space<vmem>>) dst(%dma_wait3A_340 : memref<16x256xf32, #tpu.memory_space<hbm>>)
        tpu.yield
      }) : () -> ()
      %while3A_328 = arith.constant 0 : i32
      scf.yield %while3A_328 : i32
    }
    %while3A_319 = arith.constant 1 : i32
    %while3A_320 = scf.for %while3A_321 = %while3A_316 to %while3A_312 step %while3A_319 iter_args(%while3A_322 = %while3A_318) -> (i32)  : i32 {
      %mul3A_323 = arith.constant 16 : i32
      %mul3A_324 = arith.muli %while3A_321, %mul3A_323 : i32
      %mul3A_325 = arith.constant 16 : i32
      %mul3A_326 = arith.muli %while3A_321, %mul3A_325 : i32
      %add3A_327 = arith.addi %mul3A_159, %mul3A_326 : i32
      "tpu.region"() ({
        %run_scoped3A = tpu.sem_alloc : memref<!tpu.dma_semaphore, #tpu.memory_space<semaphore_mem>>
        %dma_start3A = arith.constant 0 : i32
        %dma_start3A_329 = tpu.memref_slice %arg25[%mul3A_324, %dma_start3A] : memref<160x256xf32, #tpu.memory_space<vmem>> -> memref<16x256xf32, #tpu.memory_space<vmem>>
        %dma_start3A_330 = arith.constant 0 : i32
        %dma_start3A_331 = tpu.memref_slice %arg9[%add3A_327, %dma_start3A_330] : memref<10000x256xf32, #tpu.memory_space<hbm>> -> memref<16x256xf32, #tpu.memory_space<hbm>>
        %dma_start3A_332 = arith.constant 0 : i32
        %dma_start3A_333 = tpu.memref_slice %arg9[%add3A_327, %dma_start3A_332] : memref<10000x256xf32, #tpu.memory_space<hbm>> -> memref<16x256xf32, #tpu.memory_space<hbm>>
        %dma_start3A_334 = arith.constant 0 : i32
        %dma_start3A_335 = tpu.memref_slice %arg25[%mul3A_324, %dma_start3A_334] : memref<160x256xf32, #tpu.memory_space<vmem>> -> memref<16x256xf32, #tpu.memory_space<vmem>>
        tpu.enqueue_dma source(%dma_start3A_335 : memref<16x256xf32, #tpu.memory_space<vmem>>) target(%dma_start3A_333 : memref<16x256xf32, #tpu.memory_space<hbm>>) target_semaphore(%run_scoped3A : memref<!tpu.dma_semaphore, #tpu.memory_space<semaphore_mem>>)
        %dma_wait3A = arith.constant 0 : i32
        %dma_wait3A_336 = tpu.memref_slice %arg25[%mul3A_324, %dma_wait3A] : memref<160x256xf32, #tpu.memory_space<vmem>> -> memref<16x256xf32, #tpu.memory_space<vmem>>
        %dma_wait3A_337 = arith.constant 0 : i32
        %dma_wait3A_338 = tpu.memref_slice %arg9[%add3A_327, %dma_wait3A_337] : memref<10000x256xf32, #tpu.memory_space<hbm>> -> memref<16x256xf32, #tpu.memory_space<hbm>>
        %dma_wait3A_339 = arith.constant 0 : i32
        %dma_wait3A_340 = tpu.memref_slice %arg9[%add3A_327, %dma_wait3A_339] : memref<10000x256xf32, #tpu.memory_space<hbm>> -> memref<16x256xf32, #tpu.memory_space<hbm>>
        %dma_wait3A_341 = arith.constant 0 : i32
        %dma_wait3A_342 = tpu.memref_slice %arg25[%mul3A_324, %dma_wait3A_341] : memref<160x256xf32, #tpu.memory_space<vmem>> -> memref<16x256xf32, #tpu.memory_space<vmem>>
        tpu.wait_dma2 semaphore(%run_scoped3A : memref<!tpu.dma_semaphore, #tpu.memory_space<semaphore_mem>>) src(%dma_wait3A_342 : memref<16x256xf32, #tpu.memory_space<vmem>>) dst(%dma_wait3A_340 : memref<16x256xf32, #tpu.memory_space<hbm>>)
        tpu.yield
      }) : () -> ()
      %while3A_328 = arith.constant 0 : i32
      scf.yield %while3A_328 : i32
    }
    return
  }
}

module attributes {stable_mosaic.version = 14 : i64} {
  func.func @_tc_body(%arg0: i32, %arg1: memref<1000x256xf32, #tpu.memory_space<vmem>>, %arg2: memref<256x256xf32, #tpu.memory_space<vmem>>, %arg3: memref<256x128xf32, #tpu.memory_space<vmem>>, %arg4: memref<1000x256xf32, #tpu.memory_space<vmem>>, %arg5: memref<1000x128xf32, #tpu.memory_space<vmem>>) attributes {dimension_semantics = [#tpu.dimension_semantics<arbitrary>], iteration_bounds = array<i64: 10>, scalar_prefetch = 0 : i64, scratch_operands = 0 : i64, tpu.core_type = #tpu.core_type<tc>, window_params = [{transform_indices = @transform_0, window_bounds = array<i64: 1000, 256>}, {pipeline_mode = #tpu.pipeline_mode<synchronous>, transform_indices = @transform_1, window_bounds = array<i64: 256, 256>}, {pipeline_mode = #tpu.pipeline_mode<synchronous>, transform_indices = @transform_2, window_bounds = array<i64: 256, 128>}, {transform_indices = @transform_3, window_bounds = array<i64: 1000, 256>}, {transform_indices = @transform_4, window_bounds = array<i64: 1000, 128>}]} {
    %get3A = arith.constant 0 : index
    %get3A_0 = arith.constant 0 : index
    %get3A_1 = vector.load %arg1[%get3A, %get3A_0] : memref<1000x256xf32, #tpu.memory_space<vmem>>, vector<1000x256xf32>
    %get3A_2 = arith.constant 0 : index
    %get3A_3 = arith.constant 0 : index
    %get3A_4 = vector.load %arg2[%get3A_2, %get3A_3] : memref<256x256xf32, #tpu.memory_space<vmem>>, vector<256x256xf32>
    %dot_general3A = arith.constant dense<0.000000e+00> : vector<1000x256xf32>
    %dot_general3A_5 = tpu.matmul %get3A_1, %get3A_4, %dot_general3A {dimension_numbers = #tpu.dot_dimension_numbers<[1], [0], [0], [1], [0, 0, 1, 1], [], []>, transpose_lhs_hint = false} : vector<1000x256xf32>, vector<256x256xf32>, vector<1000x256xf32> -> vector<1000x256xf32>
    %swap3A = arith.constant 0 : index
    %swap3A_6 = arith.constant 0 : index
    %swap3A_7 = vector.load %arg4[%swap3A, %swap3A_6] : memref<1000x256xf32, #tpu.memory_space<vmem>>, vector<1000x256xf32>
    tpu.vector_store %arg4[%swap3A, %swap3A_6], %dot_general3A_5 {strides = array<i32>} : memref<1000x256xf32, #tpu.memory_space<vmem>>, vector<1000x256xf32>,
    %get3A_8 = arith.constant 0 : index
    %get3A_9 = arith.constant 0 : index
    %get3A_10 = vector.load %arg3[%get3A_8, %get3A_9] : memref<256x128xf32, #tpu.memory_space<vmem>>, vector<256x128xf32>
    %dot_general3A_11 = arith.constant dense<0.000000e+00> : vector<1000x128xf32>
    %dot_general3A_12 = tpu.matmul %dot_general3A_5, %get3A_10, %dot_general3A_11 {dimension_numbers = #tpu.dot_dimension_numbers<[1], [0], [0], [1], [0, 0, 1, 1], [], []>, transpose_lhs_hint = false} : vector<1000x256xf32>, vector<256x128xf32>, vector<1000x128xf32> -> vector<1000x128xf32>
    %swap3A_13 = arith.constant 0 : index
    %swap3A_14 = arith.constant 0 : index
    %swap3A_15 = vector.load %arg5[%swap3A_13, %swap3A_14] : memref<1000x128xf32, #tpu.memory_space<vmem>>, vector<1000x128xf32>
    tpu.vector_store %arg5[%swap3A_13, %swap3A_14], %dot_general3A_12 {strides = array<i32>} : memref<1000x128xf32, #tpu.memory_space<vmem>>, vector<1000x128xf32>,
    return
  }
  func.func @transform_0(%arg0: i32) -> (i32, i32) {
    %c0_i32 = arith.constant 0 : i32
    %c0_i32_0 = arith.constant 0 : i32
    return %arg0, %c0_i32 : i32, i32
  }
  func.func @transform_1(%arg0: i32) -> (i32, i32) {
    %c0_i32 = arith.constant 0 : i32
    %c0_i32_0 = arith.constant 0 : i32
    %c0_i32_1 = arith.constant 0 : i32
    return %c0_i32, %c0_i32_0 : i32, i32
  }
  func.func @transform_2(%arg0: i32) -> (i32, i32) {
    %c0_i32 = arith.constant 0 : i32
    %c0_i32_0 = arith.constant 0 : i32
    %c0_i32_1 = arith.constant 0 : i32
    return %c0_i32, %c0_i32_0 : i32, i32
  }
  func.func @transform_3(%arg0: i32) -> (i32, i32) {
    %c0_i32 = arith.constant 0 : i32
    %c0_i32_0 = arith.constant 0 : i32
    return %arg0, %c0_i32 : i32, i32
  }
  func.func @transform_4(%arg0: i32) -> (i32, i32) {
    %c0_i32 = arith.constant 0 : i32
    %c0_i32_0 = arith.constant 0 : i32
    return %arg0, %c0_i32 : i32, i32
  }
}

</mosaic_0001>

<sc_bundles>
// kernel: kernel.5.cloned.1.call-start
scs
__scs_entry_jumppad:
0x0: {  	(pc) =	sbr.rel $0x88, $3  }
0x1: {  	(tag) =	ssettag $0x0;
	lr =	simm.s32 $0x1  }
0x2: {  	[smem:$0x3F9C] =	sst lr;
	_ =	strace $0xD0000000  }
0x3: {  	_ = 	snop  }
0x4: {  	_ = 	snop  }
0x5: {  	_ = 	snop  }
0x6: {  	_ = 	snop  }
0x7: {  	_ = 	snop  }
__scs_overlays_trampoline_lowered:
0x8: {  	[smem:$0x3FAB] =	sst s0  }
0x9: {  	[smem:$0x3FAC] =	sst s1  }
0xa: {  	[smem:$0x3FAD] =	sst s2  }
0xb: {  	[smem:$0x3FAE] =	sst s3  }
0xc: {  	[smem:$0x3FAF] =	sst s4  }
0xd: {  	[smem:$0x3FB0] =	sst s5  }
0xe: {  	[smem:$0x3FB1] =	sst s6  }
0xf: {  	[smem:$0x3FB2] =	sst s7  }
0x10: {  	[smem:$0x3FB3] =	sst s8  }
0x11: {  	[smem:$0x3FB4] =	sst s9;
	s0 =	simm.s32 @!p0 $0x0  }
0x12: {  	s1 =	sld [smem:$0x3F9A];
	s0 =	simm.s32 @p0 $0x1  }
0x13: {  	[smem:$0x3FB5] =	sst s0;
	s0 =	simm.s32 @!p1 $0x0  }
0x14: {  	s2 =	sld [smem:$0x3F99];
	s0 =	simm.s32 @p1 $0x1  }
0x15: {  	[smem:$0x3FB6] =	sst s0;
	s0 =	simm.s32 @!p2 $0x0  }
0x16: {  	s3 =	sld [smem:$0x3FDB];
	s0 =	simm.s32 @p2 $0x1  }
0x17: {  	s4 =	simm.s32 $0x1BF5;
	[smem:$0x3FB8] =	sst s0  }
0x18: {  	s0 =	sld [smem:$0x3F9B];
	_ =	swait.ge [sflag:s4], $0x0  }
0x19: {  	s7 =	sld [smem:$0x3F9C]  }
0x1a: {  	s8 =	sadd.s32 $0xFFFFE003, lr  }
0x1b: {  	s9 =	sadd.s32 $0xFFFFFEF7, lr;
	s5 =	simm.s32 $0xFFFFFFFF;
	p2 =	slt.u32 s8, $0xFFFFF086  }
0x1c: {  	p1 =	slt.u32 s9, $0xF7A;
	s5 =	simm.s32 @!p2 $0x0  }
0x1d: {  	s5 =	simm.s32 @p1 $0x1;
	p0 =	seq.s32 s7, s2  }
0x1e: {  	s7 =	smul.u32 @!p0 $0xF7A, s2;
	p2 =	seq.s32 @!p0 s5, $0x0  }
0x1f: {  	s9 =	smul.u32 $0xF7A, s1;
	s8 =	simm.s32 @!p0 $0x1BF5;
	p2 =	por !p2, p0  }
0x20: {  	[sflag:s8] =	ssyncset.s32 @!p0 $0xFFFFF086;
	s6 =	sadd.s32 @!p0 s3, s7;
	s7 =	simm.s32 @!p0 $0x108  }
0x21: {  	s3 =	sadd.s32 s3, s9;
	s6 =	sadd.s32 @!p0 $0x88, s6;
	s7 =	simm.s32 @p2 $0x1082  }
0x22: {  	[simem:s7], [sflag:s8] =	dma.local @!p0 [hbm:s6], $0xF7A  }
0x23: {  	s9 =	sor.u32 $0xD0000000, s2;
	s6 =	simm.s32 $0x108;
	_ =	swait.ge @!p0 [sflag:s8], $0x0  }
0x24: {  	s3 =	sadd.s32 $0x88, s3;
	s6 =	simm.s32 @!p1 $0x1082;
	[sflag:s4] =	ssyncset.s32 $0xFFFFF086  }
0x25: {  	[simem:s6], [sflag:s4] =	dma.local [hbm:s3], $0xF7A  }
0x26: {  	[smem:$0x3F9C] =	sst s1;
	(tag) =	ssettag s2;
	_ =	strace s9  }
0x27: {  	s1 =	sld [smem:$0x3FAC]  }
0x28: {  	s2 =	sld [smem:$0x3FAD]  }
0x29: {  	s4 =	sld [smem:$0x3FAF]  }
0x2a: {  	p0 =	seq.s32 s5, $0x0;
	s5 =	sld [smem:$0x3FB0]  }
0x2b: {  	s6 =	sld [smem:$0x3FB1]  }
0x2c: {  	s7 =	sld [smem:$0x3FB2]  }
0x2d: {  	s3 =	simm.s32 $0x108;
	s8 =	sld [smem:$0x3FB3]  }
0x2e: {  	s3 =	simm.s32 @!p0 $0x1082;
	s9 =	sld [smem:$0x3FB4]  }
0x2f: {  	lr =	sadd.s32 s0, s3;
	s0 =	sld [smem:$0x3FAB]  }
0x30: {  	s3 =	sld [smem:$0x3FAE]  }
0x31: {  	[smem:$0x3FB7] =	sst s10  }
0x32: {  	s10 =	sld [smem:$0x3FB5];
	_ =	sdelay $0x3  }
0x33: {  	p0 =	seq.s32 s10, $0x1;
	s10 =	sld [smem:$0x3FB7];
	_ =	sdelay $0x3  }
0x34: {  	[smem:$0x3FB7] =	sst s10  }
0x35: {  	s10 =	sld [smem:$0x3FB6];
	_ =	sdelay $0x3  }
0x36: {  	p1 =	seq.s32 s10, $0x1;
	s10 =	sld [smem:$0x3FB7];
	_ =	sdelay $0x3  }
0x37: {  	[smem:$0x3FB7] =	sst s10  }
0x38: {  	s10 =	sld [smem:$0x3FB8]  }
0x39: {  	_ = 	snop;
	(pc) =	sbr.ind lr, $3  }
0x3a: {  	_ = 	snop  }
0x3b: {  	_ = 	snop  }
0x3c: {  	p2 =	seq.s32 s10, $0x1;
	s10 =	sld [smem:$0x3FB7]  }
0x3d: {  	_ =	shalt  }
0x3e: {  	_ =	shalt  }
0x3f: {  	_ =	shalt  }
0x40: {  	_ =	shalt  }
0x41: {  	_ =	shalt  }
0x42: {  	_ =	shalt  }
0x43: {  	_ =	shalt  }
0x44: {  	_ =	shalt  }
0x45: {  	_ =	shalt  }
0x46: {  	_ =	shalt  }
0x47: {  	_ =	shalt  }
0x48: {  	_ =	shalt  }
0x49: {  	_ =	shalt  }
0x4a: {  	_ =	shalt  }
0x4b: {  	_ =	shalt  }
0x4c: {  	_ =	shalt  }
0x4d: {  	_ =	shalt  }
0x4e: {  	_ =	shalt  }
0x4f: {  	_ =	shalt  }
0x50: {  	_ =	shalt  }
0x51: {  	_ =	shalt  }
0x52: {  	_ =	shalt  }
0x53: {  	_ =	shalt  }
0x54: {  	_ =	shalt  }
0x55: {  	_ =	shalt  }
0x56: {  	_ =	shalt  }
0x57: {  	_ =	shalt  }
0x58: {  	_ =	shalt  }
0x59: {  	_ =	shalt  }
0x5a: {  	_ =	shalt  }
0x5b: {  	_ =	shalt  }
0x5c: {  	_ =	shalt  }
0x5d: {  	_ =	shalt  }
0x5e: {  	_ =	shalt  }
0x5f: {  	_ =	shalt  }
0x60: {  	_ =	shalt  }
0x61: {  	_ =	shalt  }
0x62: {  	_ =	shalt  }
0x63: {  	_ =	shalt  }
0x64: {  	_ =	shalt  }
0x65: {  	_ =	shalt  }
0x66: {  	_ =	shalt  }
0x67: {  	_ =	shalt  }
0x68: {  	_ =	shalt  }
0x69: {  	_ =	shalt  }
0x6a: {  	_ =	shalt  }
0x6b: {  	_ =	shalt  }
0x6c: {  	_ =	shalt  }
0x6d: {  	_ =	shalt  }
0x6e: {  	_ =	shalt  }
0x6f: {  	_ =	shalt  }
0x70: {  	_ =	shalt  }
0x71: {  	_ =	shalt  }
0x72: {  	_ =	shalt  }
0x73: {  	_ =	shalt  }
0x74: {  	_ =	shalt  }
0x75: {  	_ =	shalt  }
0x76: {  	_ =	shalt  }
0x77: {  	_ =	shalt  }
0x78: {  	_ =	shalt  }
0x79: {  	_ =	shalt  }
0x7a: {  	_ =	shalt  }
0x7b: {  	_ =	shalt  }
0x7c: {  	_ =	shalt  }
0x7d: {  	_ =	shalt  }
0x7e: {  	_ =	shalt  }
0x7f: {  	_ =	shalt  }
0x80: {  	_ =	shalt  }
0x81: {  	_ =	shalt  }
0x82: {  	_ =	shalt  }
0x83: {  	_ =	shalt  }
0x84: {  	_ =	shalt  }
0x85: {  	_ =	shalt  }
0x86: {  	_ =	shalt  }
0x87: {  	_ =	shalt  }
.Lfunc_end0:
.L_simem_size_0:
called_computation_lowered:
.L_overlay_start_0:
0x88: {  	s2 =	sld [smem:$0x3FD9]  }
0x89: {  	s3 =	sld [smem:$0x3FFE];
	_ =	sdelay $0x1  }
0x8a: {  	s1 =	srdreg.scid  }
0x8b: {  	s0 =	sand.u32 $0x1, s1  }
0x8c: {  	s17 =	sshll.u32 s0, $0xA;
	s2 =	sadd.s32 s3, s2  }
0x8d: {  	s2 =	sadd.s32 s2, s17  }
0x8e: {  	[smem:$0x3FC3] =	sst s2  }
0x8f: {  	_ = 	snop  }
0x90: {  	s2 =	sld [smem:$0x3FD0];
	(tm) =	ssettm $0x1  }
0x91: {  	s18 =	sld [smem:$0x3FFB];
	_ =	sdelay $0x3  }
0x92: {  	_ =	strace s18  }
0x93: {  	s3 =	sld [smem:$0x3FFC];
	_ =	sdelay $0x3  }
0x94: {  	_ =	strace s3  }
0x95: {  	s3 =	sld [smem:$0x3FFD];
	_ =	sdelay $0x3  }
0x96: {  	_ =	strace s3  }
0x97: {  	_ =	strace $0x8FFFFFFF  }
0x98: {  	s19 =	sld [smem:$0x3FDB];
	_ =	sdelay $0x1  }
0x99: {  	s4 =	simm.s32 $_scs_section_size  }
0x9a: {  	s5 =	simm.s32 $_size__tile_overlayer_lowered;
	s6 =	simm.s32 $_tile_overlayer_lowered  }
0x9b: {  	s22 =	simm.s32 $0x1BFF;
	s21 =	sshll.u32 s6, $0x1;
	s3 =	sadd.s32 s4, s19  }
0x9c: {  	s7 =	simm.s32 $0x0;
	s20 =	sshll.u32 s5, $0x1;
	s5 =	sadd.s32 s21, s3  }
0x9d: {  	[timem:s7], [sflag:s22] =	dma.local [hbm:s5], s20  }
0x9e: {  	_ =	swait.ge [sflag:s22], s20  }
0x9f: {  	s4 =	ssub.s32 $0x0, s20;
	[sflag:s22] =	ssyncset.done $0x0  }
0xa0: {  	[sflag:s22] =	ssyncadd.s32 s4;
	_ =	sdelay $0x1  }
0xa1: {  	s23 =	simm.s32 $0x1B8B  }
0xa2: {  	_ =	swait.ge [sflag:s23], $0x1  }
0xa3: {  	[sflag:s23] =	ssyncset.done $0x0  }
0xa4: {  	s25 =	simm.s32 $0x1B8E;
	s24 =	sld [smem:$0x3FFE];
	[sflag:s23] =	ssyncadd.s32 $0xFFFFFFFF  }
0xa5: {  	s26 =	simm.s32 $execute0_lowered;
	[smem:$0x3FD2] =	sst s25  }
0xa6: {  	s5 =	sshll.u32 s26, $0x1;
	_ =	strace $0x80000046;
	[dreg:$0x1] =	wrdreg $0xFFFFFFFF  }
0xa7: {  	s28 =	simm.s32 $_size_execute0_lowered;
	s3 =	sadd.s32 s3, s5;
	[dreg:$0x0] =	wrdreg $0x0  }
0xa8: {  	s5 =	sshll.u32 s28, $0x1;
	[dreg:$0x2] =	wrdreg s3  }
0xa9: {  	[dreg:$0x3] =	wrdreg s5  }
0xaa: {  	[dreg:$0x4] =	wrdreg $0xC0  }
0xab: {  	_ =	task [dreg:s7], $0x5FFFF  }
0xac: {  	[dreg:$0x1] =	wrdreg $0xFFFFFFFF  }
0xad: {  	[dreg:$0x0] =	wrdreg $0x60  }
0xae: {  	[dreg:$0x2] =	wrdreg s24  }
0xaf: {  	[dreg:$0x3] =	wrdreg s2  }
0xb0: {  	[dreg:$0x4] =	wrdreg $0x9  }
0xb1: {  	_ =	task.clear_ibuf [dreg:s7], $0x5FFFF;
	_ =	strace $0x90000046  }
0xb2: {  	s29 =	simm.s32 $0x9;
	_ =	strace $0x80000048  }
0xb3: {  	_ =	swait.ge [sflag:s29], $0x1  }
0xb4: {  	[sflag:s29] =	ssyncadd.s32 $0xFFFFFFFF  }
0xb5: {  	_ =	strace $0x90000048  }
0xb6: {  	_ =	sfence  }
0xb7: {  	s30 =	sld [smem:$0x0];
	_ =	sdelay $0x2  }
0xb8: {  	s31 =	sshll.u32 s1, $0xD;
	s1 =	sshrl.u32 s1, $0x2  }
0xb9: {  	s3 =	sand.u32 $0x4000, s31;
	s1 =	sadd.s32 s1, s30  }
0xba: {  	s0 =	sor.u32 s3, s0;
	s1 =	sshll.u32 s1, $0x11  }
0xbb: {  	s0 =	sor.u32 s1, s0  }
0xbc: {  	s0 =	sadd.s32 $0x8F2B, s0  }
0xbd: {  	[sflag:s0] =	ssyncadd.remote.s32 $0x1  }
0xbe: {  	_ =	sfence.sel $0xFFFF  }
0xbf: {  	[dreg:$0x0] =	wrdreg $0xFFFFFFFF;
	(pc) =	sbr.abs _section_cstart, $3  }
0xc0: {  	[dreg:$0x1] =	wrdreg $0xFFFFFFFF  }
0xc1: {  	_ =	task.clear_ibuf [dreg:s7], $0x2FFFF;
	_ =	strace $0x9FFFFFFF  }
0xc2: {  	(tm) =	ssettm $0x7FFFFFFF  }
0xc3: {  	_ =	shalt  }
tec
execute0_lowered:
.L_overlay_start_1:
0x0: {  	(tag) =	ssettag $0x1  }
0x1: {  	s8 =	rddreg [dreg:$0x0]  }
0x2: {  	s0 =	rddreg [dreg:$0x1];
	s2 =	simm.s32 $0x0;
	s1 =	srdreg.scid  }
0x3: {  	s17 =	stileid.u32;
	s18 =	simm.s32 $0x80;
	s19 =	simm.s32 $0x1  }
0x4: {  	s20 =	simm.s32 $0x2B00;
	s21 =	simm.s32 $0x2B80;
	s22 =	simm.s32 $0x2  }
0x5: {  	s23 =	simm.s32 $0x6D80;
	s24 =	simm.s32 $0x6E00;
	[smem:$0x7FF] =	sst s2  }
0x6: {  	s4 =	sadd.s32 $0xF400, s8;
	s1 =	sand.u32 $0x1, s1;
	s3 =	sadd.s32 $0x5DC00, s8  }
0x7: {  	s6 =	sadd.s32 $0x5D600, s8;
	s7 =	sadd.s32 $0x5400, s8;
	s28 =	smul.u32 $0xFFFFFEC0, s17  }
0x8: {  	s29 =	smul.u32 $0x14000, s17;
	_ =	strace $0x80000047;
	s5 =	sshll.u32 s1, $0x4  }
0x9: {  	[dreg:$0x3] =	wrdreg s6;
	s6 =	sadd.s32 $0xA400, s8;
	s16 =	smul.u32 $0xFFFFEC00, s1  }
0xa: {  	s9 =	ssub.s32 $0x2, s1;
	s8 =	sadd.s32 $0x400, s8;
	s1 =	smul.u32 $0x140000, s1  }
0xb: {  	s5 =	sor.u32 s17, s5;
	s11 =	sshrl.u32 s9, $0x1;
	s17 =	simm.s32 $0x180  }
0xc: {  	s10 =	smul.u32 $0x140, s5;
	s12 =	sshllo.u32 s5, $0x1;
	s9 =	ssub.s32 s9, s11  }
0xd: {  	s5 =	sshll.u32 s5, $0x1;
	s1 =	sadd.s32 s29, s1;
	s13 =	smul.u32 $0xA0, s12  }
0xe: {  	s30 =	sadd.s32 $0xA000, s1;
	s9 =	smax.u32 s9, $0x1;
	s1 =	sshrl.u32 s1, $0x3  }
0xf: {  	s26 =	sshrl.u32 s10, $0x3;
	[dreg:$0x7] =	wrdreg s9;
	s1 =	sadd.s32 s1, s0  }
0x10: {  	s11 =	sadd.s32 s3, s26;
	s14 =	sshrl.u32 s13, $0x3;
	[dreg:$0x8] =	wrdreg s1  }
0x11: {  	s15 =	ssub.s32 $0x2710, s13;
	[dreg:$0x4] =	wrdreg s11;
	s3 =	sadd.s32 s3, s14  }
0x12: {  	s1 =	simm.s32 $0x0;
	[dreg:$0x5] =	wrdreg s3;
	s3 =	sshra.s32 s15, $0x4  }
0x13: {  	s11 =	sadd.s32 s16, s28;
	p0 =	sgt.s32 s3, $0x0;
	s14 =	smov.u32 s3  }
0x14: {  	s11 =	sadd.s32 $0x2710, s11;
	s14 =	simm.s32 @!p0 $0x0;
	p0 =	sgt.s32 s3, $0x1  }
.Ltmp0:
0x15: {  	v6 =	vlaneseq.u32;
	s11 =	sshrl.u32 s11, $0x4;
	s3 =	simm.s32 @!p0 $0x1;
	(pc) =	sbr.rel .LBB2_1-.Ltmp0, $4  }
0x16: {  	v7 =	vimm.f32 $0.0e+00;
	vm0 =	vmmov $0xffff;
	v9 =	vshrl.u32 v6, $0x3;
	s16 =	simm.s32 $0x3;
	s11 =	smin.u32 s11, $0xA;
	s3 =	smin.u32 s3, $0xA  }
0x17: {  	v8 =	vand.u32 $0x7, v6;
	v10 =	vor.u32 $0x8, v6;
	v9 =	vmul.u32 $0x8, v9;
	s31 =	sshll.u32 s11, $0x9;
	[dreg:$0x6] =	wrdreg s3;
	s3 =	sshrl.u32 s30, $0x3  }
0x18: {  	v0 =	vmov s5;
	v2 =	vmov s12;
	v1 =	vmov s10;
	s15 =	simm.s32 $0xA680;
	[dreg:$0x9] =	wrdreg s31;
	s0 =	sadd.s32 s3, s0  }
0x19: {  	v4 =	vor.u32 $0x1, v0;
	v5 =	vadd.s32 $0x1, v2;
	v3 =	vmov s13;
	p0 =	seq.s32 s14, $0x0;
	s11 =	simm.s32 $0x9E80;
	[dreg:$0xa] =	wrdreg s0  }
.LBB2_28:
0x1a: {  	[sflag:s16] =	ssyncadd.s32 $0xFFFFF000;
	s1 =	rddreg [dreg:$0xb]  }
.LBB2_29:
0x1b: {  	s1 =	sadd.s32 $0x1, s1;
	s0 =	rddreg [dreg:$0x7]  }
0x1c: {  	p1 =	sne.s32 s1, s0  }
.Ltmp1:
0x1d: {  	_ = 	snop;
	(pc) =	sbr.rel @!p1 .LBB2_30-.Ltmp1, $1  }
0x1e: {  	_ =	sdelay $0x3  }
.LBB2_1:
0x1f: {  	[dreg:$0xb] =	wrdreg s1  }
0x20: {  	s0 =	rddreg [dreg:$0x0]  }
0x21: {  	[tilespmem:s2], [sflag:$0x3] =	stream.linear.gather [hbm4b:s0+s2], $0x80, $0x38;
	[tilespmem:$0x19E80] =	vst v63  }
0x22: {  	_ =	swait.ge [sflag:s16], $0x80  }
0x23: {  	[sflag:s16] =	ssyncset.done $0x0  }
0x24: {  	s29 =	rddreg [dreg:$0x3];
	[sflag:s16] =	ssyncadd.s32 $0xFFFFFF80  }
0x25: {  	[tilespmem:s17], [sflag:$0x3] =	stream.linear.gather [hbm4b:s29+s2], $0x2800, $0x38;
	[tilespmem:$0x19E80] =	vst v63  }
0x26: {  	_ =	swait.ge [sflag:s16], $0x2800  }
0x27: {  	s30 =	sand.u32 $0xF800, s2;
	s31 =	sand.u32 $0x380, s2;
	[sflag:s16] =	ssyncset.done $0x0  }
0x28: {  	s0 =	sor.u32 s31, s30;
	[sflag:s16] =	ssyncadd.s32 $0xFFFFD800  }
0x29: {  	[tilespmem:s0+$0xAE90] =	vst v7  }
0x2a: {  	[tilespmem:s0+$0xAEA0] =	vst v7  }
0x2b: {  	[tilespmem:s0+$0xAEB0] =	vst v7  }
0x2c: {  	[tilespmem:s0+$0xAEC0] =	vst v7  }
0x2d: {  	[tilespmem:s0+$0xAED0] =	vst v7  }
0x2e: {  	[tilespmem:s0+$0xAEE0] =	vst v7  }
0x2f: {  	[tilespmem:s0+$0xAEF0] =	vst v7  }
0x30: {  	[tilespmem:s0+$0xB280] =	vst v7  }
0x31: {  	[tilespmem:s0+$0xB290] =	vst v7  }
0x32: {  	[tilespmem:s0+$0xB2A0] =	vst v7  }
0x33: {  	[tilespmem:s0+$0xB2B0] =	vst v7  }
0x34: {  	[tilespmem:s0+$0xB2C0] =	vst v7  }
0x35: {  	[tilespmem:s0+$0xB2D0] =	vst v7  }
0x36: {  	[tilespmem:s0+$0xB2E0] =	vst v7  }
0x37: {  	s1 =	simm.s32 $0x14E80;
	s3 =	simm.s32 $0x80;
	s5 =	simm.s32 $0x100;
	[tilespmem:s0+$0xB2F0] =	vst v7  }
.LBB2_2:
0x38: {  	s9 =	sand.u32 $0xF800, s5;
	s10 =	sand.u32 $0x380, s3;
	p1 =	sne.s32 s5, $0x9F00;
	[tilespmem:s0+$0xAE80] =	vst v7  }
0x39: {  	s0 =	sor.u32 s10, s9;
	[tilespmem:s1+$0x0] =	vst v7  }
0x3a: {  	[tilespmem:s0+$0xAE90] =	vst v7  }
0x3b: {  	[tilespmem:s0+$0xAEA0] =	vst v7  }
0x3c: {  	[tilespmem:s0+$0xAEB0] =	vst v7  }
0x3d: {  	[tilespmem:s0+$0xAEC0] =	vst v7  }
0x3e: {  	[tilespmem:s0+$0xAED0] =	vst v7  }
0x3f: {  	[tilespmem:s0+$0xAEE0] =	vst v7  }
0x40: {  	[tilespmem:s0+$0xAEF0] =	vst v7  }
0x41: {  	[tilespmem:s0+$0xB280] =	vst v7  }
0x42: {  	[tilespmem:s0+$0xB290] =	vst v7  }
0x43: {  	[tilespmem:s0+$0xB2A0] =	vst v7  }
.Ltmp2:
0x44: {  	[tilespmem:s0+$0xB2B0] =	vst v7;
	(pc) =	sbr.rel @p1 .LBB2_2-.Ltmp2, $4  }
0x45: {  	[tilespmem:s0+$0xB2C0] =	vst v7  }
0x46: {  	[tilespmem:s0+$0xB2D0] =	vst v7  }
0x47: {  	[tilespmem:s0+$0xB2E0] =	vst v7  }
0x48: {  	s3 =	sadd.s32 $0x80, s3;
	s5 =	sadd.s32 $0x100, s5;
	s1 =	sadd.s32 $0x80, s1;
	[tilespmem:s0+$0xB2F0] =	vst v7  }
0x49: {  	[tilespmem:s0+$0xAE80] =	vst v7  }
0x4a: {  	s14 =	rddreg [dreg:$0x4];
	[tilespmem:s1+$0x0] =	vst v7  }
0x4b: {  	[tilespmem:s18], [sflag:$0x3] =	stream.linear.gather [hbm4b:s14+s2], $0xA0, $0x38;
	[tilespmem:$0x19E80] =	vst v63  }
0x4c: {  	_ =	swait.ge [sflag:s16], $0xA0  }
0x4d: {  	[sflag:s16] =	ssyncset.done $0x0  }
0x4e: {  	[sflag:s16] =	ssyncadd.s32 $0xFFFFFF60  }
0x4f: {  	v11 =	vld.idx.msk [tilespmem:v0+s2+$0x0], $0xffff;
	_ =	sdelay $0x4  }
0x50: {  	(v2sf) =	vpush v11, $0x0;
	_ =	sdelay $0x1  }
0x51: {  	v12 =	vld.idx.msk [tilespmem:v4+s2+$0x0], $0xffff;
	_ =	sdelay $0x4  }
0x52: {  	(v2sf) =	vpush v12, $0x0;
	_ =	sdelay $0x7  }
0x53: {  	s25 =	spop (v2sf)  }
0x54: {  	s26 =	sand.u32 $0x7, s25  }
0x55: {  	s3 =	sshra.s32 s25, $0x1F;
	p1 =	slt.s32 s25, $0x1;
	p2 =	sne.s32 s26, $0x0  }
0x56: {  	s28 =	sshrl.u32 s3, $0x1D;
	p1 =	por !p1, !p2  }
0x57: {  	s1 =	simm.s32 $0x1;
	s0 =	sadd.s32 s28, s25;
	p1 =	por !p1, !p1  }
0x58: {  	s0 =	sshrl.u32 s0, $0x3;
	s1 =	simm.s32 @!p1 $0x0  }
0x59: {  	s0 =	ssub.s32 s0, s1  }
0x5a: {  	s29 =	spop (v2sf);
	s25 =	sshll.u32 s0, $0x3  }
0x5b: {  	s0 =	ssub.s32 s29, s25  }
0x5c: {  	s0 =	sadd.s32 $0x3F, s0  }
0x5d: {  	s30 =	sand.u32 $0x3F, s0  }
0x5e: {  	s31 =	sshra.s32 s0, $0x1F;
	p6 =	slt.s32 s0, $0x1;
	p5 =	sne.s32 s30, $0x0  }
0x5f: {  	s1 =	sshrl.u32 s31, $0x1A;
	p1 =	por !p6, !p5  }
0x60: {  	s0 =	sadd.s32 s1, s0;
	s1 =	simm.s32 $0x1;
	p1 =	por !p1, !p1  }
0x61: {  	s0 =	sshra.s32 s0, $0x6;
	s1 =	simm.s32 @!p1 $0x0  }
0x62: {  	s0 =	ssub.s32 s0, s1  }
0x63: {  	p1 =	sgt.s32 s0, $0x0  }
0x64: {  	s0 =	simm.s32 @!p1 $0x0  }
0x65: {  	s0 =	sadd.s32 $0x1, s0  }
0x66: {  	s26 =	sshrl.u32 s0, $0x1  }
0x67: {  	p1 =	seq.s32 s26, $0x0  }
.Ltmp3:
0x68: {  	_ = 	snop;
	(pc) =	sbr.rel @p1 .LBB2_10-.Ltmp3, $1  }
0x69: {  	_ =	sdelay $0x3  }
0x6a: {  	v11 =	vbroadcast v11, $0x0;
	v12 =	vbroadcast v12, $0x0;
	s28 =	simm.s32 $0x0;
	s29 =	simm.s32 $0x0  }
.LBB2_5:
0x6b: {  	s0 =	sshll.u32 s29, $0x7  }
0x6c: {  	s30 =	sadd.s32 s25, s0  }
0x6d: {  	s0 =	sshrl.u32 s30, $0x3  }
0x6e: {  	s3 =	simm.s32 $0x2980;
	s1 =	sadd.s32 s6, s0  }
0x6f: {  	[tilespmem:s3], [sflag:$0x3] =	stream.linear.gather [hbm4b:s1+s28], $0x40, $0x38;
	[tilespmem:$0x19E80] =	vst v63  }
0x70: {  	_ =	swait.ge [sflag:s16], $0x40  }
0x71: {  	[sflag:s16] =	ssyncset.done $0x0  }
0x72: {  	s14 =	simm.s32 $0x2A00;
	s13 =	sadd.s32 s7, s0;
	[sflag:s16] =	ssyncadd.s32 $0xFFFFFFC0  }
0x73: {  	[tilespmem:s14], [sflag:$0x3] =	stream.linear.gather [hbm4b:s13+s28], $0x40, $0x38;
	[tilespmem:$0x19E80] =	vst v63  }
0x74: {  	_ =	swait.ge [sflag:s16], $0x40  }
0x75: {  	[sflag:s16] =	ssyncset.done $0x0  }
0x76: {  	s0 =	sadd.s32 s8, s0;
	s3 =	simm.s32 $0x2A80;
	[sflag:s16] =	ssyncadd.s32 $0xFFFFFFC0  }
0x77: {  	[tilespmem:s3], [sflag:$0x3] =	stream.linear.gather [hbm4b:s0+s28], $0x40, $0x38;
	[tilespmem:$0x19E80] =	vst v63  }
0x78: {  	_ =	swait.ge [sflag:s16], $0x40  }
0x79: {  	[sflag:s16] =	ssyncset.done $0x0  }
0x7a: {  	[sflag:s16] =	ssyncadd.s32 $0xFFFFFFC0  }
0x7b: {  	v13 =	vld [tilespmem:$0x2A00];
	_ =	sdelay $0x4  }
0x7c: {  	v14 =	vshll.u32 v13, $0x1  }
0x7d: {  	v13 =	vand.u32 $0x7, v13;
	v14 =	vand.u32 $0xFFFFFFF0, v14  }
0x7e: {  	v13 =	vor.u32 v13, v14  }
0x7f: {  	v14 =	vperm.xlane v13, v8;
	_ =	sdelay $0x1  }
0x80: {  	v13 =	vperm.xlane v13, v10;
	v14 =	vadd.s32 v9, v14;
	_ =	sdelay $0x1  }
0x81: {  	v13 =	vadd.s32 v9, v13;
	_ =	sdelay $0x1  }
0x82: {  	s5 =	simm.s32 $0x2C00  }
0x83: {  	[tilespmem:s5], [sflag:$0x1] =	stream.indirect_vreg.gather [hbm4b:s4+s28], $0x80, v14, vm0, $0xb8;
	[tilespmem:$0x19E80] =	vst v63  }
0x84: {  	s9 =	simm.s32 $0x3400  }
0x85: {  	[tilespmem:s9], [sflag:$0x1] =	stream.indirect_vreg.gather [hbm4b:s4+s28], $0x80, v13, vm0, $0xb8;
	[tilespmem:$0x19E80] =	vst v63  }
0x86: {  	v13 =	vld [tilespmem:$0x2A10];
	_ =	sdelay $0x4  }
0x87: {  	v14 =	vshll.u32 v13, $0x1  }
0x88: {  	v13 =	vand.u32 $0x7, v13;
	v14 =	vand.u32 $0xFFFFFFF0, v14  }
0x89: {  	v13 =	vor.u32 v13, v14  }
0x8a: {  	v14 =	vperm.xlane v13, v8;
	_ =	sdelay $0x1  }
0x8b: {  	v13 =	vperm.xlane v13, v10;
	v14 =	vadd.s32 v9, v14;
	_ =	sdelay $0x1  }
0x8c: {  	v13 =	vadd.s32 v9, v13;
	_ =	sdelay $0x1  }
0x8d: {  	s10 =	simm.s32 $0x3C00  }
0x8e: {  	[tilespmem:s10], [sflag:$0x1] =	stream.indirect_vreg.gather [hbm4b:s4+s28], $0x80, v14, vm0, $0xb8;
	[tilespmem:$0x19E80] =	vst v63  }
0x8f: {  	s12 =	simm.s32 $0x4400  }
0x90: {  	[tilespmem:s12], [sflag:$0x1] =	stream.indirect_vreg.gather [hbm4b:s4+s28], $0x80, v13, vm0, $0xb8;
	[tilespmem:$0x19E80] =	vst v63  }
0x91: {  	v13 =	vld [tilespmem:$0x2A20];
	_ =	sdelay $0x4  }
0x92: {  	v14 =	vshll.u32 v13, $0x1  }
0x93: {  	v13 =	vand.u32 $0x7, v13;
	v14 =	vand.u32 $0xFFFFFFF0, v14  }
0x94: {  	v13 =	vor.u32 v13, v14  }
0x95: {  	v14 =	vperm.xlane v13, v8;
	_ =	sdelay $0x1  }
0x96: {  	v13 =	vperm.xlane v13, v10;
	v14 =	vadd.s32 v9, v14;
	_ =	sdelay $0x1  }
0x97: {  	v13 =	vadd.s32 v9, v13;
	_ =	sdelay $0x1  }
0x98: {  	s13 =	simm.s32 $0x4C00  }
0x99: {  	[tilespmem:s13], [sflag:$0x1] =	stream.indirect_vreg.gather [hbm4b:s4+s28], $0x80, v14, vm0, $0xb8;
	[tilespmem:$0x19E80] =	vst v63  }
0x9a: {  	s14 =	simm.s32 $0x5400  }
0x9b: {  	[tilespmem:s14], [sflag:$0x1] =	stream.indirect_vreg.gather [hbm4b:s4+s28], $0x80, v13, vm0, $0xb8;
	[tilespmem:$0x19E80] =	vst v63  }
0x9c: {  	v13 =	vld [tilespmem:$0x2A30];
	_ =	sdelay $0x4  }
0x9d: {  	v14 =	vshll.u32 v13, $0x1  }
0x9e: {  	v13 =	vand.u32 $0x7, v13;
	v14 =	vand.u32 $0xFFFFFFF0, v14  }
0x9f: {  	v13 =	vor.u32 v13, v14  }
0xa0: {  	v14 =	vperm.xlane v13, v8;
	_ =	sdelay $0x1  }
0xa1: {  	v13 =	vperm.xlane v13, v10;
	v14 =	vadd.s32 v9, v14;
	_ =	sdelay $0x1  }
0xa2: {  	v13 =	vadd.s32 v9, v13;
	_ =	sdelay $0x1  }
0xa3: {  	s1 =	simm.s32 $0x5C00  }
0xa4: {  	[tilespmem:s1], [sflag:$0x1] =	stream.indirect_vreg.gather [hbm4b:s4+s28], $0x80, v14, vm0, $0xb8;
	[tilespmem:$0x19E80] =	vst v63  }
0xa5: {  	s3 =	simm.s32 $0x6400  }
0xa6: {  	[tilespmem:s3], [sflag:$0x1] =	stream.indirect_vreg.gather [hbm4b:s4+s28], $0x80, v13, vm0, $0xb8;
	[tilespmem:$0x19E80] =	vst v63  }
0xa7: {  	v13 =	vld [tilespmem:$0x2980];
	_ =	sdelay $0x3  }
0xa8: {  	v14 =	vld [tilespmem:$0x2A00]  }
0xa9: {  	v13 =	vsub.s32 v13, v1  }
0xaa: {  	vm1 =	vgt.s32 v13, $0x0  }
0xab: {  	v13 =	vnsel vm1, $0x0, v13  }
0xac: {  	v13 =	vmin.u32 v13, $0x9F;
	_ =	sdelay $0x3  }
0xad: {  	v14 =	vld.idx.msk [tilespmem:v14+s17+$0x0], $0xffff  }
0xae: {  	v15 =	vld.idx.msk [tilespmem:v13+s18+$0x0], $0xffff;
	_ =	sdelay $0x1  }
0xaf: {  	v16 =	vld [tilespmem:$0x2A80];
	_ =	sdelay $0x2  }
0xb0: {  	v14 =	vadd.f32 v14, v15;
	_ =	sdelay $0x1  }
0xb1: {  	v14 =	vmul.f32 v14, v16;
	_ =	sdelay $0x1  }
0xb2: {  	v15 =	vmul.f32 $9.999999770e-03, v14  }
0xb3: {  	vm1 =	vge.f32 v14, $0.0e+00  }
0xb4: {  	v14 =	vsel vm1, v14, v15  }
0xb5: {  	v14 =	vmax.f32 v14, $-2.000000000e+00  }
0xb6: {  	v14 =	vmin.f32 v14, $2.000000000e+00  }
0xb7: {  	v14 =	vmul.f32 $1.442695020e+00, v14;
	_ =	sdelay $0x1  }
0xb8: {  	(erf) = vpow2.f32 v14;
	v14 =	vld [tilespmem:$0x2990];
	_ =	sdelay $0x3  }
0xb9: {  	v15 =	vld [tilespmem:$0x2A10]  }
0xba: {  	v14 =	vsub.s32 v14, v1  }
0xbb: {  	vm1 =	vgt.s32 v14, $0x0  }
0xbc: {  	v55 =	vadd.s32 s30, v6;
	v14 =	vnsel vm1, $0x0, v14  }
0xbd: {  	vm2 =	vlt.s32 v55, v12;
	vm1 =	vge.s32 v55, v11;
	v14 =	vmin.u32 v14, $0x9F  }
0xbe: {  	vm1 =	vmand vm1, vm2;
	v56 =	vpop (erf)  }
0xbf: {  	[tilespmem:$0x2B00] =	vst v13;
	v16 =	vnsel vm1, $0x0, v56  }
0xc0: {  	[tilespmem:$0x2B80] =	vst v16  }
0xc1: {  	v15 =	vld.idx.msk [tilespmem:v15+s17+$0x0], $0xffff  }
0xc2: {  	v13 =	vld.idx.msk [tilespmem:v14+s18+$0x0], $0xffff;
	_ =	sdelay $0x1  }
0xc3: {  	v57 =	vld [tilespmem:$0x2A90];
	_ =	sdelay $0x2  }
0xc4: {  	v13 =	vadd.f32 v15, v13;
	_ =	sdelay $0x1  }
0xc5: {  	v13 =	vmul.f32 v13, v57;
	_ =	sdelay $0x1  }
0xc6: {  	v15 =	vmul.f32 $9.999999770e-03, v13  }
0xc7: {  	vm1 =	vge.f32 v13, $0.0e+00  }
0xc8: {  	v13 =	vsel vm1, v13, v15  }
0xc9: {  	v13 =	vmax.f32 v13, $-2.000000000e+00  }
0xca: {  	v13 =	vmin.f32 v13, $2.000000000e+00  }
0xcb: {  	v13 =	vmul.f32 $1.442695020e+00, v13;
	_ =	sdelay $0x1  }
0xcc: {  	(erf) = vpow2.f32 v13;
	v13 =	vld [tilespmem:$0x29A0];
	_ =	sdelay $0x3  }
0xcd: {  	v15 =	vld [tilespmem:$0x2A20]  }
0xce: {  	v13 =	vsub.s32 v13, v1  }
0xcf: {  	s5 =	sadd.s32 $0x10, s30;
	vm1 =	vgt.s32 v13, $0x0  }
0xd0: {  	v58 =	vadd.s32 s5, v6;
	v13 =	vnsel vm1, $0x0, v13  }
0xd1: {  	vm2 =	vlt.s32 v58, v12;
	vm1 =	vge.s32 v58, v11;
	v13 =	vmin.u32 v13, $0x9F  }
0xd2: {  	vm1 =	vmand vm1, vm2;
	v59 =	vpop (erf)  }
0xd3: {  	[tilespmem:$0x2B10] =	vst v14;
	v16 =	vnsel vm1, $0x0, v59  }
0xd4: {  	[tilespmem:$0x2B90] =	vst v16  }
0xd5: {  	v15 =	vld.idx.msk [tilespmem:v15+s17+$0x0], $0xffff  }
0xd6: {  	v14 =	vld.idx.msk [tilespmem:v13+s18+$0x0], $0xffff;
	_ =	sdelay $0x1  }
0xd7: {  	v60 =	vld [tilespmem:$0x2AA0];
	_ =	sdelay $0x2  }
0xd8: {  	v14 =	vadd.f32 v15, v14;
	_ =	sdelay $0x1  }
0xd9: {  	v14 =	vmul.f32 v14, v60;
	_ =	sdelay $0x1  }
0xda: {  	v15 =	vmul.f32 $9.999999770e-03, v14  }
0xdb: {  	vm1 =	vge.f32 v14, $0.0e+00  }
0xdc: {  	v14 =	vsel vm1, v14, v15  }
0xdd: {  	v14 =	vmax.f32 v14, $-2.000000000e+00  }
0xde: {  	v14 =	vmin.f32 v14, $2.000000000e+00  }
0xdf: {  	v14 =	vmul.f32 $1.442695020e+00, v14;
	_ =	sdelay $0x1  }
0xe0: {  	(erf) = vpow2.f32 v14;
	v14 =	vld [tilespmem:$0x29B0];
	_ =	sdelay $0x3  }
0xe1: {  	v15 =	vld [tilespmem:$0x2A30]  }
0xe2: {  	v14 =	vsub.s32 v14, v1  }
0xe3: {  	s9 =	sadd.s32 $0x20, s30;
	vm1 =	vgt.s32 v14, $0x0  }
0xe4: {  	v61 =	vadd.s32 s9, v6;
	v14 =	vnsel vm1, $0x0, v14  }
0xe5: {  	vm2 =	vlt.s32 v61, v12;
	vm1 =	vge.s32 v61, v11;
	v14 =	vmin.u32 v14, $0x9F  }
0xe6: {  	vm1 =	vmand vm1, vm2;
	v62 =	vpop (erf)  }
0xe7: {  	[tilespmem:$0x2B20] =	vst v13;
	v16 =	vnsel vm1, $0x0, v62  }
0xe8: {  	[tilespmem:$0x2BA0] =	vst v16  }
0xe9: {  	v15 =	vld.idx.msk [tilespmem:v15+s17+$0x0], $0xffff  }
0xea: {  	v13 =	vld.idx.msk [tilespmem:v14+s18+$0x0], $0xffff;
	_ =	sdelay $0x1  }
0xeb: {  	v63 =	vld [tilespmem:$0x2AB0];
	_ =	sdelay $0x2  }
0xec: {  	v13 =	vadd.f32 v15, v13;
	_ =	sdelay $0x1  }
0xed: {  	v13 =	vmul.f32 v13, v63;
	_ =	sdelay $0x1  }
0xee: {  	v15 =	vmul.f32 $9.999999770e-03, v13  }
0xef: {  	vm1 =	vge.f32 v13, $0.0e+00  }
0xf0: {  	v13 =	vsel vm1, v13, v15  }
0xf1: {  	v13 =	vmax.f32 v13, $-2.000000000e+00  }
0xf2: {  	v13 =	vmin.f32 v13, $2.000000000e+00  }
0xf3: {  	v13 =	vmul.f32 $1.442695020e+00, v13;
	_ =	sdelay $0x1  }
0xf4: {  	(erf) = vpow2.f32 v13;
	_ =	sdelay $0x4  }
0xf5: {  	s10 =	sadd.s32 $0x30, s30  }
0xf6: {  	v13 =	vadd.s32 s10, v6;
	_ =	sdelay $0x1  }
0xf7: {  	vm1 =	vge.s32 v13, v11;
	vm2 =	vlt.s32 v13, v12  }
0xf8: {  	s31 =	sadd.s32 $0x40, s30;
	vm1 =	vmand vm1, vm2;
	v13 =	vpop (erf)  }
0xf9: {  	s12 =	sshrl.u32 s31, $0x3;
	[tilespmem:$0x2B30] =	vst v14;
	v13 =	vnsel vm1, $0x0, v13  }
0xfa: {  	s13 =	sadd.s32 s6, s12;
	s14 =	simm.s32 $0x6C00;
	[tilespmem:$0x2BB0] =	vst v13  }
0xfb: {  	[tilespmem:s14], [sflag:$0x3] =	stream.linear.gather [hbm4b:s13+s28], $0x40, $0x38;
	[tilespmem:$0x19E80] =	vst v63  }
0xfc: {  	_ =	swait.ge [sflag:s16], $0x40  }
0xfd: {  	[sflag:s16] =	ssyncset.done $0x0  }
0xfe: {  	s9 =	simm.s32 $0x6C80;
	s5 =	sadd.s32 s7, s12;
	[sflag:s16] =	ssyncadd.s32 $0xFFFFFFC0  }
0xff: {  	[tilespmem:s9], [sflag:$0x3] =	stream.linear.gather [hbm4b:s5+s28], $0x40, $0x38;
	[tilespmem:$0x19E80] =	vst v63  }
0x100: {  	_ =	swait.ge [sflag:s16], $0x40  }
0x101: {  	[sflag:s16] =	ssyncset.done $0x0  }
0x102: {  	s0 =	sadd.s32 s8, s12;
	s10 =	simm.s32 $0x6D00;
	[sflag:s16] =	ssyncadd.s32 $0xFFFFFFC0  }
0x103: {  	[tilespmem:s10], [sflag:$0x3] =	stream.linear.gather [hbm4b:s0+s28], $0x40, $0x38;
	[tilespmem:$0x19E80] =	vst v63  }
0x104: {  	_ =	swait.ge [sflag:s16], $0x40  }
0x105: {  	[sflag:s16] =	ssyncset.done $0x0  }
0x106: {  	[sflag:s16] =	ssyncadd.s32 $0xFFFFFFC0  }
0x107: {  	v13 =	vld [tilespmem:$0x6C80];
	_ =	sdelay $0x4  }
0x108: {  	v14 =	vshll.u32 v13, $0x1  }
0x109: {  	v13 =	vand.u32 $0x7, v13;
	v14 =	vand.u32 $0xFFFFFFF0, v14  }
0x10a: {  	v13 =	vor.u32 v13, v14  }
0x10b: {  	v14 =	vperm.xlane v13, v8;
	_ =	sdelay $0x1  }
0x10c: {  	v13 =	vperm.xlane v13, v10;
	v14 =	vadd.s32 v9, v14;
	_ =	sdelay $0x1  }
0x10d: {  	v13 =	vadd.s32 v9, v13;
	_ =	sdelay $0x1  }
0x10e: {  	s12 =	simm.s32 $0x6E80  }
0x10f: {  	[tilespmem:s12], [sflag:$0x2] =	stream.indirect_vreg.gather [hbm4b:s4+s28], $0x80, v14, vm0, $0xb8;
	[tilespmem:$0x19E80] =	vst v63  }
0x110: {  	s13 =	simm.s32 $0x7680  }
0x111: {  	[tilespmem:s13], [sflag:$0x2] =	stream.indirect_vreg.gather [hbm4b:s4+s28], $0x80, v13, vm0, $0xb8;
	[tilespmem:$0x19E80] =	vst v63  }
0x112: {  	v13 =	vld [tilespmem:$0x6C90];
	_ =	sdelay $0x4  }
0x113: {  	v14 =	vshll.u32 v13, $0x1  }
0x114: {  	v13 =	vand.u32 $0x7, v13;
	v14 =	vand.u32 $0xFFFFFFF0, v14  }
0x115: {  	v13 =	vor.u32 v13, v14  }
0x116: {  	v14 =	vperm.xlane v13, v8;
	_ =	sdelay $0x1  }
0x117: {  	v13 =	vperm.xlane v13, v10;
	v14 =	vadd.s32 v9, v14;
	_ =	sdelay $0x1  }
0x118: {  	v13 =	vadd.s32 v9, v13;
	_ =	sdelay $0x1  }
0x119: {  	s14 =	simm.s32 $0x7E80  }
0x11a: {  	[tilespmem:s14], [sflag:$0x2] =	stream.indirect_vreg.gather [hbm4b:s4+s28], $0x80, v14, vm0, $0xb8;
	[tilespmem:$0x19E80] =	vst v63  }
0x11b: {  	s1 =	simm.s32 $0x8680  }
0x11c: {  	[tilespmem:s1], [sflag:$0x2] =	stream.indirect_vreg.gather [hbm4b:s4+s28], $0x80, v13, vm0, $0xb8;
	[tilespmem:$0x19E80] =	vst v63  }
0x11d: {  	v13 =	vld [tilespmem:$0x6CA0];
	_ =	sdelay $0x4  }
0x11e: {  	v14 =	vshll.u32 v13, $0x1  }
0x11f: {  	v13 =	vand.u32 $0x7, v13;
	v14 =	vand.u32 $0xFFFFFFF0, v14  }
0x120: {  	v13 =	vor.u32 v13, v14  }
0x121: {  	v14 =	vperm.xlane v13, v8;
	_ =	sdelay $0x1  }
0x122: {  	v13 =	vperm.xlane v13, v10;
	v14 =	vadd.s32 v9, v14;
	_ =	sdelay $0x1  }
0x123: {  	v13 =	vadd.s32 v9, v13;
	_ =	sdelay $0x1  }
0x124: {  	s3 =	simm.s32 $0x8E80  }
0x125: {  	[tilespmem:s3], [sflag:$0x2] =	stream.indirect_vreg.gather [hbm4b:s4+s28], $0x80, v14, vm0, $0xb8;
	[tilespmem:$0x19E80] =	vst v63  }
0x126: {  	s5 =	simm.s32 $0x9680  }
0x127: {  	[tilespmem:s5], [sflag:$0x2] =	stream.indirect_vreg.gather [hbm4b:s4+s28], $0x80, v13, vm0, $0xb8;
	[tilespmem:$0x19E80] =	vst v63  }
0x128: {  	v13 =	vld [tilespmem:$0x6CB0];
	_ =	sdelay $0x4  }
0x129: {  	v14 =	vshll.u32 v13, $0x1  }
0x12a: {  	v13 =	vand.u32 $0x7, v13;
	v14 =	vand.u32 $0xFFFFFFF0, v14  }
0x12b: {  	v13 =	vor.u32 v13, v14  }
0x12c: {  	v14 =	vperm.xlane v13, v8;
	_ =	sdelay $0x1  }
0x12d: {  	v13 =	vperm.xlane v13, v10;
	v14 =	vadd.s32 v9, v14;
	_ =	sdelay $0x1  }
0x12e: {  	v13 =	vadd.s32 v9, v13;
	_ =	sdelay $0x2  }
0x12f: {  	[tilespmem:s11], [sflag:$0x2] =	stream.indirect_vreg.gather [hbm4b:s4+s28], $0x80, v14, vm0, $0xb8;
	[tilespmem:$0x19E80] =	vst v63  }
0x130: {  	v14 =	vmov s28  }
0x131: {  	[tilespmem:s15], [sflag:$0x2] =	stream.indirect_vreg.gather [hbm4b:s4+s28], $0x80, v13, vm0, $0xb8;
	[tilespmem:$0x19E80] =	vst v63  }
0x132: {  	_ =	swait.ge [sflag:s19], $0x4000  }
0x133: {  	[sflag:s19] =	ssyncset.done $0x0  }
0x134: {  	[sflag:s19] =	ssyncadd.s32 $0xFFFFC000  }
0x135: {  	v13 =	vld.idx.msk [tilespmem:v14+s20+$0x0], $0xffff;
	_ =	sdelay $0x4  }
0x136: {  	(v2sf) =	vpush v13, $0x0;
	_ =	sdelay $0xc  }
0x137: {  	v13 =	vld.idx.msk [tilespmem:v14+s21+$0x0], $0xffff;
	_ =	sdelay $0x1  }
0x138: {  	s9 =	spop (v2sf)  }
0x139: {  	s10 =	sshll.u32 s9, $0x9  }
0x13a: {  	s12 =	sand.u32 $0x3800, s28;
	s5 =	sand.u32 $0x380, s28;
	s1 =	sshra.s32 s10, $0x2  }
0x13b: {  	s3 =	sor.u32 s5, s12;
	[tilespmem:s1+$0x14E80] =	vst.add.f32.msk $0xffff, v13  }
0x13c: {  	v14 =	vld [tilespmem:s3+$0x2C00];
	_ =	sdelay $0x3  }
0x13d: {  	s13 =	sshll.u32 s9, $0x8;
	s0 =	sshll.u32 s9, $0x7  }
0x13e: {  	s0 =	sand.u32 $0x380, s0;
	s1 =	sand.u32 $0xFFFFF800, s13;
	v14 =	vmul.f32 v14, v13  }
0x13f: {  	s1 =	sor.u32 s0, s1  }
0x140: {  	[tilespmem:s1+$0xAE80] =	vst.add.f32.msk $0xffff, v14  }
0x141: {  	v14 =	vld [tilespmem:s3+$0x2C10];
	_ =	sdelay $0x4  }
0x142: {  	v14 =	vmul.f32 v14, v13;
	_ =	sdelay $0x1  }
0x143: {  	[tilespmem:s1+$0xAE90] =	vst.add.f32.msk $0xffff, v14  }
0x144: {  	v14 =	vld [tilespmem:s3+$0x2C20];
	_ =	sdelay $0x4  }
0x145: {  	v14 =	vmul.f32 v14, v13;
	_ =	sdelay $0x1  }
0x146: {  	[tilespmem:s1+$0xAEA0] =	vst.add.f32.msk $0xffff, v14  }
0x147: {  	v14 =	vld [tilespmem:s3+$0x2C30];
	_ =	sdelay $0x4  }
0x148: {  	v14 =	vmul.f32 v14, v13;
	_ =	sdelay $0x1  }
0x149: {  	[tilespmem:s1+$0xAEB0] =	vst.add.f32.msk $0xffff, v14  }
0x14a: {  	v14 =	vld [tilespmem:s3+$0x2C40];
	_ =	sdelay $0x4  }
0x14b: {  	v14 =	vmul.f32 v14, v13;
	_ =	sdelay $0x1  }
0x14c: {  	[tilespmem:s1+$0xAEC0] =	vst.add.f32.msk $0xffff, v14  }
0x14d: {  	v14 =	vld [tilespmem:s3+$0x2C50];
	_ =	sdelay $0x4  }
0x14e: {  	v14 =	vmul.f32 v14, v13;
	_ =	sdelay $0x1  }
0x14f: {  	[tilespmem:s1+$0xAED0] =	vst.add.f32.msk $0xffff, v14  }
0x150: {  	v14 =	vld [tilespmem:s3+$0x2C60];
	_ =	sdelay $0x4  }
0x151: {  	v14 =	vmul.f32 v14, v13;
	_ =	sdelay $0x1  }
0x152: {  	[tilespmem:s1+$0xAEE0] =	vst.add.f32.msk $0xffff, v14  }
0x153: {  	v14 =	vld [tilespmem:s3+$0x2C70];
	_ =	sdelay $0x4  }
0x154: {  	v14 =	vmul.f32 v14, v13;
	_ =	sdelay $0x1  }
0x155: {  	[tilespmem:s1+$0xAEF0] =	vst.add.f32.msk $0xffff, v14  }
0x156: {  	v14 =	vld [tilespmem:s3+$0x3000];
	_ =	sdelay $0x4  }
0x157: {  	v14 =	vmul.f32 v14, v13;
	_ =	sdelay $0x1  }
0x158: {  	[tilespmem:s1+$0xB280] =	vst.add.f32.msk $0xffff, v14  }
0x159: {  	v14 =	vld [tilespmem:s3+$0x3010];
	_ =	sdelay $0x4  }
0x15a: {  	v14 =	vmul.f32 v14, v13;
	_ =	sdelay $0x1  }
0x15b: {  	[tilespmem:s1+$0xB290] =	vst.add.f32.msk $0xffff, v14  }
0x15c: {  	v14 =	vld [tilespmem:s3+$0x3020];
	_ =	sdelay $0x4  }
0x15d: {  	v14 =	vmul.f32 v14, v13;
	_ =	sdelay $0x1  }
0x15e: {  	[tilespmem:s1+$0xB2A0] =	vst.add.f32.msk $0xffff, v14  }
0x15f: {  	v14 =	vld [tilespmem:s3+$0x3030];
	_ =	sdelay $0x4  }
0x160: {  	v14 =	vmul.f32 v14, v13;
	_ =	sdelay $0x1  }
0x161: {  	[tilespmem:s1+$0xB2B0] =	vst.add.f32.msk $0xffff, v14  }
0x162: {  	v14 =	vld [tilespmem:s3+$0x3040];
	_ =	sdelay $0x4  }
0x163: {  	v14 =	vmul.f32 v14, v13;
	_ =	sdelay $0x1  }
0x164: {  	[tilespmem:s1+$0xB2C0] =	vst.add.f32.msk $0xffff, v14  }
0x165: {  	v14 =	vld [tilespmem:s3+$0x3050];
	_ =	sdelay $0x4  }
0x166: {  	v14 =	vmul.f32 v14, v13;
	_ =	sdelay $0x1  }
0x167: {  	[tilespmem:s1+$0xB2D0] =	vst.add.f32.msk $0xffff, v14  }
0x168: {  	v14 =	vld [tilespmem:s3+$0x3060];
	_ =	sdelay $0x4  }
0x169: {  	v14 =	vmul.f32 v14, v13;
	_ =	sdelay $0x1  }
0x16a: {  	[tilespmem:s1+$0xB2E0] =	vst.add.f32.msk $0xffff, v14  }
0x16b: {  	v15 =	vld [tilespmem:s3+$0x3070];
	_ =	sdelay $0x1  }
0x16c: {  	s14 =	simm.s32 $0x1  }
0x16d: {  	v14 =	vmov s14;
	_ =	sdelay $0x1  }
0x16e: {  	s10 =	simm.s32 $0x2;
	s0 =	simm.s32 $0x0;
	s3 =	simm.s32 $0x0;
	v13 =	vmul.f32 v15, v13  }
.LBB2_6:
0x16f: {  	s0 =	sadd.s32 $0x80, s0  }
0x170: {  	s3 =	sadd.s32 $0x100, s3;
	s9 =	smov.u32 s10;
	s5 =	sadd.s32 $0x1, s10;
	[tilespmem:s1+$0xB2F0] =	vst.add.f32.msk $0xffff, v13  }
0x171: {  	p1 =	sne.s32 s10, $0x3F;
	v13 =	vld.idx.msk [tilespmem:v14+s20+$0x0], $0xffff;
	_ =	sdelay $0x5  }
0x172: {  	(v2sf) =	vpush v13, $0x0;
	_ =	sdelay $0xb  }
0x173: {  	v13 =	vld.idx.msk [tilespmem:v14+s21+$0x0], $0xffff;
	_ =	sdelay $0x2  }
0x174: {  	s1 =	sand.u32 $0x3800, s3;
	s10 =	sand.u32 $0x380, s0;
	s12 =	spop (v2sf)  }
0x175: {  	s13 =	sshll.u32 s12, $0x9;
	s14 =	sshll.u32 s12, $0x8;
	s12 =	sshll.u32 s12, $0x7  }
0x176: {  	s13 =	sshra.s32 s13, $0x2;
	s14 =	sand.u32 $0xFFFFF800, s14;
	s12 =	sand.u32 $0x380, s12  }
0x177: {  	s10 =	sor.u32 s10, s1;
	[tilespmem:s13+$0x14E80] =	vst.add.f32.msk $0xffff, v13  }
0x178: {  	v14 =	vld [tilespmem:s10+$0x2C00];
	_ =	sdelay $0x4  }
0x179: {  	v14 =	vmul.f32 v14, v13  }
0x17a: {  	s1 =	sor.u32 s12, s14  }
0x17b: {  	[tilespmem:s1+$0xAE80] =	vst.add.f32.msk $0xffff, v14  }
0x17c: {  	v14 =	vld [tilespmem:s10+$0x2C10];
	_ =	sdelay $0x4  }
0x17d: {  	v14 =	vmul.f32 v14, v13;
	_ =	sdelay $0x1  }
0x17e: {  	[tilespmem:s1+$0xAE90] =	vst.add.f32.msk $0xffff, v14  }
0x17f: {  	v14 =	vld [tilespmem:s10+$0x2C20];
	_ =	sdelay $0x4  }
0x180: {  	v14 =	vmul.f32 v14, v13;
	_ =	sdelay $0x1  }
0x181: {  	[tilespmem:s1+$0xAEA0] =	vst.add.f32.msk $0xffff, v14  }
0x182: {  	v14 =	vld [tilespmem:s10+$0x2C30];
	_ =	sdelay $0x4  }
0x183: {  	v14 =	vmul.f32 v14, v13;
	_ =	sdelay $0x1  }
0x184: {  	[tilespmem:s1+$0xAEB0] =	vst.add.f32.msk $0xffff, v14  }
0x185: {  	v14 =	vld [tilespmem:s10+$0x2C40];
	_ =	sdelay $0x4  }
0x186: {  	v14 =	vmul.f32 v14, v13;
	_ =	sdelay $0x1  }
0x187: {  	[tilespmem:s1+$0xAEC0] =	vst.add.f32.msk $0xffff, v14  }
0x188: {  	v14 =	vld [tilespmem:s10+$0x2C50];
	_ =	sdelay $0x4  }
0x189: {  	v14 =	vmul.f32 v14, v13;
	_ =	sdelay $0x1  }
0x18a: {  	[tilespmem:s1+$0xAED0] =	vst.add.f32.msk $0xffff, v14  }
0x18b: {  	v14 =	vld [tilespmem:s10+$0x2C60];
	_ =	sdelay $0x4  }
0x18c: {  	v14 =	vmul.f32 v14, v13;
	_ =	sdelay $0x1  }
0x18d: {  	[tilespmem:s1+$0xAEE0] =	vst.add.f32.msk $0xffff, v14  }
0x18e: {  	v14 =	vld [tilespmem:s10+$0x2C70];
	_ =	sdelay $0x4  }
0x18f: {  	v14 =	vmul.f32 v14, v13;
	_ =	sdelay $0x1  }
0x190: {  	[tilespmem:s1+$0xAEF0] =	vst.add.f32.msk $0xffff, v14  }
0x191: {  	v14 =	vld [tilespmem:s10+$0x3000];
	_ =	sdelay $0x4  }
0x192: {  	v14 =	vmul.f32 v14, v13;
	_ =	sdelay $0x1  }
0x193: {  	[tilespmem:s1+$0xB280] =	vst.add.f32.msk $0xffff, v14  }
0x194: {  	v14 =	vld [tilespmem:s10+$0x3010];
	_ =	sdelay $0x4  }
0x195: {  	v14 =	vmul.f32 v14, v13;
	_ =	sdelay $0x1  }
0x196: {  	[tilespmem:s1+$0xB290] =	vst.add.f32.msk $0xffff, v14  }
0x197: {  	v14 =	vld [tilespmem:s10+$0x3020];
	_ =	sdelay $0x4  }
0x198: {  	v14 =	vmul.f32 v14, v13;
	_ =	sdelay $0x1  }
0x199: {  	[tilespmem:s1+$0xB2A0] =	vst.add.f32.msk $0xffff, v14  }
0x19a: {  	v14 =	vld [tilespmem:s10+$0x3030];
	_ =	sdelay $0x4  }
0x19b: {  	v14 =	vmul.f32 v14, v13;
	_ =	sdelay $0x1  }
0x19c: {  	[tilespmem:s1+$0xB2B0] =	vst.add.f32.msk $0xffff, v14  }
0x19d: {  	v14 =	vld [tilespmem:s10+$0x3040];
	_ =	sdelay $0x4  }
0x19e: {  	v14 =	vmul.f32 v14, v13;
	_ =	sdelay $0x1  }
0x19f: {  	[tilespmem:s1+$0xB2C0] =	vst.add.f32.msk $0xffff, v14  }
0x1a0: {  	v14 =	vld [tilespmem:s10+$0x3050];
	_ =	sdelay $0x4  }
0x1a1: {  	v14 =	vmul.f32 v14, v13;
	_ =	sdelay $0x1  }
0x1a2: {  	[tilespmem:s1+$0xB2D0] =	vst.add.f32.msk $0xffff, v14  }
0x1a3: {  	v14 =	vld [tilespmem:s10+$0x3060];
	_ =	sdelay $0x4  }
0x1a4: {  	v14 =	vmul.f32 v14, v13;
	_ =	sdelay $0x1  }
0x1a5: {  	[tilespmem:s1+$0xB2E0] =	vst.add.f32.msk $0xffff, v14  }
0x1a6: {  	v15 =	vld [tilespmem:s10+$0x3070]  }
.Ltmp4:
0x1a7: {  	(pc) =	sbr.rel @p1 .LBB2_6-.Ltmp4, $3  }
0x1a8: {  	_ = 	snop  }
0x1a9: {  	v14 =	vmov s9;
	_ =	sdelay $0x1  }
0x1aa: {  	s10 =	smov.u32 s5;
	v13 =	vmul.f32 v15, v13  }
0x1ab: {  	_ =	sdelay $0x2  }
0x1ac: {  	[tilespmem:s1+$0xB2F0] =	vst.add.f32.msk $0xffff, v13  }
0x1ad: {  	v13 =	vld.idx.msk [tilespmem:v14+s20+$0x0], $0xffff;
	_ =	sdelay $0x4  }
0x1ae: {  	(v2sf) =	vpush v13, $0x0;
	_ =	sdelay $0xc  }
0x1af: {  	v13 =	vld.idx.msk [tilespmem:v14+s21+$0x0], $0xffff;
	_ =	sdelay $0x1  }
0x1b0: {  	s13 =	spop (v2sf)  }
0x1b1: {  	s0 =	sadd.s32 $0x80, s0;
	s3 =	sadd.s32 $0x100, s3;
	s5 =	sshll.u32 s13, $0x9  }
0x1b2: {  	s3 =	sand.u32 $0x3800, s3;
	s0 =	sand.u32 $0x380, s0;
	s5 =	sshra.s32 s5, $0x2  }
0x1b3: {  	s0 =	sor.u32 s0, s3;
	[tilespmem:s5+$0x14E80] =	vst.add.f32.msk $0xffff, v13  }
0x1b4: {  	v14 =	vld [tilespmem:s0+$0x2C00];
	_ =	sdelay $0x3  }
0x1b5: {  	s14 =	sshll.u32 s13, $0x8;
	s1 =	sshll.u32 s13, $0x7  }
0x1b6: {  	s3 =	sand.u32 $0xFFFFF800, s14;
	s1 =	sand.u32 $0x380, s1;
	v14 =	vmul.f32 v14, v13  }
0x1b7: {  	s1 =	sor.u32 s1, s3  }
0x1b8: {  	[tilespmem:s1+$0xAE80] =	vst.add.f32.msk $0xffff, v14  }
0x1b9: {  	v14 =	vld [tilespmem:s0+$0x2C10];
	_ =	sdelay $0x4  }
0x1ba: {  	v14 =	vmul.f32 v14, v13;
	_ =	sdelay $0x1  }
0x1bb: {  	[tilespmem:s1+$0xAE90] =	vst.add.f32.msk $0xffff, v14  }
0x1bc: {  	v14 =	vld [tilespmem:s0+$0x2C20];
	_ =	sdelay $0x4  }
0x1bd: {  	v14 =	vmul.f32 v14, v13;
	_ =	sdelay $0x1  }
0x1be: {  	[tilespmem:s1+$0xAEA0] =	vst.add.f32.msk $0xffff, v14  }
0x1bf: {  	v14 =	vld [tilespmem:s0+$0x2C30];
	_ =	sdelay $0x4  }
0x1c0: {  	v14 =	vmul.f32 v14, v13;
	_ =	sdelay $0x1  }
0x1c1: {  	[tilespmem:s1+$0xAEB0] =	vst.add.f32.msk $0xffff, v14  }
0x1c2: {  	v14 =	vld [tilespmem:s0+$0x2C40];
	_ =	sdelay $0x4  }
0x1c3: {  	v14 =	vmul.f32 v14, v13;
	_ =	sdelay $0x1  }
0x1c4: {  	[tilespmem:s1+$0xAEC0] =	vst.add.f32.msk $0xffff, v14  }
0x1c5: {  	v14 =	vld [tilespmem:s0+$0x2C50];
	_ =	sdelay $0x4  }
0x1c6: {  	v14 =	vmul.f32 v14, v13;
	_ =	sdelay $0x1  }
0x1c7: {  	[tilespmem:s1+$0xAED0] =	vst.add.f32.msk $0xffff, v14  }
0x1c8: {  	v14 =	vld [tilespmem:s0+$0x2C60];
	_ =	sdelay $0x4  }
0x1c9: {  	v14 =	vmul.f32 v14, v13;
	_ =	sdelay $0x1  }
0x1ca: {  	[tilespmem:s1+$0xAEE0] =	vst.add.f32.msk $0xffff, v14  }
0x1cb: {  	v14 =	vld [tilespmem:s0+$0x2C70];
	_ =	sdelay $0x4  }
0x1cc: {  	v14 =	vmul.f32 v14, v13;
	_ =	sdelay $0x1  }
0x1cd: {  	[tilespmem:s1+$0xAEF0] =	vst.add.f32.msk $0xffff, v14  }
0x1ce: {  	v14 =	vld [tilespmem:s0+$0x3000];
	_ =	sdelay $0x4  }
0x1cf: {  	v14 =	vmul.f32 v14, v13;
	_ =	sdelay $0x1  }
0x1d0: {  	[tilespmem:s1+$0xB280] =	vst.add.f32.msk $0xffff, v14  }
0x1d1: {  	v14 =	vld [tilespmem:s0+$0x3010];
	_ =	sdelay $0x4  }
0x1d2: {  	v14 =	vmul.f32 v14, v13;
	_ =	sdelay $0x1  }
0x1d3: {  	[tilespmem:s1+$0xB290] =	vst.add.f32.msk $0xffff, v14  }
0x1d4: {  	v14 =	vld [tilespmem:s0+$0x3020];
	_ =	sdelay $0x4  }
0x1d5: {  	v14 =	vmul.f32 v14, v13;
	_ =	sdelay $0x1  }
0x1d6: {  	[tilespmem:s1+$0xB2A0] =	vst.add.f32.msk $0xffff, v14  }
0x1d7: {  	v14 =	vld [tilespmem:s0+$0x3030];
	_ =	sdelay $0x4  }
0x1d8: {  	v14 =	vmul.f32 v14, v13;
	_ =	sdelay $0x1  }
0x1d9: {  	[tilespmem:s1+$0xB2B0] =	vst.add.f32.msk $0xffff, v14  }
0x1da: {  	v14 =	vld [tilespmem:s0+$0x3040];
	_ =	sdelay $0x4  }
0x1db: {  	v14 =	vmul.f32 v14, v13;
	_ =	sdelay $0x1  }
0x1dc: {  	[tilespmem:s1+$0xB2C0] =	vst.add.f32.msk $0xffff, v14  }
0x1dd: {  	v14 =	vld [tilespmem:s0+$0x3050];
	_ =	sdelay $0x4  }
0x1de: {  	v14 =	vmul.f32 v14, v13;
	_ =	sdelay $0x1  }
0x1df: {  	[tilespmem:s1+$0xB2D0] =	vst.add.f32.msk $0xffff, v14  }
0x1e0: {  	v14 =	vld [tilespmem:s0+$0x3060];
	_ =	sdelay $0x4  }
0x1e1: {  	v14 =	vmul.f32 v14, v13;
	_ =	sdelay $0x1  }
0x1e2: {  	[tilespmem:s1+$0xB2E0] =	vst.add.f32.msk $0xffff, v14  }
0x1e3: {  	v14 =	vld [tilespmem:s0+$0x3070];
	_ =	sdelay $0x4  }
0x1e4: {  	v13 =	vmul.f32 v14, v13;
	_ =	sdelay $0x1  }
0x1e5: {  	[tilespmem:s1+$0xB2F0] =	vst.add.f32.msk $0xffff, v13  }
0x1e6: {  	v13 =	vld [tilespmem:$0x6C00];
	_ =	sdelay $0x3  }
0x1e7: {  	v14 =	vld [tilespmem:$0x6C80]  }
0x1e8: {  	v13 =	vsub.s32 v13, v1  }
0x1e9: {  	vm1 =	vgt.s32 v13, $0x0  }
0x1ea: {  	v13 =	vnsel vm1, $0x0, v13  }
0x1eb: {  	v13 =	vmin.u32 v13, $0x9F;
	_ =	sdelay $0x3  }
0x1ec: {  	v14 =	vld.idx.msk [tilespmem:v14+s17+$0x0], $0xffff  }
0x1ed: {  	v15 =	vld.idx.msk [tilespmem:v13+s18+$0x0], $0xffff;
	_ =	sdelay $0x1  }
0x1ee: {  	v16 =	vld [tilespmem:$0x6D00];
	_ =	sdelay $0x2  }
0x1ef: {  	v14 =	vadd.f32 v14, v15;
	_ =	sdelay $0x1  }
0x1f0: {  	v14 =	vmul.f32 v14, v16;
	_ =	sdelay $0x1  }
0x1f1: {  	v15 =	vmul.f32 $9.999999770e-03, v14  }
0x1f2: {  	vm1 =	vge.f32 v14, $0.0e+00  }
0x1f3: {  	v14 =	vsel vm1, v14, v15  }
0x1f4: {  	v14 =	vmax.f32 v14, $-2.000000000e+00  }
0x1f5: {  	v14 =	vmin.f32 v14, $2.000000000e+00  }
0x1f6: {  	v14 =	vmul.f32 $1.442695020e+00, v14;
	_ =	sdelay $0x1  }
0x1f7: {  	(erf) = vpow2.f32 v14;
	v14 =	vld [tilespmem:$0x6C10];
	_ =	sdelay $0x3  }
0x1f8: {  	v15 =	vld [tilespmem:$0x6C90]  }
0x1f9: {  	v14 =	vsub.s32 v14, v1  }
0x1fa: {  	vm1 =	vgt.s32 v14, $0x0  }
0x1fb: {  	v55 =	vadd.s32 s31, v6;
	v14 =	vnsel vm1, $0x0, v14  }
0x1fc: {  	vm2 =	vlt.s32 v55, v12;
	vm1 =	vge.s32 v55, v11;
	v14 =	vmin.u32 v14, $0x9F  }
0x1fd: {  	vm1 =	vmand vm1, vm2;
	v56 =	vpop (erf)  }
0x1fe: {  	[tilespmem:$0x6D80] =	vst v13;
	v16 =	vnsel vm1, $0x0, v56  }
0x1ff: {  	[tilespmem:$0x6E00] =	vst v16  }
0x200: {  	v15 =	vld.idx.msk [tilespmem:v15+s17+$0x0], $0xffff  }
0x201: {  	v13 =	vld.idx.msk [tilespmem:v14+s18+$0x0], $0xffff;
	_ =	sdelay $0x1  }
0x202: {  	v57 =	vld [tilespmem:$0x6D10];
	_ =	sdelay $0x2  }
0x203: {  	v13 =	vadd.f32 v15, v13;
	_ =	sdelay $0x1  }
0x204: {  	v13 =	vmul.f32 v13, v57;
	_ =	sdelay $0x1  }
0x205: {  	v15 =	vmul.f32 $9.999999770e-03, v13  }
0x206: {  	vm1 =	vge.f32 v13, $0.0e+00  }
0x207: {  	v13 =	vsel vm1, v13, v15  }
0x208: {  	v13 =	vmax.f32 v13, $-2.000000000e+00  }
0x209: {  	v13 =	vmin.f32 v13, $2.000000000e+00  }
0x20a: {  	v13 =	vmul.f32 $1.442695020e+00, v13;
	_ =	sdelay $0x1  }
0x20b: {  	(erf) = vpow2.f32 v13;
	v13 =	vld [tilespmem:$0x6C20];
	_ =	sdelay $0x3  }
0x20c: {  	v15 =	vld [tilespmem:$0x6CA0]  }
0x20d: {  	v13 =	vsub.s32 v13, v1  }
0x20e: {  	s1 =	sadd.s32 $0x50, s30;
	vm1 =	vgt.s32 v13, $0x0  }
0x20f: {  	v58 =	vadd.s32 s1, v6;
	v13 =	vnsel vm1, $0x0, v13  }
0x210: {  	vm2 =	vlt.s32 v58, v12;
	vm1 =	vge.s32 v58, v11;
	v13 =	vmin.u32 v13, $0x9F  }
0x211: {  	vm1 =	vmand vm1, vm2;
	v59 =	vpop (erf)  }
0x212: {  	[tilespmem:$0x6D90] =	vst v14;
	v16 =	vnsel vm1, $0x0, v59  }
0x213: {  	[tilespmem:$0x6E10] =	vst v16  }
0x214: {  	v15 =	vld.idx.msk [tilespmem:v15+s17+$0x0], $0xffff  }
0x215: {  	v14 =	vld.idx.msk [tilespmem:v13+s18+$0x0], $0xffff;
	_ =	sdelay $0x1  }
0x216: {  	v60 =	vld [tilespmem:$0x6D20];
	_ =	sdelay $0x2  }
0x217: {  	v14 =	vadd.f32 v15, v14;
	_ =	sdelay $0x1  }
0x218: {  	v14 =	vmul.f32 v14, v60;
	_ =	sdelay $0x1  }
0x219: {  	v15 =	vmul.f32 $9.999999770e-03, v14  }
0x21a: {  	vm1 =	vge.f32 v14, $0.0e+00  }
0x21b: {  	v14 =	vsel vm1, v14, v15  }
0x21c: {  	v14 =	vmax.f32 v14, $-2.000000000e+00  }
0x21d: {  	v14 =	vmin.f32 v14, $2.000000000e+00  }
0x21e: {  	v14 =	vmul.f32 $1.442695020e+00, v14;
	_ =	sdelay $0x1  }
0x21f: {  	(erf) = vpow2.f32 v14;
	v14 =	vld [tilespmem:$0x6C30];
	_ =	sdelay $0x3  }
0x220: {  	v15 =	vld [tilespmem:$0x6CB0]  }
0x221: {  	v14 =	vsub.s32 v14, v1  }
0x222: {  	s3 =	sadd.s32 $0x60, s30;
	vm1 =	vgt.s32 v14, $0x0  }
0x223: {  	v61 =	vadd.s32 s3, v6;
	v14 =	vnsel vm1, $0x0, v14  }
0x224: {  	vm2 =	vlt.s32 v61, v12;
	vm1 =	vge.s32 v61, v11;
	v14 =	vmin.u32 v14, $0x9F  }
0x225: {  	vm1 =	vmand vm1, vm2;
	v62 =	vpop (erf)  }
0x226: {  	[tilespmem:$0x6DA0] =	vst v13;
	v16 =	vnsel vm1, $0x0, v62  }
0x227: {  	[tilespmem:$0x6E20] =	vst v16  }
0x228: {  	v15 =	vld.idx.msk [tilespmem:v15+s17+$0x0], $0xffff  }
0x229: {  	v13 =	vld.idx.msk [tilespmem:v14+s18+$0x0], $0xffff;
	_ =	sdelay $0x1  }
0x22a: {  	v63 =	vld [tilespmem:$0x6D30];
	_ =	sdelay $0x2  }
0x22b: {  	v13 =	vadd.f32 v15, v13;
	_ =	sdelay $0x1  }
0x22c: {  	v13 =	vmul.f32 v13, v63;
	_ =	sdelay $0x1  }
0x22d: {  	v15 =	vmul.f32 $9.999999770e-03, v13  }
0x22e: {  	vm1 =	vge.f32 v13, $0.0e+00  }
0x22f: {  	v13 =	vsel vm1, v13, v15  }
0x230: {  	v13 =	vmax.f32 v13, $-2.000000000e+00  }
0x231: {  	v13 =	vmin.f32 v13, $2.000000000e+00  }
0x232: {  	v13 =	vmul.f32 $1.442695020e+00, v13;
	_ =	sdelay $0x1  }
0x233: {  	(erf) = vpow2.f32 v13;
	_ =	sdelay $0x4  }
0x234: {  	s5 =	sadd.s32 $0x70, s30  }
0x235: {  	v13 =	vadd.s32 s5, v6;
	_ =	sdelay $0x1  }
0x236: {  	vm1 =	vge.s32 v13, v11;
	vm2 =	vlt.s32 v13, v12  }
0x237: {  	vm1 =	vmand vm1, vm2;
	v13 =	vpop (erf)  }
0x238: {  	s30 =	simm.s32 $0x0;
	v13 =	vnsel vm1, $0x0, v13  }
0x239: {  	[tilespmem:$0x6E30] =	vst v13;
	v13 =	vmov s30  }
0x23a: {  	[tilespmem:$0x6DB0] =	vst v14  }
0x23b: {  	_ =	swait.ge [sflag:s22], $0x4000  }
0x23c: {  	[sflag:s22] =	ssyncset.done $0x0  }
0x23d: {  	[sflag:s22] =	ssyncadd.s32 $0xFFFFC000  }
0x23e: {  	v14 =	vld.idx.msk [tilespmem:v13+s23+$0x0], $0xffff;
	_ =	sdelay $0x4  }
0x23f: {  	(v2sf) =	vpush v14, $0x0;
	_ =	sdelay $0xc  }
0x240: {  	v13 =	vld.idx.msk [tilespmem:v13+s24+$0x0], $0xffff;
	_ =	sdelay $0x1  }
0x241: {  	s9 =	spop (v2sf)  }
0x242: {  	s10 =	sshll.u32 s9, $0x9  }
0x243: {  	s12 =	sand.u32 $0x3800, s30;
	s13 =	sand.u32 $0x380, s30;
	s1 =	sshra.s32 s10, $0x2  }
0x244: {  	s3 =	sor.u32 s13, s12;
	[tilespmem:s1+$0x14E80] =	vst.add.f32.msk $0xffff, v13  }
0x245: {  	v14 =	vld [tilespmem:s3+$0x6E80];
	_ =	sdelay $0x3  }
0x246: {  	s14 =	sshll.u32 s9, $0x8;
	s0 =	sshll.u32 s9, $0x7  }
0x247: {  	s0 =	sand.u32 $0x380, s0;
	s1 =	sand.u32 $0xFFFFF800, s14;
	v14 =	vmul.f32 v14, v13  }
0x248: {  	s1 =	sor.u32 s0, s1  }
0x249: {  	[tilespmem:s1+$0xAE80] =	vst.add.f32.msk $0xffff, v14  }
0x24a: {  	v14 =	vld [tilespmem:s3+$0x6E90];
	_ =	sdelay $0x4  }
0x24b: {  	v14 =	vmul.f32 v14, v13;
	_ =	sdelay $0x1  }
0x24c: {  	[tilespmem:s1+$0xAE90] =	vst.add.f32.msk $0xffff, v14  }
0x24d: {  	v14 =	vld [tilespmem:s3+$0x6EA0];
	_ =	sdelay $0x4  }
0x24e: {  	v14 =	vmul.f32 v14, v13;
	_ =	sdelay $0x1  }
0x24f: {  	[tilespmem:s1+$0xAEA0] =	vst.add.f32.msk $0xffff, v14  }
0x250: {  	v14 =	vld [tilespmem:s3+$0x6EB0];
	_ =	sdelay $0x4  }
0x251: {  	v14 =	vmul.f32 v14, v13;
	_ =	sdelay $0x1  }
0x252: {  	[tilespmem:s1+$0xAEB0] =	vst.add.f32.msk $0xffff, v14  }
0x253: {  	v14 =	vld [tilespmem:s3+$0x6EC0];
	_ =	sdelay $0x4  }
0x254: {  	v14 =	vmul.f32 v14, v13;
	_ =	sdelay $0x1  }
0x255: {  	[tilespmem:s1+$0xAEC0] =	vst.add.f32.msk $0xffff, v14  }
0x256: {  	v14 =	vld [tilespmem:s3+$0x6ED0];
	_ =	sdelay $0x4  }
0x257: {  	v14 =	vmul.f32 v14, v13;
	_ =	sdelay $0x1  }
0x258: {  	[tilespmem:s1+$0xAED0] =	vst.add.f32.msk $0xffff, v14  }
0x259: {  	v14 =	vld [tilespmem:s3+$0x6EE0];
	_ =	sdelay $0x4  }
0x25a: {  	v14 =	vmul.f32 v14, v13;
	_ =	sdelay $0x1  }
0x25b: {  	[tilespmem:s1+$0xAEE0] =	vst.add.f32.msk $0xffff, v14  }
0x25c: {  	v14 =	vld [tilespmem:s3+$0x6EF0];
	_ =	sdelay $0x4  }
0x25d: {  	v14 =	vmul.f32 v14, v13;
	_ =	sdelay $0x1  }
0x25e: {  	[tilespmem:s1+$0xAEF0] =	vst.add.f32.msk $0xffff, v14  }
0x25f: {  	v14 =	vld [tilespmem:s3+$0x7280];
	_ =	sdelay $0x4  }
0x260: {  	v14 =	vmul.f32 v14, v13;
	_ =	sdelay $0x1  }
0x261: {  	[tilespmem:s1+$0xB280] =	vst.add.f32.msk $0xffff, v14  }
0x262: {  	v14 =	vld [tilespmem:s3+$0x7290];
	_ =	sdelay $0x4  }
0x263: {  	v14 =	vmul.f32 v14, v13;
	_ =	sdelay $0x1  }
0x264: {  	[tilespmem:s1+$0xB290] =	vst.add.f32.msk $0xffff, v14  }
0x265: {  	v14 =	vld [tilespmem:s3+$0x72A0];
	_ =	sdelay $0x4  }
0x266: {  	v14 =	vmul.f32 v14, v13;
	_ =	sdelay $0x1  }
0x267: {  	[tilespmem:s1+$0xB2A0] =	vst.add.f32.msk $0xffff, v14  }
0x268: {  	v14 =	vld [tilespmem:s3+$0x72B0];
	_ =	sdelay $0x4  }
0x269: {  	v14 =	vmul.f32 v14, v13;
	_ =	sdelay $0x1  }
0x26a: {  	[tilespmem:s1+$0xB2B0] =	vst.add.f32.msk $0xffff, v14  }
0x26b: {  	v14 =	vld [tilespmem:s3+$0x72C0];
	_ =	sdelay $0x4  }
0x26c: {  	v14 =	vmul.f32 v14, v13;
	_ =	sdelay $0x1  }
0x26d: {  	[tilespmem:s1+$0xB2C0] =	vst.add.f32.msk $0xffff, v14  }
0x26e: {  	v14 =	vld [tilespmem:s3+$0x72D0];
	_ =	sdelay $0x4  }
0x26f: {  	v14 =	vmul.f32 v14, v13;
	_ =	sdelay $0x1  }
0x270: {  	[tilespmem:s1+$0xB2D0] =	vst.add.f32.msk $0xffff, v14  }
0x271: {  	v14 =	vld [tilespmem:s3+$0x72E0];
	_ =	sdelay $0x4  }
0x272: {  	v14 =	vmul.f32 v14, v13;
	_ =	sdelay $0x1  }
0x273: {  	[tilespmem:s1+$0xB2E0] =	vst.add.f32.msk $0xffff, v14  }
0x274: {  	v15 =	vld [tilespmem:s3+$0x72F0];
	_ =	sdelay $0x1  }
0x275: {  	s31 =	simm.s32 $0x1  }
0x276: {  	v14 =	vmov s31;
	_ =	sdelay $0x1  }
0x277: {  	s9 =	simm.s32 $0x2;
	s0 =	simm.s32 $0x0;
	v13 =	vmul.f32 v15, v13  }
.LBB2_8:
0x278: {  	s30 =	sadd.s32 $0x80, s30  }
0x279: {  	s0 =	sadd.s32 $0x100, s0;
	s5 =	smov.u32 s9;
	s3 =	sadd.s32 $0x1, s9;
	[tilespmem:s1+$0xB2F0] =	vst.add.f32.msk $0xffff, v13  }
0x27a: {  	p1 =	sne.s32 s9, $0x3F;
	v13 =	vld.idx.msk [tilespmem:v14+s23+$0x0], $0xffff;
	_ =	sdelay $0x5  }
0x27b: {  	(v2sf) =	vpush v13, $0x0;
	_ =	sdelay $0xb  }
0x27c: {  	v13 =	vld.idx.msk [tilespmem:v14+s24+$0x0], $0xffff;
	_ =	sdelay $0x2  }
0x27d: {  	s1 =	sand.u32 $0x3800, s0;
	s9 =	sand.u32 $0x380, s30;
	s10 =	spop (v2sf)  }
0x27e: {  	s12 =	sshll.u32 s10, $0x9;
	s13 =	sshll.u32 s10, $0x8;
	s10 =	sshll.u32 s10, $0x7  }
0x27f: {  	s12 =	sshra.s32 s12, $0x2;
	s13 =	sand.u32 $0xFFFFF800, s13;
	s10 =	sand.u32 $0x380, s10  }
0x280: {  	s9 =	sor.u32 s9, s1;
	[tilespmem:s12+$0x14E80] =	vst.add.f32.msk $0xffff, v13  }
0x281: {  	v14 =	vld [tilespmem:s9+$0x6E80];
	_ =	sdelay $0x4  }
0x282: {  	v14 =	vmul.f32 v14, v13  }
0x283: {  	s1 =	sor.u32 s10, s13  }
0x284: {  	[tilespmem:s1+$0xAE80] =	vst.add.f32.msk $0xffff, v14  }
0x285: {  	v14 =	vld [tilespmem:s9+$0x6E90];
	_ =	sdelay $0x4  }
0x286: {  	v14 =	vmul.f32 v14, v13;
	_ =	sdelay $0x1  }
0x287: {  	[tilespmem:s1+$0xAE90] =	vst.add.f32.msk $0xffff, v14  }
0x288: {  	v14 =	vld [tilespmem:s9+$0x6EA0];
	_ =	sdelay $0x4  }
0x289: {  	v14 =	vmul.f32 v14, v13;
	_ =	sdelay $0x1  }
0x28a: {  	[tilespmem:s1+$0xAEA0] =	vst.add.f32.msk $0xffff, v14  }
0x28b: {  	v14 =	vld [tilespmem:s9+$0x6EB0];
	_ =	sdelay $0x4  }
0x28c: {  	v14 =	vmul.f32 v14, v13;
	_ =	sdelay $0x1  }
0x28d: {  	[tilespmem:s1+$0xAEB0] =	vst.add.f32.msk $0xffff, v14  }
0x28e: {  	v14 =	vld [tilespmem:s9+$0x6EC0];
	_ =	sdelay $0x4  }
0x28f: {  	v14 =	vmul.f32 v14, v13;
	_ =	sdelay $0x1  }
0x290: {  	[tilespmem:s1+$0xAEC0] =	vst.add.f32.msk $0xffff, v14  }
0x291: {  	v14 =	vld [tilespmem:s9+$0x6ED0];
	_ =	sdelay $0x4  }
0x292: {  	v14 =	vmul.f32 v14, v13;
	_ =	sdelay $0x1  }
0x293: {  	[tilespmem:s1+$0xAED0] =	vst.add.f32.msk $0xffff, v14  }
0x294: {  	v14 =	vld [tilespmem:s9+$0x6EE0];
	_ =	sdelay $0x4  }
0x295: {  	v14 =	vmul.f32 v14, v13;
	_ =	sdelay $0x1  }
0x296: {  	[tilespmem:s1+$0xAEE0] =	vst.add.f32.msk $0xffff, v14  }
0x297: {  	v14 =	vld [tilespmem:s9+$0x6EF0];
	_ =	sdelay $0x4  }
0x298: {  	v14 =	vmul.f32 v14, v13;
	_ =	sdelay $0x1  }
0x299: {  	[tilespmem:s1+$0xAEF0] =	vst.add.f32.msk $0xffff, v14  }
0x29a: {  	v14 =	vld [tilespmem:s9+$0x7280];
	_ =	sdelay $0x4  }
0x29b: {  	v14 =	vmul.f32 v14, v13;
	_ =	sdelay $0x1  }
0x29c: {  	[tilespmem:s1+$0xB280] =	vst.add.f32.msk $0xffff, v14  }
0x29d: {  	v14 =	vld [tilespmem:s9+$0x7290];
	_ =	sdelay $0x4  }
0x29e: {  	v14 =	vmul.f32 v14, v13;
	_ =	sdelay $0x1  }
0x29f: {  	[tilespmem:s1+$0xB290] =	vst.add.f32.msk $0xffff, v14  }
0x2a0: {  	v14 =	vld [tilespmem:s9+$0x72A0];
	_ =	sdelay $0x4  }
0x2a1: {  	v14 =	vmul.f32 v14, v13;
	_ =	sdelay $0x1  }
0x2a2: {  	[tilespmem:s1+$0xB2A0] =	vst.add.f32.msk $0xffff, v14  }
0x2a3: {  	v14 =	vld [tilespmem:s9+$0x72B0];
	_ =	sdelay $0x4  }
0x2a4: {  	v14 =	vmul.f32 v14, v13;
	_ =	sdelay $0x1  }
0x2a5: {  	[tilespmem:s1+$0xB2B0] =	vst.add.f32.msk $0xffff, v14  }
0x2a6: {  	v14 =	vld [tilespmem:s9+$0x72C0];
	_ =	sdelay $0x4  }
0x2a7: {  	v14 =	vmul.f32 v14, v13;
	_ =	sdelay $0x1  }
0x2a8: {  	[tilespmem:s1+$0xB2C0] =	vst.add.f32.msk $0xffff, v14  }
0x2a9: {  	v14 =	vld [tilespmem:s9+$0x72D0];
	_ =	sdelay $0x4  }
0x2aa: {  	v14 =	vmul.f32 v14, v13;
	_ =	sdelay $0x1  }
0x2ab: {  	[tilespmem:s1+$0xB2D0] =	vst.add.f32.msk $0xffff, v14  }
0x2ac: {  	v14 =	vld [tilespmem:s9+$0x72E0];
	_ =	sdelay $0x4  }
0x2ad: {  	v14 =	vmul.f32 v14, v13;
	_ =	sdelay $0x1  }
0x2ae: {  	[tilespmem:s1+$0xB2E0] =	vst.add.f32.msk $0xffff, v14  }
0x2af: {  	v15 =	vld [tilespmem:s9+$0x72F0]  }
.Ltmp5:
0x2b0: {  	(pc) =	sbr.rel @p1 .LBB2_8-.Ltmp5, $3  }
0x2b1: {  	_ = 	snop  }
0x2b2: {  	v14 =	vmov s5;
	_ =	sdelay $0x1  }
0x2b3: {  	s9 =	smov.u32 s3;
	v13 =	vmul.f32 v15, v13  }
0x2b4: {  	_ =	sdelay $0x2  }
0x2b5: {  	[tilespmem:s1+$0xB2F0] =	vst.add.f32.msk $0xffff, v13  }
0x2b6: {  	v13 =	vld.idx.msk [tilespmem:v14+s23+$0x0], $0xffff;
	_ =	sdelay $0x4  }
0x2b7: {  	(v2sf) =	vpush v13, $0x0;
	_ =	sdelay $0xc  }
0x2b8: {  	v13 =	vld.idx.msk [tilespmem:v14+s24+$0x0], $0xffff;
	_ =	sdelay $0x1  }
0x2b9: {  	s14 =	spop (v2sf)  }
0x2ba: {  	s3 =	sadd.s32 $0x80, s30;
	s0 =	sadd.s32 $0x100, s0;
	s5 =	sshll.u32 s14, $0x9  }
0x2bb: {  	s0 =	sand.u32 $0x3800, s0;
	s3 =	sand.u32 $0x380, s3;
	s5 =	sshra.s32 s5, $0x2  }
0x2bc: {  	s0 =	sor.u32 s3, s0;
	[tilespmem:s5+$0x14E80] =	vst.add.f32.msk $0xffff, v13  }
0x2bd: {  	v14 =	vld [tilespmem:s0+$0x6E80];
	_ =	sdelay $0x3  }
0x2be: {  	s31 =	sshll.u32 s14, $0x8;
	s1 =	sshll.u32 s14, $0x7  }
0x2bf: {  	s3 =	sand.u32 $0xFFFFF800, s31;
	s1 =	sand.u32 $0x380, s1;
	v14 =	vmul.f32 v14, v13  }
0x2c0: {  	s1 =	sor.u32 s1, s3  }
0x2c1: {  	[tilespmem:s1+$0xAE80] =	vst.add.f32.msk $0xffff, v14  }
0x2c2: {  	v14 =	vld [tilespmem:s0+$0x6E90];
	_ =	sdelay $0x4  }
0x2c3: {  	v14 =	vmul.f32 v14, v13;
	_ =	sdelay $0x1  }
0x2c4: {  	[tilespmem:s1+$0xAE90] =	vst.add.f32.msk $0xffff, v14  }
0x2c5: {  	v14 =	vld [tilespmem:s0+$0x6EA0];
	_ =	sdelay $0x4  }
0x2c6: {  	v14 =	vmul.f32 v14, v13;
	_ =	sdelay $0x1  }
0x2c7: {  	[tilespmem:s1+$0xAEA0] =	vst.add.f32.msk $0xffff, v14  }
0x2c8: {  	v14 =	vld [tilespmem:s0+$0x6EB0];
	_ =	sdelay $0x4  }
0x2c9: {  	v14 =	vmul.f32 v14, v13;
	_ =	sdelay $0x1  }
0x2ca: {  	[tilespmem:s1+$0xAEB0] =	vst.add.f32.msk $0xffff, v14  }
0x2cb: {  	v14 =	vld [tilespmem:s0+$0x6EC0];
	_ =	sdelay $0x4  }
0x2cc: {  	v14 =	vmul.f32 v14, v13;
	_ =	sdelay $0x1  }
0x2cd: {  	[tilespmem:s1+$0xAEC0] =	vst.add.f32.msk $0xffff, v14  }
0x2ce: {  	v14 =	vld [tilespmem:s0+$0x6ED0];
	_ =	sdelay $0x4  }
0x2cf: {  	v14 =	vmul.f32 v14, v13;
	_ =	sdelay $0x1  }
0x2d0: {  	[tilespmem:s1+$0xAED0] =	vst.add.f32.msk $0xffff, v14  }
0x2d1: {  	v14 =	vld [tilespmem:s0+$0x6EE0];
	_ =	sdelay $0x4  }
0x2d2: {  	v14 =	vmul.f32 v14, v13;
	_ =	sdelay $0x1  }
0x2d3: {  	[tilespmem:s1+$0xAEE0] =	vst.add.f32.msk $0xffff, v14  }
0x2d4: {  	v14 =	vld [tilespmem:s0+$0x6EF0];
	_ =	sdelay $0x4  }
0x2d5: {  	v14 =	vmul.f32 v14, v13;
	_ =	sdelay $0x1  }
0x2d6: {  	[tilespmem:s1+$0xAEF0] =	vst.add.f32.msk $0xffff, v14  }
0x2d7: {  	v14 =	vld [tilespmem:s0+$0x7280];
	_ =	sdelay $0x4  }
0x2d8: {  	v14 =	vmul.f32 v14, v13;
	_ =	sdelay $0x1  }
0x2d9: {  	[tilespmem:s1+$0xB280] =	vst.add.f32.msk $0xffff, v14  }
0x2da: {  	v14 =	vld [tilespmem:s0+$0x7290];
	_ =	sdelay $0x4  }
0x2db: {  	v14 =	vmul.f32 v14, v13;
	_ =	sdelay $0x1  }
0x2dc: {  	[tilespmem:s1+$0xB290] =	vst.add.f32.msk $0xffff, v14  }
0x2dd: {  	v14 =	vld [tilespmem:s0+$0x72A0];
	_ =	sdelay $0x4  }
0x2de: {  	v14 =	vmul.f32 v14, v13;
	_ =	sdelay $0x1  }
0x2df: {  	[tilespmem:s1+$0xB2A0] =	vst.add.f32.msk $0xffff, v14  }
0x2e0: {  	v14 =	vld [tilespmem:s0+$0x72B0];
	_ =	sdelay $0x4  }
0x2e1: {  	v14 =	vmul.f32 v14, v13;
	_ =	sdelay $0x1  }
0x2e2: {  	[tilespmem:s1+$0xB2B0] =	vst.add.f32.msk $0xffff, v14  }
0x2e3: {  	v14 =	vld [tilespmem:s0+$0x72C0];
	_ =	sdelay $0x4  }
0x2e4: {  	v14 =	vmul.f32 v14, v13;
	_ =	sdelay $0x1  }
0x2e5: {  	[tilespmem:s1+$0xB2C0] =	vst.add.f32.msk $0xffff, v14  }
0x2e6: {  	v14 =	vld [tilespmem:s0+$0x72D0];
	_ =	sdelay $0x4  }
0x2e7: {  	v14 =	vmul.f32 v14, v13;
	_ =	sdelay $0x1  }
0x2e8: {  	[tilespmem:s1+$0xB2D0] =	vst.add.f32.msk $0xffff, v14  }
0x2e9: {  	v14 =	vld [tilespmem:s0+$0x72E0];
	_ =	sdelay $0x4  }
0x2ea: {  	v14 =	vmul.f32 v14, v13;
	_ =	sdelay $0x1  }
0x2eb: {  	[tilespmem:s1+$0xB2E0] =	vst.add.f32.msk $0xffff, v14  }
0x2ec: {  	v14 =	vld [tilespmem:s0+$0x72F0]  }
0x2ed: {  	s29 =	sadd.s32 $0x1, s29  }
0x2ee: {  	p1 =	sne.s32 s29, s26  }
.Ltmp6:
0x2ef: {  	_ = 	snop;
	(pc) =	sbr.rel @p1 .LBB2_5-.Ltmp6, $3  }
0x2f0: {  	_ = 	snop  }
0x2f1: {  	v13 =	vmul.f32 v14, v13;
	_ =	sdelay $0x1  }
0x2f2: {  	[tilespmem:s1+$0xB2F0] =	vst.add.f32.msk $0xffff, v13  }
.LBB2_10:
0x2f3: {  	s1 =	simm.s32 $0x14E80  }
0x2f4: {  	s3 =	simm.s32 $0x0;
	s5 =	simm.s32 $0x100;
	s0 =	simm.s32 $0x0;
	v11 =	vld [tilespmem:s1+$0x0]  }
.LBB2_11:
0x2f5: {  	p1 =	sne.s32 s5, $0x9F00;
	s3 =	sand.u32 $0xF800, s3;
	s9 =	sand.u32 $0x380, s0  }
0x2f6: {  	s9 =	sor.u32 s9, s3;
	s3 =	smov.u32 s5  }
0x2f7: {  	v12 =	vld [tilespmem:s9+$0xB2F0]  }
0x2f8: {  	v13 =	vld [tilespmem:s9+$0xB2D0]  }
0x2f9: {  	v11 =	vmax.f32 v11, $1.000000000e-30;
	v14 =	vld [tilespmem:s9+$0xB2B0]  }
0x2fa: {  	v15 =	vld [tilespmem:s9+$0xB290];
	(erf) = vrcp.f32 v11  }
0x2fb: {  	v11 =	vld [tilespmem:s9+$0xAEF0]  }
0x2fc: {  	v16 =	vld [tilespmem:s9+$0xAED0]  }
0x2fd: {  	v17 =	vld [tilespmem:s9+$0xAEB0]  }
0x2fe: {  	v18 =	vld [tilespmem:s9+$0xAE90]  }
0x2ff: {  	v19 =	vld [tilespmem:s9+$0xAE80]  }
0x300: {  	v20 =	vld [tilespmem:s9+$0xAEA0]  }
0x301: {  	v21 =	vld [tilespmem:s9+$0xAEC0]  }
0x302: {  	v22 =	vld [tilespmem:s9+$0xAEE0]  }
0x303: {  	v23 =	vld [tilespmem:s9+$0xB280];
	v24 =	vpop (erf)  }
0x304: {  	v19 =	vmul.f32 v24, v19;
	v18 =	vmul.f32 v18, v24;
	v25 =	vld [tilespmem:s9+$0xB2A0]  }
0x305: {  	v17 =	vmul.f32 v17, v24;
	v20 =	vmul.f32 v20, v24;
	v26 =	vld [tilespmem:s9+$0xB2C0]  }
0x306: {  	v16 =	vmul.f32 v16, v24;
	[tilespmem:s9+$0xAE80] =	vst v19;
	v19 =	vmul.f32 v21, v24;
	v21 =	vld [tilespmem:s9+$0xB2E0]  }
0x307: {  	v11 =	vmul.f32 v11, v24;
	[tilespmem:s9+$0xAE90] =	vst v18;
	v18 =	vmul.f32 v22, v24  }
0x308: {  	v15 =	vmul.f32 v15, v24;
	[tilespmem:s9+$0xAEA0] =	vst v20;
	v20 =	vmul.f32 v23, v24  }
0x309: {  	v14 =	vmul.f32 v14, v24;
	[tilespmem:s9+$0xAEB0] =	vst v17;
	v17 =	vmul.f32 v25, v24  }
0x30a: {  	v13 =	vmul.f32 v13, v24;
	[tilespmem:s9+$0xAEC0] =	vst v19;
	v19 =	vmul.f32 v26, v24  }
0x30b: {  	v12 =	vmul.f32 v12, v24;
	[tilespmem:s9+$0xAED0] =	vst v16;
	v16 =	vmul.f32 v21, v24  }
0x30c: {  	[tilespmem:s9+$0xAEE0] =	vst v18  }
0x30d: {  	[tilespmem:s9+$0xAEF0] =	vst v11  }
0x30e: {  	[tilespmem:s9+$0xB280] =	vst v20  }
0x30f: {  	[tilespmem:s9+$0xB290] =	vst v15  }
0x310: {  	[tilespmem:s9+$0xB2A0] =	vst v17  }
0x311: {  	[tilespmem:s9+$0xB2B0] =	vst v14  }
.Ltmp7:
0x312: {  	[tilespmem:s9+$0xB2C0] =	vst v19;
	(pc) =	sbr.rel @p1 .LBB2_11-.Ltmp7, $4  }
0x313: {  	[tilespmem:s9+$0xB2D0] =	vst v13  }
0x314: {  	[tilespmem:s9+$0xB2E0] =	vst v16  }
0x315: {  	s1 =	sadd.s32 $0x80, s1;
	[tilespmem:s9+$0xB2F0] =	vst v12  }
0x316: {  	s0 =	sadd.s32 $0x80, s0;
	s5 =	sadd.s32 $0x100, s5;
	v11 =	vld [tilespmem:s1+$0x0]  }
0x317: {  	_ =	sdelay $0x3  }
0x318: {  	v11 =	vmax.f32 v11, $1.000000000e-30  }
0x319: {  	(erf) = vrcp.f32 v11;
	_ =	sdelay $0x2  }
0x31a: {  	s1 =	sand.u32 $0xF800, s3;
	s0 =	sand.u32 $0x380, s0  }
0x31b: {  	s0 =	sor.u32 s0, s1  }
0x31c: {  	v11 =	vld [tilespmem:s0+$0xAE80]  }
0x31d: {  	v12 =	vld [tilespmem:s0+$0xAE90]  }
0x31e: {  	v13 =	vld [tilespmem:s0+$0xAEA0]  }
0x31f: {  	v14 =	vld [tilespmem:s0+$0xAEB0]  }
0x320: {  	v15 =	vld [tilespmem:s0+$0xAEC0];
	v16 =	vpop (erf)  }
0x321: {  	v17 =	vld [tilespmem:s0+$0xAED0];
	v11 =	vmul.f32 v16, v11  }
0x322: {  	v18 =	vld [tilespmem:s0+$0xAEE0];
	v12 =	vmul.f32 v12, v16  }
0x323: {  	v19 =	vld [tilespmem:s0+$0xAEF0];
	v13 =	vmul.f32 v13, v16;
	[tilespmem:s0+$0xAE80] =	vst v11  }
0x324: {  	v57 =	vld [tilespmem:s0+$0xB2C0];
	v14 =	vmul.f32 v14, v16;
	[tilespmem:s0+$0xAE90] =	vst v12  }
0x325: {  	v58 =	vld [tilespmem:s0+$0xB2D0];
	v15 =	vmul.f32 v15, v16;
	[tilespmem:s0+$0xAEA0] =	vst v13  }
0x326: {  	v60 =	vld [tilespmem:s0+$0xB2F0];
	v17 =	vmul.f32 v17, v16;
	[tilespmem:s0+$0xAEB0] =	vst v14  }
0x327: {  	v18 =	vmul.f32 v18, v16;
	v11 =	vld [tilespmem:s0+$0xB280];
	[tilespmem:s0+$0xAEC0] =	vst v15  }
0x328: {  	v54 =	vld [tilespmem:s0+$0xB290];
	v19 =	vmul.f32 v19, v16;
	[tilespmem:s0+$0xAED0] =	vst v17  }
0x329: {  	v56 =	vld [tilespmem:s0+$0xB2B0];
	v61 =	vmul.f32 v57, v16;
	[tilespmem:s0+$0xAEE0] =	vst v18  }
0x32a: {  	v55 =	vld [tilespmem:s0+$0xB2A0];
	v62 =	vmul.f32 v58, v16;
	[tilespmem:s0+$0xAEF0] =	vst v19  }
0x32b: {  	v59 =	vld [tilespmem:s0+$0xB2E0];
	v63 =	vmul.f32 v60, v16;
	[tilespmem:s0+$0xB2C0] =	vst v61  }
0x32c: {  	[tilespmem:s0+$0xB2D0] =	vst v62;
	v11 =	vmul.f32 v11, v16  }
0x32d: {  	v12 =	vmul.f32 v54, v16;
	[tilespmem:s0+$0xB2F0] =	vst v63  }
0x32e: {  	[tilespmem:s0+$0xB280] =	vst v11;
	v11 =	vmul.f32 v56, v16  }
0x32f: {  	v13 =	vmul.f32 v55, v16;
	[tilespmem:s0+$0xB290] =	vst v12  }
0x330: {  	[tilespmem:s0+$0xB2B0] =	vst v11;
	v11 =	vmul.f32 v59, v16  }
0x331: {  	s5 =	rddreg [dreg:$0x8];
	[tilespmem:s0+$0xB2A0] =	vst v13  }
0x332: {  	s1 =	rddreg [dreg:$0x9];
	[tilespmem:s0+$0xB2E0] =	vst v11;
	s0 =	simm.s32 $0xAE80  }
.LBB2_13:
0x333: {  	p1 =	sne.s32 s1, $0x200  }
.Ltmp8:
0x334: {  	s3 =	simm.s32 $0x0;
	(pc) =	sbr.rel @p1 .LBB2_13-.Ltmp8, $4  }
0x335: {  	[hbm4b:s5+s3] =	stream.linear.scatter [tilespmem:s0], [sflag:$0x3], $0x1000, $0x38;
	[tilespmem:$0x19E80] =	vst v63  }
0x336: {  	_ =	swait.ge [sflag:s16], $0x1000  }
0x337: {  	s1 =	sadd.s32 $0xFFFFFE00, s1;
	[sflag:s16] =	ssyncset.done $0x0  }
0x338: {  	s5 =	sadd.s32 $0x200, s5;
	s0 =	sadd.s32 $0x1000, s0;
	[sflag:s16] =	ssyncadd.s32 $0xFFFFF000  }
0x339: {  	s0 =	sand.u32 $0xF800, s3;
	s1 =	sand.u32 $0x380, s3  }
0x33a: {  	s0 =	sor.u32 s1, s0  }
0x33b: {  	[tilespmem:s0+$0xAE90] =	vst v7  }
0x33c: {  	[tilespmem:s0+$0xAEA0] =	vst v7  }
0x33d: {  	[tilespmem:s0+$0xAEB0] =	vst v7  }
0x33e: {  	[tilespmem:s0+$0xAEC0] =	vst v7  }
0x33f: {  	[tilespmem:s0+$0xAED0] =	vst v7  }
0x340: {  	[tilespmem:s0+$0xAEE0] =	vst v7  }
0x341: {  	[tilespmem:s0+$0xAEF0] =	vst v7  }
0x342: {  	[tilespmem:s0+$0xB280] =	vst v7  }
0x343: {  	[tilespmem:s0+$0xB290] =	vst v7  }
0x344: {  	[tilespmem:s0+$0xB2A0] =	vst v7  }
0x345: {  	[tilespmem:s0+$0xB2B0] =	vst v7  }
0x346: {  	[tilespmem:s0+$0xB2C0] =	vst v7  }
0x347: {  	[tilespmem:s0+$0xB2D0] =	vst v7  }
0x348: {  	[tilespmem:s0+$0xB2E0] =	vst v7  }
0x349: {  	s3 =	simm.s32 $0x80;
	s5 =	simm.s32 $0x100;
	s1 =	simm.s32 $0x14E80;
	[tilespmem:s0+$0xB2F0] =	vst v7  }
.LBB2_15:
0x34a: {  	s9 =	sand.u32 $0xF800, s5;
	s10 =	sand.u32 $0x380, s3;
	p1 =	sne.s32 s5, $0x9F00;
	[tilespmem:s0+$0xAE80] =	vst v7  }
0x34b: {  	s0 =	sor.u32 s10, s9;
	[tilespmem:s1+$0x0] =	vst v7  }
0x34c: {  	[tilespmem:s0+$0xAE90] =	vst v7  }
0x34d: {  	[tilespmem:s0+$0xAEA0] =	vst v7  }
0x34e: {  	[tilespmem:s0+$0xAEB0] =	vst v7  }
0x34f: {  	[tilespmem:s0+$0xAEC0] =	vst v7  }
0x350: {  	[tilespmem:s0+$0xAED0] =	vst v7  }
0x351: {  	[tilespmem:s0+$0xAEE0] =	vst v7  }
0x352: {  	[tilespmem:s0+$0xAEF0] =	vst v7  }
0x353: {  	[tilespmem:s0+$0xB280] =	vst v7  }
0x354: {  	[tilespmem:s0+$0xB290] =	vst v7  }
0x355: {  	[tilespmem:s0+$0xB2A0] =	vst v7  }
.Ltmp9:
0x356: {  	[tilespmem:s0+$0xB2B0] =	vst v7;
	(pc) =	sbr.rel @p1 .LBB2_15-.Ltmp9, $4  }
0x357: {  	[tilespmem:s0+$0xB2C0] =	vst v7  }
0x358: {  	[tilespmem:s0+$0xB2D0] =	vst v7  }
0x359: {  	[tilespmem:s0+$0xB2E0] =	vst v7  }
0x35a: {  	s3 =	sadd.s32 $0x80, s3;
	s5 =	sadd.s32 $0x100, s5;
	s1 =	sadd.s32 $0x80, s1;
	[tilespmem:s0+$0xB2F0] =	vst v7  }
0x35b: {  	[tilespmem:s0+$0xAE80] =	vst v7  }
0x35c: {  	s14 =	rddreg [dreg:$0x5];
	[tilespmem:s1+$0x0] =	vst v7  }
0x35d: {  	[tilespmem:s18], [sflag:$0x3] =	stream.linear.gather [hbm4b:s14+s2], $0xA0, $0x38;
	[tilespmem:$0x19E80] =	vst v63  }
0x35e: {  	_ =	swait.ge [sflag:s16], $0xA0  }
0x35f: {  	[sflag:s16] =	ssyncset.done $0x0  }
0x360: {  	[sflag:s16] =	ssyncadd.s32 $0xFFFFFF60  }
0x361: {  	v11 =	vld.idx.msk [tilespmem:v2+s2+$0x0], $0xffff;
	_ =	sdelay $0x4  }
0x362: {  	(v2sf) =	vpush v11, $0x0;
	_ =	sdelay $0x1  }
0x363: {  	v12 =	vld.idx.msk [tilespmem:v5+s2+$0x0], $0xffff;
	_ =	sdelay $0x4  }
0x364: {  	(v2sf) =	vpush v12, $0x0;
	_ =	sdelay $0x7  }
0x365: {  	s25 =	spop (v2sf)  }
0x366: {  	s26 =	sand.u32 $0x7, s25  }
0x367: {  	s3 =	sshra.s32 s25, $0x1F;
	p1 =	slt.s32 s25, $0x1;
	p2 =	sne.s32 s26, $0x0  }
0x368: {  	s28 =	sshrl.u32 s3, $0x1D;
	p1 =	por !p1, !p2  }
0x369: {  	s1 =	simm.s32 $0x1;
	s0 =	sadd.s32 s28, s25;
	p1 =	por !p1, !p1  }
0x36a: {  	s0 =	sshrl.u32 s0, $0x3;
	s1 =	simm.s32 @!p1 $0x0  }
0x36b: {  	s0 =	ssub.s32 s0, s1  }
0x36c: {  	s29 =	spop (v2sf);
	s25 =	sshll.u32 s0, $0x3  }
0x36d: {  	s0 =	ssub.s32 s29, s25  }
0x36e: {  	s0 =	sadd.s32 $0x3F, s0  }
0x36f: {  	s30 =	sand.u32 $0x3F, s0  }
0x370: {  	s31 =	sshra.s32 s0, $0x1F;
	p6 =	slt.s32 s0, $0x1;
	p5 =	sne.s32 s30, $0x0  }
0x371: {  	s1 =	sshrl.u32 s31, $0x1A;
	p1 =	por !p6, !p5  }
0x372: {  	s0 =	sadd.s32 s1, s0;
	s1 =	simm.s32 $0x1;
	p1 =	por !p1, !p1  }
0x373: {  	s0 =	sshra.s32 s0, $0x6;
	s1 =	simm.s32 @!p1 $0x0  }
0x374: {  	s0 =	ssub.s32 s0, s1  }
0x375: {  	p1 =	sgt.s32 s0, $0x0  }
0x376: {  	s0 =	simm.s32 @!p1 $0x0  }
0x377: {  	s0 =	sadd.s32 $0x1, s0  }
0x378: {  	s26 =	sshrl.u32 s0, $0x1  }
0x379: {  	p1 =	seq.s32 s26, $0x0  }
.Ltmp10:
0x37a: {  	_ = 	snop;
	(pc) =	sbr.rel @p1 .LBB2_23-.Ltmp10, $1  }
0x37b: {  	_ =	sdelay $0x3  }
0x37c: {  	v11 =	vbroadcast v11, $0x0;
	v12 =	vbroadcast v12, $0x0;
	s28 =	simm.s32 $0x0;
	s29 =	simm.s32 $0x0  }
.LBB2_18:
0x37d: {  	s0 =	sshll.u32 s29, $0x7  }
0x37e: {  	s30 =	sadd.s32 s25, s0  }
0x37f: {  	s0 =	sshrl.u32 s30, $0x3  }
0x380: {  	s3 =	simm.s32 $0x2980;
	s1 =	sadd.s32 s6, s0  }
0x381: {  	[tilespmem:s3], [sflag:$0x3] =	stream.linear.gather [hbm4b:s1+s28], $0x40, $0x38;
	[tilespmem:$0x19E80] =	vst v63  }
0x382: {  	_ =	swait.ge [sflag:s16], $0x40  }
0x383: {  	[sflag:s16] =	ssyncset.done $0x0  }
0x384: {  	s14 =	simm.s32 $0x2A00;
	s13 =	sadd.s32 s7, s0;
	[sflag:s16] =	ssyncadd.s32 $0xFFFFFFC0  }
0x385: {  	[tilespmem:s14], [sflag:$0x3] =	stream.linear.gather [hbm4b:s13+s28], $0x40, $0x38;
	[tilespmem:$0x19E80] =	vst v63  }
0x386: {  	_ =	swait.ge [sflag:s16], $0x40  }
0x387: {  	[sflag:s16] =	ssyncset.done $0x0  }
0x388: {  	s0 =	sadd.s32 s8, s0;
	s3 =	simm.s32 $0x2A80;
	[sflag:s16] =	ssyncadd.s32 $0xFFFFFFC0  }
0x389: {  	[tilespmem:s3], [sflag:$0x3] =	stream.linear.gather [hbm4b:s0+s28], $0x40, $0x38;
	[tilespmem:$0x19E80] =	vst v63  }
0x38a: {  	_ =	swait.ge [sflag:s16], $0x40  }
0x38b: {  	[sflag:s16] =	ssyncset.done $0x0  }
0x38c: {  	[sflag:s16] =	ssyncadd.s32 $0xFFFFFFC0  }
0x38d: {  	v13 =	vld [tilespmem:$0x2A00];
	_ =	sdelay $0x4  }
0x38e: {  	v14 =	vshll.u32 v13, $0x1  }
0x38f: {  	v13 =	vand.u32 $0x7, v13;
	v14 =	vand.u32 $0xFFFFFFF0, v14  }
0x390: {  	v13 =	vor.u32 v13, v14  }
0x391: {  	v14 =	vperm.xlane v13, v8;
	_ =	sdelay $0x1  }
0x392: {  	v13 =	vperm.xlane v13, v10;
	v14 =	vadd.s32 v9, v14;
	_ =	sdelay $0x1  }
0x393: {  	v13 =	vadd.s32 v9, v13;
	_ =	sdelay $0x1  }
0x394: {  	s5 =	simm.s32 $0x2C00  }
0x395: {  	[tilespmem:s5], [sflag:$0x1] =	stream.indirect_vreg.gather [hbm4b:s4+s28], $0x80, v14, vm0, $0xb8;
	[tilespmem:$0x19E80] =	vst v63  }
0x396: {  	s9 =	simm.s32 $0x3400  }
0x397: {  	[tilespmem:s9], [sflag:$0x1] =	stream.indirect_vreg.gather [hbm4b:s4+s28], $0x80, v13, vm0, $0xb8;
	[tilespmem:$0x19E80] =	vst v63  }
0x398: {  	v13 =	vld [tilespmem:$0x2A10];
	_ =	sdelay $0x4  }
0x399: {  	v14 =	vshll.u32 v13, $0x1  }
0x39a: {  	v13 =	vand.u32 $0x7, v13;
	v14 =	vand.u32 $0xFFFFFFF0, v14  }
0x39b: {  	v13 =	vor.u32 v13, v14  }
0x39c: {  	v14 =	vperm.xlane v13, v8;
	_ =	sdelay $0x1  }
0x39d: {  	v13 =	vperm.xlane v13, v10;
	v14 =	vadd.s32 v9, v14;
	_ =	sdelay $0x1  }
0x39e: {  	v13 =	vadd.s32 v9, v13;
	_ =	sdelay $0x1  }
0x39f: {  	s10 =	simm.s32 $0x3C00  }
0x3a0: {  	[tilespmem:s10], [sflag:$0x1] =	stream.indirect_vreg.gather [hbm4b:s4+s28], $0x80, v14, vm0, $0xb8;
	[tilespmem:$0x19E80] =	vst v63  }
0x3a1: {  	s12 =	simm.s32 $0x4400  }
0x3a2: {  	[tilespmem:s12], [sflag:$0x1] =	stream.indirect_vreg.gather [hbm4b:s4+s28], $0x80, v13, vm0, $0xb8;
	[tilespmem:$0x19E80] =	vst v63  }
0x3a3: {  	v13 =	vld [tilespmem:$0x2A20];
	_ =	sdelay $0x4  }
0x3a4: {  	v14 =	vshll.u32 v13, $0x1  }
0x3a5: {  	v13 =	vand.u32 $0x7, v13;
	v14 =	vand.u32 $0xFFFFFFF0, v14  }
0x3a6: {  	v13 =	vor.u32 v13, v14  }
0x3a7: {  	v14 =	vperm.xlane v13, v8;
	_ =	sdelay $0x1  }
0x3a8: {  	v13 =	vperm.xlane v13, v10;
	v14 =	vadd.s32 v9, v14;
	_ =	sdelay $0x1  }
0x3a9: {  	v13 =	vadd.s32 v9, v13;
	_ =	sdelay $0x1  }
0x3aa: {  	s13 =	simm.s32 $0x4C00  }
0x3ab: {  	[tilespmem:s13], [sflag:$0x1] =	stream.indirect_vreg.gather [hbm4b:s4+s28], $0x80, v14, vm0, $0xb8;
	[tilespmem:$0x19E80] =	vst v63  }
0x3ac: {  	s14 =	simm.s32 $0x5400  }
0x3ad: {  	[tilespmem:s14], [sflag:$0x1] =	stream.indirect_vreg.gather [hbm4b:s4+s28], $0x80, v13, vm0, $0xb8;
	[tilespmem:$0x19E80] =	vst v63  }
0x3ae: {  	v13 =	vld [tilespmem:$0x2A30];
	_ =	sdelay $0x4  }
0x3af: {  	v14 =	vshll.u32 v13, $0x1  }
0x3b0: {  	v13 =	vand.u32 $0x7, v13;
	v14 =	vand.u32 $0xFFFFFFF0, v14  }
0x3b1: {  	v13 =	vor.u32 v13, v14  }
0x3b2: {  	v14 =	vperm.xlane v13, v8;
	_ =	sdelay $0x1  }
0x3b3: {  	v13 =	vperm.xlane v13, v10;
	v14 =	vadd.s32 v9, v14;
	_ =	sdelay $0x1  }
0x3b4: {  	v13 =	vadd.s32 v9, v13;
	_ =	sdelay $0x1  }
0x3b5: {  	s1 =	simm.s32 $0x5C00  }
0x3b6: {  	[tilespmem:s1], [sflag:$0x1] =	stream.indirect_vreg.gather [hbm4b:s4+s28], $0x80, v14, vm0, $0xb8;
	[tilespmem:$0x19E80] =	vst v63  }
0x3b7: {  	s3 =	simm.s32 $0x6400  }
0x3b8: {  	[tilespmem:s3], [sflag:$0x1] =	stream.indirect_vreg.gather [hbm4b:s4+s28], $0x80, v13, vm0, $0xb8;
	[tilespmem:$0x19E80] =	vst v63  }
0x3b9: {  	v13 =	vld [tilespmem:$0x2980];
	_ =	sdelay $0x3  }
0x3ba: {  	v14 =	vld [tilespmem:$0x2A00]  }
0x3bb: {  	v13 =	vsub.s32 v13, v3  }
0x3bc: {  	vm1 =	vgt.s32 v13, $0x0  }
0x3bd: {  	v13 =	vnsel vm1, $0x0, v13  }
0x3be: {  	v13 =	vmin.u32 v13, $0x9F;
	_ =	sdelay $0x3  }
0x3bf: {  	v14 =	vld.idx.msk [tilespmem:v14+s17+$0x0], $0xffff  }
0x3c0: {  	v15 =	vld.idx.msk [tilespmem:v13+s18+$0x0], $0xffff;
	_ =	sdelay $0x1  }
0x3c1: {  	v16 =	vld [tilespmem:$0x2A80];
	_ =	sdelay $0x2  }
0x3c2: {  	v14 =	vadd.f32 v14, v15;
	_ =	sdelay $0x1  }
0x3c3: {  	v14 =	vmul.f32 v14, v16;
	_ =	sdelay $0x1  }
0x3c4: {  	v15 =	vmul.f32 $9.999999770e-03, v14  }
0x3c5: {  	vm1 =	vge.f32 v14, $0.0e+00  }
0x3c6: {  	v14 =	vsel vm1, v14, v15  }
0x3c7: {  	v14 =	vmax.f32 v14, $-2.000000000e+00  }
0x3c8: {  	v14 =	vmin.f32 v14, $2.000000000e+00  }
0x3c9: {  	v14 =	vmul.f32 $1.442695020e+00, v14;
	_ =	sdelay $0x1  }
0x3ca: {  	(erf) = vpow2.f32 v14;
	v14 =	vld [tilespmem:$0x2990];
	_ =	sdelay $0x3  }
0x3cb: {  	v15 =	vld [tilespmem:$0x2A10]  }
0x3cc: {  	v14 =	vsub.s32 v14, v3  }
0x3cd: {  	vm1 =	vgt.s32 v14, $0x0  }
0x3ce: {  	v55 =	vadd.s32 s30, v6;
	v14 =	vnsel vm1, $0x0, v14  }
0x3cf: {  	vm2 =	vlt.s32 v55, v12;
	vm1 =	vge.s32 v55, v11;
	v14 =	vmin.u32 v14, $0x9F  }
0x3d0: {  	vm1 =	vmand vm1, vm2;
	v56 =	vpop (erf)  }
0x3d1: {  	[tilespmem:$0x2B00] =	vst v13;
	v16 =	vnsel vm1, $0x0, v56  }
0x3d2: {  	[tilespmem:$0x2B80] =	vst v16  }
0x3d3: {  	v15 =	vld.idx.msk [tilespmem:v15+s17+$0x0], $0xffff  }
0x3d4: {  	v13 =	vld.idx.msk [tilespmem:v14+s18+$0x0], $0xffff;
	_ =	sdelay $0x1  }
0x3d5: {  	v57 =	vld [tilespmem:$0x2A90];
	_ =	sdelay $0x2  }
0x3d6: {  	v13 =	vadd.f32 v15, v13;
	_ =	sdelay $0x1  }
0x3d7: {  	v13 =	vmul.f32 v13, v57;
	_ =	sdelay $0x1  }
0x3d8: {  	v15 =	vmul.f32 $9.999999770e-03, v13  }
0x3d9: {  	vm1 =	vge.f32 v13, $0.0e+00  }
0x3da: {  	v13 =	vsel vm1, v13, v15  }
0x3db: {  	v13 =	vmax.f32 v13, $-2.000000000e+00  }
0x3dc: {  	v13 =	vmin.f32 v13, $2.000000000e+00  }
0x3dd: {  	v13 =	vmul.f32 $1.442695020e+00, v13;
	_ =	sdelay $0x1  }
0x3de: {  	(erf) = vpow2.f32 v13;
	v13 =	vld [tilespmem:$0x29A0];
	_ =	sdelay $0x3  }
0x3df: {  	v15 =	vld [tilespmem:$0x2A20]  }
0x3e0: {  	v13 =	vsub.s32 v13, v3  }
0x3e1: {  	s5 =	sadd.s32 $0x10, s30;
	vm1 =	vgt.s32 v13, $0x0  }
0x3e2: {  	v58 =	vadd.s32 s5, v6;
	v13 =	vnsel vm1, $0x0, v13  }
0x3e3: {  	vm2 =	vlt.s32 v58, v12;
	vm1 =	vge.s32 v58, v11;
	v13 =	vmin.u32 v13, $0x9F  }
0x3e4: {  	vm1 =	vmand vm1, vm2;
	v59 =	vpop (erf)  }
0x3e5: {  	[tilespmem:$0x2B10] =	vst v14;
	v16 =	vnsel vm1, $0x0, v59  }
0x3e6: {  	[tilespmem:$0x2B90] =	vst v16  }
0x3e7: {  	v15 =	vld.idx.msk [tilespmem:v15+s17+$0x0], $0xffff  }
0x3e8: {  	v14 =	vld.idx.msk [tilespmem:v13+s18+$0x0], $0xffff;
	_ =	sdelay $0x1  }
0x3e9: {  	v60 =	vld [tilespmem:$0x2AA0];
	_ =	sdelay $0x2  }
0x3ea: {  	v14 =	vadd.f32 v15, v14;
	_ =	sdelay $0x1  }
0x3eb: {  	v14 =	vmul.f32 v14, v60;
	_ =	sdelay $0x1  }
0x3ec: {  	v15 =	vmul.f32 $9.999999770e-03, v14  }
0x3ed: {  	vm1 =	vge.f32 v14, $0.0e+00  }
0x3ee: {  	v14 =	vsel vm1, v14, v15  }
0x3ef: {  	v14 =	vmax.f32 v14, $-2.000000000e+00  }
0x3f0: {  	v14 =	vmin.f32 v14, $2.000000000e+00  }
0x3f1: {  	v14 =	vmul.f32 $1.442695020e+00, v14;
	_ =	sdelay $0x1  }
0x3f2: {  	(erf) = vpow2.f32 v14;
	v14 =	vld [tilespmem:$0x29B0];
	_ =	sdelay $0x3  }
0x3f3: {  	v15 =	vld [tilespmem:$0x2A30]  }
0x3f4: {  	v14 =	vsub.s32 v14, v3  }
0x3f5: {  	s9 =	sadd.s32 $0x20, s30;
	vm1 =	vgt.s32 v14, $0x0  }
0x3f6: {  	v61 =	vadd.s32 s9, v6;
	v14 =	vnsel vm1, $0x0, v14  }
0x3f7: {  	vm2 =	vlt.s32 v61, v12;
	vm1 =	vge.s32 v61, v11;
	v14 =	vmin.u32 v14, $0x9F  }
0x3f8: {  	vm1 =	vmand vm1, vm2;
	v62 =	vpop (erf)  }
0x3f9: {  	[tilespmem:$0x2B20] =	vst v13;
	v16 =	vnsel vm1, $0x0, v62  }
0x3fa: {  	[tilespmem:$0x2BA0] =	vst v16  }
0x3fb: {  	v15 =	vld.idx.msk [tilespmem:v15+s17+$0x0], $0xffff  }
0x3fc: {  	v13 =	vld.idx.msk [tilespmem:v14+s18+$0x0], $0xffff;
	_ =	sdelay $0x1  }
0x3fd: {  	v63 =	vld [tilespmem:$0x2AB0];
	_ =	sdelay $0x2  }
0x3fe: {  	v13 =	vadd.f32 v15, v13;
	_ =	sdelay $0x1  }
0x3ff: {  	v13 =	vmul.f32 v13, v63;
	_ =	sdelay $0x1  }
0x400: {  	v15 =	vmul.f32 $9.999999770e-03, v13  }
0x401: {  	vm1 =	vge.f32 v13, $0.0e+00  }
0x402: {  	v13 =	vsel vm1, v13, v15  }
0x403: {  	v13 =	vmax.f32 v13, $-2.000000000e+00  }
0x404: {  	v13 =	vmin.f32 v13, $2.000000000e+00  }
0x405: {  	v13 =	vmul.f32 $1.442695020e+00, v13;
	_ =	sdelay $0x1  }
0x406: {  	(erf) = vpow2.f32 v13;
	_ =	sdelay $0x4  }
0x407: {  	s10 =	sadd.s32 $0x30, s30  }
0x408: {  	v13 =	vadd.s32 s10, v6;
	_ =	sdelay $0x1  }
0x409: {  	vm1 =	vge.s32 v13, v11;
	vm2 =	vlt.s32 v13, v12  }
0x40a: {  	s31 =	sadd.s32 $0x40, s30;
	vm1 =	vmand vm1, vm2;
	v13 =	vpop (erf)  }
0x40b: {  	s12 =	sshrl.u32 s31, $0x3;
	[tilespmem:$0x2B30] =	vst v14;
	v13 =	vnsel vm1, $0x0, v13  }
0x40c: {  	s13 =	sadd.s32 s6, s12;
	s14 =	simm.s32 $0x6C00;
	[tilespmem:$0x2BB0] =	vst v13  }
0x40d: {  	[tilespmem:s14], [sflag:$0x3] =	stream.linear.gather [hbm4b:s13+s28], $0x40, $0x38;
	[tilespmem:$0x19E80] =	vst v63  }
0x40e: {  	_ =	swait.ge [sflag:s16], $0x40  }
0x40f: {  	[sflag:s16] =	ssyncset.done $0x0  }
0x410: {  	s9 =	simm.s32 $0x6C80;
	s5 =	sadd.s32 s7, s12;
	[sflag:s16] =	ssyncadd.s32 $0xFFFFFFC0  }
0x411: {  	[tilespmem:s9], [sflag:$0x3] =	stream.linear.gather [hbm4b:s5+s28], $0x40, $0x38;
	[tilespmem:$0x19E80] =	vst v63  }
0x412: {  	_ =	swait.ge [sflag:s16], $0x40  }
0x413: {  	[sflag:s16] =	ssyncset.done $0x0  }
0x414: {  	s0 =	sadd.s32 s8, s12;
	s10 =	simm.s32 $0x6D00;
	[sflag:s16] =	ssyncadd.s32 $0xFFFFFFC0  }
0x415: {  	[tilespmem:s10], [sflag:$0x3] =	stream.linear.gather [hbm4b:s0+s28], $0x40, $0x38;
	[tilespmem:$0x19E80] =	vst v63  }
0x416: {  	_ =	swait.ge [sflag:s16], $0x40  }
0x417: {  	[sflag:s16] =	ssyncset.done $0x0  }
0x418: {  	[sflag:s16] =	ssyncadd.s32 $0xFFFFFFC0  }
0x419: {  	v13 =	vld [tilespmem:$0x6C80];
	_ =	sdelay $0x4  }
0x41a: {  	v14 =	vshll.u32 v13, $0x1  }
0x41b: {  	v13 =	vand.u32 $0x7, v13;
	v14 =	vand.u32 $0xFFFFFFF0, v14  }
0x41c: {  	v13 =	vor.u32 v13, v14  }
0x41d: {  	v14 =	vperm.xlane v13, v8;
	_ =	sdelay $0x1  }
0x41e: {  	v13 =	vperm.xlane v13, v10;
	v14 =	vadd.s32 v9, v14;
	_ =	sdelay $0x1  }
0x41f: {  	v13 =	vadd.s32 v9, v13;
	_ =	sdelay $0x1  }
0x420: {  	s12 =	simm.s32 $0x6E80  }
0x421: {  	[tilespmem:s12], [sflag:$0x2] =	stream.indirect_vreg.gather [hbm4b:s4+s28], $0x80, v14, vm0, $0xb8;
	[tilespmem:$0x19E80] =	vst v63  }
0x422: {  	s13 =	simm.s32 $0x7680  }
0x423: {  	[tilespmem:s13], [sflag:$0x2] =	stream.indirect_vreg.gather [hbm4b:s4+s28], $0x80, v13, vm0, $0xb8;
	[tilespmem:$0x19E80] =	vst v63  }
0x424: {  	v13 =	vld [tilespmem:$0x6C90];
	_ =	sdelay $0x4  }
0x425: {  	v14 =	vshll.u32 v13, $0x1  }
0x426: {  	v13 =	vand.u32 $0x7, v13;
	v14 =	vand.u32 $0xFFFFFFF0, v14  }
0x427: {  	v13 =	vor.u32 v13, v14  }
0x428: {  	v14 =	vperm.xlane v13, v8;
	_ =	sdelay $0x1  }
0x429: {  	v13 =	vperm.xlane v13, v10;
	v14 =	vadd.s32 v9, v14;
	_ =	sdelay $0x1  }
0x42a: {  	v13 =	vadd.s32 v9, v13;
	_ =	sdelay $0x1  }
0x42b: {  	s14 =	simm.s32 $0x7E80  }
0x42c: {  	[tilespmem:s14], [sflag:$0x2] =	stream.indirect_vreg.gather [hbm4b:s4+s28], $0x80, v14, vm0, $0xb8;
	[tilespmem:$0x19E80] =	vst v63  }
0x42d: {  	s1 =	simm.s32 $0x8680  }
0x42e: {  	[tilespmem:s1], [sflag:$0x2] =	stream.indirect_vreg.gather [hbm4b:s4+s28], $0x80, v13, vm0, $0xb8;
	[tilespmem:$0x19E80] =	vst v63  }
0x42f: {  	v13 =	vld [tilespmem:$0x6CA0];
	_ =	sdelay $0x4  }
0x430: {  	v14 =	vshll.u32 v13, $0x1  }
0x431: {  	v13 =	vand.u32 $0x7, v13;
	v14 =	vand.u32 $0xFFFFFFF0, v14  }
0x432: {  	v13 =	vor.u32 v13, v14  }
0x433: {  	v14 =	vperm.xlane v13, v8;
	_ =	sdelay $0x1  }
0x434: {  	v13 =	vperm.xlane v13, v10;
	v14 =	vadd.s32 v9, v14;
	_ =	sdelay $0x1  }
0x435: {  	v13 =	vadd.s32 v9, v13;
	_ =	sdelay $0x1  }
0x436: {  	s3 =	simm.s32 $0x8E80  }
0x437: {  	[tilespmem:s3], [sflag:$0x2] =	stream.indirect_vreg.gather [hbm4b:s4+s28], $0x80, v14, vm0, $0xb8;
	[tilespmem:$0x19E80] =	vst v63  }
0x438: {  	s5 =	simm.s32 $0x9680  }
0x439: {  	[tilespmem:s5], [sflag:$0x2] =	stream.indirect_vreg.gather [hbm4b:s4+s28], $0x80, v13, vm0, $0xb8;
	[tilespmem:$0x19E80] =	vst v63  }
0x43a: {  	v13 =	vld [tilespmem:$0x6CB0];
	_ =	sdelay $0x4  }
0x43b: {  	v14 =	vshll.u32 v13, $0x1  }
0x43c: {  	v13 =	vand.u32 $0x7, v13;
	v14 =	vand.u32 $0xFFFFFFF0, v14  }
0x43d: {  	v13 =	vor.u32 v13, v14  }
0x43e: {  	v14 =	vperm.xlane v13, v8;
	_ =	sdelay $0x1  }
0x43f: {  	v13 =	vperm.xlane v13, v10;
	v14 =	vadd.s32 v9, v14;
	_ =	sdelay $0x1  }
0x440: {  	v13 =	vadd.s32 v9, v13;
	_ =	sdelay $0x2  }
0x441: {  	[tilespmem:s11], [sflag:$0x2] =	stream.indirect_vreg.gather [hbm4b:s4+s28], $0x80, v14, vm0, $0xb8;
	[tilespmem:$0x19E80] =	vst v63  }
0x442: {  	v14 =	vmov s28  }
0x443: {  	[tilespmem:s15], [sflag:$0x2] =	stream.indirect_vreg.gather [hbm4b:s4+s28], $0x80, v13, vm0, $0xb8;
	[tilespmem:$0x19E80] =	vst v63  }
0x444: {  	_ =	swait.ge [sflag:s19], $0x4000  }
0x445: {  	[sflag:s19] =	ssyncset.done $0x0  }
0x446: {  	[sflag:s19] =	ssyncadd.s32 $0xFFFFC000  }
0x447: {  	v13 =	vld.idx.msk [tilespmem:v14+s20+$0x0], $0xffff;
	_ =	sdelay $0x4  }
0x448: {  	(v2sf) =	vpush v13, $0x0;
	_ =	sdelay $0xc  }
0x449: {  	v13 =	vld.idx.msk [tilespmem:v14+s21+$0x0], $0xffff;
	_ =	sdelay $0x1  }
0x44a: {  	s9 =	spop (v2sf)  }
0x44b: {  	s10 =	sshll.u32 s9, $0x9  }
0x44c: {  	s12 =	sand.u32 $0x3800, s28;
	s5 =	sand.u32 $0x380, s28;
	s1 =	sshra.s32 s10, $0x2  }
0x44d: {  	s3 =	sor.u32 s5, s12;
	[tilespmem:s1+$0x14E80] =	vst.add.f32.msk $0xffff, v13  }
0x44e: {  	v14 =	vld [tilespmem:s3+$0x2C00];
	_ =	sdelay $0x3  }
0x44f: {  	s13 =	sshll.u32 s9, $0x8;
	s0 =	sshll.u32 s9, $0x7  }
0x450: {  	s0 =	sand.u32 $0x380, s0;
	s1 =	sand.u32 $0xFFFFF800, s13;
	v14 =	vmul.f32 v14, v13  }
0x451: {  	s1 =	sor.u32 s0, s1  }
0x452: {  	[tilespmem:s1+$0xAE80] =	vst.add.f32.msk $0xffff, v14  }
0x453: {  	v14 =	vld [tilespmem:s3+$0x2C10];
	_ =	sdelay $0x4  }
0x454: {  	v14 =	vmul.f32 v14, v13;
	_ =	sdelay $0x1  }
0x455: {  	[tilespmem:s1+$0xAE90] =	vst.add.f32.msk $0xffff, v14  }
0x456: {  	v14 =	vld [tilespmem:s3+$0x2C20];
	_ =	sdelay $0x4  }
0x457: {  	v14 =	vmul.f32 v14, v13;
	_ =	sdelay $0x1  }
0x458: {  	[tilespmem:s1+$0xAEA0] =	vst.add.f32.msk $0xffff, v14  }
0x459: {  	v14 =	vld [tilespmem:s3+$0x2C30];
	_ =	sdelay $0x4  }
0x45a: {  	v14 =	vmul.f32 v14, v13;
	_ =	sdelay $0x1  }
0x45b: {  	[tilespmem:s1+$0xAEB0] =	vst.add.f32.msk $0xffff, v14  }
0x45c: {  	v14 =	vld [tilespmem:s3+$0x2C40];
	_ =	sdelay $0x4  }
0x45d: {  	v14 =	vmul.f32 v14, v13;
	_ =	sdelay $0x1  }
0x45e: {  	[tilespmem:s1+$0xAEC0] =	vst.add.f32.msk $0xffff, v14  }
0x45f: {  	v14 =	vld [tilespmem:s3+$0x2C50];
	_ =	sdelay $0x4  }
0x460: {  	v14 =	vmul.f32 v14, v13;
	_ =	sdelay $0x1  }
0x461: {  	[tilespmem:s1+$0xAED0] =	vst.add.f32.msk $0xffff, v14  }
0x462: {  	v14 =	vld [tilespmem:s3+$0x2C60];
	_ =	sdelay $0x4  }
0x463: {  	v14 =	vmul.f32 v14, v13;
	_ =	sdelay $0x1  }
0x464: {  	[tilespmem:s1+$0xAEE0] =	vst.add.f32.msk $0xffff, v14  }
0x465: {  	v14 =	vld [tilespmem:s3+$0x2C70];
	_ =	sdelay $0x4  }
0x466: {  	v14 =	vmul.f32 v14, v13;
	_ =	sdelay $0x1  }
0x467: {  	[tilespmem:s1+$0xAEF0] =	vst.add.f32.msk $0xffff, v14  }
0x468: {  	v14 =	vld [tilespmem:s3+$0x3000];
	_ =	sdelay $0x4  }
0x469: {  	v14 =	vmul.f32 v14, v13;
	_ =	sdelay $0x1  }
0x46a: {  	[tilespmem:s1+$0xB280] =	vst.add.f32.msk $0xffff, v14  }
0x46b: {  	v14 =	vld [tilespmem:s3+$0x3010];
	_ =	sdelay $0x4  }
0x46c: {  	v14 =	vmul.f32 v14, v13;
	_ =	sdelay $0x1  }
0x46d: {  	[tilespmem:s1+$0xB290] =	vst.add.f32.msk $0xffff, v14  }
0x46e: {  	v14 =	vld [tilespmem:s3+$0x3020];
	_ =	sdelay $0x4  }
0x46f: {  	v14 =	vmul.f32 v14, v13;
	_ =	sdelay $0x1  }
0x470: {  	[tilespmem:s1+$0xB2A0] =	vst.add.f32.msk $0xffff, v14  }
0x471: {  	v14 =	vld [tilespmem:s3+$0x3030];
	_ =	sdelay $0x4  }
0x472: {  	v14 =	vmul.f32 v14, v13;
	_ =	sdelay $0x1  }
0x473: {  	[tilespmem:s1+$0xB2B0] =	vst.add.f32.msk $0xffff, v14  }
0x474: {  	v14 =	vld [tilespmem:s3+$0x3040];
	_ =	sdelay $0x4  }
0x475: {  	v14 =	vmul.f32 v14, v13;
	_ =	sdelay $0x1  }
0x476: {  	[tilespmem:s1+$0xB2C0] =	vst.add.f32.msk $0xffff, v14  }
0x477: {  	v14 =	vld [tilespmem:s3+$0x3050];
	_ =	sdelay $0x4  }
0x478: {  	v14 =	vmul.f32 v14, v13;
	_ =	sdelay $0x1  }
0x479: {  	[tilespmem:s1+$0xB2D0] =	vst.add.f32.msk $0xffff, v14  }
0x47a: {  	v14 =	vld [tilespmem:s3+$0x3060];
	_ =	sdelay $0x4  }
0x47b: {  	v14 =	vmul.f32 v14, v13;
	_ =	sdelay $0x1  }
0x47c: {  	[tilespmem:s1+$0xB2E0] =	vst.add.f32.msk $0xffff, v14  }
0x47d: {  	v15 =	vld [tilespmem:s3+$0x3070];
	_ =	sdelay $0x1  }
0x47e: {  	s14 =	simm.s32 $0x1  }
0x47f: {  	v14 =	vmov s14;
	_ =	sdelay $0x1  }
0x480: {  	s10 =	simm.s32 $0x2;
	s0 =	simm.s32 $0x0;
	s3 =	simm.s32 $0x0;
	v13 =	vmul.f32 v15, v13  }
.LBB2_19:
0x481: {  	s0 =	sadd.s32 $0x80, s0  }
0x482: {  	s3 =	sadd.s32 $0x100, s3;
	s9 =	smov.u32 s10;
	s5 =	sadd.s32 $0x1, s10;
	[tilespmem:s1+$0xB2F0] =	vst.add.f32.msk $0xffff, v13  }
0x483: {  	p1 =	sne.s32 s10, $0x3F;
	v13 =	vld.idx.msk [tilespmem:v14+s20+$0x0], $0xffff;
	_ =	sdelay $0x5  }
0x484: {  	(v2sf) =	vpush v13, $0x0;
	_ =	sdelay $0xb  }
0x485: {  	v13 =	vld.idx.msk [tilespmem:v14+s21+$0x0], $0xffff;
	_ =	sdelay $0x2  }
0x486: {  	s1 =	sand.u32 $0x3800, s3;
	s10 =	sand.u32 $0x380, s0;
	s12 =	spop (v2sf)  }
0x487: {  	s13 =	sshll.u32 s12, $0x9;
	s14 =	sshll.u32 s12, $0x8;
	s12 =	sshll.u32 s12, $0x7  }
0x488: {  	s13 =	sshra.s32 s13, $0x2;
	s14 =	sand.u32 $0xFFFFF800, s14;
	s12 =	sand.u32 $0x380, s12  }
0x489: {  	s10 =	sor.u32 s10, s1;
	[tilespmem:s13+$0x14E80] =	vst.add.f32.msk $0xffff, v13  }
0x48a: {  	v14 =	vld [tilespmem:s10+$0x2C00];
	_ =	sdelay $0x4  }
0x48b: {  	v14 =	vmul.f32 v14, v13  }
0x48c: {  	s1 =	sor.u32 s12, s14  }
0x48d: {  	[tilespmem:s1+$0xAE80] =	vst.add.f32.msk $0xffff, v14  }
0x48e: {  	v14 =	vld [tilespmem:s10+$0x2C10];
	_ =	sdelay $0x4  }
0x48f: {  	v14 =	vmul.f32 v14, v13;
	_ =	sdelay $0x1  }
0x490: {  	[tilespmem:s1+$0xAE90] =	vst.add.f32.msk $0xffff, v14  }
0x491: {  	v14 =	vld [tilespmem:s10+$0x2C20];
	_ =	sdelay $0x4  }
0x492: {  	v14 =	vmul.f32 v14, v13;
	_ =	sdelay $0x1  }
0x493: {  	[tilespmem:s1+$0xAEA0] =	vst.add.f32.msk $0xffff, v14  }
0x494: {  	v14 =	vld [tilespmem:s10+$0x2C30];
	_ =	sdelay $0x4  }
0x495: {  	v14 =	vmul.f32 v14, v13;
	_ =	sdelay $0x1  }
0x496: {  	[tilespmem:s1+$0xAEB0] =	vst.add.f32.msk $0xffff, v14  }
0x497: {  	v14 =	vld [tilespmem:s10+$0x2C40];
	_ =	sdelay $0x4  }
0x498: {  	v14 =	vmul.f32 v14, v13;
	_ =	sdelay $0x1  }
0x499: {  	[tilespmem:s1+$0xAEC0] =	vst.add.f32.msk $0xffff, v14  }
0x49a: {  	v14 =	vld [tilespmem:s10+$0x2C50];
	_ =	sdelay $0x4  }
0x49b: {  	v14 =	vmul.f32 v14, v13;
	_ =	sdelay $0x1  }
0x49c: {  	[tilespmem:s1+$0xAED0] =	vst.add.f32.msk $0xffff, v14  }
0x49d: {  	v14 =	vld [tilespmem:s10+$0x2C60];
	_ =	sdelay $0x4  }
0x49e: {  	v14 =	vmul.f32 v14, v13;
	_ =	sdelay $0x1  }
0x49f: {  	[tilespmem:s1+$0xAEE0] =	vst.add.f32.msk $0xffff, v14  }
0x4a0: {  	v14 =	vld [tilespmem:s10+$0x2C70];
	_ =	sdelay $0x4  }
0x4a1: {  	v14 =	vmul.f32 v14, v13;
	_ =	sdelay $0x1  }
0x4a2: {  	[tilespmem:s1+$0xAEF0] =	vst.add.f32.msk $0xffff, v14  }
0x4a3: {  	v14 =	vld [tilespmem:s10+$0x3000];
	_ =	sdelay $0x4  }
0x4a4: {  	v14 =	vmul.f32 v14, v13;
	_ =	sdelay $0x1  }
0x4a5: {  	[tilespmem:s1+$0xB280] =	vst.add.f32.msk $0xffff, v14  }
0x4a6: {  	v14 =	vld [tilespmem:s10+$0x3010];
	_ =	sdelay $0x4  }
0x4a7: {  	v14 =	vmul.f32 v14, v13;
	_ =	sdelay $0x1  }
0x4a8: {  	[tilespmem:s1+$0xB290] =	vst.add.f32.msk $0xffff, v14  }
0x4a9: {  	v14 =	vld [tilespmem:s10+$0x3020];
	_ =	sdelay $0x4  }
0x4aa: {  	v14 =	vmul.f32 v14, v13;
	_ =	sdelay $0x1  }
0x4ab: {  	[tilespmem:s1+$0xB2A0] =	vst.add.f32.msk $0xffff, v14  }
0x4ac: {  	v14 =	vld [tilespmem:s10+$0x3030];
	_ =	sdelay $0x4  }
0x4ad: {  	v14 =	vmul.f32 v14, v13;
	_ =	sdelay $0x1  }
0x4ae: {  	[tilespmem:s1+$0xB2B0] =	vst.add.f32.msk $0xffff, v14  }
0x4af: {  	v14 =	vld [tilespmem:s10+$0x3040];
	_ =	sdelay $0x4  }
0x4b0: {  	v14 =	vmul.f32 v14, v13;
	_ =	sdelay $0x1  }
0x4b1: {  	[tilespmem:s1+$0xB2C0] =	vst.add.f32.msk $0xffff, v14  }
0x4b2: {  	v14 =	vld [tilespmem:s10+$0x3050];
	_ =	sdelay $0x4  }
0x4b3: {  	v14 =	vmul.f32 v14, v13;
	_ =	sdelay $0x1  }
0x4b4: {  	[tilespmem:s1+$0xB2D0] =	vst.add.f32.msk $0xffff, v14  }
0x4b5: {  	v14 =	vld [tilespmem:s10+$0x3060];
	_ =	sdelay $0x4  }
0x4b6: {  	v14 =	vmul.f32 v14, v13;
	_ =	sdelay $0x1  }
0x4b7: {  	[tilespmem:s1+$0xB2E0] =	vst.add.f32.msk $0xffff, v14  }
0x4b8: {  	v15 =	vld [tilespmem:s10+$0x3070]  }
.Ltmp11:
0x4b9: {  	(pc) =	sbr.rel @p1 .LBB2_19-.Ltmp11, $3  }
0x4ba: {  	_ = 	snop  }
0x4bb: {  	v14 =	vmov s9;
	_ =	sdelay $0x1  }
0x4bc: {  	s10 =	smov.u32 s5;
	v13 =	vmul.f32 v15, v13  }
0x4bd: {  	_ =	sdelay $0x2  }
0x4be: {  	[tilespmem:s1+$0xB2F0] =	vst.add.f32.msk $0xffff, v13  }
0x4bf: {  	v13 =	vld.idx.msk [tilespmem:v14+s20+$0x0], $0xffff;
	_ =	sdelay $0x4  }
0x4c0: {  	(v2sf) =	vpush v13, $0x0;
	_ =	sdelay $0xc  }
0x4c1: {  	v13 =	vld.idx.msk [tilespmem:v14+s21+$0x0], $0xffff;
	_ =	sdelay $0x1  }
0x4c2: {  	s13 =	spop (v2sf)  }
0x4c3: {  	s0 =	sadd.s32 $0x80, s0;
	s3 =	sadd.s32 $0x100, s3;
	s5 =	sshll.u32 s13, $0x9  }
0x4c4: {  	s3 =	sand.u32 $0x3800, s3;
	s0 =	sand.u32 $0x380, s0;
	s5 =	sshra.s32 s5, $0x2  }
0x4c5: {  	s0 =	sor.u32 s0, s3;
	[tilespmem:s5+$0x14E80] =	vst.add.f32.msk $0xffff, v13  }
0x4c6: {  	v14 =	vld [tilespmem:s0+$0x2C00];
	_ =	sdelay $0x3  }
0x4c7: {  	s14 =	sshll.u32 s13, $0x8;
	s1 =	sshll.u32 s13, $0x7  }
0x4c8: {  	s3 =	sand.u32 $0xFFFFF800, s14;
	s1 =	sand.u32 $0x380, s1;
	v14 =	vmul.f32 v14, v13  }
0x4c9: {  	s1 =	sor.u32 s1, s3  }
0x4ca: {  	[tilespmem:s1+$0xAE80] =	vst.add.f32.msk $0xffff, v14  }
0x4cb: {  	v14 =	vld [tilespmem:s0+$0x2C10];
	_ =	sdelay $0x4  }
0x4cc: {  	v14 =	vmul.f32 v14, v13;
	_ =	sdelay $0x1  }
0x4cd: {  	[tilespmem:s1+$0xAE90] =	vst.add.f32.msk $0xffff, v14  }
0x4ce: {  	v14 =	vld [tilespmem:s0+$0x2C20];
	_ =	sdelay $0x4  }
0x4cf: {  	v14 =	vmul.f32 v14, v13;
	_ =	sdelay $0x1  }
0x4d0: {  	[tilespmem:s1+$0xAEA0] =	vst.add.f32.msk $0xffff, v14  }
0x4d1: {  	v14 =	vld [tilespmem:s0+$0x2C30];
	_ =	sdelay $0x4  }
0x4d2: {  	v14 =	vmul.f32 v14, v13;
	_ =	sdelay $0x1  }
0x4d3: {  	[tilespmem:s1+$0xAEB0] =	vst.add.f32.msk $0xffff, v14  }
0x4d4: {  	v14 =	vld [tilespmem:s0+$0x2C40];
	_ =	sdelay $0x4  }
0x4d5: {  	v14 =	vmul.f32 v14, v13;
	_ =	sdelay $0x1  }
0x4d6: {  	[tilespmem:s1+$0xAEC0] =	vst.add.f32.msk $0xffff, v14  }
0x4d7: {  	v14 =	vld [tilespmem:s0+$0x2C50];
	_ =	sdelay $0x4  }
0x4d8: {  	v14 =	vmul.f32 v14, v13;
	_ =	sdelay $0x1  }
0x4d9: {  	[tilespmem:s1+$0xAED0] =	vst.add.f32.msk $0xffff, v14  }
0x4da: {  	v14 =	vld [tilespmem:s0+$0x2C60];
	_ =	sdelay $0x4  }
0x4db: {  	v14 =	vmul.f32 v14, v13;
	_ =	sdelay $0x1  }
0x4dc: {  	[tilespmem:s1+$0xAEE0] =	vst.add.f32.msk $0xffff, v14  }
0x4dd: {  	v14 =	vld [tilespmem:s0+$0x2C70];
	_ =	sdelay $0x4  }
0x4de: {  	v14 =	vmul.f32 v14, v13;
	_ =	sdelay $0x1  }
0x4df: {  	[tilespmem:s1+$0xAEF0] =	vst.add.f32.msk $0xffff, v14  }
0x4e0: {  	v14 =	vld [tilespmem:s0+$0x3000];
	_ =	sdelay $0x4  }
0x4e1: {  	v14 =	vmul.f32 v14, v13;
	_ =	sdelay $0x1  }
0x4e2: {  	[tilespmem:s1+$0xB280] =	vst.add.f32.msk $0xffff, v14  }
0x4e3: {  	v14 =	vld [tilespmem:s0+$0x3010];
	_ =	sdelay $0x4  }
0x4e4: {  	v14 =	vmul.f32 v14, v13;
	_ =	sdelay $0x1  }
0x4e5: {  	[tilespmem:s1+$0xB290] =	vst.add.f32.msk $0xffff, v14  }
0x4e6: {  	v14 =	vld [tilespmem:s0+$0x3020];
	_ =	sdelay $0x4  }
0x4e7: {  	v14 =	vmul.f32 v14, v13;
	_ =	sdelay $0x1  }
0x4e8: {  	[tilespmem:s1+$0xB2A0] =	vst.add.f32.msk $0xffff, v14  }
0x4e9: {  	v14 =	vld [tilespmem:s0+$0x3030];
	_ =	sdelay $0x4  }
0x4ea: {  	v14 =	vmul.f32 v14, v13;
	_ =	sdelay $0x1  }
0x4eb: {  	[tilespmem:s1+$0xB2B0] =	vst.add.f32.msk $0xffff, v14  }
0x4ec: {  	v14 =	vld [tilespmem:s0+$0x3040];
	_ =	sdelay $0x4  }
0x4ed: {  	v14 =	vmul.f32 v14, v13;
	_ =	sdelay $0x1  }
0x4ee: {  	[tilespmem:s1+$0xB2C0] =	vst.add.f32.msk $0xffff, v14  }
0x4ef: {  	v14 =	vld [tilespmem:s0+$0x3050];
	_ =	sdelay $0x4  }
0x4f0: {  	v14 =	vmul.f32 v14, v13;
	_ =	sdelay $0x1  }
0x4f1: {  	[tilespmem:s1+$0xB2D0] =	vst.add.f32.msk $0xffff, v14  }
0x4f2: {  	v14 =	vld [tilespmem:s0+$0x3060];
	_ =	sdelay $0x4  }
0x4f3: {  	v14 =	vmul.f32 v14, v13;
	_ =	sdelay $0x1  }
0x4f4: {  	[tilespmem:s1+$0xB2E0] =	vst.add.f32.msk $0xffff, v14  }
0x4f5: {  	v14 =	vld [tilespmem:s0+$0x3070];
	_ =	sdelay $0x4  }
0x4f6: {  	v13 =	vmul.f32 v14, v13;
	_ =	sdelay $0x1  }
0x4f7: {  	[tilespmem:s1+$0xB2F0] =	vst.add.f32.msk $0xffff, v13  }
0x4f8: {  	v13 =	vld [tilespmem:$0x6C00];
	_ =	sdelay $0x3  }
0x4f9: {  	v14 =	vld [tilespmem:$0x6C80]  }
0x4fa: {  	v13 =	vsub.s32 v13, v3  }
0x4fb: {  	vm1 =	vgt.s32 v13, $0x0  }
0x4fc: {  	v13 =	vnsel vm1, $0x0, v13  }
0x4fd: {  	v13 =	vmin.u32 v13, $0x9F;
	_ =	sdelay $0x3  }
0x4fe: {  	v14 =	vld.idx.msk [tilespmem:v14+s17+$0x0], $0xffff  }
0x4ff: {  	v15 =	vld.idx.msk [tilespmem:v13+s18+$0x0], $0xffff;
	_ =	sdelay $0x1  }
0x500: {  	v16 =	vld [tilespmem:$0x6D00];
	_ =	sdelay $0x2  }
0x501: {  	v14 =	vadd.f32 v14, v15;
	_ =	sdelay $0x1  }
0x502: {  	v14 =	vmul.f32 v14, v16;
	_ =	sdelay $0x1  }
0x503: {  	v15 =	vmul.f32 $9.999999770e-03, v14  }
0x504: {  	vm1 =	vge.f32 v14, $0.0e+00  }
0x505: {  	v14 =	vsel vm1, v14, v15  }
0x506: {  	v14 =	vmax.f32 v14, $-2.000000000e+00  }
0x507: {  	v14 =	vmin.f32 v14, $2.000000000e+00  }
0x508: {  	v14 =	vmul.f32 $1.442695020e+00, v14;
	_ =	sdelay $0x1  }
0x509: {  	(erf) = vpow2.f32 v14;
	v14 =	vld [tilespmem:$0x6C10];
	_ =	sdelay $0x3  }
0x50a: {  	v15 =	vld [tilespmem:$0x6C90]  }
0x50b: {  	v14 =	vsub.s32 v14, v3  }
0x50c: {  	vm1 =	vgt.s32 v14, $0x0  }
0x50d: {  	v55 =	vadd.s32 s31, v6;
	v14 =	vnsel vm1, $0x0, v14  }
0x50e: {  	vm2 =	vlt.s32 v55, v12;
	vm1 =	vge.s32 v55, v11;
	v14 =	vmin.u32 v14, $0x9F  }
0x50f: {  	vm1 =	vmand vm1, vm2;
	v56 =	vpop (erf)  }
0x510: {  	[tilespmem:$0x6D80] =	vst v13;
	v16 =	vnsel vm1, $0x0, v56  }
0x511: {  	[tilespmem:$0x6E00] =	vst v16  }
0x512: {  	v15 =	vld.idx.msk [tilespmem:v15+s17+$0x0], $0xffff  }
0x513: {  	v13 =	vld.idx.msk [tilespmem:v14+s18+$0x0], $0xffff;
	_ =	sdelay $0x1  }
0x514: {  	v57 =	vld [tilespmem:$0x6D10];
	_ =	sdelay $0x2  }
0x515: {  	v13 =	vadd.f32 v15, v13;
	_ =	sdelay $0x1  }
0x516: {  	v13 =	vmul.f32 v13, v57;
	_ =	sdelay $0x1  }
0x517: {  	v15 =	vmul.f32 $9.999999770e-03, v13  }
0x518: {  	vm1 =	vge.f32 v13, $0.0e+00  }
0x519: {  	v13 =	vsel vm1, v13, v15  }
0x51a: {  	v13 =	vmax.f32 v13, $-2.000000000e+00  }
0x51b: {  	v13 =	vmin.f32 v13, $2.000000000e+00  }
0x51c: {  	v13 =	vmul.f32 $1.442695020e+00, v13;
	_ =	sdelay $0x1  }
0x51d: {  	(erf) = vpow2.f32 v13;
	v13 =	vld [tilespmem:$0x6C20];
	_ =	sdelay $0x3  }
0x51e: {  	v15 =	vld [tilespmem:$0x6CA0]  }
0x51f: {  	v13 =	vsub.s32 v13, v3  }
0x520: {  	s1 =	sadd.s32 $0x50, s30;
	vm1 =	vgt.s32 v13, $0x0  }
0x521: {  	v58 =	vadd.s32 s1, v6;
	v13 =	vnsel vm1, $0x0, v13  }
0x522: {  	vm2 =	vlt.s32 v58, v12;
	vm1 =	vge.s32 v58, v11;
	v13 =	vmin.u32 v13, $0x9F  }
0x523: {  	vm1 =	vmand vm1, vm2;
	v59 =	vpop (erf)  }
0x524: {  	[tilespmem:$0x6D90] =	vst v14;
	v16 =	vnsel vm1, $0x0, v59  }
0x525: {  	[tilespmem:$0x6E10] =	vst v16  }
0x526: {  	v15 =	vld.idx.msk [tilespmem:v15+s17+$0x0], $0xffff  }
0x527: {  	v14 =	vld.idx.msk [tilespmem:v13+s18+$0x0], $0xffff;
	_ =	sdelay $0x1  }
0x528: {  	v60 =	vld [tilespmem:$0x6D20];
	_ =	sdelay $0x2  }
0x529: {  	v14 =	vadd.f32 v15, v14;
	_ =	sdelay $0x1  }
0x52a: {  	v14 =	vmul.f32 v14, v60;
	_ =	sdelay $0x1  }
0x52b: {  	v15 =	vmul.f32 $9.999999770e-03, v14  }
0x52c: {  	vm1 =	vge.f32 v14, $0.0e+00  }
0x52d: {  	v14 =	vsel vm1, v14, v15  }
0x52e: {  	v14 =	vmax.f32 v14, $-2.000000000e+00  }
0x52f: {  	v14 =	vmin.f32 v14, $2.000000000e+00  }
0x530: {  	v14 =	vmul.f32 $1.442695020e+00, v14;
	_ =	sdelay $0x1  }
0x531: {  	(erf) = vpow2.f32 v14;
	v14 =	vld [tilespmem:$0x6C30];
	_ =	sdelay $0x3  }
0x532: {  	v15 =	vld [tilespmem:$0x6CB0]  }
0x533: {  	v14 =	vsub.s32 v14, v3  }
0x534: {  	s3 =	sadd.s32 $0x60, s30;
	vm1 =	vgt.s32 v14, $0x0  }
0x535: {  	v61 =	vadd.s32 s3, v6;
	v14 =	vnsel vm1, $0x0, v14  }
0x536: {  	vm2 =	vlt.s32 v61, v12;
	vm1 =	vge.s32 v61, v11;
	v14 =	vmin.u32 v14, $0x9F  }
0x537: {  	vm1 =	vmand vm1, vm2;
	v62 =	vpop (erf)  }
0x538: {  	[tilespmem:$0x6DA0] =	vst v13;
	v16 =	vnsel vm1, $0x0, v62  }
0x539: {  	[tilespmem:$0x6E20] =	vst v16  }
0x53a: {  	v15 =	vld.idx.msk [tilespmem:v15+s17+$0x0], $0xffff  }
0x53b: {  	v13 =	vld.idx.msk [tilespmem:v14+s18+$0x0], $0xffff;
	_ =	sdelay $0x1  }
0x53c: {  	v63 =	vld [tilespmem:$0x6D30];
	_ =	sdelay $0x2  }
0x53d: {  	v13 =	vadd.f32 v15, v13;
	_ =	sdelay $0x1  }
0x53e: {  	v13 =	vmul.f32 v13, v63;
	_ =	sdelay $0x1  }
0x53f: {  	v15 =	vmul.f32 $9.999999770e-03, v13  }
0x540: {  	vm1 =	vge.f32 v13, $0.0e+00  }
0x541: {  	v13 =	vsel vm1, v13, v15  }
0x542: {  	v13 =	vmax.f32 v13, $-2.000000000e+00  }
0x543: {  	v13 =	vmin.f32 v13, $2.000000000e+00  }
0x544: {  	v13 =	vmul.f32 $1.442695020e+00, v13;
	_ =	sdelay $0x1  }
0x545: {  	(erf) = vpow2.f32 v13;
	_ =	sdelay $0x4  }
0x546: {  	s5 =	sadd.s32 $0x70, s30  }
0x547: {  	v13 =	vadd.s32 s5, v6;
	_ =	sdelay $0x1  }
0x548: {  	vm1 =	vge.s32 v13, v11;
	vm2 =	vlt.s32 v13, v12  }
0x549: {  	vm1 =	vmand vm1, vm2;
	v13 =	vpop (erf)  }
0x54a: {  	s30 =	simm.s32 $0x0;
	v13 =	vnsel vm1, $0x0, v13  }
0x54b: {  	[tilespmem:$0x6E30] =	vst v13;
	v13 =	vmov s30  }
0x54c: {  	[tilespmem:$0x6DB0] =	vst v14  }
0x54d: {  	_ =	swait.ge [sflag:s22], $0x4000  }
0x54e: {  	[sflag:s22] =	ssyncset.done $0x0  }
0x54f: {  	[sflag:s22] =	ssyncadd.s32 $0xFFFFC000  }
0x550: {  	v14 =	vld.idx.msk [tilespmem:v13+s23+$0x0], $0xffff;
	_ =	sdelay $0x4  }
0x551: {  	(v2sf) =	vpush v14, $0x0;
	_ =	sdelay $0xc  }
0x552: {  	v13 =	vld.idx.msk [tilespmem:v13+s24+$0x0], $0xffff;
	_ =	sdelay $0x1  }
0x553: {  	s9 =	spop (v2sf)  }
0x554: {  	s10 =	sshll.u32 s9, $0x9  }
0x555: {  	s12 =	sand.u32 $0x3800, s30;
	s13 =	sand.u32 $0x380, s30;
	s1 =	sshra.s32 s10, $0x2  }
0x556: {  	s3 =	sor.u32 s13, s12;
	[tilespmem:s1+$0x14E80] =	vst.add.f32.msk $0xffff, v13  }
0x557: {  	v14 =	vld [tilespmem:s3+$0x6E80];
	_ =	sdelay $0x3  }
0x558: {  	s14 =	sshll.u32 s9, $0x8;
	s0 =	sshll.u32 s9, $0x7  }
0x559: {  	s0 =	sand.u32 $0x380, s0;
	s1 =	sand.u32 $0xFFFFF800, s14;
	v14 =	vmul.f32 v14, v13  }
0x55a: {  	s1 =	sor.u32 s0, s1  }
0x55b: {  	[tilespmem:s1+$0xAE80] =	vst.add.f32.msk $0xffff, v14  }
0x55c: {  	v14 =	vld [tilespmem:s3+$0x6E90];
	_ =	sdelay $0x4  }
0x55d: {  	v14 =	vmul.f32 v14, v13;
	_ =	sdelay $0x1  }
0x55e: {  	[tilespmem:s1+$0xAE90] =	vst.add.f32.msk $0xffff, v14  }
0x55f: {  	v14 =	vld [tilespmem:s3+$0x6EA0];
	_ =	sdelay $0x4  }
0x560: {  	v14 =	vmul.f32 v14, v13;
	_ =	sdelay $0x1  }
0x561: {  	[tilespmem:s1+$0xAEA0] =	vst.add.f32.msk $0xffff, v14  }
0x562: {  	v14 =	vld [tilespmem:s3+$0x6EB0];
	_ =	sdelay $0x4  }
0x563: {  	v14 =	vmul.f32 v14, v13;
	_ =	sdelay $0x1  }
0x564: {  	[tilespmem:s1+$0xAEB0] =	vst.add.f32.msk $0xffff, v14  }
0x565: {  	v14 =	vld [tilespmem:s3+$0x6EC0];
	_ =	sdelay $0x4  }
0x566: {  	v14 =	vmul.f32 v14, v13;
	_ =	sdelay $0x1  }
0x567: {  	[tilespmem:s1+$0xAEC0] =	vst.add.f32.msk $0xffff, v14  }
0x568: {  	v14 =	vld [tilespmem:s3+$0x6ED0];
	_ =	sdelay $0x4  }
0x569: {  	v14 =	vmul.f32 v14, v13;
	_ =	sdelay $0x1  }
0x56a: {  	[tilespmem:s1+$0xAED0] =	vst.add.f32.msk $0xffff, v14  }
0x56b: {  	v14 =	vld [tilespmem:s3+$0x6EE0];
	_ =	sdelay $0x4  }
0x56c: {  	v14 =	vmul.f32 v14, v13;
	_ =	sdelay $0x1  }
0x56d: {  	[tilespmem:s1+$0xAEE0] =	vst.add.f32.msk $0xffff, v14  }
0x56e: {  	v14 =	vld [tilespmem:s3+$0x6EF0];
	_ =	sdelay $0x4  }
0x56f: {  	v14 =	vmul.f32 v14, v13;
	_ =	sdelay $0x1  }
0x570: {  	[tilespmem:s1+$0xAEF0] =	vst.add.f32.msk $0xffff, v14  }
0x571: {  	v14 =	vld [tilespmem:s3+$0x7280];
	_ =	sdelay $0x4  }
0x572: {  	v14 =	vmul.f32 v14, v13;
	_ =	sdelay $0x1  }
0x573: {  	[tilespmem:s1+$0xB280] =	vst.add.f32.msk $0xffff, v14  }
0x574: {  	v14 =	vld [tilespmem:s3+$0x7290];
	_ =	sdelay $0x4  }
0x575: {  	v14 =	vmul.f32 v14, v13;
	_ =	sdelay $0x1  }
0x576: {  	[tilespmem:s1+$0xB290] =	vst.add.f32.msk $0xffff, v14  }
0x577: {  	v14 =	vld [tilespmem:s3+$0x72A0];
	_ =	sdelay $0x4  }
0x578: {  	v14 =	vmul.f32 v14, v13;
	_ =	sdelay $0x1  }
0x579: {  	[tilespmem:s1+$0xB2A0] =	vst.add.f32.msk $0xffff, v14  }
0x57a: {  	v14 =	vld [tilespmem:s3+$0x72B0];
	_ =	sdelay $0x4  }
0x57b: {  	v14 =	vmul.f32 v14, v13;
	_ =	sdelay $0x1  }
0x57c: {  	[tilespmem:s1+$0xB2B0] =	vst.add.f32.msk $0xffff, v14  }
0x57d: {  	v14 =	vld [tilespmem:s3+$0x72C0];
	_ =	sdelay $0x4  }
0x57e: {  	v14 =	vmul.f32 v14, v13;
	_ =	sdelay $0x1  }
0x57f: {  	[tilespmem:s1+$0xB2C0] =	vst.add.f32.msk $0xffff, v14  }
0x580: {  	v14 =	vld [tilespmem:s3+$0x72D0];
	_ =	sdelay $0x4  }
0x581: {  	v14 =	vmul.f32 v14, v13;
	_ =	sdelay $0x1  }
0x582: {  	[tilespmem:s1+$0xB2D0] =	vst.add.f32.msk $0xffff, v14  }
0x583: {  	v14 =	vld [tilespmem:s3+$0x72E0];
	_ =	sdelay $0x4  }
0x584: {  	v14 =	vmul.f32 v14, v13;
	_ =	sdelay $0x1  }
0x585: {  	[tilespmem:s1+$0xB2E0] =	vst.add.f32.msk $0xffff, v14  }
0x586: {  	v15 =	vld [tilespmem:s3+$0x72F0];
	_ =	sdelay $0x1  }
0x587: {  	s31 =	simm.s32 $0x1  }
0x588: {  	v14 =	vmov s31;
	_ =	sdelay $0x1  }
0x589: {  	s9 =	simm.s32 $0x2;
	s0 =	simm.s32 $0x0;
	v13 =	vmul.f32 v15, v13  }
.LBB2_21:
0x58a: {  	s30 =	sadd.s32 $0x80, s30  }
0x58b: {  	s0 =	sadd.s32 $0x100, s0;
	s5 =	smov.u32 s9;
	s3 =	sadd.s32 $0x1, s9;
	[tilespmem:s1+$0xB2F0] =	vst.add.f32.msk $0xffff, v13  }
0x58c: {  	p1 =	sne.s32 s9, $0x3F;
	v13 =	vld.idx.msk [tilespmem:v14+s23+$0x0], $0xffff;
	_ =	sdelay $0x5  }
0x58d: {  	(v2sf) =	vpush v13, $0x0;
	_ =	sdelay $0xb  }
0x58e: {  	v13 =	vld.idx.msk [tilespmem:v14+s24+$0x0], $0xffff;
	_ =	sdelay $0x2  }
0x58f: {  	s1 =	sand.u32 $0x3800, s0;
	s9 =	sand.u32 $0x380, s30;
	s10 =	spop (v2sf)  }
0x590: {  	s12 =	sshll.u32 s10, $0x9;
	s13 =	sshll.u32 s10, $0x8;
	s10 =	sshll.u32 s10, $0x7  }
0x591: {  	s12 =	sshra.s32 s12, $0x2;
	s13 =	sand.u32 $0xFFFFF800, s13;
	s10 =	sand.u32 $0x380, s10  }
0x592: {  	s9 =	sor.u32 s9, s1;
	[tilespmem:s12+$0x14E80] =	vst.add.f32.msk $0xffff, v13  }
0x593: {  	v14 =	vld [tilespmem:s9+$0x6E80];
	_ =	sdelay $0x4  }
0x594: {  	v14 =	vmul.f32 v14, v13  }
0x595: {  	s1 =	sor.u32 s10, s13  }
0x596: {  	[tilespmem:s1+$0xAE80] =	vst.add.f32.msk $0xffff, v14  }
0x597: {  	v14 =	vld [tilespmem:s9+$0x6E90];
	_ =	sdelay $0x4  }
0x598: {  	v14 =	vmul.f32 v14, v13;
	_ =	sdelay $0x1  }
0x599: {  	[tilespmem:s1+$0xAE90] =	vst.add.f32.msk $0xffff, v14  }
0x59a: {  	v14 =	vld [tilespmem:s9+$0x6EA0];
	_ =	sdelay $0x4  }
0x59b: {  	v14 =	vmul.f32 v14, v13;
	_ =	sdelay $0x1  }
0x59c: {  	[tilespmem:s1+$0xAEA0] =	vst.add.f32.msk $0xffff, v14  }
0x59d: {  	v14 =	vld [tilespmem:s9+$0x6EB0];
	_ =	sdelay $0x4  }
0x59e: {  	v14 =	vmul.f32 v14, v13;
	_ =	sdelay $0x1  }
0x59f: {  	[tilespmem:s1+$0xAEB0] =	vst.add.f32.msk $0xffff, v14  }
0x5a0: {  	v14 =	vld [tilespmem:s9+$0x6EC0];
	_ =	sdelay $0x4  }
0x5a1: {  	v14 =	vmul.f32 v14, v13;
	_ =	sdelay $0x1  }
0x5a2: {  	[tilespmem:s1+$0xAEC0] =	vst.add.f32.msk $0xffff, v14  }
0x5a3: {  	v14 =	vld [tilespmem:s9+$0x6ED0];
	_ =	sdelay $0x4  }
0x5a4: {  	v14 =	vmul.f32 v14, v13;
	_ =	sdelay $0x1  }
0x5a5: {  	[tilespmem:s1+$0xAED0] =	vst.add.f32.msk $0xffff, v14  }
0x5a6: {  	v14 =	vld [tilespmem:s9+$0x6EE0];
	_ =	sdelay $0x4  }
0x5a7: {  	v14 =	vmul.f32 v14, v13;
	_ =	sdelay $0x1  }
0x5a8: {  	[tilespmem:s1+$0xAEE0] =	vst.add.f32.msk $0xffff, v14  }
0x5a9: {  	v14 =	vld [tilespmem:s9+$0x6EF0];
	_ =	sdelay $0x4  }
0x5aa: {  	v14 =	vmul.f32 v14, v13;
	_ =	sdelay $0x1  }
0x5ab: {  	[tilespmem:s1+$0xAEF0] =	vst.add.f32.msk $0xffff, v14  }
0x5ac: {  	v14 =	vld [tilespmem:s9+$0x7280];
	_ =	sdelay $0x4  }
0x5ad: {  	v14 =	vmul.f32 v14, v13;
	_ =	sdelay $0x1  }
0x5ae: {  	[tilespmem:s1+$0xB280] =	vst.add.f32.msk $0xffff, v14  }
0x5af: {  	v14 =	vld [tilespmem:s9+$0x7290];
	_ =	sdelay $0x4  }
0x5b0: {  	v14 =	vmul.f32 v14, v13;
	_ =	sdelay $0x1  }
0x5b1: {  	[tilespmem:s1+$0xB290] =	vst.add.f32.msk $0xffff, v14  }
0x5b2: {  	v14 =	vld [tilespmem:s9+$0x72A0];
	_ =	sdelay $0x4  }
0x5b3: {  	v14 =	vmul.f32 v14, v13;
	_ =	sdelay $0x1  }
0x5b4: {  	[tilespmem:s1+$0xB2A0] =	vst.add.f32.msk $0xffff, v14  }
0x5b5: {  	v14 =	vld [tilespmem:s9+$0x72B0];
	_ =	sdelay $0x4  }
0x5b6: {  	v14 =	vmul.f32 v14, v13;
	_ =	sdelay $0x1  }
0x5b7: {  	[tilespmem:s1+$0xB2B0] =	vst.add.f32.msk $0xffff, v14  }
0x5b8: {  	v14 =	vld [tilespmem:s9+$0x72C0];
	_ =	sdelay $0x4  }
0x5b9: {  	v14 =	vmul.f32 v14, v13;
	_ =	sdelay $0x1  }
0x5ba: {  	[tilespmem:s1+$0xB2C0] =	vst.add.f32.msk $0xffff, v14  }
0x5bb: {  	v14 =	vld [tilespmem:s9+$0x72D0];
	_ =	sdelay $0x4  }
0x5bc: {  	v14 =	vmul.f32 v14, v13;
	_ =	sdelay $0x1  }
0x5bd: {  	[tilespmem:s1+$0xB2D0] =	vst.add.f32.msk $0xffff, v14  }
0x5be: {  	v14 =	vld [tilespmem:s9+$0x72E0];
	_ =	sdelay $0x4  }
0x5bf: {  	v14 =	vmul.f32 v14, v13;
	_ =	sdelay $0x1  }
0x5c0: {  	[tilespmem:s1+$0xB2E0] =	vst.add.f32.msk $0xffff, v14  }
0x5c1: {  	v15 =	vld [tilespmem:s9+$0x72F0]  }
.Ltmp12:
0x5c2: {  	(pc) =	sbr.rel @p1 .LBB2_21-.Ltmp12, $3  }
0x5c3: {  	_ = 	snop  }
0x5c4: {  	v14 =	vmov s5;
	_ =	sdelay $0x1  }
0x5c5: {  	s9 =	smov.u32 s3;
	v13 =	vmul.f32 v15, v13  }
0x5c6: {  	_ =	sdelay $0x2  }
0x5c7: {  	[tilespmem:s1+$0xB2F0] =	vst.add.f32.msk $0xffff, v13  }
0x5c8: {  	v13 =	vld.idx.msk [tilespmem:v14+s23+$0x0], $0xffff;
	_ =	sdelay $0x4  }
0x5c9: {  	(v2sf) =	vpush v13, $0x0;
	_ =	sdelay $0xc  }
0x5ca: {  	v13 =	vld.idx.msk [tilespmem:v14+s24+$0x0], $0xffff;
	_ =	sdelay $0x1  }
0x5cb: {  	s14 =	spop (v2sf)  }
0x5cc: {  	s3 =	sadd.s32 $0x80, s30;
	s0 =	sadd.s32 $0x100, s0;
	s5 =	sshll.u32 s14, $0x9  }
0x5cd: {  	s0 =	sand.u32 $0x3800, s0;
	s3 =	sand.u32 $0x380, s3;
	s5 =	sshra.s32 s5, $0x2  }
0x5ce: {  	s0 =	sor.u32 s3, s0;
	[tilespmem:s5+$0x14E80] =	vst.add.f32.msk $0xffff, v13  }
0x5cf: {  	v14 =	vld [tilespmem:s0+$0x6E80];
	_ =	sdelay $0x3  }
0x5d0: {  	s31 =	sshll.u32 s14, $0x8;
	s1 =	sshll.u32 s14, $0x7  }
0x5d1: {  	s3 =	sand.u32 $0xFFFFF800, s31;
	s1 =	sand.u32 $0x380, s1;
	v14 =	vmul.f32 v14, v13  }
0x5d2: {  	s1 =	sor.u32 s1, s3  }
0x5d3: {  	[tilespmem:s1+$0xAE80] =	vst.add.f32.msk $0xffff, v14  }
0x5d4: {  	v14 =	vld [tilespmem:s0+$0x6E90];
	_ =	sdelay $0x4  }
0x5d5: {  	v14 =	vmul.f32 v14, v13;
	_ =	sdelay $0x1  }
0x5d6: {  	[tilespmem:s1+$0xAE90] =	vst.add.f32.msk $0xffff, v14  }
0x5d7: {  	v14 =	vld [tilespmem:s0+$0x6EA0];
	_ =	sdelay $0x4  }
0x5d8: {  	v14 =	vmul.f32 v14, v13;
	_ =	sdelay $0x1  }
0x5d9: {  	[tilespmem:s1+$0xAEA0] =	vst.add.f32.msk $0xffff, v14  }
0x5da: {  	v14 =	vld [tilespmem:s0+$0x6EB0];
	_ =	sdelay $0x4  }
0x5db: {  	v14 =	vmul.f32 v14, v13;
	_ =	sdelay $0x1  }
0x5dc: {  	[tilespmem:s1+$0xAEB0] =	vst.add.f32.msk $0xffff, v14  }
0x5dd: {  	v14 =	vld [tilespmem:s0+$0x6EC0];
	_ =	sdelay $0x4  }
0x5de: {  	v14 =	vmul.f32 v14, v13;
	_ =	sdelay $0x1  }
0x5df: {  	[tilespmem:s1+$0xAEC0] =	vst.add.f32.msk $0xffff, v14  }
0x5e0: {  	v14 =	vld [tilespmem:s0+$0x6ED0];
	_ =	sdelay $0x4  }
0x5e1: {  	v14 =	vmul.f32 v14, v13;
	_ =	sdelay $0x1  }
0x5e2: {  	[tilespmem:s1+$0xAED0] =	vst.add.f32.msk $0xffff, v14  }
0x5e3: {  	v14 =	vld [tilespmem:s0+$0x6EE0];
	_ =	sdelay $0x4  }
0x5e4: {  	v14 =	vmul.f32 v14, v13;
	_ =	sdelay $0x1  }
0x5e5: {  	[tilespmem:s1+$0xAEE0] =	vst.add.f32.msk $0xffff, v14  }
0x5e6: {  	v14 =	vld [tilespmem:s0+$0x6EF0];
	_ =	sdelay $0x4  }
0x5e7: {  	v14 =	vmul.f32 v14, v13;
	_ =	sdelay $0x1  }
0x5e8: {  	[tilespmem:s1+$0xAEF0] =	vst.add.f32.msk $0xffff, v14  }
0x5e9: {  	v14 =	vld [tilespmem:s0+$0x7280];
	_ =	sdelay $0x4  }
0x5ea: {  	v14 =	vmul.f32 v14, v13;
	_ =	sdelay $0x1  }
0x5eb: {  	[tilespmem:s1+$0xB280] =	vst.add.f32.msk $0xffff, v14  }
0x5ec: {  	v14 =	vld [tilespmem:s0+$0x7290];
	_ =	sdelay $0x4  }
0x5ed: {  	v14 =	vmul.f32 v14, v13;
	_ =	sdelay $0x1  }
0x5ee: {  	[tilespmem:s1+$0xB290] =	vst.add.f32.msk $0xffff, v14  }
0x5ef: {  	v14 =	vld [tilespmem:s0+$0x72A0];
	_ =	sdelay $0x4  }
0x5f0: {  	v14 =	vmul.f32 v14, v13;
	_ =	sdelay $0x1  }
0x5f1: {  	[tilespmem:s1+$0xB2A0] =	vst.add.f32.msk $0xffff, v14  }
0x5f2: {  	v14 =	vld [tilespmem:s0+$0x72B0];
	_ =	sdelay $0x4  }
0x5f3: {  	v14 =	vmul.f32 v14, v13;
	_ =	sdelay $0x1  }
0x5f4: {  	[tilespmem:s1+$0xB2B0] =	vst.add.f32.msk $0xffff, v14  }
0x5f5: {  	v14 =	vld [tilespmem:s0+$0x72C0];
	_ =	sdelay $0x4  }
0x5f6: {  	v14 =	vmul.f32 v14, v13;
	_ =	sdelay $0x1  }
0x5f7: {  	[tilespmem:s1+$0xB2C0] =	vst.add.f32.msk $0xffff, v14  }
0x5f8: {  	v14 =	vld [tilespmem:s0+$0x72D0];
	_ =	sdelay $0x4  }
0x5f9: {  	v14 =	vmul.f32 v14, v13;
	_ =	sdelay $0x1  }
0x5fa: {  	[tilespmem:s1+$0xB2D0] =	vst.add.f32.msk $0xffff, v14  }
0x5fb: {  	v14 =	vld [tilespmem:s0+$0x72E0];
	_ =	sdelay $0x4  }
0x5fc: {  	v14 =	vmul.f32 v14, v13;
	_ =	sdelay $0x1  }
0x5fd: {  	[tilespmem:s1+$0xB2E0] =	vst.add.f32.msk $0xffff, v14  }
0x5fe: {  	v14 =	vld [tilespmem:s0+$0x72F0]  }
0x5ff: {  	s29 =	sadd.s32 $0x1, s29  }
0x600: {  	p1 =	sne.s32 s29, s26  }
.Ltmp13:
0x601: {  	_ = 	snop;
	(pc) =	sbr.rel @p1 .LBB2_18-.Ltmp13, $3  }
0x602: {  	_ = 	snop  }
0x603: {  	v13 =	vmul.f32 v14, v13;
	_ =	sdelay $0x1  }
0x604: {  	[tilespmem:s1+$0xB2F0] =	vst.add.f32.msk $0xffff, v13  }
.LBB2_23:
0x605: {  	s1 =	simm.s32 $0x14E80  }
0x606: {  	s3 =	simm.s32 $0x0;
	s5 =	simm.s32 $0x100;
	s0 =	simm.s32 $0x0;
	v11 =	vld [tilespmem:s1+$0x0]  }
.LBB2_24:
0x607: {  	p1 =	sne.s32 s5, $0x9F00;
	s3 =	sand.u32 $0xF800, s3;
	s9 =	sand.u32 $0x380, s0  }
0x608: {  	s9 =	sor.u32 s9, s3;
	s3 =	smov.u32 s5  }
0x609: {  	v12 =	vld [tilespmem:s9+$0xB2F0]  }
0x60a: {  	v13 =	vld [tilespmem:s9+$0xB2D0]  }
0x60b: {  	v11 =	vmax.f32 v11, $1.000000000e-30;
	v14 =	vld [tilespmem:s9+$0xB2B0]  }
0x60c: {  	v15 =	vld [tilespmem:s9+$0xB290];
	(erf) = vrcp.f32 v11  }
0x60d: {  	v11 =	vld [tilespmem:s9+$0xAEF0]  }
0x60e: {  	v16 =	vld [tilespmem:s9+$0xAED0]  }
0x60f: {  	v17 =	vld [tilespmem:s9+$0xAEB0]  }
0x610: {  	v18 =	vld [tilespmem:s9+$0xAE90]  }
0x611: {  	v19 =	vld [tilespmem:s9+$0xAE80]  }
0x612: {  	v20 =	vld [tilespmem:s9+$0xAEA0]  }
0x613: {  	v21 =	vld [tilespmem:s9+$0xAEC0]  }
0x614: {  	v22 =	vld [tilespmem:s9+$0xAEE0]  }
0x615: {  	v23 =	vld [tilespmem:s9+$0xB280];
	v24 =	vpop (erf)  }
0x616: {  	v19 =	vmul.f32 v24, v19;
	v18 =	vmul.f32 v18, v24;
	v25 =	vld [tilespmem:s9+$0xB2A0]  }
0x617: {  	v17 =	vmul.f32 v17, v24;
	v20 =	vmul.f32 v20, v24;
	v26 =	vld [tilespmem:s9+$0xB2C0]  }
0x618: {  	v16 =	vmul.f32 v16, v24;
	[tilespmem:s9+$0xAE80] =	vst v19;
	v19 =	vmul.f32 v21, v24;
	v21 =	vld [tilespmem:s9+$0xB2E0]  }
0x619: {  	v11 =	vmul.f32 v11, v24;
	[tilespmem:s9+$0xAE90] =	vst v18;
	v18 =	vmul.f32 v22, v24  }
0x61a: {  	v15 =	vmul.f32 v15, v24;
	[tilespmem:s9+$0xAEA0] =	vst v20;
	v20 =	vmul.f32 v23, v24  }
0x61b: {  	v14 =	vmul.f32 v14, v24;
	[tilespmem:s9+$0xAEB0] =	vst v17;
	v17 =	vmul.f32 v25, v24  }
0x61c: {  	v13 =	vmul.f32 v13, v24;
	[tilespmem:s9+$0xAEC0] =	vst v19;
	v19 =	vmul.f32 v26, v24  }
0x61d: {  	v12 =	vmul.f32 v12, v24;
	[tilespmem:s9+$0xAED0] =	vst v16;
	v16 =	vmul.f32 v21, v24  }
0x61e: {  	[tilespmem:s9+$0xAEE0] =	vst v18  }
0x61f: {  	[tilespmem:s9+$0xAEF0] =	vst v11  }
0x620: {  	[tilespmem:s9+$0xB280] =	vst v20  }
0x621: {  	[tilespmem:s9+$0xB290] =	vst v15  }
0x622: {  	[tilespmem:s9+$0xB2A0] =	vst v17  }
0x623: {  	[tilespmem:s9+$0xB2B0] =	vst v14  }
.Ltmp14:
0x624: {  	[tilespmem:s9+$0xB2C0] =	vst v19;
	(pc) =	sbr.rel @p1 .LBB2_24-.Ltmp14, $4  }
0x625: {  	[tilespmem:s9+$0xB2D0] =	vst v13  }
0x626: {  	[tilespmem:s9+$0xB2E0] =	vst v16  }
0x627: {  	s1 =	sadd.s32 $0x80, s1;
	[tilespmem:s9+$0xB2F0] =	vst v12  }
0x628: {  	s0 =	sadd.s32 $0x80, s0;
	s5 =	sadd.s32 $0x100, s5;
	v11 =	vld [tilespmem:s1+$0x0]  }
0x629: {  	_ =	sdelay $0x3  }
0x62a: {  	v11 =	vmax.f32 v11, $1.000000000e-30  }
0x62b: {  	(erf) = vrcp.f32 v11;
	_ =	sdelay $0x2  }
0x62c: {  	s1 =	sand.u32 $0xF800, s3;
	s0 =	sand.u32 $0x380, s0  }
0x62d: {  	s0 =	sor.u32 s0, s1  }
0x62e: {  	v11 =	vld [tilespmem:s0+$0xAE80]  }
0x62f: {  	v12 =	vld [tilespmem:s0+$0xAE90]  }
0x630: {  	v13 =	vld [tilespmem:s0+$0xAEA0]  }
0x631: {  	v14 =	vld [tilespmem:s0+$0xAEB0]  }
0x632: {  	v15 =	vld [tilespmem:s0+$0xAEC0];
	v16 =	vpop (erf)  }
0x633: {  	v17 =	vld [tilespmem:s0+$0xAED0];
	v11 =	vmul.f32 v16, v11  }
0x634: {  	v18 =	vld [tilespmem:s0+$0xAEE0];
	v12 =	vmul.f32 v12, v16  }
0x635: {  	v19 =	vld [tilespmem:s0+$0xAEF0];
	v13 =	vmul.f32 v13, v16;
	[tilespmem:s0+$0xAE80] =	vst v11  }
0x636: {  	v57 =	vld [tilespmem:s0+$0xB2C0];
	v14 =	vmul.f32 v14, v16;
	[tilespmem:s0+$0xAE90] =	vst v12  }
0x637: {  	v58 =	vld [tilespmem:s0+$0xB2D0];
	v15 =	vmul.f32 v15, v16;
	[tilespmem:s0+$0xAEA0] =	vst v13  }
0x638: {  	v60 =	vld [tilespmem:s0+$0xB2F0];
	v17 =	vmul.f32 v17, v16;
	[tilespmem:s0+$0xAEB0] =	vst v14  }
0x639: {  	v18 =	vmul.f32 v18, v16;
	v11 =	vld [tilespmem:s0+$0xB280];
	[tilespmem:s0+$0xAEC0] =	vst v15  }
0x63a: {  	v54 =	vld [tilespmem:s0+$0xB290];
	v19 =	vmul.f32 v19, v16;
	[tilespmem:s0+$0xAED0] =	vst v17  }
0x63b: {  	v56 =	vld [tilespmem:s0+$0xB2B0];
	v61 =	vmul.f32 v57, v16;
	[tilespmem:s0+$0xAEE0] =	vst v18  }
0x63c: {  	v55 =	vld [tilespmem:s0+$0xB2A0];
	v62 =	vmul.f32 v58, v16;
	[tilespmem:s0+$0xAEF0] =	vst v19  }
0x63d: {  	v59 =	vld [tilespmem:s0+$0xB2E0];
	v63 =	vmul.f32 v60, v16;
	[tilespmem:s0+$0xB2C0] =	vst v61  }
0x63e: {  	[tilespmem:s0+$0xB2D0] =	vst v62;
	v11 =	vmul.f32 v11, v16  }
0x63f: {  	v12 =	vmul.f32 v54, v16;
	[tilespmem:s0+$0xB2F0] =	vst v63  }
.Ltmp15:
0x640: {  	[tilespmem:s0+$0xB280] =	vst v11;
	v11 =	vmul.f32 v56, v16;
	(pc) =	sbr.rel @p0 .LBB2_29-.Ltmp15, $4  }
0x641: {  	v13 =	vmul.f32 v55, v16;
	[tilespmem:s0+$0xB290] =	vst v12  }
0x642: {  	[tilespmem:s0+$0xB2B0] =	vst v11;
	v11 =	vmul.f32 v59, v16  }
0x643: {  	[tilespmem:s0+$0xB2A0] =	vst v13  }
0x644: {  	s1 =	rddreg [dreg:$0xb];
	[tilespmem:s0+$0xB2E0] =	vst v11;
	s0 =	simm.s32 $0xAE80  }
0x645: {  	s1 =	rddreg [dreg:$0x6]  }
0x646: {  	p1 =	sne.s32 s1, $0x1  }
.Ltmp16:
0x647: {  	_ = 	snop;
	(pc) =	sbr.rel @!p1 .LBB2_28-.Ltmp16, $4  }
0x648: {  	s3 =	rddreg [dreg:$0xa]  }
0x649: {  	[hbm4b:s3+s2] =	stream.linear.scatter [tilespmem:s0], [sflag:$0x3], $0x1000, $0x38;
	[tilespmem:$0x19E80] =	vst v63  }
0x64a: {  	_ =	swait.ge [sflag:s16], $0x1000  }
0x64b: {  	s1 =	sadd.s32 $0xFFFFFFFF, s1;
	[sflag:s16] =	ssyncset.done $0x0  }
.LBB2_27:
0x64c: {  	[sflag:s16] =	ssyncadd.s32 $0xFFFFF000  }
0x64d: {  	s3 =	sadd.s32 $0x200, s3;
	s0 =	sadd.s32 $0x1000, s0;
	p1 =	sne.s32 s1, $0x1  }
.Ltmp17:
0x64e: {  	s1 =	sadd.s32 $0xFFFFFFFF, s1;
	(pc) =	sbr.rel @p1 .LBB2_27-.Ltmp17, $4  }
0x64f: {  	_ = 	snop  }
0x650: {  	[hbm4b:s3+s2] =	stream.linear.scatter [tilespmem:s0], [sflag:$0x3], $0x1000, $0x38;
	[tilespmem:$0x19E80] =	vst v63  }
0x651: {  	_ =	swait.ge [sflag:s16], $0x1000  }
0x652: {  	[sflag:s16] =	ssyncset.done $0x0  }
.Ltmp18:
0x653: {  	_ = 	snop;
	(pc) =	sbr.rel .LBB2_28-.Ltmp18, $1  }
0x654: {  	_ =	sdelay $0x3  }
.LBB2_30:
0x655: {  	_ =	sfence.sel $0x180000  }
0x656: {  	[bflag:$0x0] =	sbarrier.arrive $0xFFFF  }
0x657: {  	_ =	strace $0x90000047  }
0x658: {  	s0 =	stileid.u32;
	[bflag:$0x2] =	sbarrier.arrive $0xFFFF  }
0x659: {  	p0 =	sne.s32 s0, $0x0;
	s0 =	rddreg [dreg:$0x2]  }
0x65a: {  	s0 =	sadd.s32 @!p0 $0x100000, s0  }
0x65b: {  	[sflag:s0] =	ssyncadd.tile.s32 @!p0 $0x1;
	_ =	shalt  }
.Lfunc_end2:
_tile_overlayer_lowered:
.L_overlay_start_2:
0x65c: {  	(tag) =	ssettag $0x2  }
0x65d: {  	s0 =	rddreg [dreg:$0x0];
	s2 =	stileid.u32  }
0x65e: {  	s1 =	rddreg [dreg:$0x1];
	p0 =	sne.s32 s2, $0x0  }
0x65f: {  	s3 =	rddreg [dreg:$0x2];
	[bflag:$0x3] =	sbarrier.arrive $0xFFFF;
	s2 =	simm.s32 @!p0 $0x1C03  }
0x660: {  	[timem:s3], [sflag:s2] =	dma.local @!p0 [hbm:s0], s1  }
0x661: {  	s0 =	simm.s32 @!p0 $0x3  }
0x662: {  	_ =	swait.ge @!p0 [sflag:s0], s1  }
0x663: {  	s1 =	ssub.s32 @!p0 $0x0, s1;
	[sflag:s0] =	ssyncset.done @!p0 $0x0  }
0x664: {  	[sflag:s0] =	ssyncadd.s32 @!p0 s1  }
0x665: {  	[bflag:$0x3] =	sbarrier.arrive $0xFFFF  }
0x666: {  	_ =	shalt  }

</sc_bundles>
